<compile_context>
chip_gen: v7x
topology: tpu7x:2x2x1
jax: 0.10.2.dev20260603
libtpu: 0.0.44.dev20260713+nightly
codegen_flags: <defaults>
</compile_context>

<pallas_src>
import functools

import jax
import jax.numpy as jnp
from jax import lax
from jax.experimental import pallas as pl
from jax.experimental.pallas import tpu as pltpu
from jax.experimental.pallas import tpu_sc as plsc

_N = 10000
_NP = 10240
_NACC = 10240
_D = 128
_E = 320000
_C = 112
_CPT = 90
_NW = 32
_EPAD = _C * _CPT * _NW
_RPS = _NACC // 16
_NBUF = 3
_NGRP = _CPT // _NBUF


_sc_mesh = plsc.VectorSubcoreMesh(core_axis_name="c", subcore_axis_name="s")


def _make_sc_agg(with_deg):
    scratch = [
        pltpu.VMEM((2 * _NBUF, 128), jnp.int32),
        pltpu.VMEM((2 * _NBUF, 128), jnp.int32),
    ]
    scratch += [pltpu.VMEM((_C, _D), jnp.float32) for _ in range(_NBUF)]
    if with_deg:
        scratch += [pltpu.VMEM((128,), jnp.float32)]
    scratch += [pltpu.VMEM_SHARED((_NACC, _D), jnp.float32)]
    if with_deg:
        scratch += [pltpu.VMEM_SHARED((_NACC,), jnp.float32)]
    nsem = 2 * _NBUF + 4 + (_NBUF if with_deg else 0)
    scratch += [pltpu.SemaphoreType.DMA for _ in range(nsem)]
    if with_deg:
        out_type = (
            jax.ShapeDtypeStruct((2, _NP, _D), jnp.float32),
            jax.ShapeDtypeStruct((2, _NP), jnp.float32),
        )
    else:
        out_type = jax.ShapeDtypeStruct((2, _NP, _D), jnp.float32)

    def body(h_hbm, src_hbm, dst_hbm, zrow_hbm, *rest):
        if with_deg:
            zvec_hbm, z_out, deg_out, isrc_v, idst_v = rest[:5]
            bufs = rest[5:]
        else:
            z_out, isrc_v, idst_v = rest[:3]
            bufs = rest[3:]
        rows = bufs[:_NBUF]
        k = _NBUF
        if with_deg:
            ones_v = bufs[k]
            k += 1
        z_sh = bufs[k]
        k += 1
        if with_deg:
            deg_sh = bufs[k]
            k += 1
        sems = bufs[k:]
        gsem = sems[:_NBUF]
        ssem = sems[_NBUF:2 * _NBUF]
        off = 2 * _NBUF
        if with_deg:
            dsem = sems[off:off + _NBUF]
            off += _NBUF
        isem = sems[off:off + 2]
        jsem = sems[off + 2:off + 4]

        c = lax.axis_index("c")
        s = lax.axis_index("s")
        base = (c * 16 + s) * _NGRP
        pltpu.sync_copy(zrow_hbm.at[pl.ds(s * _RPS, _RPS)],
                        z_sh.at[pl.ds(s * _RPS, _RPS)])
        if with_deg:
            pltpu.sync_copy(zvec_hbm.at[pl.ds(s * _RPS, _RPS)],
                            deg_sh.at[pl.ds(s * _RPS, _RPS)])
            for i in range(128 // 16):
                ones_v[pl.ds(i * 16, 16)] = jnp.full((16,), 1.0, jnp.float32)
        plsc.subcore_barrier()

        def ifetch(g, slot):
            pltpu.async_copy(src_hbm.at[base + g],
                             isrc_v.at[pl.ds(slot * _NBUF, _NBUF)],
                             isem[slot])
            pltpu.async_copy(dst_hbm.at[base + g],
                             idst_v.at[pl.ds(slot * _NBUF, _NBUF)],
                             jsem[slot])

        def iwait(sem):
            pltpu.make_async_copy(src_hbm.at[0],
                                  isrc_v.at[pl.ds(0, _NBUF)], sem).wait()

        ifetch(0, 0)
        ifetch(1, 1)
        iwait(isem[0])
        for b in range(_NBUF):
            pltpu.async_copy(h_hbm.at[isrc_v.at[b, pl.ds(0, _C)]],
                             rows[b], gsem[b])

        def sub(g, slot):
            nslot = 1 - slot
            iwait(jsem[slot])
            for b in range(_NBUF):
                pltpu.make_async_copy(
                    h_hbm.at[pl.ds(0, _C)], rows[b], gsem[b]).wait()
                pltpu.async_copy(
                    rows[b],
                    z_sh.at[idst_v.at[slot * _NBUF + b, pl.ds(0, _C)]],
                    ssem[b], add=True)
                if with_deg:
                    pltpu.async_copy(
                        ones_v.at[pl.ds(0, _C)],
                        deg_sh.at[idst_v.at[slot * _NBUF + b, pl.ds(0, _C)]],
                        dsem[b], add=True)
            iwait(isem[nslot])
            for b in range(_NBUF):
                pltpu.make_async_copy(
                    rows[b], z_sh.at[pl.ds(0, _C)], ssem[b]).wait()
                if with_deg:
                    pltpu.make_async_copy(
                        ones_v.at[pl.ds(0, _C)], deg_sh.at[pl.ds(0, _C)],
                        dsem[b]).wait()
                pltpu.async_copy(
                    h_hbm.at[isrc_v.at[nslot * _NBUF + b, pl.ds(0, _C)]],
                    rows[b], gsem[b])
            nn = jnp.where(g + 2 < _NGRP, g + 2, 0)
            ifetch(nn, slot)

        def supergroup(G, carry):
            sub(2 * G, 0)
            sub(2 * G + 1, 1)
            return carry

        lax.fori_loop(0, _NGRP // 2, supergroup, 0)
        for b in range(_NBUF):
            pltpu.make_async_copy(
                h_hbm.at[pl.ds(0, _C)], rows[b], gsem[b]).wait()
        iwait(isem[1])
        iwait(jsem[0])
        iwait(jsem[1])
        plsc.subcore_barrier()
        pltpu.sync_copy(z_sh.at[pl.ds(s * _RPS, _RPS)],
                        z_out.at[c, pl.ds(s * _RPS, _RPS)])
        if with_deg:
            pltpu.sync_copy(deg_sh.at[pl.ds(s * _RPS, _RPS)],
                            deg_out.at[c, pl.ds(s * _RPS, _RPS)])

    return pl.kernel(body, out_type=out_type, mesh=_sc_mesh,
                     scratch_types=scratch)


_sc_agg_deg = _make_sc_agg(True)
_sc_agg = _make_sc_agg(False)


def _tc_body(h_ref, z_ref, deg_ref, ws_ref, wn_ref, b_ref, o_ref, *, relu):
    degsum = deg_ref[:, 0:1] + deg_ref[:, 1:2]
    inv = 1.0 / jnp.maximum(degsum, 1.0)
    hn = (z_ref[0] + z_ref[1]) * inv
    acc = jnp.dot(h_ref[...], ws_ref[...], preferred_element_type=jnp.float32)
    acc = acc + jnp.dot(hn, wn_ref[...], preferred_element_type=jnp.float32)
    acc = acc + b_ref[...]
    o_ref[...] = jnp.maximum(acc, 0.0) if relu else acc


def _tc_final_body(h_ref, z_ref, deg_ref, ws_ref, wn_ref, b_ref,
                   wo_ref, bo_ref, o_ref):
    degsum = deg_ref[:, 0:1] + deg_ref[:, 1:2]
    inv = 1.0 / jnp.maximum(degsum, 1.0)
    hn = (z_ref[0] + z_ref[1]) * inv
    acc = jnp.dot(h_ref[...], ws_ref[...], preferred_element_type=jnp.float32)
    acc = acc + jnp.dot(hn, wn_ref[...], preferred_element_type=jnp.float32)
    acc = acc + b_ref[...]
    out = jnp.dot(acc, wo_ref[...], preferred_element_type=jnp.float32)
    o_ref[...] = out + bo_ref[...]


_BM = 1024
_GRID = _NP // _BM

_layer_specs = [
    pl.BlockSpec((_BM, _D), lambda i: (i, 0)),
    pl.BlockSpec((2, _BM, _D), lambda i: (0, i, 0)),
    pl.BlockSpec((_BM, 2), lambda i: (i, 0)),
    pl.BlockSpec((_D, _D), lambda i: (0, 0)),
    pl.BlockSpec((_D, _D), lambda i: (0, 0)),
    pl.BlockSpec((1, _D), lambda i: (0, 0)),
]


def _tc_layer(h, z, degt, ws, wn, b, relu):
    return pl.pallas_call(
        functools.partial(_tc_body, relu=relu),
        out_shape=jax.ShapeDtypeStruct((_NP, _D), jnp.float32),
        grid=(_GRID,),
        in_specs=_layer_specs,
        out_specs=pl.BlockSpec((_BM, _D), lambda i: (i, 0)),
    )(h, z, degt, ws, wn, b.reshape(1, _D))


def _tc_final(h, z, degt, ws, wn, b, wo, bo):
    return pl.pallas_call(
        _tc_final_body,
        out_shape=jax.ShapeDtypeStruct((_NP, _D), jnp.float32),
        grid=(_GRID,),
        in_specs=_layer_specs + [
            pl.BlockSpec((_D, _D), lambda i: (0, 0)),
            pl.BlockSpec((1, _D), lambda i: (0, 0)),
        ],
        out_specs=pl.BlockSpec((_BM, _D), lambda i: (i, 0)),
    )(h, z, degt, ws, wn, b.reshape(1, _D), wo, bo.reshape(1, _D))


def kernel(features, edge_index, nonzer_index, nonzer_value,
           W_self1, W_neigh1, b1,
           W_self2, W_neigh2, b2,
           W_self3, W_neigh3, b3,
           W_out, b_out):
    del nonzer_index, nonzer_value
    x = jnp.pad(features, ((0, _NP - _N), (0, 0)))
    npad = _EPAD - _E
    srcp = jnp.pad(
        jnp.concatenate([edge_index[0], jnp.zeros((npad,), jnp.int32)])
        .reshape(_NW * _CPT, _C),
        ((0, 0), (0, 128 - _C))).reshape(_NW * _NGRP, _NBUF, 128)
    dstp = jnp.pad(
        jnp.concatenate([edge_index[1], jnp.full((npad,), _N, jnp.int32)])
        .reshape(_NW * _CPT, _C),
        ((0, 0), (0, 128 - _C)),
        constant_values=_N).reshape(_NW * _NGRP, _NBUF, 128)
    zrow = jnp.zeros((_NACC, _D), jnp.float32)
    zvec = jnp.zeros((_NACC,), jnp.float32)

    z, deg = _sc_agg_deg(x, srcp, dstp, zrow, zvec)
    degt = deg.T
    h = _tc_layer(x, z, degt, W_self1, W_neigh1, b1, True)
    z = _sc_agg(h, srcp, dstp, zrow)
    h = _tc_layer(h, z, degt, W_self2, W_neigh2, b2, True)
    z = _sc_agg(h, srcp, dstp, zrow)
    out = _tc_final(h, z, degt, W_self3, W_neigh3, b3, W_out, b_out)
    return out[:_N]

# --- scband reference (transcript-rebuilt; emitter-appended) ---
"""Pipeline reference for scband-graph-sagemodel-84670985273715 (READ-ONLY COPY).

The authoritative reference and input builder live on the scoring server;
editing this copy changes nothing except your own understanding.
"""

import jax, jax.numpy as jnp
import numpy as np

N = 10000
E = 320000
D = 128
H = 128
OUT = 128


def _sage(x, src, dst, W_self, W_neigh, b, act, n):
    # DGL SAGEConv, aggregator_type='mean' (eval mode: feat_drop is identity)
    msg = jnp.take(x, src, axis=0)
    summed = jax.ops.segment_sum(msg, dst, num_segments=n)
    deg = jax.ops.segment_sum(jnp.ones_like(src, dtype=x.dtype), dst, num_segments=n)
    h_neigh = summed / jnp.maximum(deg, 1.0)[:, None]
    h = x @ W_self + h_neigh @ W_neigh + b
    if act:
        h = jax.nn.relu(h)
    return h


def setup_inputs(seed: int = 0):
    key = jax.random.key(seed)
    ks = jax.random.split(key, 16)
    features = jax.random.normal(ks[0], (N, D), dtype=jnp.float32)
    edge_index = jax.random.randint(ks[1], (2, E), 0, N, dtype=jnp.int32)
    nonzer_index = jax.random.randint(ks[2], (N, 10), 0, 128, dtype=jnp.int32)
    nonzer_value = jax.random.uniform(ks[3], (N, 10), dtype=jnp.float32)
    s1 = 1.0 / np.sqrt(D)
    s2 = 1.0 / np.sqrt(H)
    W_self1 = jax.random.normal(ks[4], (D, H), dtype=jnp.float32) * s1
    W_neigh1 = jax.random.normal(ks[5], (D, H), dtype=jnp.float32) * s1
    b1 = jnp.zeros((H,), dtype=jnp.float32)
    W_self2 = jax.random.normal(ks[6], (H, H), dtype=jnp.float32) * s2
    W_neigh2 = jax.random.normal(ks[7], (H, H), dtype=jnp.float32) * s2
    b2 = jnp.zeros((H,), dtype=jnp.float32)
    W_self3 = jax.random.normal(ks[8], (H, H), dtype=jnp.float32) * s2
    W_neigh3 = jax.random.normal(ks[9], (H, H), dtype=jnp.float32) * s2
    b3 = jnp.zeros((H,), dtype=jnp.float32)
    W_out = jax.random.normal(ks[10], (H, OUT), dtype=jnp.float32) * s2
    b_out = jnp.zeros((OUT,), dtype=jnp.float32)
    return {
        "features": features,
        "edge_index": edge_index,
        "nonzer_index": nonzer_index,
        "nonzer_value": nonzer_value,
        "W_self1": W_self1, "W_neigh1": W_neigh1, "b1": b1,
        "W_self2": W_self2, "W_neigh2": W_neigh2, "b2": b2,
        "W_self3": W_self3, "W_neigh3": W_neigh3, "b3": b3,
        "W_out": W_out, "b_out": b_out,
    }


def reference(features, edge_index, nonzer_index, nonzer_value,
              W_self1, W_neigh1, b1,
              W_self2, W_neigh2, b2,
              W_self3, W_neigh3, b3,
              W_out, b_out):
    # direct=True path: stacked SAGEConv layers + final_linear_single.
    # nonzer_index / nonzer_value are forward args but unused when direct=True.
    src = edge_index[0]
    dst = edge_index[1]
    h = _sage(features, src, dst, W_self1, W_neigh1, b1, True, N)
    h = _sage(h, src, dst, W_self2, W_neigh2, b2, True, N)
    h = _sage(h, src, dst, W_self3, W_neigh3, b3, False, N)
    out = h @ W_out + b_out
    return out

if __name__ == "__main__":
    import jax
    _d = setup_inputs()
    print(jax.jit(kernel)(*tuple(_d.values())))

</pallas_src>

<mosaic_0001>
#map = affine_map<(d0, d1) -> (0, 0)>
#map1 = affine_map<(d0, d1) -> (0, 0, 0)>
module attributes {stable_mosaic.version = 14 : i64} {
  func.func @body(%arg0: i32, %arg1: i32, %arg2: memref<10240x128xf32, #tpu.memory_space<hbm>>, %arg3: memref<960x3x128xi32, #tpu.memory_space<hbm>>, %arg4: memref<960x3x128xi32, #tpu.memory_space<hbm>>, %arg5: memref<10240x128xf32, #tpu.memory_space<hbm>>, %arg6: memref<2x10240x128xf32, #tpu.memory_space<hbm>>, %arg7: memref<6x128xi32, #tpu.memory_space<vmem>>, %arg8: memref<6x128xi32, #tpu.memory_space<vmem>>, %arg9: memref<112x128xf32, #tpu.memory_space<vmem>>, %arg10: memref<112x128xf32, #tpu.memory_space<vmem>>, %arg11: memref<112x128xf32, #tpu.memory_space<vmem>>, %arg12: memref<10240x128xf32, #tpu.memory_space<vmem_shared>>, %arg13: memref<!tpu.dma_semaphore, #tpu.memory_space<semaphore_mem>>, %arg14: memref<!tpu.dma_semaphore, #tpu.memory_space<semaphore_mem>>, %arg15: memref<!tpu.dma_semaphore, #tpu.memory_space<semaphore_mem>>, %arg16: memref<!tpu.dma_semaphore, #tpu.memory_space<semaphore_mem>>, %arg17: memref<!tpu.dma_semaphore, #tpu.memory_space<semaphore_mem>>, %arg18: memref<!tpu.dma_semaphore, #tpu.memory_space<semaphore_mem>>, %arg19: memref<!tpu.dma_semaphore, #tpu.memory_space<semaphore_mem>>, %arg20: memref<!tpu.dma_semaphore, #tpu.memory_space<semaphore_mem>>, %arg21: memref<!tpu.dma_semaphore, #tpu.memory_space<semaphore_mem>>, %arg22: memref<!tpu.dma_semaphore, #tpu.memory_space<semaphore_mem>>) attributes {dimension_semantics = [#tpu.dimension_semantics<core_parallel>, #tpu.dimension_semantics<subcore_parallel>], iteration_bounds = array<i64: 2, 16>, scalar_prefetch = 0 : i64, scratch_operands = 16 : i64, tpu.core_type = #tpu.core_type<sc_vector_subcore>, window_params = [{transform_indices = #map}, {transform_indices = #map1}, {transform_indices = #map1}, {transform_indices = #map}, {transform_indices = #map1}]} {
    %mul3A = arith.constant 16 : i32
    %mul3A_0 = arith.muli %arg0, %mul3A : i32
    %add3A = arith.addi %mul3A_0, %arg1 : i32
    %mul3A_1 = arith.constant 30 : i32
    %mul3A_2 = arith.muli %add3A, %mul3A_1 : i32
    %mul3A_3 = arith.constant 640 : i32
    %mul3A_4 = arith.muli %arg1, %mul3A_3 : i32
    %mul3A_5 = arith.constant 640 : i32
    %mul3A_6 = arith.muli %arg1, %mul3A_5 : i32
    "tpu.region"() ({
      %run_scoped3A = tpu.sem_alloc : memref<!tpu.dma_semaphore, #tpu.memory_space<semaphore_mem>>
      %dma_start3A_178 = arith.constant 0 : i32
      %dma_start3A_179 = tpu.memref_slice %arg12[%mul3A_6, %dma_start3A_178] : memref<10240x128xf32, #tpu.memory_space<vmem_shared>> -> memref<640x128xf32, #tpu.memory_space<vmem_shared>>
      %dma_start3A_180 = arith.constant 0 : i32
      %dma_start3A_181 = tpu.memref_slice %arg5[%mul3A_4, %dma_start3A_180] : memref<10240x128xf32, #tpu.memory_space<hbm>> -> memref<640x128xf32, #tpu.memory_space<hbm>>
      tpu.enqueue_dma source(%dma_start3A_181 : memref<640x128xf32, #tpu.memory_space<hbm>>) target(%dma_start3A_179 : memref<640x128xf32, #tpu.memory_space<vmem_shared>>) target_semaphore(%run_scoped3A : memref<!tpu.dma_semaphore, #tpu.memory_space<semaphore_mem>>)
      %dma_wait3A_182 = arith.constant 0 : i32
      %dma_wait3A_183 = tpu.memref_slice %arg12[%mul3A_6, %dma_wait3A_182] : memref<10240x128xf32, #tpu.memory_space<vmem_shared>> -> memref<640x128xf32, #tpu.memory_space<vmem_shared>>
      %dma_wait3A_184 = arith.constant 0 : i32
      %dma_wait3A_185 = tpu.memref_slice %arg5[%mul3A_4, %dma_wait3A_184] : memref<10240x128xf32, #tpu.memory_space<hbm>> -> memref<640x128xf32, #tpu.memory_space<hbm>>
      tpu.wait_dma2 semaphore(%run_scoped3A : memref<!tpu.dma_semaphore, #tpu.memory_space<semaphore_mem>>) src(%dma_wait3A_185 : memref<640x128xf32, #tpu.memory_space<hbm>>) dst(%dma_wait3A_183 : memref<640x128xf32, #tpu.memory_space<vmem_shared>>)
      tpu.yield
    }) : () -> ()
    %barrier3A = arith.constant 0 : index
    tpu.barrier barrier_id(%barrier3A)
    %add3A_7 = arith.constant 0 : i32
    %add3A_8 = arith.addi %mul3A_2, %add3A_7 : i32
    %dma_start3A = arith.constant 0 : i32
    %dma_start3A_9 = arith.constant 0 : i32
    %dma_start3A_10 = tpu.memref_slice %arg7[%dma_start3A, %dma_start3A_9] : memref<6x128xi32, #tpu.memory_space<vmem>> -> memref<3x128xi32, #tpu.memory_space<vmem>>
    %dma_start3A_11 = arith.constant 0 : i32
    %dma_start3A_12 = arith.constant 0 : i32
    %dma_start3A_13 = tpu.memref_slice %arg3[%add3A_8, %dma_start3A_11, %dma_start3A_12] : memref<960x3x128xi32, #tpu.memory_space<hbm>> -> memref<1x3x128xi32, #tpu.memory_space<hbm>>
    %dma_start3A_14 = tpu.memref_squeeze %dma_start3A_13 : memref<1x3x128xi32, #tpu.memory_space<hbm>> -> memref<3x128xi32, #tpu.memory_space<hbm>>
    %dma_start3A_15 = arith.constant 0 : i32
    %dma_start3A_16 = arith.constant 0 : i32
    %dma_start3A_17 = tpu.memref_slice %arg7[%dma_start3A_15, %dma_start3A_16] : memref<6x128xi32, #tpu.memory_space<vmem>> -> memref<3x128xi32, #tpu.memory_space<vmem>>
    %dma_start3A_18 = arith.constant 0 : i32
    %dma_start3A_19 = arith.constant 0 : i32
    %dma_start3A_20 = tpu.memref_slice %arg3[%add3A_8, %dma_start3A_18, %dma_start3A_19] : memref<960x3x128xi32, #tpu.memory_space<hbm>> -> memref<1x3x128xi32, #tpu.memory_space<hbm>>
    %dma_start3A_21 = tpu.memref_squeeze %dma_start3A_20 : memref<1x3x128xi32, #tpu.memory_space<hbm>> -> memref<3x128xi32, #tpu.memory_space<hbm>>
    tpu.enqueue_dma source(%dma_start3A_21 : memref<3x128xi32, #tpu.memory_space<hbm>>) target(%dma_start3A_17 : memref<3x128xi32, #tpu.memory_space<vmem>>) target_semaphore(%arg19 : memref<!tpu.dma_semaphore, #tpu.memory_space<semaphore_mem>>)
    %add3A_22 = arith.constant 0 : i32
    %add3A_23 = arith.addi %mul3A_2, %add3A_22 : i32
    %dma_start3A_24 = arith.constant 0 : i32
    %dma_start3A_25 = arith.constant 0 : i32
    %dma_start3A_26 = tpu.memref_slice %arg8[%dma_start3A_24, %dma_start3A_25] : memref<6x128xi32, #tpu.memory_space<vmem>> -> memref<3x128xi32, #tpu.memory_space<vmem>>
    %dma_start3A_27 = arith.constant 0 : i32
    %dma_start3A_28 = arith.constant 0 : i32
    %dma_start3A_29 = tpu.memref_slice %arg4[%add3A_23, %dma_start3A_27, %dma_start3A_28] : memref<960x3x128xi32, #tpu.memory_space<hbm>> -> memref<1x3x128xi32, #tpu.memory_space<hbm>>
    %dma_start3A_30 = tpu.memref_squeeze %dma_start3A_29 : memref<1x3x128xi32, #tpu.memory_space<hbm>> -> memref<3x128xi32, #tpu.memory_space<hbm>>
    %dma_start3A_31 = arith.constant 0 : i32
    %dma_start3A_32 = arith.constant 0 : i32
    %dma_start3A_33 = tpu.memref_slice %arg8[%dma_start3A_31, %dma_start3A_32] : memref<6x128xi32, #tpu.memory_space<vmem>> -> memref<3x128xi32, #tpu.memory_space<vmem>>
    %dma_start3A_34 = arith.constant 0 : i32
    %dma_start3A_35 = arith.constant 0 : i32
    %dma_start3A_36 = tpu.memref_slice %arg4[%add3A_23, %dma_start3A_34, %dma_start3A_35] : memref<960x3x128xi32, #tpu.memory_space<hbm>> -> memref<1x3x128xi32, #tpu.memory_space<hbm>>
    %dma_start3A_37 = tpu.memref_squeeze %dma_start3A_36 : memref<1x3x128xi32, #tpu.memory_space<hbm>> -> memref<3x128xi32, #tpu.memory_space<hbm>>
    tpu.enqueue_dma source(%dma_start3A_37 : memref<3x128xi32, #tpu.memory_space<hbm>>) target(%dma_start3A_33 : memref<3x128xi32, #tpu.memory_space<vmem>>) target_semaphore(%arg21 : memref<!tpu.dma_semaphore, #tpu.memory_space<semaphore_mem>>)
    %add3A_38 = arith.constant 1 : i32
    %add3A_39 = arith.addi %mul3A_2, %add3A_38 : i32
    %dma_start3A_40 = arith.constant 3 : i32
    %dma_start3A_41 = arith.constant 0 : i32
    %dma_start3A_42 = tpu.memref_slice %arg7[%dma_start3A_40, %dma_start3A_41] : memref<6x128xi32, #tpu.memory_space<vmem>> -> memref<3x128xi32, #tpu.memory_space<vmem>>
    %dma_start3A_43 = arith.constant 0 : i32
    %dma_start3A_44 = arith.constant 0 : i32
    %dma_start3A_45 = tpu.memref_slice %arg3[%add3A_39, %dma_start3A_43, %dma_start3A_44] : memref<960x3x128xi32, #tpu.memory_space<hbm>> -> memref<1x3x128xi32, #tpu.memory_space<hbm>>
    %dma_start3A_46 = tpu.memref_squeeze %dma_start3A_45 : memref<1x3x128xi32, #tpu.memory_space<hbm>> -> memref<3x128xi32, #tpu.memory_space<hbm>>
    %dma_start3A_47 = arith.constant 3 : i32
    %dma_start3A_48 = arith.constant 0 : i32
    %dma_start3A_49 = tpu.memref_slice %arg7[%dma_start3A_47, %dma_start3A_48] : memref<6x128xi32, #tpu.memory_space<vmem>> -> memref<3x128xi32, #tpu.memory_space<vmem>>
    %dma_start3A_50 = arith.constant 0 : i32
    %dma_start3A_51 = arith.constant 0 : i32
    %dma_start3A_52 = tpu.memref_slice %arg3[%add3A_39, %dma_start3A_50, %dma_start3A_51] : memref<960x3x128xi32, #tpu.memory_space<hbm>> -> memref<1x3x128xi32, #tpu.memory_space<hbm>>
    %dma_start3A_53 = tpu.memref_squeeze %dma_start3A_52 : memref<1x3x128xi32, #tpu.memory_space<hbm>> -> memref<3x128xi32, #tpu.memory_space<hbm>>
    tpu.enqueue_dma source(%dma_start3A_53 : memref<3x128xi32, #tpu.memory_space<hbm>>) target(%dma_start3A_49 : memref<3x128xi32, #tpu.memory_space<vmem>>) target_semaphore(%arg20 : memref<!tpu.dma_semaphore, #tpu.memory_space<semaphore_mem>>)
    %add3A_54 = arith.constant 1 : i32
    %add3A_55 = arith.addi %mul3A_2, %add3A_54 : i32
    %dma_start3A_56 = arith.constant 3 : i32
    %dma_start3A_57 = arith.constant 0 : i32
    %dma_start3A_58 = tpu.memref_slice %arg8[%dma_start3A_56, %dma_start3A_57] : memref<6x128xi32, #tpu.memory_space<vmem>> -> memref<3x128xi32, #tpu.memory_space<vmem>>
    %dma_start3A_59 = arith.constant 0 : i32
    %dma_start3A_60 = arith.constant 0 : i32
    %dma_start3A_61 = tpu.memref_slice %arg4[%add3A_55, %dma_start3A_59, %dma_start3A_60] : memref<960x3x128xi32, #tpu.memory_space<hbm>> -> memref<1x3x128xi32, #tpu.memory_space<hbm>>
    %dma_start3A_62 = tpu.memref_squeeze %dma_start3A_61 : memref<1x3x128xi32, #tpu.memory_space<hbm>> -> memref<3x128xi32, #tpu.memory_space<hbm>>
    %dma_start3A_63 = arith.constant 3 : i32
    %dma_start3A_64 = arith.constant 0 : i32
    %dma_start3A_65 = tpu.memref_slice %arg8[%dma_start3A_63, %dma_start3A_64] : memref<6x128xi32, #tpu.memory_space<vmem>> -> memref<3x128xi32, #tpu.memory_space<vmem>>
    %dma_start3A_66 = arith.constant 0 : i32
    %dma_start3A_67 = arith.constant 0 : i32
    %dma_start3A_68 = tpu.memref_slice %arg4[%add3A_55, %dma_start3A_66, %dma_start3A_67] : memref<960x3x128xi32, #tpu.memory_space<hbm>> -> memref<1x3x128xi32, #tpu.memory_space<hbm>>
    %dma_start3A_69 = tpu.memref_squeeze %dma_start3A_68 : memref<1x3x128xi32, #tpu.memory_space<hbm>> -> memref<3x128xi32, #tpu.memory_space<hbm>>
    tpu.enqueue_dma source(%dma_start3A_69 : memref<3x128xi32, #tpu.memory_space<hbm>>) target(%dma_start3A_65 : memref<3x128xi32, #tpu.memory_space<vmem>>) target_semaphore(%arg22 : memref<!tpu.dma_semaphore, #tpu.memory_space<semaphore_mem>>)
    %dma_wait3A = arith.constant 0 : i32
    %dma_wait3A_70 = arith.constant 0 : i32
    %dma_wait3A_71 = arith.constant 0 : i32
    %dma_wait3A_72 = tpu.memref_slice %arg7[%dma_wait3A_70, %dma_wait3A_71] : memref<6x128xi32, #tpu.memory_space<vmem>> -> memref<3x128xi32, #tpu.memory_space<vmem>>
    %dma_wait3A_73 = arith.constant 0 : i32
    %dma_wait3A_74 = arith.constant 0 : i32
    %dma_wait3A_75 = tpu.memref_slice %arg3[%dma_wait3A, %dma_wait3A_73, %dma_wait3A_74] : memref<960x3x128xi32, #tpu.memory_space<hbm>> -> memref<1x3x128xi32, #tpu.memory_space<hbm>>
    %dma_wait3A_76 = tpu.memref_squeeze %dma_wait3A_75 : memref<1x3x128xi32, #tpu.memory_space<hbm>> -> memref<3x128xi32, #tpu.memory_space<hbm>>
    %dma_wait3A_77 = arith.constant 0 : i32
    %dma_wait3A_78 = arith.constant 0 : i32
    %dma_wait3A_79 = tpu.memref_slice %arg7[%dma_wait3A_77, %dma_wait3A_78] : memref<6x128xi32, #tpu.memory_space<vmem>> -> memref<3x128xi32, #tpu.memory_space<vmem>>
    %dma_wait3A_80 = arith.constant 0 : i32
    %dma_wait3A_81 = arith.constant 0 : i32
    %dma_wait3A_82 = tpu.memref_slice %arg3[%dma_wait3A, %dma_wait3A_80, %dma_wait3A_81] : memref<960x3x128xi32, #tpu.memory_space<hbm>> -> memref<1x3x128xi32, #tpu.memory_space<hbm>>
    %dma_wait3A_83 = tpu.memref_squeeze %dma_wait3A_82 : memref<1x3x128xi32, #tpu.memory_space<hbm>> -> memref<3x128xi32, #tpu.memory_space<hbm>>
    tpu.wait_dma2 semaphore(%arg19 : memref<!tpu.dma_semaphore, #tpu.memory_space<semaphore_mem>>) src(%dma_wait3A_83 : memref<3x128xi32, #tpu.memory_space<hbm>>) dst(%dma_wait3A_79 : memref<3x128xi32, #tpu.memory_space<vmem>>)
    %dma_start3A_84 = arith.constant 0 : i32
    %dma_start3A_85 = arith.constant 0 : i32
    %dma_start3A_86 = tpu.memref_slice %arg7[%dma_start3A_84, %dma_start3A_85] : memref<6x128xi32, #tpu.memory_space<vmem>> -> memref<1x112xi32, #tpu.memory_space<vmem>>
    %dma_start3A_87 = tpu.memref_squeeze %dma_start3A_86 : memref<1x112xi32, #tpu.memory_space<vmem>> -> memref<112xi32, #tpu.memory_space<vmem>>
    %dma_start3A_88 = arith.constant 0 : i32
    %dma_start3A_89 = arith.constant 0 : i32
    %dma_start3A_90 = tpu.memref_slice %arg2[%dma_start3A_88, %dma_start3A_89] : memref<10240x128xf32, #tpu.memory_space<hbm>> -> memref<10240x128xf32, #tpu.memory_space<hbm>>
    tpu.enqueue_indirect_dma source(%dma_start3A_90 : memref<10240x128xf32, #tpu.memory_space<hbm>>) target(%arg9 : memref<112x128xf32, #tpu.memory_space<vmem>>) offsets(%dma_start3A_87 : memref<112xi32, #tpu.memory_space<vmem>>) semaphore(%arg13 : memref<!tpu.dma_semaphore, #tpu.memory_space<semaphore_mem>>)
    %dma_start3A_91 = arith.constant 1 : i32
    %dma_start3A_92 = arith.constant 0 : i32
    %dma_start3A_93 = tpu.memref_slice %arg7[%dma_start3A_91, %dma_start3A_92] : memref<6x128xi32, #tpu.memory_space<vmem>> -> memref<1x112xi32, #tpu.memory_space<vmem>>
    %dma_start3A_94 = tpu.memref_squeeze %dma_start3A_93 : memref<1x112xi32, #tpu.memory_space<vmem>> -> memref<112xi32, #tpu.memory_space<vmem>>
    %dma_start3A_95 = arith.constant 0 : i32
    %dma_start3A_96 = arith.constant 0 : i32
    %dma_start3A_97 = tpu.memref_slice %arg2[%dma_start3A_95, %dma_start3A_96] : memref<10240x128xf32, #tpu.memory_space<hbm>> -> memref<10240x128xf32, #tpu.memory_space<hbm>>
    tpu.enqueue_indirect_dma source(%dma_start3A_97 : memref<10240x128xf32, #tpu.memory_space<hbm>>) target(%arg10 : memref<112x128xf32, #tpu.memory_space<vmem>>) offsets(%dma_start3A_94 : memref<112xi32, #tpu.memory_space<vmem>>) semaphore(%arg14 : memref<!tpu.dma_semaphore, #tpu.memory_space<semaphore_mem>>)
    %dma_start3A_98 = arith.constant 2 : i32
    %dma_start3A_99 = arith.constant 0 : i32
    %dma_start3A_100 = tpu.memref_slice %arg7[%dma_start3A_98, %dma_start3A_99] : memref<6x128xi32, #tpu.memory_space<vmem>> -> memref<1x112xi32, #tpu.memory_space<vmem>>
    %dma_start3A_101 = tpu.memref_squeeze %dma_start3A_100 : memref<1x112xi32, #tpu.memory_space<vmem>> -> memref<112xi32, #tpu.memory_space<vmem>>
    %dma_start3A_102 = arith.constant 0 : i32
    %dma_start3A_103 = arith.constant 0 : i32
    %dma_start3A_104 = tpu.memref_slice %arg2[%dma_start3A_102, %dma_start3A_103] : memref<10240x128xf32, #tpu.memory_space<hbm>> -> memref<10240x128xf32, #tpu.memory_space<hbm>>
    tpu.enqueue_indirect_dma source(%dma_start3A_104 : memref<10240x128xf32, #tpu.memory_space<hbm>>) target(%arg11 : memref<112x128xf32, #tpu.memory_space<vmem>>) offsets(%dma_start3A_101 : memref<112xi32, #tpu.memory_space<vmem>>) semaphore(%arg15 : memref<!tpu.dma_semaphore, #tpu.memory_space<semaphore_mem>>)
    %scan3A = arith.constant 0 : i32
    %scan3A_105 = arith.constant 0 : i32
    %scan3A_106 = arith.constant 15 : i32
    %scan3A_107 = arith.addi %scan3A_105, %scan3A_106 : i32
    %scan3A_108 = arith.constant 1 : i32
    scf.for %scan3A_178 = %scan3A_105 to %scan3A_107 step %scan3A_108  : i32 {
      %mul3A_179 = arith.constant 2 : i32
      %mul3A_180 = arith.muli %mul3A_179, %scan3A_178 : i32
      %dma_wait3A_181 = arith.constant 0 : i32
      %dma_wait3A_182 = arith.constant 0 : i32
      %dma_wait3A_183 = arith.constant 0 : i32
      %dma_wait3A_184 = tpu.memref_slice %arg7[%dma_wait3A_182, %dma_wait3A_183] : memref<6x128xi32, #tpu.memory_space<vmem>> -> memref<3x128xi32, #tpu.memory_space<vmem>>
      %dma_wait3A_185 = arith.constant 0 : i32
      %dma_wait3A_186 = arith.constant 0 : i32
      %dma_wait3A_187 = tpu.memref_slice %arg3[%dma_wait3A_181, %dma_wait3A_185, %dma_wait3A_186] : memref<960x3x128xi32, #tpu.memory_space<hbm>> -> memref<1x3x128xi32, #tpu.memory_space<hbm>>
      %dma_wait3A_188 = tpu.memref_squeeze %dma_wait3A_187 : memref<1x3x128xi32, #tpu.memory_space<hbm>> -> memref<3x128xi32, #tpu.memory_space<hbm>>
      %dma_wait3A_189 = arith.constant 0 : i32
      %dma_wait3A_190 = arith.constant 0 : i32
      %dma_wait3A_191 = tpu.memref_slice %arg7[%dma_wait3A_189, %dma_wait3A_190] : memref<6x128xi32, #tpu.memory_space<vmem>> -> memref<3x128xi32, #tpu.memory_space<vmem>>
      %dma_wait3A_192 = arith.constant 0 : i32
      %dma_wait3A_193 = arith.constant 0 : i32
      %dma_wait3A_194 = tpu.memref_slice %arg3[%dma_wait3A_181, %dma_wait3A_192, %dma_wait3A_193] : memref<960x3x128xi32, #tpu.memory_space<hbm>> -> memref<1x3x128xi32, #tpu.memory_space<hbm>>
      %dma_wait3A_195 = tpu.memref_squeeze %dma_wait3A_194 : memref<1x3x128xi32, #tpu.memory_space<hbm>> -> memref<3x128xi32, #tpu.memory_space<hbm>>
      tpu.wait_dma2 semaphore(%arg21 : memref<!tpu.dma_semaphore, #tpu.memory_space<semaphore_mem>>) src(%dma_wait3A_195 : memref<3x128xi32, #tpu.memory_space<hbm>>) dst(%dma_wait3A_191 : memref<3x128xi32, #tpu.memory_space<vmem>>)
      %dma_wait3A_196 = arith.constant 0 : i32
      %dma_wait3A_197 = arith.constant 0 : i32
      %dma_wait3A_198 = tpu.memref_slice %arg2[%dma_wait3A_196, %dma_wait3A_197] : memref<10240x128xf32, #tpu.memory_space<hbm>> -> memref<112x128xf32, #tpu.memory_space<hbm>>
      %dma_wait3A_199 = arith.constant 0 : i32
      %dma_wait3A_200 = arith.constant 0 : i32
      %dma_wait3A_201 = tpu.memref_slice %arg2[%dma_wait3A_199, %dma_wait3A_200] : memref<10240x128xf32, #tpu.memory_space<hbm>> -> memref<112x128xf32, #tpu.memory_space<hbm>>
      tpu.wait_dma2 semaphore(%arg13 : memref<!tpu.dma_semaphore, #tpu.memory_space<semaphore_mem>>) src(%dma_wait3A_201 : memref<112x128xf32, #tpu.memory_space<hbm>>) dst(%arg9 : memref<112x128xf32, #tpu.memory_space<vmem>>)
      %dma_start3A_202 = arith.constant 0 : i32
      %dma_start3A_203 = arith.constant 0 : i32
      %dma_start3A_204 = tpu.memref_slice %arg8[%dma_start3A_202, %dma_start3A_203] : memref<6x128xi32, #tpu.memory_space<vmem>> -> memref<1x112xi32, #tpu.memory_space<vmem>>
      %dma_start3A_205 = tpu.memref_squeeze %dma_start3A_204 : memref<1x112xi32, #tpu.memory_space<vmem>> -> memref<112xi32, #tpu.memory_space<vmem>>
      %dma_start3A_206 = arith.constant 0 : i32
      %dma_start3A_207 = arith.constant 0 : i32
      %dma_start3A_208 = tpu.memref_slice %arg12[%dma_start3A_206, %dma_start3A_207] : memref<10240x128xf32, #tpu.memory_space<vmem_shared>> -> memref<10240x128xf32, #tpu.memory_space<vmem_shared>>
      tpu.enqueue_indirect_dma source(%arg9 : memref<112x128xf32, #tpu.memory_space<vmem>>) target(%dma_start3A_208 : memref<10240x128xf32, #tpu.memory_space<vmem_shared>>) offsets(%dma_start3A_205 : memref<112xi32, #tpu.memory_space<vmem>>) semaphore(%arg16 : memref<!tpu.dma_semaphore, #tpu.memory_space<semaphore_mem>>) {add = true}
      %dma_wait3A_209 = arith.constant 0 : i32
      %dma_wait3A_210 = arith.constant 0 : i32
      %dma_wait3A_211 = tpu.memref_slice %arg2[%dma_wait3A_209, %dma_wait3A_210] : memref<10240x128xf32, #tpu.memory_space<hbm>> -> memref<112x128xf32, #tpu.memory_space<hbm>>
      %dma_wait3A_212 = arith.constant 0 : i32
      %dma_wait3A_213 = arith.constant 0 : i32
      %dma_wait3A_214 = tpu.memref_slice %arg2[%dma_wait3A_212, %dma_wait3A_213] : memref<10240x128xf32, #tpu.memory_space<hbm>> -> memref<112x128xf32, #tpu.memory_space<hbm>>
      tpu.wait_dma2 semaphore(%arg14 : memref<!tpu.dma_semaphore, #tpu.memory_space<semaphore_mem>>) src(%dma_wait3A_214 : memref<112x128xf32, #tpu.memory_space<hbm>>) dst(%arg10 : memref<112x128xf32, #tpu.memory_space<vmem>>)
      %dma_start3A_215 = arith.constant 1 : i32
      %dma_start3A_216 = arith.constant 0 : i32
      %dma_start3A_217 = tpu.memref_slice %arg8[%dma_start3A_215, %dma_start3A_216] : memref<6x128xi32, #tpu.memory_space<vmem>> -> memref<1x112xi32, #tpu.memory_space<vmem>>
      %dma_start3A_218 = tpu.memref_squeeze %dma_start3A_217 : memref<1x112xi32, #tpu.memory_space<vmem>> -> memref<112xi32, #tpu.memory_space<vmem>>
      %dma_start3A_219 = arith.constant 0 : i32
      %dma_start3A_220 = arith.constant 0 : i32
      %dma_start3A_221 = tpu.memref_slice %arg12[%dma_start3A_219, %dma_start3A_220] : memref<10240x128xf32, #tpu.memory_space<vmem_shared>> -> memref<10240x128xf32, #tpu.memory_space<vmem_shared>>
      tpu.enqueue_indirect_dma source(%arg10 : memref<112x128xf32, #tpu.memory_space<vmem>>) target(%dma_start3A_221 : memref<10240x128xf32, #tpu.memory_space<vmem_shared>>) offsets(%dma_start3A_218 : memref<112xi32, #tpu.memory_space<vmem>>) semaphore(%arg17 : memref<!tpu.dma_semaphore, #tpu.memory_space<semaphore_mem>>) {add = true}
      %dma_wait3A_222 = arith.constant 0 : i32
      %dma_wait3A_223 = arith.constant 0 : i32
      %dma_wait3A_224 = tpu.memref_slice %arg2[%dma_wait3A_222, %dma_wait3A_223] : memref<10240x128xf32, #tpu.memory_space<hbm>> -> memref<112x128xf32, #tpu.memory_space<hbm>>
      %dma_wait3A_225 = arith.constant 0 : i32
      %dma_wait3A_226 = arith.constant 0 : i32
      %dma_wait3A_227 = tpu.memref_slice %arg2[%dma_wait3A_225, %dma_wait3A_226] : memref<10240x128xf32, #tpu.memory_space<hbm>> -> memref<112x128xf32, #tpu.memory_space<hbm>>
      tpu.wait_dma2 semaphore(%arg15 : memref<!tpu.dma_semaphore, #tpu.memory_space<semaphore_mem>>) src(%dma_wait3A_227 : memref<112x128xf32, #tpu.memory_space<hbm>>) dst(%arg11 : memref<112x128xf32, #tpu.memory_space<vmem>>)
      %dma_start3A_228 = arith.constant 2 : i32
      %dma_start3A_229 = arith.constant 0 : i32
      %dma_start3A_230 = tpu.memref_slice %arg8[%dma_start3A_228, %dma_start3A_229] : memref<6x128xi32, #tpu.memory_space<vmem>> -> memref<1x112xi32, #tpu.memory_space<vmem>>
      %dma_start3A_231 = tpu.memref_squeeze %dma_start3A_230 : memref<1x112xi32, #tpu.memory_space<vmem>> -> memref<112xi32, #tpu.memory_space<vmem>>
      %dma_start3A_232 = arith.constant 0 : i32
      %dma_start3A_233 = arith.constant 0 : i32
      %dma_start3A_234 = tpu.memref_slice %arg12[%dma_start3A_232, %dma_start3A_233] : memref<10240x128xf32, #tpu.memory_space<vmem_shared>> -> memref<10240x128xf32, #tpu.memory_space<vmem_shared>>
      tpu.enqueue_indirect_dma source(%arg11 : memref<112x128xf32, #tpu.memory_space<vmem>>) target(%dma_start3A_234 : memref<10240x128xf32, #tpu.memory_space<vmem_shared>>) offsets(%dma_start3A_231 : memref<112xi32, #tpu.memory_space<vmem>>) semaphore(%arg18 : memref<!tpu.dma_semaphore, #tpu.memory_space<semaphore_mem>>) {add = true}
      %dma_wait3A_235 = arith.constant 0 : i32
      %dma_wait3A_236 = arith.constant 0 : i32
      %dma_wait3A_237 = arith.constant 0 : i32
      %dma_wait3A_238 = tpu.memref_slice %arg7[%dma_wait3A_236, %dma_wait3A_237] : memref<6x128xi32, #tpu.memory_space<vmem>> -> memref<3x128xi32, #tpu.memory_space<vmem>>
      %dma_wait3A_239 = arith.constant 0 : i32
      %dma_wait3A_240 = arith.constant 0 : i32
      %dma_wait3A_241 = tpu.memref_slice %arg3[%dma_wait3A_235, %dma_wait3A_239, %dma_wait3A_240] : memref<960x3x128xi32, #tpu.memory_space<hbm>> -> memref<1x3x128xi32, #tpu.memory_space<hbm>>
      %dma_wait3A_242 = tpu.memref_squeeze %dma_wait3A_241 : memref<1x3x128xi32, #tpu.memory_space<hbm>> -> memref<3x128xi32, #tpu.memory_space<hbm>>
      %dma_wait3A_243 = arith.constant 0 : i32
      %dma_wait3A_244 = arith.constant 0 : i32
      %dma_wait3A_245 = tpu.memref_slice %arg7[%dma_wait3A_243, %dma_wait3A_244] : memref<6x128xi32, #tpu.memory_space<vmem>> -> memref<3x128xi32, #tpu.memory_space<vmem>>
      %dma_wait3A_246 = arith.constant 0 : i32
      %dma_wait3A_247 = arith.constant 0 : i32
      %dma_wait3A_248 = tpu.memref_slice %arg3[%dma_wait3A_235, %dma_wait3A_246, %dma_wait3A_247] : memref<960x3x128xi32, #tpu.memory_space<hbm>> -> memref<1x3x128xi32, #tpu.memory_space<hbm>>
      %dma_wait3A_249 = tpu.memref_squeeze %dma_wait3A_248 : memref<1x3x128xi32, #tpu.memory_space<hbm>> -> memref<3x128xi32, #tpu.memory_space<hbm>>
      tpu.wait_dma2 semaphore(%arg20 : memref<!tpu.dma_semaphore, #tpu.memory_space<semaphore_mem>>) src(%dma_wait3A_249 : memref<3x128xi32, #tpu.memory_space<hbm>>) dst(%dma_wait3A_245 : memref<3x128xi32, #tpu.memory_space<vmem>>)
      %dma_wait3A_250 = arith.constant 0 : i32
      %dma_wait3A_251 = arith.constant 0 : i32
      %dma_wait3A_252 = tpu.memref_slice %arg12[%dma_wait3A_250, %dma_wait3A_251] : memref<10240x128xf32, #tpu.memory_space<vmem_shared>> -> memref<112x128xf32, #tpu.memory_space<vmem_shared>>
      %dma_wait3A_253 = arith.constant 0 : i32
      %dma_wait3A_254 = arith.constant 0 : i32
      %dma_wait3A_255 = tpu.memref_slice %arg12[%dma_wait3A_253, %dma_wait3A_254] : memref<10240x128xf32, #tpu.memory_space<vmem_shared>> -> memref<112x128xf32, #tpu.memory_space<vmem_shared>>
      tpu.wait_dma2 semaphore(%arg16 : memref<!tpu.dma_semaphore, #tpu.memory_space<semaphore_mem>>) src(%arg9 : memref<112x128xf32, #tpu.memory_space<vmem>>) dst(%dma_wait3A_255 : memref<112x128xf32, #tpu.memory_space<vmem_shared>>)
      %dma_start3A_256 = arith.constant 3 : i32
      %dma_start3A_257 = arith.constant 0 : i32
      %dma_start3A_258 = tpu.memref_slice %arg7[%dma_start3A_256, %dma_start3A_257] : memref<6x128xi32, #tpu.memory_space<vmem>> -> memref<1x112xi32, #tpu.memory_space<vmem>>
      %dma_start3A_259 = tpu.memref_squeeze %dma_start3A_258 : memref<1x112xi32, #tpu.memory_space<vmem>> -> memref<112xi32, #tpu.memory_space<vmem>>
      %dma_start3A_260 = arith.constant 0 : i32
      %dma_start3A_261 = arith.constant 0 : i32
      %dma_start3A_262 = tpu.memref_slice %arg2[%dma_start3A_260, %dma_start3A_261] : memref<10240x128xf32, #tpu.memory_space<hbm>> -> memref<10240x128xf32, #tpu.memory_space<hbm>>
      tpu.enqueue_indirect_dma source(%dma_start3A_262 : memref<10240x128xf32, #tpu.memory_space<hbm>>) target(%arg9 : memref<112x128xf32, #tpu.memory_space<vmem>>) offsets(%dma_start3A_259 : memref<112xi32, #tpu.memory_space<vmem>>) semaphore(%arg13 : memref<!tpu.dma_semaphore, #tpu.memory_space<semaphore_mem>>)
      %dma_wait3A_263 = arith.constant 0 : i32
      %dma_wait3A_264 = arith.constant 0 : i32
      %dma_wait3A_265 = tpu.memref_slice %arg12[%dma_wait3A_263, %dma_wait3A_264] : memref<10240x128xf32, #tpu.memory_space<vmem_shared>> -> memref<112x128xf32, #tpu.memory_space<vmem_shared>>
      %dma_wait3A_266 = arith.constant 0 : i32
      %dma_wait3A_267 = arith.constant 0 : i32
      %dma_wait3A_268 = tpu.memref_slice %arg12[%dma_wait3A_266, %dma_wait3A_267] : memref<10240x128xf32, #tpu.memory_space<vmem_shared>> -> memref<112x128xf32, #tpu.memory_space<vmem_shared>>
      tpu.wait_dma2 semaphore(%arg17 : memref<!tpu.dma_semaphore, #tpu.memory_space<semaphore_mem>>) src(%arg10 : memref<112x128xf32, #tpu.memory_space<vmem>>) dst(%dma_wait3A_268 : memref<112x128xf32, #tpu.memory_space<vmem_shared>>)
      %dma_start3A_269 = arith.constant 4 : i32
      %dma_start3A_270 = arith.constant 0 : i32
      %dma_start3A_271 = tpu.memref_slice %arg7[%dma_start3A_269, %dma_start3A_270] : memref<6x128xi32, #tpu.memory_space<vmem>> -> memref<1x112xi32, #tpu.memory_space<vmem>>
      %dma_start3A_272 = tpu.memref_squeeze %dma_start3A_271 : memref<1x112xi32, #tpu.memory_space<vmem>> -> memref<112xi32, #tpu.memory_space<vmem>>
      %dma_start3A_273 = arith.constant 0 : i32
      %dma_start3A_274 = arith.constant 0 : i32
      %dma_start3A_275 = tpu.memref_slice %arg2[%dma_start3A_273, %dma_start3A_274] : memref<10240x128xf32, #tpu.memory_space<hbm>> -> memref<10240x128xf32, #tpu.memory_space<hbm>>
      tpu.enqueue_indirect_dma source(%dma_start3A_275 : memref<10240x128xf32, #tpu.memory_space<hbm>>) target(%arg10 : memref<112x128xf32, #tpu.memory_space<vmem>>) offsets(%dma_start3A_272 : memref<112xi32, #tpu.memory_space<vmem>>) semaphore(%arg14 : memref<!tpu.dma_semaphore, #tpu.memory_space<semaphore_mem>>)
      %dma_wait3A_276 = arith.constant 0 : i32
      %dma_wait3A_277 = arith.constant 0 : i32
      %dma_wait3A_278 = tpu.memref_slice %arg12[%dma_wait3A_276, %dma_wait3A_277] : memref<10240x128xf32, #tpu.memory_space<vmem_shared>> -> memref<112x128xf32, #tpu.memory_space<vmem_shared>>
      %dma_wait3A_279 = arith.constant 0 : i32
      %dma_wait3A_280 = arith.constant 0 : i32
      %dma_wait3A_281 = tpu.memref_slice %arg12[%dma_wait3A_279, %dma_wait3A_280] : memref<10240x128xf32, #tpu.memory_space<vmem_shared>> -> memref<112x128xf32, #tpu.memory_space<vmem_shared>>
      tpu.wait_dma2 semaphore(%arg18 : memref<!tpu.dma_semaphore, #tpu.memory_space<semaphore_mem>>) src(%arg11 : memref<112x128xf32, #tpu.memory_space<vmem>>) dst(%dma_wait3A_281 : memref<112x128xf32, #tpu.memory_space<vmem_shared>>)
      %dma_start3A_282 = arith.constant 5 : i32
      %dma_start3A_283 = arith.constant 0 : i32
      %dma_start3A_284 = tpu.memref_slice %arg7[%dma_start3A_282, %dma_start3A_283] : memref<6x128xi32, #tpu.memory_space<vmem>> -> memref<1x112xi32, #tpu.memory_space<vmem>>
      %dma_start3A_285 = tpu.memref_squeeze %dma_start3A_284 : memref<1x112xi32, #tpu.memory_space<vmem>> -> memref<112xi32, #tpu.memory_space<vmem>>
      %dma_start3A_286 = arith.constant 0 : i32
      %dma_start3A_287 = arith.constant 0 : i32
      %dma_start3A_288 = tpu.memref_slice %arg2[%dma_start3A_286, %dma_start3A_287] : memref<10240x128xf32, #tpu.memory_space<hbm>> -> memref<10240x128xf32, #tpu.memory_space<hbm>>
      tpu.enqueue_indirect_dma source(%dma_start3A_288 : memref<10240x128xf32, #tpu.memory_space<hbm>>) target(%arg11 : memref<112x128xf32, #tpu.memory_space<vmem>>) offsets(%dma_start3A_285 : memref<112xi32, #tpu.memory_space<vmem>>) semaphore(%arg15 : memref<!tpu.dma_semaphore, #tpu.memory_space<semaphore_mem>>)
      %add3A_289 = arith.constant 2 : i32
      %add3A_290 = arith.addi %mul3A_180, %add3A_289 : i32
      %lt3A = arith.constant 30 : i32
      %lt3A_291 = arith.cmpi slt, %add3A_290, %lt3A : i32
      %add3A_292 = arith.constant 2 : i32
      %add3A_293 = arith.addi %mul3A_180, %add3A_292 : i32
      %jit3A = arith.constant 0 : i32
      %select_n3A = arith.select %lt3A_291, %add3A_293, %jit3A : i32
      %add3A_294 = arith.addi %mul3A_2, %select_n3A : i32
      %dma_start3A_295 = arith.constant 0 : i32
      %dma_start3A_296 = arith.constant 0 : i32
      %dma_start3A_297 = tpu.memref_slice %arg7[%dma_start3A_295, %dma_start3A_296] : memref<6x128xi32, #tpu.memory_space<vmem>> -> memref<3x128xi32, #tpu.memory_space<vmem>>
      %dma_start3A_298 = arith.constant 0 : i32
      %dma_start3A_299 = arith.constant 0 : i32
      %dma_start3A_300 = tpu.memref_slice %arg3[%add3A_294, %dma_start3A_298, %dma_start3A_299] : memref<960x3x128xi32, #tpu.memory_space<hbm>> -> memref<1x3x128xi32, #tpu.memory_space<hbm>>
      %dma_start3A_301 = tpu.memref_squeeze %dma_start3A_300 : memref<1x3x128xi32, #tpu.memory_space<hbm>> -> memref<3x128xi32, #tpu.memory_space<hbm>>
      %dma_start3A_302 = arith.constant 0 : i32
      %dma_start3A_303 = arith.constant 0 : i32
      %dma_start3A_304 = tpu.memref_slice %arg7[%dma_start3A_302, %dma_start3A_303] : memref<6x128xi32, #tpu.memory_space<vmem>> -> memref<3x128xi32, #tpu.memory_space<vmem>>
      %dma_start3A_305 = arith.constant 0 : i32
      %dma_start3A_306 = arith.constant 0 : i32
      %dma_start3A_307 = tpu.memref_slice %arg3[%add3A_294, %dma_start3A_305, %dma_start3A_306] : memref<960x3x128xi32, #tpu.memory_space<hbm>> -> memref<1x3x128xi32, #tpu.memory_space<hbm>>
      %dma_start3A_308 = tpu.memref_squeeze %dma_start3A_307 : memref<1x3x128xi32, #tpu.memory_space<hbm>> -> memref<3x128xi32, #tpu.memory_space<hbm>>
      tpu.enqueue_dma source(%dma_start3A_308 : memref<3x128xi32, #tpu.memory_space<hbm>>) target(%dma_start3A_304 : memref<3x128xi32, #tpu.memory_space<vmem>>) target_semaphore(%arg19 : memref<!tpu.dma_semaphore, #tpu.memory_space<semaphore_mem>>)
      %add3A_309 = arith.addi %mul3A_2, %select_n3A : i32
      %dma_start3A_310 = arith.constant 0 : i32
      %dma_start3A_311 = arith.constant 0 : i32
      %dma_start3A_312 = tpu.memref_slice %arg8[%dma_start3A_310, %dma_start3A_311] : memref<6x128xi32, #tpu.memory_space<vmem>> -> memref<3x128xi32, #tpu.memory_space<vmem>>
      %dma_start3A_313 = arith.constant 0 : i32
      %dma_start3A_314 = arith.constant 0 : i32
      %dma_start3A_315 = tpu.memref_slice %arg4[%add3A_309, %dma_start3A_313, %dma_start3A_314] : memref<960x3x128xi32, #tpu.memory_space<hbm>> -> memref<1x3x128xi32, #tpu.memory_space<hbm>>
      %dma_start3A_316 = tpu.memref_squeeze %dma_start3A_315 : memref<1x3x128xi32, #tpu.memory_space<hbm>> -> memref<3x128xi32, #tpu.memory_space<hbm>>
      %dma_start3A_317 = arith.constant 0 : i32
      %dma_start3A_318 = arith.constant 0 : i32
      %dma_start3A_319 = tpu.memref_slice %arg8[%dma_start3A_317, %dma_start3A_318] : memref<6x128xi32, #tpu.memory_space<vmem>> -> memref<3x128xi32, #tpu.memory_space<vmem>>
      %dma_start3A_320 = arith.constant 0 : i32
      %dma_start3A_321 = arith.constant 0 : i32
      %dma_start3A_322 = tpu.memref_slice %arg4[%add3A_309, %dma_start3A_320, %dma_start3A_321] : memref<960x3x128xi32, #tpu.memory_space<hbm>> -> memref<1x3x128xi32, #tpu.memory_space<hbm>>
      %dma_start3A_323 = tpu.memref_squeeze %dma_start3A_322 : memref<1x3x128xi32, #tpu.memory_space<hbm>> -> memref<3x128xi32, #tpu.memory_space<hbm>>
      tpu.enqueue_dma source(%dma_start3A_323 : memref<3x128xi32, #tpu.memory_space<hbm>>) target(%dma_start3A_319 : memref<3x128xi32, #tpu.memory_space<vmem>>) target_semaphore(%arg21 : memref<!tpu.dma_semaphore, #tpu.memory_space<semaphore_mem>>)
      %mul3A_324 = arith.constant 2 : i32
      %mul3A_325 = arith.muli %mul3A_324, %scan3A_178 : i32
      %add3A_326 = arith.constant 1 : i32
      %add3A_327 = arith.addi %mul3A_325, %add3A_326 : i32
      %dma_wait3A_328 = arith.constant 0 : i32
      %dma_wait3A_329 = arith.constant 0 : i32
      %dma_wait3A_330 = arith.constant 0 : i32
      %dma_wait3A_331 = tpu.memref_slice %arg7[%dma_wait3A_329, %dma_wait3A_330] : memref<6x128xi32, #tpu.memory_space<vmem>> -> memref<3x128xi32, #tpu.memory_space<vmem>>
      %dma_wait3A_332 = arith.constant 0 : i32
      %dma_wait3A_333 = arith.constant 0 : i32
      %dma_wait3A_334 = tpu.memref_slice %arg3[%dma_wait3A_328, %dma_wait3A_332, %dma_wait3A_333] : memref<960x3x128xi32, #tpu.memory_space<hbm>> -> memref<1x3x128xi32, #tpu.memory_space<hbm>>
      %dma_wait3A_335 = tpu.memref_squeeze %dma_wait3A_334 : memref<1x3x128xi32, #tpu.memory_space<hbm>> -> memref<3x128xi32, #tpu.memory_space<hbm>>
      %dma_wait3A_336 = arith.constant 0 : i32
      %dma_wait3A_337 = arith.constant 0 : i32
      %dma_wait3A_338 = tpu.memref_slice %arg7[%dma_wait3A_336, %dma_wait3A_337] : memref<6x128xi32, #tpu.memory_space<vmem>> -> memref<3x128xi32, #tpu.memory_space<vmem>>
      %dma_wait3A_339 = arith.constant 0 : i32
      %dma_wait3A_340 = arith.constant 0 : i32
      %dma_wait3A_341 = tpu.memref_slice %arg3[%dma_wait3A_328, %dma_wait3A_339, %dma_wait3A_340] : memref<960x3x128xi32, #tpu.memory_space<hbm>> -> memref<1x3x128xi32, #tpu.memory_space<hbm>>
      %dma_wait3A_342 = tpu.memref_squeeze %dma_wait3A_341 : memref<1x3x128xi32, #tpu.memory_space<hbm>> -> memref<3x128xi32, #tpu.memory_space<hbm>>
      tpu.wait_dma2 semaphore(%arg22 : memref<!tpu.dma_semaphore, #tpu.memory_space<semaphore_mem>>) src(%dma_wait3A_342 : memref<3x128xi32, #tpu.memory_space<hbm>>) dst(%dma_wait3A_338 : memref<3x128xi32, #tpu.memory_space<vmem>>)
      %dma_wait3A_343 = arith.constant 0 : i32
      %dma_wait3A_344 = arith.constant 0 : i32
      %dma_wait3A_345 = tpu.memref_slice %arg2[%dma_wait3A_343, %dma_wait3A_344] : memref<10240x128xf32, #tpu.memory_space<hbm>> -> memref<112x128xf32, #tpu.memory_space<hbm>>
      %dma_wait3A_346 = arith.constant 0 : i32
      %dma_wait3A_347 = arith.constant 0 : i32
      %dma_wait3A_348 = tpu.memref_slice %arg2[%dma_wait3A_346, %dma_wait3A_347] : memref<10240x128xf32, #tpu.memory_space<hbm>> -> memref<112x128xf32, #tpu.memory_space<hbm>>
      tpu.wait_dma2 semaphore(%arg13 : memref<!tpu.dma_semaphore, #tpu.memory_space<semaphore_mem>>) src(%dma_wait3A_348 : memref<112x128xf32, #tpu.memory_space<hbm>>) dst(%arg9 : memref<112x128xf32, #tpu.memory_space<vmem>>)
      %dma_start3A_349 = arith.constant 3 : i32
      %dma_start3A_350 = arith.constant 0 : i32
      %dma_start3A_351 = tpu.memref_slice %arg8[%dma_start3A_349, %dma_start3A_350] : memref<6x128xi32, #tpu.memory_space<vmem>> -> memref<1x112xi32, #tpu.memory_space<vmem>>
      %dma_start3A_352 = tpu.memref_squeeze %dma_start3A_351 : memref<1x112xi32, #tpu.memory_space<vmem>> -> memref<112xi32, #tpu.memory_space<vmem>>
      %dma_start3A_353 = arith.constant 0 : i32
      %dma_start3A_354 = arith.constant 0 : i32
      %dma_start3A_355 = tpu.memref_slice %arg12[%dma_start3A_353, %dma_start3A_354] : memref<10240x128xf32, #tpu.memory_space<vmem_shared>> -> memref<10240x128xf32, #tpu.memory_space<vmem_shared>>
      tpu.enqueue_indirect_dma source(%arg9 : memref<112x128xf32, #tpu.memory_space<vmem>>) target(%dma_start3A_355 : memref<10240x128xf32, #tpu.memory_space<vmem_shared>>) offsets(%dma_start3A_352 : memref<112xi32, #tpu.memory_space<vmem>>) semaphore(%arg16 : memref<!tpu.dma_semaphore, #tpu.memory_space<semaphore_mem>>) {add = true}
      %dma_wait3A_356 = arith.constant 0 : i32
      %dma_wait3A_357 = arith.constant 0 : i32
      %dma_wait3A_358 = tpu.memref_slice %arg2[%dma_wait3A_356, %dma_wait3A_357] : memref<10240x128xf32, #tpu.memory_space<hbm>> -> memref<112x128xf32, #tpu.memory_space<hbm>>
      %dma_wait3A_359 = arith.constant 0 : i32
      %dma_wait3A_360 = arith.constant 0 : i32
      %dma_wait3A_361 = tpu.memref_slice %arg2[%dma_wait3A_359, %dma_wait3A_360] : memref<10240x128xf32, #tpu.memory_space<hbm>> -> memref<112x128xf32, #tpu.memory_space<hbm>>
      tpu.wait_dma2 semaphore(%arg14 : memref<!tpu.dma_semaphore, #tpu.memory_space<semaphore_mem>>) src(%dma_wait3A_361 : memref<112x128xf32, #tpu.memory_space<hbm>>) dst(%arg10 : memref<112x128xf32, #tpu.memory_space<vmem>>)
      %dma_start3A_362 = arith.constant 4 : i32
      %dma_start3A_363 = arith.constant 0 : i32
      %dma_start3A_364 = tpu.memref_slice %arg8[%dma_start3A_362, %dma_start3A_363] : memref<6x128xi32, #tpu.memory_space<vmem>> -> memref<1x112xi32, #tpu.memory_space<vmem>>
      %dma_start3A_365 = tpu.memref_squeeze %dma_start3A_364 : memref<1x112xi32, #tpu.memory_space<vmem>> -> memref<112xi32, #tpu.memory_space<vmem>>
      %dma_start3A_366 = arith.constant 0 : i32
      %dma_start3A_367 = arith.constant 0 : i32
      %dma_start3A_368 = tpu.memref_slice %arg12[%dma_start3A_366, %dma_start3A_367] : memref<10240x128xf32, #tpu.memory_space<vmem_shared>> -> memref<10240x128xf32, #tpu.memory_space<vmem_shared>>
      tpu.enqueue_indirect_dma source(%arg10 : memref<112x128xf32, #tpu.memory_space<vmem>>) target(%dma_start3A_368 : memref<10240x128xf32, #tpu.memory_space<vmem_shared>>) offsets(%dma_start3A_365 : memref<112xi32, #tpu.memory_space<vmem>>) semaphore(%arg17 : memref<!tpu.dma_semaphore, #tpu.memory_space<semaphore_mem>>) {add = true}
      %dma_wait3A_369 = arith.constant 0 : i32
      %dma_wait3A_370 = arith.constant 0 : i32
      %dma_wait3A_371 = tpu.memref_slice %arg2[%dma_wait3A_369, %dma_wait3A_370] : memref<10240x128xf32, #tpu.memory_space<hbm>> -> memref<112x128xf32, #tpu.memory_space<hbm>>
      %dma_wait3A_372 = arith.constant 0 : i32
      %dma_wait3A_373 = arith.constant 0 : i32
      %dma_wait3A_374 = tpu.memref_slice %arg2[%dma_wait3A_372, %dma_wait3A_373] : memref<10240x128xf32, #tpu.memory_space<hbm>> -> memref<112x128xf32, #tpu.memory_space<hbm>>
      tpu.wait_dma2 semaphore(%arg15 : memref<!tpu.dma_semaphore, #tpu.memory_space<semaphore_mem>>) src(%dma_wait3A_374 : memref<112x128xf32, #tpu.memory_space<hbm>>) dst(%arg11 : memref<112x128xf32, #tpu.memory_space<vmem>>)
      %dma_start3A_375 = arith.constant 5 : i32
      %dma_start3A_376 = arith.constant 0 : i32
      %dma_start3A_377 = tpu.memref_slice %arg8[%dma_start3A_375, %dma_start3A_376] : memref<6x128xi32, #tpu.memory_space<vmem>> -> memref<1x112xi32, #tpu.memory_space<vmem>>
      %dma_start3A_378 = tpu.memref_squeeze %dma_start3A_377 : memref<1x112xi32, #tpu.memory_space<vmem>> -> memref<112xi32, #tpu.memory_space<vmem>>
      %dma_start3A_379 = arith.constant 0 : i32
      %dma_start3A_380 = arith.constant 0 : i32
      %dma_start3A_381 = tpu.memref_slice %arg12[%dma_start3A_379, %dma_start3A_380] : memref<10240x128xf32, #tpu.memory_space<vmem_shared>> -> memref<10240x128xf32, #tpu.memory_space<vmem_shared>>
      tpu.enqueue_indirect_dma source(%arg11 : memref<112x128xf32, #tpu.memory_space<vmem>>) target(%dma_start3A_381 : memref<10240x128xf32, #tpu.memory_space<vmem_shared>>) offsets(%dma_start3A_378 : memref<112xi32, #tpu.memory_space<vmem>>) semaphore(%arg18 : memref<!tpu.dma_semaphore, #tpu.memory_space<semaphore_mem>>) {add = true}
      %dma_wait3A_382 = arith.constant 0 : i32
      %dma_wait3A_383 = arith.constant 0 : i32
      %dma_wait3A_384 = arith.constant 0 : i32
      %dma_wait3A_385 = tpu.memref_slice %arg7[%dma_wait3A_383, %dma_wait3A_384] : memref<6x128xi32, #tpu.memory_space<vmem>> -> memref<3x128xi32, #tpu.memory_space<vmem>>
      %dma_wait3A_386 = arith.constant 0 : i32
      %dma_wait3A_387 = arith.constant 0 : i32
      %dma_wait3A_388 = tpu.memref_slice %arg3[%dma_wait3A_382, %dma_wait3A_386, %dma_wait3A_387] : memref<960x3x128xi32, #tpu.memory_space<hbm>> -> memref<1x3x128xi32, #tpu.memory_space<hbm>>
      %dma_wait3A_389 = tpu.memref_squeeze %dma_wait3A_388 : memref<1x3x128xi32, #tpu.memory_space<hbm>> -> memref<3x128xi32, #tpu.memory_space<hbm>>
      %dma_wait3A_390 = arith.constant 0 : i32
      %dma_wait3A_391 = arith.constant 0 : i32
      %dma_wait3A_392 = tpu.memref_slice %arg7[%dma_wait3A_390, %dma_wait3A_391] : memref<6x128xi32, #tpu.memory_space<vmem>> -> memref<3x128xi32, #tpu.memory_space<vmem>>
      %dma_wait3A_393 = arith.constant 0 : i32
      %dma_wait3A_394 = arith.constant 0 : i32
      %dma_wait3A_395 = tpu.memref_slice %arg3[%dma_wait3A_382, %dma_wait3A_393, %dma_wait3A_394] : memref<960x3x128xi32, #tpu.memory_space<hbm>> -> memref<1x3x128xi32, #tpu.memory_space<hbm>>
      %dma_wait3A_396 = tpu.memref_squeeze %dma_wait3A_395 : memref<1x3x128xi32, #tpu.memory_space<hbm>> -> memref<3x128xi32, #tpu.memory_space<hbm>>
      tpu.wait_dma2 semaphore(%arg19 : memref<!tpu.dma_semaphore, #tpu.memory_space<semaphore_mem>>) src(%dma_wait3A_396 : memref<3x128xi32, #tpu.memory_space<hbm>>) dst(%dma_wait3A_392 : memref<3x128xi32, #tpu.memory_space<vmem>>)
      %dma_wait3A_397 = arith.constant 0 : i32
      %dma_wait3A_398 = arith.constant 0 : i32
      %dma_wait3A_399 = tpu.memref_slice %arg12[%dma_wait3A_397, %dma_wait3A_398] : memref<10240x128xf32, #tpu.memory_space<vmem_shared>> -> memref<112x128xf32, #tpu.memory_space<vmem_shared>>
      %dma_wait3A_400 = arith.constant 0 : i32
      %dma_wait3A_401 = arith.constant 0 : i32
      %dma_wait3A_402 = tpu.memref_slice %arg12[%dma_wait3A_400, %dma_wait3A_401] : memref<10240x128xf32, #tpu.memory_space<vmem_shared>> -> memref<112x128xf32, #tpu.memory_space<vmem_shared>>
      tpu.wait_dma2 semaphore(%arg16 : memref<!tpu.dma_semaphore, #tpu.memory_space<semaphore_mem>>) src(%arg9 : memref<112x128xf32, #tpu.memory_space<vmem>>) dst(%dma_wait3A_402 : memref<112x128xf32, #tpu.memory_space<vmem_shared>>)
      %dma_start3A_403 = arith.constant 0 : i32
      %dma_start3A_404 = arith.constant 0 : i32
      %dma_start3A_405 = tpu.memref_slice %arg7[%dma_start3A_403, %dma_start3A_404] : memref<6x128xi32, #tpu.memory_space<vmem>> -> memref<1x112xi32, #tpu.memory_space<vmem>>
      %dma_start3A_406 = tpu.memref_squeeze %dma_start3A_405 : memref<1x112xi32, #tpu.memory_space<vmem>> -> memref<112xi32, #tpu.memory_space<vmem>>
      %dma_start3A_407 = arith.constant 0 : i32
      %dma_start3A_408 = arith.constant 0 : i32
      %dma_start3A_409 = tpu.memref_slice %arg2[%dma_start3A_407, %dma_start3A_408] : memref<10240x128xf32, #tpu.memory_space<hbm>> -> memref<10240x128xf32, #tpu.memory_space<hbm>>
      tpu.enqueue_indirect_dma source(%dma_start3A_409 : memref<10240x128xf32, #tpu.memory_space<hbm>>) target(%arg9 : memref<112x128xf32, #tpu.memory_space<vmem>>) offsets(%dma_start3A_406 : memref<112xi32, #tpu.memory_space<vmem>>) semaphore(%arg13 : memref<!tpu.dma_semaphore, #tpu.memory_space<semaphore_mem>>)
      %dma_wait3A_410 = arith.constant 0 : i32
      %dma_wait3A_411 = arith.constant 0 : i32
      %dma_wait3A_412 = tpu.memref_slice %arg12[%dma_wait3A_410, %dma_wait3A_411] : memref<10240x128xf32, #tpu.memory_space<vmem_shared>> -> memref<112x128xf32, #tpu.memory_space<vmem_shared>>
      %dma_wait3A_413 = arith.constant 0 : i32
      %dma_wait3A_414 = arith.constant 0 : i32
      %dma_wait3A_415 = tpu.memref_slice %arg12[%dma_wait3A_413, %dma_wait3A_414] : memref<10240x128xf32, #tpu.memory_space<vmem_shared>> -> memref<112x128xf32, #tpu.memory_space<vmem_shared>>
      tpu.wait_dma2 semaphore(%arg17 : memref<!tpu.dma_semaphore, #tpu.memory_space<semaphore_mem>>) src(%arg10 : memref<112x128xf32, #tpu.memory_space<vmem>>) dst(%dma_wait3A_415 : memref<112x128xf32, #tpu.memory_space<vmem_shared>>)
      %dma_start3A_416 = arith.constant 1 : i32
      %dma_start3A_417 = arith.constant 0 : i32
      %dma_start3A_418 = tpu.memref_slice %arg7[%dma_start3A_416, %dma_start3A_417] : memref<6x128xi32, #tpu.memory_space<vmem>> -> memref<1x112xi32, #tpu.memory_space<vmem>>
      %dma_start3A_419 = tpu.memref_squeeze %dma_start3A_418 : memref<1x112xi32, #tpu.memory_space<vmem>> -> memref<112xi32, #tpu.memory_space<vmem>>
      %dma_start3A_420 = arith.constant 0 : i32
      %dma_start3A_421 = arith.constant 0 : i32
      %dma_start3A_422 = tpu.memref_slice %arg2[%dma_start3A_420, %dma_start3A_421] : memref<10240x128xf32, #tpu.memory_space<hbm>> -> memref<10240x128xf32, #tpu.memory_space<hbm>>
      tpu.enqueue_indirect_dma source(%dma_start3A_422 : memref<10240x128xf32, #tpu.memory_space<hbm>>) target(%arg10 : memref<112x128xf32, #tpu.memory_space<vmem>>) offsets(%dma_start3A_419 : memref<112xi32, #tpu.memory_space<vmem>>) semaphore(%arg14 : memref<!tpu.dma_semaphore, #tpu.memory_space<semaphore_mem>>)
      %dma_wait3A_423 = arith.constant 0 : i32
      %dma_wait3A_424 = arith.constant 0 : i32
      %dma_wait3A_425 = tpu.memref_slice %arg12[%dma_wait3A_423, %dma_wait3A_424] : memref<10240x128xf32, #tpu.memory_space<vmem_shared>> -> memref<112x128xf32, #tpu.memory_space<vmem_shared>>
      %dma_wait3A_426 = arith.constant 0 : i32
      %dma_wait3A_427 = arith.constant 0 : i32
      %dma_wait3A_428 = tpu.memref_slice %arg12[%dma_wait3A_426, %dma_wait3A_427] : memref<10240x128xf32, #tpu.memory_space<vmem_shared>> -> memref<112x128xf32, #tpu.memory_space<vmem_shared>>
      tpu.wait_dma2 semaphore(%arg18 : memref<!tpu.dma_semaphore, #tpu.memory_space<semaphore_mem>>) src(%arg11 : memref<112x128xf32, #tpu.memory_space<vmem>>) dst(%dma_wait3A_428 : memref<112x128xf32, #tpu.memory_space<vmem_shared>>)
      %dma_start3A_429 = arith.constant 2 : i32
      %dma_start3A_430 = arith.constant 0 : i32
      %dma_start3A_431 = tpu.memref_slice %arg7[%dma_start3A_429, %dma_start3A_430] : memref<6x128xi32, #tpu.memory_space<vmem>> -> memref<1x112xi32, #tpu.memory_space<vmem>>
      %dma_start3A_432 = tpu.memref_squeeze %dma_start3A_431 : memref<1x112xi32, #tpu.memory_space<vmem>> -> memref<112xi32, #tpu.memory_space<vmem>>
      %dma_start3A_433 = arith.constant 0 : i32
      %dma_start3A_434 = arith.constant 0 : i32
      %dma_start3A_435 = tpu.memref_slice %arg2[%dma_start3A_433, %dma_start3A_434] : memref<10240x128xf32, #tpu.memory_space<hbm>> -> memref<10240x128xf32, #tpu.memory_space<hbm>>
      tpu.enqueue_indirect_dma source(%dma_start3A_435 : memref<10240x128xf32, #tpu.memory_space<hbm>>) target(%arg11 : memref<112x128xf32, #tpu.memory_space<vmem>>) offsets(%dma_start3A_432 : memref<112xi32, #tpu.memory_space<vmem>>) semaphore(%arg15 : memref<!tpu.dma_semaphore, #tpu.memory_space<semaphore_mem>>)
      %add3A_436 = arith.constant 2 : i32
      %add3A_437 = arith.addi %add3A_327, %add3A_436 : i32
      %lt3A_438 = arith.constant 30 : i32
      %lt3A_439 = arith.cmpi slt, %add3A_437, %lt3A_438 : i32
      %add3A_440 = arith.constant 2 : i32
      %add3A_441 = arith.addi %add3A_327, %add3A_440 : i32
      %jit3A_442 = arith.constant 0 : i32
      %select_n3A_443 = arith.select %lt3A_439, %add3A_441, %jit3A_442 : i32
      %add3A_444 = arith.addi %mul3A_2, %select_n3A_443 : i32
      %dma_start3A_445 = arith.constant 3 : i32
      %dma_start3A_446 = arith.constant 0 : i32
      %dma_start3A_447 = tpu.memref_slice %arg7[%dma_start3A_445, %dma_start3A_446] : memref<6x128xi32, #tpu.memory_space<vmem>> -> memref<3x128xi32, #tpu.memory_space<vmem>>
      %dma_start3A_448 = arith.constant 0 : i32
      %dma_start3A_449 = arith.constant 0 : i32
      %dma_start3A_450 = tpu.memref_slice %arg3[%add3A_444, %dma_start3A_448, %dma_start3A_449] : memref<960x3x128xi32, #tpu.memory_space<hbm>> -> memref<1x3x128xi32, #tpu.memory_space<hbm>>
      %dma_start3A_451 = tpu.memref_squeeze %dma_start3A_450 : memref<1x3x128xi32, #tpu.memory_space<hbm>> -> memref<3x128xi32, #tpu.memory_space<hbm>>
      %dma_start3A_452 = arith.constant 3 : i32
      %dma_start3A_453 = arith.constant 0 : i32
      %dma_start3A_454 = tpu.memref_slice %arg7[%dma_start3A_452, %dma_start3A_453] : memref<6x128xi32, #tpu.memory_space<vmem>> -> memref<3x128xi32, #tpu.memory_space<vmem>>
      %dma_start3A_455 = arith.constant 0 : i32
      %dma_start3A_456 = arith.constant 0 : i32
      %dma_start3A_457 = tpu.memref_slice %arg3[%add3A_444, %dma_start3A_455, %dma_start3A_456] : memref<960x3x128xi32, #tpu.memory_space<hbm>> -> memref<1x3x128xi32, #tpu.memory_space<hbm>>
      %dma_start3A_458 = tpu.memref_squeeze %dma_start3A_457 : memref<1x3x128xi32, #tpu.memory_space<hbm>> -> memref<3x128xi32, #tpu.memory_space<hbm>>
      tpu.enqueue_dma source(%dma_start3A_458 : memref<3x128xi32, #tpu.memory_space<hbm>>) target(%dma_start3A_454 : memref<3x128xi32, #tpu.memory_space<vmem>>) target_semaphore(%arg20 : memref<!tpu.dma_semaphore, #tpu.memory_space<semaphore_mem>>)
      %add3A_459 = arith.addi %mul3A_2, %select_n3A_443 : i32
      %dma_start3A_460 = arith.constant 3 : i32
      %dma_start3A_461 = arith.constant 0 : i32
      %dma_start3A_462 = tpu.memref_slice %arg8[%dma_start3A_460, %dma_start3A_461] : memref<6x128xi32, #tpu.memory_space<vmem>> -> memref<3x128xi32, #tpu.memory_space<vmem>>
      %dma_start3A_463 = arith.constant 0 : i32
      %dma_start3A_464 = arith.constant 0 : i32
      %dma_start3A_465 = tpu.memref_slice %arg4[%add3A_459, %dma_start3A_463, %dma_start3A_464] : memref<960x3x128xi32, #tpu.memory_space<hbm>> -> memref<1x3x128xi32, #tpu.memory_space<hbm>>
      %dma_start3A_466 = tpu.memref_squeeze %dma_start3A_465 : memref<1x3x128xi32, #tpu.memory_space<hbm>> -> memref<3x128xi32, #tpu.memory_space<hbm>>
      %dma_start3A_467 = arith.constant 3 : i32
      %dma_start3A_468 = arith.constant 0 : i32
      %dma_start3A_469 = tpu.memref_slice %arg8[%dma_start3A_467, %dma_start3A_468] : memref<6x128xi32, #tpu.memory_space<vmem>> -> memref<3x128xi32, #tpu.memory_space<vmem>>
      %dma_start3A_470 = arith.constant 0 : i32
      %dma_start3A_471 = arith.constant 0 : i32
      %dma_start3A_472 = tpu.memref_slice %arg4[%add3A_459, %dma_start3A_470, %dma_start3A_471] : memref<960x3x128xi32, #tpu.memory_space<hbm>> -> memref<1x3x128xi32, #tpu.memory_space<hbm>>
      %dma_start3A_473 = tpu.memref_squeeze %dma_start3A_472 : memref<1x3x128xi32, #tpu.memory_space<hbm>> -> memref<3x128xi32, #tpu.memory_space<hbm>>
      tpu.enqueue_dma source(%dma_start3A_473 : memref<3x128xi32, #tpu.memory_space<hbm>>) target(%dma_start3A_469 : memref<3x128xi32, #tpu.memory_space<vmem>>) target_semaphore(%arg22 : memref<!tpu.dma_semaphore, #tpu.memory_space<semaphore_mem>>)
    }
    %scan3A_109 = arith.constant 15 : i32
    %dma_wait3A_110 = arith.constant 0 : i32
    %dma_wait3A_111 = arith.constant 0 : i32
    %dma_wait3A_112 = tpu.memref_slice %arg2[%dma_wait3A_110, %dma_wait3A_111] : memref<10240x128xf32, #tpu.memory_space<hbm>> -> memref<112x128xf32, #tpu.memory_space<hbm>>
    %dma_wait3A_113 = arith.constant 0 : i32
    %dma_wait3A_114 = arith.constant 0 : i32
    %dma_wait3A_115 = tpu.memref_slice %arg2[%dma_wait3A_113, %dma_wait3A_114] : memref<10240x128xf32, #tpu.memory_space<hbm>> -> memref<112x128xf32, #tpu.memory_space<hbm>>
    tpu.wait_dma2 semaphore(%arg13 : memref<!tpu.dma_semaphore, #tpu.memory_space<semaphore_mem>>) src(%dma_wait3A_115 : memref<112x128xf32, #tpu.memory_space<hbm>>) dst(%arg9 : memref<112x128xf32, #tpu.memory_space<vmem>>)
    %dma_wait3A_116 = arith.constant 0 : i32
    %dma_wait3A_117 = arith.constant 0 : i32
    %dma_wait3A_118 = tpu.memref_slice %arg2[%dma_wait3A_116, %dma_wait3A_117] : memref<10240x128xf32, #tpu.memory_space<hbm>> -> memref<112x128xf32, #tpu.memory_space<hbm>>
    %dma_wait3A_119 = arith.constant 0 : i32
    %dma_wait3A_120 = arith.constant 0 : i32
    %dma_wait3A_121 = tpu.memref_slice %arg2[%dma_wait3A_119, %dma_wait3A_120] : memref<10240x128xf32, #tpu.memory_space<hbm>> -> memref<112x128xf32, #tpu.memory_space<hbm>>
    tpu.wait_dma2 semaphore(%arg14 : memref<!tpu.dma_semaphore, #tpu.memory_space<semaphore_mem>>) src(%dma_wait3A_121 : memref<112x128xf32, #tpu.memory_space<hbm>>) dst(%arg10 : memref<112x128xf32, #tpu.memory_space<vmem>>)
    %dma_wait3A_122 = arith.constant 0 : i32
    %dma_wait3A_123 = arith.constant 0 : i32
    %dma_wait3A_124 = tpu.memref_slice %arg2[%dma_wait3A_122, %dma_wait3A_123] : memref<10240x128xf32, #tpu.memory_space<hbm>> -> memref<112x128xf32, #tpu.memory_space<hbm>>
    %dma_wait3A_125 = arith.constant 0 : i32
    %dma_wait3A_126 = arith.constant 0 : i32
    %dma_wait3A_127 = tpu.memref_slice %arg2[%dma_wait3A_125, %dma_wait3A_126] : memref<10240x128xf32, #tpu.memory_space<hbm>> -> memref<112x128xf32, #tpu.memory_space<hbm>>
    tpu.wait_dma2 semaphore(%arg15 : memref<!tpu.dma_semaphore, #tpu.memory_space<semaphore_mem>>) src(%dma_wait3A_127 : memref<112x128xf32, #tpu.memory_space<hbm>>) dst(%arg11 : memref<112x128xf32, #tpu.memory_space<vmem>>)
    %dma_wait3A_128 = arith.constant 0 : i32
    %dma_wait3A_129 = arith.constant 0 : i32
    %dma_wait3A_130 = arith.constant 0 : i32
    %dma_wait3A_131 = tpu.memref_slice %arg7[%dma_wait3A_129, %dma_wait3A_130] : memref<6x128xi32, #tpu.memory_space<vmem>> -> memref<3x128xi32, #tpu.memory_space<vmem>>
    %dma_wait3A_132 = arith.constant 0 : i32
    %dma_wait3A_133 = arith.constant 0 : i32
    %dma_wait3A_134 = tpu.memref_slice %arg3[%dma_wait3A_128, %dma_wait3A_132, %dma_wait3A_133] : memref<960x3x128xi32, #tpu.memory_space<hbm>> -> memref<1x3x128xi32, #tpu.memory_space<hbm>>
    %dma_wait3A_135 = tpu.memref_squeeze %dma_wait3A_134 : memref<1x3x128xi32, #tpu.memory_space<hbm>> -> memref<3x128xi32, #tpu.memory_space<hbm>>
    %dma_wait3A_136 = arith.constant 0 : i32
    %dma_wait3A_137 = arith.constant 0 : i32
    %dma_wait3A_138 = tpu.memref_slice %arg7[%dma_wait3A_136, %dma_wait3A_137] : memref<6x128xi32, #tpu.memory_space<vmem>> -> memref<3x128xi32, #tpu.memory_space<vmem>>
    %dma_wait3A_139 = arith.constant 0 : i32
    %dma_wait3A_140 = arith.constant 0 : i32
    %dma_wait3A_141 = tpu.memref_slice %arg3[%dma_wait3A_128, %dma_wait3A_139, %dma_wait3A_140] : memref<960x3x128xi32, #tpu.memory_space<hbm>> -> memref<1x3x128xi32, #tpu.memory_space<hbm>>
    %dma_wait3A_142 = tpu.memref_squeeze %dma_wait3A_141 : memref<1x3x128xi32, #tpu.memory_space<hbm>> -> memref<3x128xi32, #tpu.memory_space<hbm>>
    tpu.wait_dma2 semaphore(%arg20 : memref<!tpu.dma_semaphore, #tpu.memory_space<semaphore_mem>>) src(%dma_wait3A_142 : memref<3x128xi32, #tpu.memory_space<hbm>>) dst(%dma_wait3A_138 : memref<3x128xi32, #tpu.memory_space<vmem>>)
    %dma_wait3A_143 = arith.constant 0 : i32
    %dma_wait3A_144 = arith.constant 0 : i32
    %dma_wait3A_145 = arith.constant 0 : i32
    %dma_wait3A_146 = tpu.memref_slice %arg7[%dma_wait3A_144, %dma_wait3A_145] : memref<6x128xi32, #tpu.memory_space<vmem>> -> memref<3x128xi32, #tpu.memory_space<vmem>>
    %dma_wait3A_147 = arith.constant 0 : i32
    %dma_wait3A_148 = arith.constant 0 : i32
    %dma_wait3A_149 = tpu.memref_slice %arg3[%dma_wait3A_143, %dma_wait3A_147, %dma_wait3A_148] : memref<960x3x128xi32, #tpu.memory_space<hbm>> -> memref<1x3x128xi32, #tpu.memory_space<hbm>>
    %dma_wait3A_150 = tpu.memref_squeeze %dma_wait3A_149 : memref<1x3x128xi32, #tpu.memory_space<hbm>> -> memref<3x128xi32, #tpu.memory_space<hbm>>
    %dma_wait3A_151 = arith.constant 0 : i32
    %dma_wait3A_152 = arith.constant 0 : i32
    %dma_wait3A_153 = tpu.memref_slice %arg7[%dma_wait3A_151, %dma_wait3A_152] : memref<6x128xi32, #tpu.memory_space<vmem>> -> memref<3x128xi32, #tpu.memory_space<vmem>>
    %dma_wait3A_154 = arith.constant 0 : i32
    %dma_wait3A_155 = arith.constant 0 : i32
    %dma_wait3A_156 = tpu.memref_slice %arg3[%dma_wait3A_143, %dma_wait3A_154, %dma_wait3A_155] : memref<960x3x128xi32, #tpu.memory_space<hbm>> -> memref<1x3x128xi32, #tpu.memory_space<hbm>>
    %dma_wait3A_157 = tpu.memref_squeeze %dma_wait3A_156 : memref<1x3x128xi32, #tpu.memory_space<hbm>> -> memref<3x128xi32, #tpu.memory_space<hbm>>
    tpu.wait_dma2 semaphore(%arg21 : memref<!tpu.dma_semaphore, #tpu.memory_space<semaphore_mem>>) src(%dma_wait3A_157 : memref<3x128xi32, #tpu.memory_space<hbm>>) dst(%dma_wait3A_153 : memref<3x128xi32, #tpu.memory_space<vmem>>)
    %dma_wait3A_158 = arith.constant 0 : i32
    %dma_wait3A_159 = arith.constant 0 : i32
    %dma_wait3A_160 = arith.constant 0 : i32
    %dma_wait3A_161 = tpu.memref_slice %arg7[%dma_wait3A_159, %dma_wait3A_160] : memref<6x128xi32, #tpu.memory_space<vmem>> -> memref<3x128xi32, #tpu.memory_space<vmem>>
    %dma_wait3A_162 = arith.constant 0 : i32
    %dma_wait3A_163 = arith.constant 0 : i32
    %dma_wait3A_164 = tpu.memref_slice %arg3[%dma_wait3A_158, %dma_wait3A_162, %dma_wait3A_163] : memref<960x3x128xi32, #tpu.memory_space<hbm>> -> memref<1x3x128xi32, #tpu.memory_space<hbm>>
    %dma_wait3A_165 = tpu.memref_squeeze %dma_wait3A_164 : memref<1x3x128xi32, #tpu.memory_space<hbm>> -> memref<3x128xi32, #tpu.memory_space<hbm>>
    %dma_wait3A_166 = arith.constant 0 : i32
    %dma_wait3A_167 = arith.constant 0 : i32
    %dma_wait3A_168 = tpu.memref_slice %arg7[%dma_wait3A_166, %dma_wait3A_167] : memref<6x128xi32, #tpu.memory_space<vmem>> -> memref<3x128xi32, #tpu.memory_space<vmem>>
    %dma_wait3A_169 = arith.constant 0 : i32
    %dma_wait3A_170 = arith.constant 0 : i32
    %dma_wait3A_171 = tpu.memref_slice %arg3[%dma_wait3A_158, %dma_wait3A_169, %dma_wait3A_170] : memref<960x3x128xi32, #tpu.memory_space<hbm>> -> memref<1x3x128xi32, #tpu.memory_space<hbm>>
    %dma_wait3A_172 = tpu.memref_squeeze %dma_wait3A_171 : memref<1x3x128xi32, #tpu.memory_space<hbm>> -> memref<3x128xi32, #tpu.memory_space<hbm>>
    tpu.wait_dma2 semaphore(%arg22 : memref<!tpu.dma_semaphore, #tpu.memory_space<semaphore_mem>>) src(%dma_wait3A_172 : memref<3x128xi32, #tpu.memory_space<hbm>>) dst(%dma_wait3A_168 : memref<3x128xi32, #tpu.memory_space<vmem>>)
    %barrier3A_173 = arith.constant 0 : index
    tpu.barrier barrier_id(%barrier3A_173)
    %mul3A_174 = arith.constant 640 : i32
    %mul3A_175 = arith.muli %arg1, %mul3A_174 : i32
    %mul3A_176 = arith.constant 640 : i32
    %mul3A_177 = arith.muli %arg1, %mul3A_176 : i32
    "tpu.region"() ({
      %run_scoped3A = tpu.sem_alloc : memref<!tpu.dma_semaphore, #tpu.memory_space<semaphore_mem>>
      %dma_start3A_178 = arith.constant 0 : i32
      %dma_start3A_179 = tpu.memref_slice %arg6[%arg0, %mul3A_177, %dma_start3A_178] : memref<2x10240x128xf32, #tpu.memory_space<hbm>> -> memref<1x640x128xf32, #tpu.memory_space<hbm>>
      %dma_start3A_180 = tpu.memref_squeeze %dma_start3A_179 : memref<1x640x128xf32, #tpu.memory_space<hbm>> -> memref<640x128xf32, #tpu.memory_space<hbm>>
      %dma_start3A_181 = arith.constant 0 : i32
      %dma_start3A_182 = tpu.memref_slice %arg12[%mul3A_175, %dma_start3A_181] : memref<10240x128xf32, #tpu.memory_space<vmem_shared>> -> memref<640x128xf32, #tpu.memory_space<vmem_shared>>
      tpu.enqueue_dma source(%dma_start3A_182 : memref<640x128xf32, #tpu.memory_space<vmem_shared>>) target(%dma_start3A_180 : memref<640x128xf32, #tpu.memory_space<hbm>>) target_semaphore(%run_scoped3A : memref<!tpu.dma_semaphore, #tpu.memory_space<semaphore_mem>>)
      %dma_wait3A_183 = arith.constant 0 : i32
      %dma_wait3A_184 = tpu.memref_slice %arg6[%arg0, %mul3A_177, %dma_wait3A_183] : memref<2x10240x128xf32, #tpu.memory_space<hbm>> -> memref<1x640x128xf32, #tpu.memory_space<hbm>>
      %dma_wait3A_185 = tpu.memref_squeeze %dma_wait3A_184 : memref<1x640x128xf32, #tpu.memory_space<hbm>> -> memref<640x128xf32, #tpu.memory_space<hbm>>
      %dma_wait3A_186 = arith.constant 0 : i32
      %dma_wait3A_187 = tpu.memref_slice %arg12[%mul3A_175, %dma_wait3A_186] : memref<10240x128xf32, #tpu.memory_space<vmem_shared>> -> memref<640x128xf32, #tpu.memory_space<vmem_shared>>
      tpu.wait_dma2 semaphore(%run_scoped3A : memref<!tpu.dma_semaphore, #tpu.memory_space<semaphore_mem>>) src(%dma_wait3A_187 : memref<640x128xf32, #tpu.memory_space<vmem_shared>>) dst(%dma_wait3A_185 : memref<640x128xf32, #tpu.memory_space<hbm>>)
      tpu.yield
    }) : () -> ()
    return
  }
}

#map = affine_map<(d0, d1) -> (0, 0)>
#map1 = affine_map<(d0, d1) -> (0, 0, 0)>
#map2 = affine_map<(d0, d1) -> (0)>
module attributes {stable_mosaic.version = 14 : i64} {
  func.func @body(%arg0: i32, %arg1: i32, %arg2: memref<10240x128xf32, #tpu.memory_space<hbm>>, %arg3: memref<960x3x128xi32, #tpu.memory_space<hbm>>, %arg4: memref<960x3x128xi32, #tpu.memory_space<hbm>>, %arg5: memref<10240x128xf32, #tpu.memory_space<hbm>>, %arg6: memref<10240xf32, #tpu.memory_space<hbm>>, %arg7: memref<2x10240x128xf32, #tpu.memory_space<hbm>>, %arg8: memref<2x10240xf32, #tpu.memory_space<hbm>>, %arg9: memref<6x128xi32, #tpu.memory_space<vmem>>, %arg10: memref<6x128xi32, #tpu.memory_space<vmem>>, %arg11: memref<112x128xf32, #tpu.memory_space<vmem>>, %arg12: memref<112x128xf32, #tpu.memory_space<vmem>>, %arg13: memref<112x128xf32, #tpu.memory_space<vmem>>, %arg14: memref<128xf32, #tpu.memory_space<vmem>>, %arg15: memref<10240x128xf32, #tpu.memory_space<vmem_shared>>, %arg16: memref<10240xf32, #tpu.memory_space<vmem_shared>>, %arg17: memref<!tpu.dma_semaphore, #tpu.memory_space<semaphore_mem>>, %arg18: memref<!tpu.dma_semaphore, #tpu.memory_space<semaphore_mem>>, %arg19: memref<!tpu.dma_semaphore, #tpu.memory_space<semaphore_mem>>, %arg20: memref<!tpu.dma_semaphore, #tpu.memory_space<semaphore_mem>>, %arg21: memref<!tpu.dma_semaphore, #tpu.memory_space<semaphore_mem>>, %arg22: memref<!tpu.dma_semaphore, #tpu.memory_space<semaphore_mem>>, %arg23: memref<!tpu.dma_semaphore, #tpu.memory_space<semaphore_mem>>, %arg24: memref<!tpu.dma_semaphore, #tpu.memory_space<semaphore_mem>>, %arg25: memref<!tpu.dma_semaphore, #tpu.memory_space<semaphore_mem>>, %arg26: memref<!tpu.dma_semaphore, #tpu.memory_space<semaphore_mem>>, %arg27: memref<!tpu.dma_semaphore, #tpu.memory_space<semaphore_mem>>, %arg28: memref<!tpu.dma_semaphore, #tpu.memory_space<semaphore_mem>>, %arg29: memref<!tpu.dma_semaphore, #tpu.memory_space<semaphore_mem>>) attributes {dimension_semantics = [#tpu.dimension_semantics<core_parallel>, #tpu.dimension_semantics<subcore_parallel>], iteration_bounds = array<i64: 2, 16>, scalar_prefetch = 0 : i64, scratch_operands = 21 : i64, tpu.core_type = #tpu.core_type<sc_vector_subcore>, window_params = [{transform_indices = #map}, {transform_indices = #map1}, {transform_indices = #map1}, {transform_indices = #map}, {transform_indices = #map2}, {transform_indices = #map1}, {transform_indices = #map}]} {
    %mul3A = arith.constant 16 : i32
    %mul3A_0 = arith.muli %arg0, %mul3A : i32
    %add3A = arith.addi %mul3A_0, %arg1 : i32
    %mul3A_1 = arith.constant 30 : i32
    %mul3A_2 = arith.muli %add3A, %mul3A_1 : i32
    %mul3A_3 = arith.constant 640 : i32
    %mul3A_4 = arith.muli %arg1, %mul3A_3 : i32
    %mul3A_5 = arith.constant 640 : i32
    %mul3A_6 = arith.muli %arg1, %mul3A_5 : i32
    "tpu.region"() ({
      %run_scoped3A = tpu.sem_alloc : memref<!tpu.dma_semaphore, #tpu.memory_space<semaphore_mem>>
      %dma_start3A_232 = arith.constant 0 : i32
      %dma_start3A_233 = tpu.memref_slice %arg15[%mul3A_6, %dma_start3A_232] : memref<10240x128xf32, #tpu.memory_space<vmem_shared>> -> memref<640x128xf32, #tpu.memory_space<vmem_shared>>
      %dma_start3A_234 = arith.constant 0 : i32
      %dma_start3A_235 = tpu.memref_slice %arg5[%mul3A_4, %dma_start3A_234] : memref<10240x128xf32, #tpu.memory_space<hbm>> -> memref<640x128xf32, #tpu.memory_space<hbm>>
      tpu.enqueue_dma source(%dma_start3A_235 : memref<640x128xf32, #tpu.memory_space<hbm>>) target(%dma_start3A_233 : memref<640x128xf32, #tpu.memory_space<vmem_shared>>) target_semaphore(%run_scoped3A : memref<!tpu.dma_semaphore, #tpu.memory_space<semaphore_mem>>)
      %dma_wait3A_236 = arith.constant 0 : i32
      %dma_wait3A_237 = tpu.memref_slice %arg15[%mul3A_6, %dma_wait3A_236] : memref<10240x128xf32, #tpu.memory_space<vmem_shared>> -> memref<640x128xf32, #tpu.memory_space<vmem_shared>>
      %dma_wait3A_238 = arith.constant 0 : i32
      %dma_wait3A_239 = tpu.memref_slice %arg5[%mul3A_4, %dma_wait3A_238] : memref<10240x128xf32, #tpu.memory_space<hbm>> -> memref<640x128xf32, #tpu.memory_space<hbm>>
      tpu.wait_dma2 semaphore(%run_scoped3A : memref<!tpu.dma_semaphore, #tpu.memory_space<semaphore_mem>>) src(%dma_wait3A_239 : memref<640x128xf32, #tpu.memory_space<hbm>>) dst(%dma_wait3A_237 : memref<640x128xf32, #tpu.memory_space<vmem_shared>>)
      tpu.yield
    }) : () -> ()
    %mul3A_7 = arith.constant 640 : i32
    %mul3A_8 = arith.muli %arg1, %mul3A_7 : i32
    %mul3A_9 = arith.constant 640 : i32
    %mul3A_10 = arith.muli %arg1, %mul3A_9 : i32
    "tpu.region"() ({
      %run_scoped3A = tpu.sem_alloc : memref<!tpu.dma_semaphore, #tpu.memory_space<semaphore_mem>>
      %dma_start3A_232 = tpu.memref_slice %arg16[%mul3A_10] : memref<10240xf32, #tpu.memory_space<vmem_shared>> -> memref<640xf32, #tpu.memory_space<vmem_shared>>
      %dma_start3A_233 = tpu.memref_slice %arg6[%mul3A_8] : memref<10240xf32, #tpu.memory_space<hbm>> -> memref<640xf32, #tpu.memory_space<hbm>>
      tpu.enqueue_dma source(%dma_start3A_233 : memref<640xf32, #tpu.memory_space<hbm>>) target(%dma_start3A_232 : memref<640xf32, #tpu.memory_space<vmem_shared>>) target_semaphore(%run_scoped3A : memref<!tpu.dma_semaphore, #tpu.memory_space<semaphore_mem>>)
      %dma_wait3A_234 = tpu.memref_slice %arg16[%mul3A_10] : memref<10240xf32, #tpu.memory_space<vmem_shared>> -> memref<640xf32, #tpu.memory_space<vmem_shared>>
      %dma_wait3A_235 = tpu.memref_slice %arg6[%mul3A_8] : memref<10240xf32, #tpu.memory_space<hbm>> -> memref<640xf32, #tpu.memory_space<hbm>>
      tpu.wait_dma2 semaphore(%run_scoped3A : memref<!tpu.dma_semaphore, #tpu.memory_space<semaphore_mem>>) src(%dma_wait3A_235 : memref<640xf32, #tpu.memory_space<hbm>>) dst(%dma_wait3A_234 : memref<640xf32, #tpu.memory_space<vmem_shared>>)
      tpu.yield
    }) : () -> ()
    %broadcast_in_dim3A = arith.constant 1.000000e+00 : f32
    %broadcast_in_dim3A_11 = vector.broadcast %broadcast_in_dim3A : f32 to vector<16xf32>
    %swap3A = arith.constant 0 : index
    %swap3A_12 = tpu.vector_load %arg14[%swap3A] {strides = array<i32>} : memref<128xf32, #tpu.memory_space<vmem>>, vector<16xf32>,
    %swap3A_13 = vector.shape_cast %swap3A_12 : vector<16xf32> to vector<16xf32>
    %swap3A_14 = vector.shape_cast %broadcast_in_dim3A_11 : vector<16xf32> to vector<16xf32>
    tpu.vector_store %arg14[%swap3A], %swap3A_14 {strides = array<i32>} : memref<128xf32, #tpu.memory_space<vmem>>, vector<16xf32>,
    %broadcast_in_dim3A_15 = arith.constant 1.000000e+00 : f32
    %broadcast_in_dim3A_16 = vector.broadcast %broadcast_in_dim3A_15 : f32 to vector<16xf32>
    %swap3A_17 = arith.constant 16 : index
    %swap3A_18 = tpu.vector_load %arg14[%swap3A_17] {strides = array<i32>} : memref<128xf32, #tpu.memory_space<vmem>>, vector<16xf32>,
    %swap3A_19 = vector.shape_cast %swap3A_18 : vector<16xf32> to vector<16xf32>
    %swap3A_20 = vector.shape_cast %broadcast_in_dim3A_16 : vector<16xf32> to vector<16xf32>
    tpu.vector_store %arg14[%swap3A_17], %swap3A_20 {strides = array<i32>} : memref<128xf32, #tpu.memory_space<vmem>>, vector<16xf32>,
    %broadcast_in_dim3A_21 = arith.constant 1.000000e+00 : f32
    %broadcast_in_dim3A_22 = vector.broadcast %broadcast_in_dim3A_21 : f32 to vector<16xf32>
    %swap3A_23 = arith.constant 32 : index
    %swap3A_24 = tpu.vector_load %arg14[%swap3A_23] {strides = array<i32>} : memref<128xf32, #tpu.memory_space<vmem>>, vector<16xf32>,
    %swap3A_25 = vector.shape_cast %swap3A_24 : vector<16xf32> to vector<16xf32>
    %swap3A_26 = vector.shape_cast %broadcast_in_dim3A_22 : vector<16xf32> to vector<16xf32>
    tpu.vector_store %arg14[%swap3A_23], %swap3A_26 {strides = array<i32>} : memref<128xf32, #tpu.memory_space<vmem>>, vector<16xf32>,
    %broadcast_in_dim3A_27 = arith.constant 1.000000e+00 : f32
    %broadcast_in_dim3A_28 = vector.broadcast %broadcast_in_dim3A_27 : f32 to vector<16xf32>
    %swap3A_29 = arith.constant 48 : index
    %swap3A_30 = tpu.vector_load %arg14[%swap3A_29] {strides = array<i32>} : memref<128xf32, #tpu.memory_space<vmem>>, vector<16xf32>,
    %swap3A_31 = vector.shape_cast %swap3A_30 : vector<16xf32> to vector<16xf32>
    %swap3A_32 = vector.shape_cast %broadcast_in_dim3A_28 : vector<16xf32> to vector<16xf32>
    tpu.vector_store %arg14[%swap3A_29], %swap3A_32 {strides = array<i32>} : memref<128xf32, #tpu.memory_space<vmem>>, vector<16xf32>,
    %broadcast_in_dim3A_33 = arith.constant 1.000000e+00 : f32
    %broadcast_in_dim3A_34 = vector.broadcast %broadcast_in_dim3A_33 : f32 to vector<16xf32>
    %swap3A_35 = arith.constant 64 : index
    %swap3A_36 = tpu.vector_load %arg14[%swap3A_35] {strides = array<i32>} : memref<128xf32, #tpu.memory_space<vmem>>, vector<16xf32>,
    %swap3A_37 = vector.shape_cast %swap3A_36 : vector<16xf32> to vector<16xf32>
    %swap3A_38 = vector.shape_cast %broadcast_in_dim3A_34 : vector<16xf32> to vector<16xf32>
    tpu.vector_store %arg14[%swap3A_35], %swap3A_38 {strides = array<i32>} : memref<128xf32, #tpu.memory_space<vmem>>, vector<16xf32>,
    %broadcast_in_dim3A_39 = arith.constant 1.000000e+00 : f32
    %broadcast_in_dim3A_40 = vector.broadcast %broadcast_in_dim3A_39 : f32 to vector<16xf32>
    %swap3A_41 = arith.constant 80 : index
    %swap3A_42 = tpu.vector_load %arg14[%swap3A_41] {strides = array<i32>} : memref<128xf32, #tpu.memory_space<vmem>>, vector<16xf32>,
    %swap3A_43 = vector.shape_cast %swap3A_42 : vector<16xf32> to vector<16xf32>
    %swap3A_44 = vector.shape_cast %broadcast_in_dim3A_40 : vector<16xf32> to vector<16xf32>
    tpu.vector_store %arg14[%swap3A_41], %swap3A_44 {strides = array<i32>} : memref<128xf32, #tpu.memory_space<vmem>>, vector<16xf32>,
    %broadcast_in_dim3A_45 = arith.constant 1.000000e+00 : f32
    %broadcast_in_dim3A_46 = vector.broadcast %broadcast_in_dim3A_45 : f32 to vector<16xf32>
    %swap3A_47 = arith.constant 96 : index
    %swap3A_48 = tpu.vector_load %arg14[%swap3A_47] {strides = array<i32>} : memref<128xf32, #tpu.memory_space<vmem>>, vector<16xf32>,
    %swap3A_49 = vector.shape_cast %swap3A_48 : vector<16xf32> to vector<16xf32>
    %swap3A_50 = vector.shape_cast %broadcast_in_dim3A_46 : vector<16xf32> to vector<16xf32>
    tpu.vector_store %arg14[%swap3A_47], %swap3A_50 {strides = array<i32>} : memref<128xf32, #tpu.memory_space<vmem>>, vector<16xf32>,
    %broadcast_in_dim3A_51 = arith.constant 1.000000e+00 : f32
    %broadcast_in_dim3A_52 = vector.broadcast %broadcast_in_dim3A_51 : f32 to vector<16xf32>
    %swap3A_53 = arith.constant 112 : index
    %swap3A_54 = tpu.vector_load %arg14[%swap3A_53] {strides = array<i32>} : memref<128xf32, #tpu.memory_space<vmem>>, vector<16xf32>,
    %swap3A_55 = vector.shape_cast %swap3A_54 : vector<16xf32> to vector<16xf32>
    %swap3A_56 = vector.shape_cast %broadcast_in_dim3A_52 : vector<16xf32> to vector<16xf32>
    tpu.vector_store %arg14[%swap3A_53], %swap3A_56 {strides = array<i32>} : memref<128xf32, #tpu.memory_space<vmem>>, vector<16xf32>,
    %barrier3A = arith.constant 0 : index
    tpu.barrier barrier_id(%barrier3A)
    %add3A_57 = arith.constant 0 : i32
    %add3A_58 = arith.addi %mul3A_2, %add3A_57 : i32
    %dma_start3A = arith.constant 0 : i32
    %dma_start3A_59 = arith.constant 0 : i32
    %dma_start3A_60 = tpu.memref_slice %arg9[%dma_start3A, %dma_start3A_59] : memref<6x128xi32, #tpu.memory_space<vmem>> -> memref<3x128xi32, #tpu.memory_space<vmem>>
    %dma_start3A_61 = arith.constant 0 : i32
    %dma_start3A_62 = arith.constant 0 : i32
    %dma_start3A_63 = tpu.memref_slice %arg3[%add3A_58, %dma_start3A_61, %dma_start3A_62] : memref<960x3x128xi32, #tpu.memory_space<hbm>> -> memref<1x3x128xi32, #tpu.memory_space<hbm>>
    %dma_start3A_64 = tpu.memref_squeeze %dma_start3A_63 : memref<1x3x128xi32, #tpu.memory_space<hbm>> -> memref<3x128xi32, #tpu.memory_space<hbm>>
    %dma_start3A_65 = arith.constant 0 : i32
    %dma_start3A_66 = arith.constant 0 : i32
    %dma_start3A_67 = tpu.memref_slice %arg9[%dma_start3A_65, %dma_start3A_66] : memref<6x128xi32, #tpu.memory_space<vmem>> -> memref<3x128xi32, #tpu.memory_space<vmem>>
    %dma_start3A_68 = arith.constant 0 : i32
    %dma_start3A_69 = arith.constant 0 : i32
    %dma_start3A_70 = tpu.memref_slice %arg3[%add3A_58, %dma_start3A_68, %dma_start3A_69] : memref<960x3x128xi32, #tpu.memory_space<hbm>> -> memref<1x3x128xi32, #tpu.memory_space<hbm>>
    %dma_start3A_71 = tpu.memref_squeeze %dma_start3A_70 : memref<1x3x128xi32, #tpu.memory_space<hbm>> -> memref<3x128xi32, #tpu.memory_space<hbm>>
    tpu.enqueue_dma source(%dma_start3A_71 : memref<3x128xi32, #tpu.memory_space<hbm>>) target(%dma_start3A_67 : memref<3x128xi32, #tpu.memory_space<vmem>>) target_semaphore(%arg26 : memref<!tpu.dma_semaphore, #tpu.memory_space<semaphore_mem>>)
    %add3A_72 = arith.constant 0 : i32
    %add3A_73 = arith.addi %mul3A_2, %add3A_72 : i32
    %dma_start3A_74 = arith.constant 0 : i32
    %dma_start3A_75 = arith.constant 0 : i32
    %dma_start3A_76 = tpu.memref_slice %arg10[%dma_start3A_74, %dma_start3A_75] : memref<6x128xi32, #tpu.memory_space<vmem>> -> memref<3x128xi32, #tpu.memory_space<vmem>>
    %dma_start3A_77 = arith.constant 0 : i32
    %dma_start3A_78 = arith.constant 0 : i32
    %dma_start3A_79 = tpu.memref_slice %arg4[%add3A_73, %dma_start3A_77, %dma_start3A_78] : memref<960x3x128xi32, #tpu.memory_space<hbm>> -> memref<1x3x128xi32, #tpu.memory_space<hbm>>
    %dma_start3A_80 = tpu.memref_squeeze %dma_start3A_79 : memref<1x3x128xi32, #tpu.memory_space<hbm>> -> memref<3x128xi32, #tpu.memory_space<hbm>>
    %dma_start3A_81 = arith.constant 0 : i32
    %dma_start3A_82 = arith.constant 0 : i32
    %dma_start3A_83 = tpu.memref_slice %arg10[%dma_start3A_81, %dma_start3A_82] : memref<6x128xi32, #tpu.memory_space<vmem>> -> memref<3x128xi32, #tpu.memory_space<vmem>>
    %dma_start3A_84 = arith.constant 0 : i32
    %dma_start3A_85 = arith.constant 0 : i32
    %dma_start3A_86 = tpu.memref_slice %arg4[%add3A_73, %dma_start3A_84, %dma_start3A_85] : memref<960x3x128xi32, #tpu.memory_space<hbm>> -> memref<1x3x128xi32, #tpu.memory_space<hbm>>
    %dma_start3A_87 = tpu.memref_squeeze %dma_start3A_86 : memref<1x3x128xi32, #tpu.memory_space<hbm>> -> memref<3x128xi32, #tpu.memory_space<hbm>>
    tpu.enqueue_dma source(%dma_start3A_87 : memref<3x128xi32, #tpu.memory_space<hbm>>) target(%dma_start3A_83 : memref<3x128xi32, #tpu.memory_space<vmem>>) target_semaphore(%arg28 : memref<!tpu.dma_semaphore, #tpu.memory_space<semaphore_mem>>)
    %add3A_88 = arith.constant 1 : i32
    %add3A_89 = arith.addi %mul3A_2, %add3A_88 : i32
    %dma_start3A_90 = arith.constant 3 : i32
    %dma_start3A_91 = arith.constant 0 : i32
    %dma_start3A_92 = tpu.memref_slice %arg9[%dma_start3A_90, %dma_start3A_91] : memref<6x128xi32, #tpu.memory_space<vmem>> -> memref<3x128xi32, #tpu.memory_space<vmem>>
    %dma_start3A_93 = arith.constant 0 : i32
    %dma_start3A_94 = arith.constant 0 : i32
    %dma_start3A_95 = tpu.memref_slice %arg3[%add3A_89, %dma_start3A_93, %dma_start3A_94] : memref<960x3x128xi32, #tpu.memory_space<hbm>> -> memref<1x3x128xi32, #tpu.memory_space<hbm>>
    %dma_start3A_96 = tpu.memref_squeeze %dma_start3A_95 : memref<1x3x128xi32, #tpu.memory_space<hbm>> -> memref<3x128xi32, #tpu.memory_space<hbm>>
    %dma_start3A_97 = arith.constant 3 : i32
    %dma_start3A_98 = arith.constant 0 : i32
    %dma_start3A_99 = tpu.memref_slice %arg9[%dma_start3A_97, %dma_start3A_98] : memref<6x128xi32, #tpu.memory_space<vmem>> -> memref<3x128xi32, #tpu.memory_space<vmem>>
    %dma_start3A_100 = arith.constant 0 : i32
    %dma_start3A_101 = arith.constant 0 : i32
    %dma_start3A_102 = tpu.memref_slice %arg3[%add3A_89, %dma_start3A_100, %dma_start3A_101] : memref<960x3x128xi32, #tpu.memory_space<hbm>> -> memref<1x3x128xi32, #tpu.memory_space<hbm>>
    %dma_start3A_103 = tpu.memref_squeeze %dma_start3A_102 : memref<1x3x128xi32, #tpu.memory_space<hbm>> -> memref<3x128xi32, #tpu.memory_space<hbm>>
    tpu.enqueue_dma source(%dma_start3A_103 : memref<3x128xi32, #tpu.memory_space<hbm>>) target(%dma_start3A_99 : memref<3x128xi32, #tpu.memory_space<vmem>>) target_semaphore(%arg27 : memref<!tpu.dma_semaphore, #tpu.memory_space<semaphore_mem>>)
    %add3A_104 = arith.constant 1 : i32
    %add3A_105 = arith.addi %mul3A_2, %add3A_104 : i32
    %dma_start3A_106 = arith.constant 3 : i32
    %dma_start3A_107 = arith.constant 0 : i32
    %dma_start3A_108 = tpu.memref_slice %arg10[%dma_start3A_106, %dma_start3A_107] : memref<6x128xi32, #tpu.memory_space<vmem>> -> memref<3x128xi32, #tpu.memory_space<vmem>>
    %dma_start3A_109 = arith.constant 0 : i32
    %dma_start3A_110 = arith.constant 0 : i32
    %dma_start3A_111 = tpu.memref_slice %arg4[%add3A_105, %dma_start3A_109, %dma_start3A_110] : memref<960x3x128xi32, #tpu.memory_space<hbm>> -> memref<1x3x128xi32, #tpu.memory_space<hbm>>
    %dma_start3A_112 = tpu.memref_squeeze %dma_start3A_111 : memref<1x3x128xi32, #tpu.memory_space<hbm>> -> memref<3x128xi32, #tpu.memory_space<hbm>>
    %dma_start3A_113 = arith.constant 3 : i32
    %dma_start3A_114 = arith.constant 0 : i32
    %dma_start3A_115 = tpu.memref_slice %arg10[%dma_start3A_113, %dma_start3A_114] : memref<6x128xi32, #tpu.memory_space<vmem>> -> memref<3x128xi32, #tpu.memory_space<vmem>>
    %dma_start3A_116 = arith.constant 0 : i32
    %dma_start3A_117 = arith.constant 0 : i32
    %dma_start3A_118 = tpu.memref_slice %arg4[%add3A_105, %dma_start3A_116, %dma_start3A_117] : memref<960x3x128xi32, #tpu.memory_space<hbm>> -> memref<1x3x128xi32, #tpu.memory_space<hbm>>
    %dma_start3A_119 = tpu.memref_squeeze %dma_start3A_118 : memref<1x3x128xi32, #tpu.memory_space<hbm>> -> memref<3x128xi32, #tpu.memory_space<hbm>>
    tpu.enqueue_dma source(%dma_start3A_119 : memref<3x128xi32, #tpu.memory_space<hbm>>) target(%dma_start3A_115 : memref<3x128xi32, #tpu.memory_space<vmem>>) target_semaphore(%arg29 : memref<!tpu.dma_semaphore, #tpu.memory_space<semaphore_mem>>)
    %dma_wait3A = arith.constant 0 : i32
    %dma_wait3A_120 = arith.constant 0 : i32
    %dma_wait3A_121 = arith.constant 0 : i32
    %dma_wait3A_122 = tpu.memref_slice %arg9[%dma_wait3A_120, %dma_wait3A_121] : memref<6x128xi32, #tpu.memory_space<vmem>> -> memref<3x128xi32, #tpu.memory_space<vmem>>
    %dma_wait3A_123 = arith.constant 0 : i32
    %dma_wait3A_124 = arith.constant 0 : i32
    %dma_wait3A_125 = tpu.memref_slice %arg3[%dma_wait3A, %dma_wait3A_123, %dma_wait3A_124] : memref<960x3x128xi32, #tpu.memory_space<hbm>> -> memref<1x3x128xi32, #tpu.memory_space<hbm>>
    %dma_wait3A_126 = tpu.memref_squeeze %dma_wait3A_125 : memref<1x3x128xi32, #tpu.memory_space<hbm>> -> memref<3x128xi32, #tpu.memory_space<hbm>>
    %dma_wait3A_127 = arith.constant 0 : i32
    %dma_wait3A_128 = arith.constant 0 : i32
    %dma_wait3A_129 = tpu.memref_slice %arg9[%dma_wait3A_127, %dma_wait3A_128] : memref<6x128xi32, #tpu.memory_space<vmem>> -> memref<3x128xi32, #tpu.memory_space<vmem>>
    %dma_wait3A_130 = arith.constant 0 : i32
    %dma_wait3A_131 = arith.constant 0 : i32
    %dma_wait3A_132 = tpu.memref_slice %arg3[%dma_wait3A, %dma_wait3A_130, %dma_wait3A_131] : memref<960x3x128xi32, #tpu.memory_space<hbm>> -> memref<1x3x128xi32, #tpu.memory_space<hbm>>
    %dma_wait3A_133 = tpu.memref_squeeze %dma_wait3A_132 : memref<1x3x128xi32, #tpu.memory_space<hbm>> -> memref<3x128xi32, #tpu.memory_space<hbm>>
    tpu.wait_dma2 semaphore(%arg26 : memref<!tpu.dma_semaphore, #tpu.memory_space<semaphore_mem>>) src(%dma_wait3A_133 : memref<3x128xi32, #tpu.memory_space<hbm>>) dst(%dma_wait3A_129 : memref<3x128xi32, #tpu.memory_space<vmem>>)
    %dma_start3A_134 = arith.constant 0 : i32
    %dma_start3A_135 = arith.constant 0 : i32
    %dma_start3A_136 = tpu.memref_slice %arg9[%dma_start3A_134, %dma_start3A_135] : memref<6x128xi32, #tpu.memory_space<vmem>> -> memref<1x112xi32, #tpu.memory_space<vmem>>
    %dma_start3A_137 = tpu.memref_squeeze %dma_start3A_136 : memref<1x112xi32, #tpu.memory_space<vmem>> -> memref<112xi32, #tpu.memory_space<vmem>>
    %dma_start3A_138 = arith.constant 0 : i32
    %dma_start3A_139 = arith.constant 0 : i32
    %dma_start3A_140 = tpu.memref_slice %arg2[%dma_start3A_138, %dma_start3A_139] : memref<10240x128xf32, #tpu.memory_space<hbm>> -> memref<10240x128xf32, #tpu.memory_space<hbm>>
    tpu.enqueue_indirect_dma source(%dma_start3A_140 : memref<10240x128xf32, #tpu.memory_space<hbm>>) target(%arg11 : memref<112x128xf32, #tpu.memory_space<vmem>>) offsets(%dma_start3A_137 : memref<112xi32, #tpu.memory_space<vmem>>) semaphore(%arg17 : memref<!tpu.dma_semaphore, #tpu.memory_space<semaphore_mem>>)
    %dma_start3A_141 = arith.constant 1 : i32
    %dma_start3A_142 = arith.constant 0 : i32
    %dma_start3A_143 = tpu.memref_slice %arg9[%dma_start3A_141, %dma_start3A_142] : memref<6x128xi32, #tpu.memory_space<vmem>> -> memref<1x112xi32, #tpu.memory_space<vmem>>
    %dma_start3A_144 = tpu.memref_squeeze %dma_start3A_143 : memref<1x112xi32, #tpu.memory_space<vmem>> -> memref<112xi32, #tpu.memory_space<vmem>>
    %dma_start3A_145 = arith.constant 0 : i32
    %dma_start3A_146 = arith.constant 0 : i32
    %dma_start3A_147 = tpu.memref_slice %arg2[%dma_start3A_145, %dma_start3A_146] : memref<10240x128xf32, #tpu.memory_space<hbm>> -> memref<10240x128xf32, #tpu.memory_space<hbm>>
    tpu.enqueue_indirect_dma source(%dma_start3A_147 : memref<10240x128xf32, #tpu.memory_space<hbm>>) target(%arg12 : memref<112x128xf32, #tpu.memory_space<vmem>>) offsets(%dma_start3A_144 : memref<112xi32, #tpu.memory_space<vmem>>) semaphore(%arg18 : memref<!tpu.dma_semaphore, #tpu.memory_space<semaphore_mem>>)
    %dma_start3A_148 = arith.constant 2 : i32
    %dma_start3A_149 = arith.constant 0 : i32
    %dma_start3A_150 = tpu.memref_slice %arg9[%dma_start3A_148, %dma_start3A_149] : memref<6x128xi32, #tpu.memory_space<vmem>> -> memref<1x112xi32, #tpu.memory_space<vmem>>
    %dma_start3A_151 = tpu.memref_squeeze %dma_start3A_150 : memref<1x112xi32, #tpu.memory_space<vmem>> -> memref<112xi32, #tpu.memory_space<vmem>>
    %dma_start3A_152 = arith.constant 0 : i32
    %dma_start3A_153 = arith.constant 0 : i32
    %dma_start3A_154 = tpu.memref_slice %arg2[%dma_start3A_152, %dma_start3A_153] : memref<10240x128xf32, #tpu.memory_space<hbm>> -> memref<10240x128xf32, #tpu.memory_space<hbm>>
    tpu.enqueue_indirect_dma source(%dma_start3A_154 : memref<10240x128xf32, #tpu.memory_space<hbm>>) target(%arg13 : memref<112x128xf32, #tpu.memory_space<vmem>>) offsets(%dma_start3A_151 : memref<112xi32, #tpu.memory_space<vmem>>) semaphore(%arg19 : memref<!tpu.dma_semaphore, #tpu.memory_space<semaphore_mem>>)
    %scan3A = arith.constant 0 : i32
    %scan3A_155 = arith.constant 0 : i32
    %scan3A_156 = arith.constant 15 : i32
    %scan3A_157 = arith.addi %scan3A_155, %scan3A_156 : i32
    %scan3A_158 = arith.constant 1 : i32
    scf.for %scan3A_232 = %scan3A_155 to %scan3A_157 step %scan3A_158  : i32 {
      %mul3A_233 = arith.constant 2 : i32
      %mul3A_234 = arith.muli %mul3A_233, %scan3A_232 : i32
      %dma_wait3A_235 = arith.constant 0 : i32
      %dma_wait3A_236 = arith.constant 0 : i32
      %dma_wait3A_237 = arith.constant 0 : i32
      %dma_wait3A_238 = tpu.memref_slice %arg9[%dma_wait3A_236, %dma_wait3A_237] : memref<6x128xi32, #tpu.memory_space<vmem>> -> memref<3x128xi32, #tpu.memory_space<vmem>>
      %dma_wait3A_239 = arith.constant 0 : i32
      %dma_wait3A_240 = arith.constant 0 : i32
      %dma_wait3A_241 = tpu.memref_slice %arg3[%dma_wait3A_235, %dma_wait3A_239, %dma_wait3A_240] : memref<960x3x128xi32, #tpu.memory_space<hbm>> -> memref<1x3x128xi32, #tpu.memory_space<hbm>>
      %dma_wait3A_242 = tpu.memref_squeeze %dma_wait3A_241 : memref<1x3x128xi32, #tpu.memory_space<hbm>> -> memref<3x128xi32, #tpu.memory_space<hbm>>
      %dma_wait3A_243 = arith.constant 0 : i32
      %dma_wait3A_244 = arith.constant 0 : i32
      %dma_wait3A_245 = tpu.memref_slice %arg9[%dma_wait3A_243, %dma_wait3A_244] : memref<6x128xi32, #tpu.memory_space<vmem>> -> memref<3x128xi32, #tpu.memory_space<vmem>>
      %dma_wait3A_246 = arith.constant 0 : i32
      %dma_wait3A_247 = arith.constant 0 : i32
      %dma_wait3A_248 = tpu.memref_slice %arg3[%dma_wait3A_235, %dma_wait3A_246, %dma_wait3A_247] : memref<960x3x128xi32, #tpu.memory_space<hbm>> -> memref<1x3x128xi32, #tpu.memory_space<hbm>>
      %dma_wait3A_249 = tpu.memref_squeeze %dma_wait3A_248 : memref<1x3x128xi32, #tpu.memory_space<hbm>> -> memref<3x128xi32, #tpu.memory_space<hbm>>
      tpu.wait_dma2 semaphore(%arg28 : memref<!tpu.dma_semaphore, #tpu.memory_space<semaphore_mem>>) src(%dma_wait3A_249 : memref<3x128xi32, #tpu.memory_space<hbm>>) dst(%dma_wait3A_245 : memref<3x128xi32, #tpu.memory_space<vmem>>)
      %dma_wait3A_250 = arith.constant 0 : i32
      %dma_wait3A_251 = arith.constant 0 : i32
      %dma_wait3A_252 = tpu.memref_slice %arg2[%dma_wait3A_250, %dma_wait3A_251] : memref<10240x128xf32, #tpu.memory_space<hbm>> -> memref<112x128xf32, #tpu.memory_space<hbm>>
      %dma_wait3A_253 = arith.constant 0 : i32
      %dma_wait3A_254 = arith.constant 0 : i32
      %dma_wait3A_255 = tpu.memref_slice %arg2[%dma_wait3A_253, %dma_wait3A_254] : memref<10240x128xf32, #tpu.memory_space<hbm>> -> memref<112x128xf32, #tpu.memory_space<hbm>>
      tpu.wait_dma2 semaphore(%arg17 : memref<!tpu.dma_semaphore, #tpu.memory_space<semaphore_mem>>) src(%dma_wait3A_255 : memref<112x128xf32, #tpu.memory_space<hbm>>) dst(%arg11 : memref<112x128xf32, #tpu.memory_space<vmem>>)
      %dma_start3A_256 = arith.constant 0 : i32
      %dma_start3A_257 = arith.constant 0 : i32
      %dma_start3A_258 = tpu.memref_slice %arg10[%dma_start3A_256, %dma_start3A_257] : memref<6x128xi32, #tpu.memory_space<vmem>> -> memref<1x112xi32, #tpu.memory_space<vmem>>
      %dma_start3A_259 = tpu.memref_squeeze %dma_start3A_258 : memref<1x112xi32, #tpu.memory_space<vmem>> -> memref<112xi32, #tpu.memory_space<vmem>>
      %dma_start3A_260 = arith.constant 0 : i32
      %dma_start3A_261 = arith.constant 0 : i32
      %dma_start3A_262 = tpu.memref_slice %arg15[%dma_start3A_260, %dma_start3A_261] : memref<10240x128xf32, #tpu.memory_space<vmem_shared>> -> memref<10240x128xf32, #tpu.memory_space<vmem_shared>>
      tpu.enqueue_indirect_dma source(%arg11 : memref<112x128xf32, #tpu.memory_space<vmem>>) target(%dma_start3A_262 : memref<10240x128xf32, #tpu.memory_space<vmem_shared>>) offsets(%dma_start3A_259 : memref<112xi32, #tpu.memory_space<vmem>>) semaphore(%arg20 : memref<!tpu.dma_semaphore, #tpu.memory_space<semaphore_mem>>) {add = true}
      %dma_start3A_263 = arith.constant 0 : i32
      %dma_start3A_264 = arith.constant 0 : i32
      %dma_start3A_265 = tpu.memref_slice %arg14[%dma_start3A_264] : memref<128xf32, #tpu.memory_space<vmem>> -> memref<112xf32, #tpu.memory_space<vmem>>
      %dma_start3A_266 = arith.constant 0 : i32
      %dma_start3A_267 = tpu.memref_slice %arg10[%dma_start3A_263, %dma_start3A_266] : memref<6x128xi32, #tpu.memory_space<vmem>> -> memref<1x112xi32, #tpu.memory_space<vmem>>
      %dma_start3A_268 = tpu.memref_squeeze %dma_start3A_267 : memref<1x112xi32, #tpu.memory_space<vmem>> -> memref<112xi32, #tpu.memory_space<vmem>>
      %dma_start3A_269 = arith.constant 0 : i32
      %dma_start3A_270 = tpu.memref_slice %arg16[%dma_start3A_269] : memref<10240xf32, #tpu.memory_space<vmem_shared>> -> memref<10240xf32, #tpu.memory_space<vmem_shared>>
      tpu.enqueue_indirect_dma source(%dma_start3A_265 : memref<112xf32, #tpu.memory_space<vmem>>) target(%dma_start3A_270 : memref<10240xf32, #tpu.memory_space<vmem_shared>>) offsets(%dma_start3A_268 : memref<112xi32, #tpu.memory_space<vmem>>) semaphore(%arg23 : memref<!tpu.dma_semaphore, #tpu.memory_space<semaphore_mem>>) {add = true}
      %dma_wait3A_271 = arith.constant 0 : i32
      %dma_wait3A_272 = arith.constant 0 : i32
      %dma_wait3A_273 = tpu.memref_slice %arg2[%dma_wait3A_271, %dma_wait3A_272] : memref<10240x128xf32, #tpu.memory_space<hbm>> -> memref<112x128xf32, #tpu.memory_space<hbm>>
      %dma_wait3A_274 = arith.constant 0 : i32
      %dma_wait3A_275 = arith.constant 0 : i32
      %dma_wait3A_276 = tpu.memref_slice %arg2[%dma_wait3A_274, %dma_wait3A_275] : memref<10240x128xf32, #tpu.memory_space<hbm>> -> memref<112x128xf32, #tpu.memory_space<hbm>>
      tpu.wait_dma2 semaphore(%arg18 : memref<!tpu.dma_semaphore, #tpu.memory_space<semaphore_mem>>) src(%dma_wait3A_276 : memref<112x128xf32, #tpu.memory_space<hbm>>) dst(%arg12 : memref<112x128xf32, #tpu.memory_space<vmem>>)
      %dma_start3A_277 = arith.constant 1 : i32
      %dma_start3A_278 = arith.constant 0 : i32
      %dma_start3A_279 = tpu.memref_slice %arg10[%dma_start3A_277, %dma_start3A_278] : memref<6x128xi32, #tpu.memory_space<vmem>> -> memref<1x112xi32, #tpu.memory_space<vmem>>
      %dma_start3A_280 = tpu.memref_squeeze %dma_start3A_279 : memref<1x112xi32, #tpu.memory_space<vmem>> -> memref<112xi32, #tpu.memory_space<vmem>>
      %dma_start3A_281 = arith.constant 0 : i32
      %dma_start3A_282 = arith.constant 0 : i32
      %dma_start3A_283 = tpu.memref_slice %arg15[%dma_start3A_281, %dma_start3A_282] : memref<10240x128xf32, #tpu.memory_space<vmem_shared>> -> memref<10240x128xf32, #tpu.memory_space<vmem_shared>>
      tpu.enqueue_indirect_dma source(%arg12 : memref<112x128xf32, #tpu.memory_space<vmem>>) target(%dma_start3A_283 : memref<10240x128xf32, #tpu.memory_space<vmem_shared>>) offsets(%dma_start3A_280 : memref<112xi32, #tpu.memory_space<vmem>>) semaphore(%arg21 : memref<!tpu.dma_semaphore, #tpu.memory_space<semaphore_mem>>) {add = true}
      %dma_start3A_284 = arith.constant 1 : i32
      %dma_start3A_285 = arith.constant 0 : i32
      %dma_start3A_286 = tpu.memref_slice %arg14[%dma_start3A_285] : memref<128xf32, #tpu.memory_space<vmem>> -> memref<112xf32, #tpu.memory_space<vmem>>
      %dma_start3A_287 = arith.constant 0 : i32
      %dma_start3A_288 = tpu.memref_slice %arg10[%dma_start3A_284, %dma_start3A_287] : memref<6x128xi32, #tpu.memory_space<vmem>> -> memref<1x112xi32, #tpu.memory_space<vmem>>
      %dma_start3A_289 = tpu.memref_squeeze %dma_start3A_288 : memref<1x112xi32, #tpu.memory_space<vmem>> -> memref<112xi32, #tpu.memory_space<vmem>>
      %dma_start3A_290 = arith.constant 0 : i32
      %dma_start3A_291 = tpu.memref_slice %arg16[%dma_start3A_290] : memref<10240xf32, #tpu.memory_space<vmem_shared>> -> memref<10240xf32, #tpu.memory_space<vmem_shared>>
      tpu.enqueue_indirect_dma source(%dma_start3A_286 : memref<112xf32, #tpu.memory_space<vmem>>) target(%dma_start3A_291 : memref<10240xf32, #tpu.memory_space<vmem_shared>>) offsets(%dma_start3A_289 : memref<112xi32, #tpu.memory_space<vmem>>) semaphore(%arg24 : memref<!tpu.dma_semaphore, #tpu.memory_space<semaphore_mem>>) {add = true}
      %dma_wait3A_292 = arith.constant 0 : i32
      %dma_wait3A_293 = arith.constant 0 : i32
      %dma_wait3A_294 = tpu.memref_slice %arg2[%dma_wait3A_292, %dma_wait3A_293] : memref<10240x128xf32, #tpu.memory_space<hbm>> -> memref<112x128xf32, #tpu.memory_space<hbm>>
      %dma_wait3A_295 = arith.constant 0 : i32
      %dma_wait3A_296 = arith.constant 0 : i32
      %dma_wait3A_297 = tpu.memref_slice %arg2[%dma_wait3A_295, %dma_wait3A_296] : memref<10240x128xf32, #tpu.memory_space<hbm>> -> memref<112x128xf32, #tpu.memory_space<hbm>>
      tpu.wait_dma2 semaphore(%arg19 : memref<!tpu.dma_semaphore, #tpu.memory_space<semaphore_mem>>) src(%dma_wait3A_297 : memref<112x128xf32, #tpu.memory_space<hbm>>) dst(%arg13 : memref<112x128xf32, #tpu.memory_space<vmem>>)
      %dma_start3A_298 = arith.constant 2 : i32
      %dma_start3A_299 = arith.constant 0 : i32
      %dma_start3A_300 = tpu.memref_slice %arg10[%dma_start3A_298, %dma_start3A_299] : memref<6x128xi32, #tpu.memory_space<vmem>> -> memref<1x112xi32, #tpu.memory_space<vmem>>
      %dma_start3A_301 = tpu.memref_squeeze %dma_start3A_300 : memref<1x112xi32, #tpu.memory_space<vmem>> -> memref<112xi32, #tpu.memory_space<vmem>>
      %dma_start3A_302 = arith.constant 0 : i32
      %dma_start3A_303 = arith.constant 0 : i32
      %dma_start3A_304 = tpu.memref_slice %arg15[%dma_start3A_302, %dma_start3A_303] : memref<10240x128xf32, #tpu.memory_space<vmem_shared>> -> memref<10240x128xf32, #tpu.memory_space<vmem_shared>>
      tpu.enqueue_indirect_dma source(%arg13 : memref<112x128xf32, #tpu.memory_space<vmem>>) target(%dma_start3A_304 : memref<10240x128xf32, #tpu.memory_space<vmem_shared>>) offsets(%dma_start3A_301 : memref<112xi32, #tpu.memory_space<vmem>>) semaphore(%arg22 : memref<!tpu.dma_semaphore, #tpu.memory_space<semaphore_mem>>) {add = true}
      %dma_start3A_305 = arith.constant 2 : i32
      %dma_start3A_306 = arith.constant 0 : i32
      %dma_start3A_307 = tpu.memref_slice %arg14[%dma_start3A_306] : memref<128xf32, #tpu.memory_space<vmem>> -> memref<112xf32, #tpu.memory_space<vmem>>
      %dma_start3A_308 = arith.constant 0 : i32
      %dma_start3A_309 = tpu.memref_slice %arg10[%dma_start3A_305, %dma_start3A_308] : memref<6x128xi32, #tpu.memory_space<vmem>> -> memref<1x112xi32, #tpu.memory_space<vmem>>
      %dma_start3A_310 = tpu.memref_squeeze %dma_start3A_309 : memref<1x112xi32, #tpu.memory_space<vmem>> -> memref<112xi32, #tpu.memory_space<vmem>>
      %dma_start3A_311 = arith.constant 0 : i32
      %dma_start3A_312 = tpu.memref_slice %arg16[%dma_start3A_311] : memref<10240xf32, #tpu.memory_space<vmem_shared>> -> memref<10240xf32, #tpu.memory_space<vmem_shared>>
      tpu.enqueue_indirect_dma source(%dma_start3A_307 : memref<112xf32, #tpu.memory_space<vmem>>) target(%dma_start3A_312 : memref<10240xf32, #tpu.memory_space<vmem_shared>>) offsets(%dma_start3A_310 : memref<112xi32, #tpu.memory_space<vmem>>) semaphore(%arg25 : memref<!tpu.dma_semaphore, #tpu.memory_space<semaphore_mem>>) {add = true}
      %dma_wait3A_313 = arith.constant 0 : i32
      %dma_wait3A_314 = arith.constant 0 : i32
      %dma_wait3A_315 = arith.constant 0 : i32
      %dma_wait3A_316 = tpu.memref_slice %arg9[%dma_wait3A_314, %dma_wait3A_315] : memref<6x128xi32, #tpu.memory_space<vmem>> -> memref<3x128xi32, #tpu.memory_space<vmem>>
      %dma_wait3A_317 = arith.constant 0 : i32
      %dma_wait3A_318 = arith.constant 0 : i32
      %dma_wait3A_319 = tpu.memref_slice %arg3[%dma_wait3A_313, %dma_wait3A_317, %dma_wait3A_318] : memref<960x3x128xi32, #tpu.memory_space<hbm>> -> memref<1x3x128xi32, #tpu.memory_space<hbm>>
      %dma_wait3A_320 = tpu.memref_squeeze %dma_wait3A_319 : memref<1x3x128xi32, #tpu.memory_space<hbm>> -> memref<3x128xi32, #tpu.memory_space<hbm>>
      %dma_wait3A_321 = arith.constant 0 : i32
      %dma_wait3A_322 = arith.constant 0 : i32
      %dma_wait3A_323 = tpu.memref_slice %arg9[%dma_wait3A_321, %dma_wait3A_322] : memref<6x128xi32, #tpu.memory_space<vmem>> -> memref<3x128xi32, #tpu.memory_space<vmem>>
      %dma_wait3A_324 = arith.constant 0 : i32
      %dma_wait3A_325 = arith.constant 0 : i32
      %dma_wait3A_326 = tpu.memref_slice %arg3[%dma_wait3A_313, %dma_wait3A_324, %dma_wait3A_325] : memref<960x3x128xi32, #tpu.memory_space<hbm>> -> memref<1x3x128xi32, #tpu.memory_space<hbm>>
      %dma_wait3A_327 = tpu.memref_squeeze %dma_wait3A_326 : memref<1x3x128xi32, #tpu.memory_space<hbm>> -> memref<3x128xi32, #tpu.memory_space<hbm>>
      tpu.wait_dma2 semaphore(%arg27 : memref<!tpu.dma_semaphore, #tpu.memory_space<semaphore_mem>>) src(%dma_wait3A_327 : memref<3x128xi32, #tpu.memory_space<hbm>>) dst(%dma_wait3A_323 : memref<3x128xi32, #tpu.memory_space<vmem>>)
      %dma_wait3A_328 = arith.constant 0 : i32
      %dma_wait3A_329 = arith.constant 0 : i32
      %dma_wait3A_330 = tpu.memref_slice %arg15[%dma_wait3A_328, %dma_wait3A_329] : memref<10240x128xf32, #tpu.memory_space<vmem_shared>> -> memref<112x128xf32, #tpu.memory_space<vmem_shared>>
      %dma_wait3A_331 = arith.constant 0 : i32
      %dma_wait3A_332 = arith.constant 0 : i32
      %dma_wait3A_333 = tpu.memref_slice %arg15[%dma_wait3A_331, %dma_wait3A_332] : memref<10240x128xf32, #tpu.memory_space<vmem_shared>> -> memref<112x128xf32, #tpu.memory_space<vmem_shared>>
      tpu.wait_dma2 semaphore(%arg20 : memref<!tpu.dma_semaphore, #tpu.memory_space<semaphore_mem>>) src(%arg11 : memref<112x128xf32, #tpu.memory_space<vmem>>) dst(%dma_wait3A_333 : memref<112x128xf32, #tpu.memory_space<vmem_shared>>)
      %dma_wait3A_334 = arith.constant 0 : i32
      %dma_wait3A_335 = tpu.memref_slice %arg14[%dma_wait3A_334] : memref<128xf32, #tpu.memory_space<vmem>> -> memref<112xf32, #tpu.memory_space<vmem>>
      %dma_wait3A_336 = arith.constant 0 : i32
      %dma_wait3A_337 = tpu.memref_slice %arg16[%dma_wait3A_336] : memref<10240xf32, #tpu.memory_space<vmem_shared>> -> memref<112xf32, #tpu.memory_space<vmem_shared>>
      %dma_wait3A_338 = arith.constant 0 : i32
      %dma_wait3A_339 = tpu.memref_slice %arg16[%dma_wait3A_338] : memref<10240xf32, #tpu.memory_space<vmem_shared>> -> memref<112xf32, #tpu.memory_space<vmem_shared>>
      %dma_wait3A_340 = arith.constant 0 : i32
      %dma_wait3A_341 = tpu.memref_slice %arg14[%dma_wait3A_340] : memref<128xf32, #tpu.memory_space<vmem>> -> memref<112xf32, #tpu.memory_space<vmem>>
      tpu.wait_dma2 semaphore(%arg23 : memref<!tpu.dma_semaphore, #tpu.memory_space<semaphore_mem>>) src(%dma_wait3A_341 : memref<112xf32, #tpu.memory_space<vmem>>) dst(%dma_wait3A_339 : memref<112xf32, #tpu.memory_space<vmem_shared>>)
      %dma_start3A_342 = arith.constant 3 : i32
      %dma_start3A_343 = arith.constant 0 : i32
      %dma_start3A_344 = tpu.memref_slice %arg9[%dma_start3A_342, %dma_start3A_343] : memref<6x128xi32, #tpu.memory_space<vmem>> -> memref<1x112xi32, #tpu.memory_space<vmem>>
      %dma_start3A_345 = tpu.memref_squeeze %dma_start3A_344 : memref<1x112xi32, #tpu.memory_space<vmem>> -> memref<112xi32, #tpu.memory_space<vmem>>
      %dma_start3A_346 = arith.constant 0 : i32
      %dma_start3A_347 = arith.constant 0 : i32
      %dma_start3A_348 = tpu.memref_slice %arg2[%dma_start3A_346, %dma_start3A_347] : memref<10240x128xf32, #tpu.memory_space<hbm>> -> memref<10240x128xf32, #tpu.memory_space<hbm>>
      tpu.enqueue_indirect_dma source(%dma_start3A_348 : memref<10240x128xf32, #tpu.memory_space<hbm>>) target(%arg11 : memref<112x128xf32, #tpu.memory_space<vmem>>) offsets(%dma_start3A_345 : memref<112xi32, #tpu.memory_space<vmem>>) semaphore(%arg17 : memref<!tpu.dma_semaphore, #tpu.memory_space<semaphore_mem>>)
      %dma_wait3A_349 = arith.constant 0 : i32
      %dma_wait3A_350 = arith.constant 0 : i32
      %dma_wait3A_351 = tpu.memref_slice %arg15[%dma_wait3A_349, %dma_wait3A_350] : memref<10240x128xf32, #tpu.memory_space<vmem_shared>> -> memref<112x128xf32, #tpu.memory_space<vmem_shared>>
      %dma_wait3A_352 = arith.constant 0 : i32
      %dma_wait3A_353 = arith.constant 0 : i32
      %dma_wait3A_354 = tpu.memref_slice %arg15[%dma_wait3A_352, %dma_wait3A_353] : memref<10240x128xf32, #tpu.memory_space<vmem_shared>> -> memref<112x128xf32, #tpu.memory_space<vmem_shared>>
      tpu.wait_dma2 semaphore(%arg21 : memref<!tpu.dma_semaphore, #tpu.memory_space<semaphore_mem>>) src(%arg12 : memref<112x128xf32, #tpu.memory_space<vmem>>) dst(%dma_wait3A_354 : memref<112x128xf32, #tpu.memory_space<vmem_shared>>)
      %dma_wait3A_355 = arith.constant 0 : i32
      %dma_wait3A_356 = tpu.memref_slice %arg14[%dma_wait3A_355] : memref<128xf32, #tpu.memory_space<vmem>> -> memref<112xf32, #tpu.memory_space<vmem>>
      %dma_wait3A_357 = arith.constant 0 : i32
      %dma_wait3A_358 = tpu.memref_slice %arg16[%dma_wait3A_357] : memref<10240xf32, #tpu.memory_space<vmem_shared>> -> memref<112xf32, #tpu.memory_space<vmem_shared>>
      %dma_wait3A_359 = arith.constant 0 : i32
      %dma_wait3A_360 = tpu.memref_slice %arg16[%dma_wait3A_359] : memref<10240xf32, #tpu.memory_space<vmem_shared>> -> memref<112xf32, #tpu.memory_space<vmem_shared>>
      %dma_wait3A_361 = arith.constant 0 : i32
      %dma_wait3A_362 = tpu.memref_slice %arg14[%dma_wait3A_361] : memref<128xf32, #tpu.memory_space<vmem>> -> memref<112xf32, #tpu.memory_space<vmem>>
      tpu.wait_dma2 semaphore(%arg24 : memref<!tpu.dma_semaphore, #tpu.memory_space<semaphore_mem>>) src(%dma_wait3A_362 : memref<112xf32, #tpu.memory_space<vmem>>) dst(%dma_wait3A_360 : memref<112xf32, #tpu.memory_space<vmem_shared>>)
      %dma_start3A_363 = arith.constant 4 : i32
      %dma_start3A_364 = arith.constant 0 : i32
      %dma_start3A_365 = tpu.memref_slice %arg9[%dma_start3A_363, %dma_start3A_364] : memref<6x128xi32, #tpu.memory_space<vmem>> -> memref<1x112xi32, #tpu.memory_space<vmem>>
      %dma_start3A_366 = tpu.memref_squeeze %dma_start3A_365 : memref<1x112xi32, #tpu.memory_space<vmem>> -> memref<112xi32, #tpu.memory_space<vmem>>
      %dma_start3A_367 = arith.constant 0 : i32
      %dma_start3A_368 = arith.constant 0 : i32
      %dma_start3A_369 = tpu.memref_slice %arg2[%dma_start3A_367, %dma_start3A_368] : memref<10240x128xf32, #tpu.memory_space<hbm>> -> memref<10240x128xf32, #tpu.memory_space<hbm>>
      tpu.enqueue_indirect_dma source(%dma_start3A_369 : memref<10240x128xf32, #tpu.memory_space<hbm>>) target(%arg12 : memref<112x128xf32, #tpu.memory_space<vmem>>) offsets(%dma_start3A_366 : memref<112xi32, #tpu.memory_space<vmem>>) semaphore(%arg18 : memref<!tpu.dma_semaphore, #tpu.memory_space<semaphore_mem>>)
      %dma_wait3A_370 = arith.constant 0 : i32
      %dma_wait3A_371 = arith.constant 0 : i32
      %dma_wait3A_372 = tpu.memref_slice %arg15[%dma_wait3A_370, %dma_wait3A_371] : memref<10240x128xf32, #tpu.memory_space<vmem_shared>> -> memref<112x128xf32, #tpu.memory_space<vmem_shared>>
      %dma_wait3A_373 = arith.constant 0 : i32
      %dma_wait3A_374 = arith.constant 0 : i32
      %dma_wait3A_375 = tpu.memref_slice %arg15[%dma_wait3A_373, %dma_wait3A_374] : memref<10240x128xf32, #tpu.memory_space<vmem_shared>> -> memref<112x128xf32, #tpu.memory_space<vmem_shared>>
      tpu.wait_dma2 semaphore(%arg22 : memref<!tpu.dma_semaphore, #tpu.memory_space<semaphore_mem>>) src(%arg13 : memref<112x128xf32, #tpu.memory_space<vmem>>) dst(%dma_wait3A_375 : memref<112x128xf32, #tpu.memory_space<vmem_shared>>)
      %dma_wait3A_376 = arith.constant 0 : i32
      %dma_wait3A_377 = tpu.memref_slice %arg14[%dma_wait3A_376] : memref<128xf32, #tpu.memory_space<vmem>> -> memref<112xf32, #tpu.memory_space<vmem>>
      %dma_wait3A_378 = arith.constant 0 : i32
      %dma_wait3A_379 = tpu.memref_slice %arg16[%dma_wait3A_378] : memref<10240xf32, #tpu.memory_space<vmem_shared>> -> memref<112xf32, #tpu.memory_space<vmem_shared>>
      %dma_wait3A_380 = arith.constant 0 : i32
      %dma_wait3A_381 = tpu.memref_slice %arg16[%dma_wait3A_380] : memref<10240xf32, #tpu.memory_space<vmem_shared>> -> memref<112xf32, #tpu.memory_space<vmem_shared>>
      %dma_wait3A_382 = arith.constant 0 : i32
      %dma_wait3A_383 = tpu.memref_slice %arg14[%dma_wait3A_382] : memref<128xf32, #tpu.memory_space<vmem>> -> memref<112xf32, #tpu.memory_space<vmem>>
      tpu.wait_dma2 semaphore(%arg25 : memref<!tpu.dma_semaphore, #tpu.memory_space<semaphore_mem>>) src(%dma_wait3A_383 : memref<112xf32, #tpu.memory_space<vmem>>) dst(%dma_wait3A_381 : memref<112xf32, #tpu.memory_space<vmem_shared>>)
      %dma_start3A_384 = arith.constant 5 : i32
      %dma_start3A_385 = arith.constant 0 : i32
      %dma_start3A_386 = tpu.memref_slice %arg9[%dma_start3A_384, %dma_start3A_385] : memref<6x128xi32, #tpu.memory_space<vmem>> -> memref<1x112xi32, #tpu.memory_space<vmem>>
      %dma_start3A_387 = tpu.memref_squeeze %dma_start3A_386 : memref<1x112xi32, #tpu.memory_space<vmem>> -> memref<112xi32, #tpu.memory_space<vmem>>
      %dma_start3A_388 = arith.constant 0 : i32
      %dma_start3A_389 = arith.constant 0 : i32
      %dma_start3A_390 = tpu.memref_slice %arg2[%dma_start3A_388, %dma_start3A_389] : memref<10240x128xf32, #tpu.memory_space<hbm>> -> memref<10240x128xf32, #tpu.memory_space<hbm>>
      tpu.enqueue_indirect_dma source(%dma_start3A_390 : memref<10240x128xf32, #tpu.memory_space<hbm>>) target(%arg13 : memref<112x128xf32, #tpu.memory_space<vmem>>) offsets(%dma_start3A_387 : memref<112xi32, #tpu.memory_space<vmem>>) semaphore(%arg19 : memref<!tpu.dma_semaphore, #tpu.memory_space<semaphore_mem>>)
      %add3A_391 = arith.constant 2 : i32
      %add3A_392 = arith.addi %mul3A_234, %add3A_391 : i32
      %lt3A = arith.constant 30 : i32
      %lt3A_393 = arith.cmpi slt, %add3A_392, %lt3A : i32
      %add3A_394 = arith.constant 2 : i32
      %add3A_395 = arith.addi %mul3A_234, %add3A_394 : i32
      %jit3A = arith.constant 0 : i32
      %select_n3A = arith.select %lt3A_393, %add3A_395, %jit3A : i32
      %add3A_396 = arith.addi %mul3A_2, %select_n3A : i32
      %dma_start3A_397 = arith.constant 0 : i32
      %dma_start3A_398 = arith.constant 0 : i32
      %dma_start3A_399 = tpu.memref_slice %arg9[%dma_start3A_397, %dma_start3A_398] : memref<6x128xi32, #tpu.memory_space<vmem>> -> memref<3x128xi32, #tpu.memory_space<vmem>>
      %dma_start3A_400 = arith.constant 0 : i32
      %dma_start3A_401 = arith.constant 0 : i32
      %dma_start3A_402 = tpu.memref_slice %arg3[%add3A_396, %dma_start3A_400, %dma_start3A_401] : memref<960x3x128xi32, #tpu.memory_space<hbm>> -> memref<1x3x128xi32, #tpu.memory_space<hbm>>
      %dma_start3A_403 = tpu.memref_squeeze %dma_start3A_402 : memref<1x3x128xi32, #tpu.memory_space<hbm>> -> memref<3x128xi32, #tpu.memory_space<hbm>>
      %dma_start3A_404 = arith.constant 0 : i32
      %dma_start3A_405 = arith.constant 0 : i32
      %dma_start3A_406 = tpu.memref_slice %arg9[%dma_start3A_404, %dma_start3A_405] : memref<6x128xi32, #tpu.memory_space<vmem>> -> memref<3x128xi32, #tpu.memory_space<vmem>>
      %dma_start3A_407 = arith.constant 0 : i32
      %dma_start3A_408 = arith.constant 0 : i32
      %dma_start3A_409 = tpu.memref_slice %arg3[%add3A_396, %dma_start3A_407, %dma_start3A_408] : memref<960x3x128xi32, #tpu.memory_space<hbm>> -> memref<1x3x128xi32, #tpu.memory_space<hbm>>
      %dma_start3A_410 = tpu.memref_squeeze %dma_start3A_409 : memref<1x3x128xi32, #tpu.memory_space<hbm>> -> memref<3x128xi32, #tpu.memory_space<hbm>>
      tpu.enqueue_dma source(%dma_start3A_410 : memref<3x128xi32, #tpu.memory_space<hbm>>) target(%dma_start3A_406 : memref<3x128xi32, #tpu.memory_space<vmem>>) target_semaphore(%arg26 : memref<!tpu.dma_semaphore, #tpu.memory_space<semaphore_mem>>)
      %add3A_411 = arith.addi %mul3A_2, %select_n3A : i32
      %dma_start3A_412 = arith.constant 0 : i32
      %dma_start3A_413 = arith.constant 0 : i32
      %dma_start3A_414 = tpu.memref_slice %arg10[%dma_start3A_412, %dma_start3A_413] : memref<6x128xi32, #tpu.memory_space<vmem>> -> memref<3x128xi32, #tpu.memory_space<vmem>>
      %dma_start3A_415 = arith.constant 0 : i32
      %dma_start3A_416 = arith.constant 0 : i32
      %dma_start3A_417 = tpu.memref_slice %arg4[%add3A_411, %dma_start3A_415, %dma_start3A_416] : memref<960x3x128xi32, #tpu.memory_space<hbm>> -> memref<1x3x128xi32, #tpu.memory_space<hbm>>
      %dma_start3A_418 = tpu.memref_squeeze %dma_start3A_417 : memref<1x3x128xi32, #tpu.memory_space<hbm>> -> memref<3x128xi32, #tpu.memory_space<hbm>>
      %dma_start3A_419 = arith.constant 0 : i32
      %dma_start3A_420 = arith.constant 0 : i32
      %dma_start3A_421 = tpu.memref_slice %arg10[%dma_start3A_419, %dma_start3A_420] : memref<6x128xi32, #tpu.memory_space<vmem>> -> memref<3x128xi32, #tpu.memory_space<vmem>>
      %dma_start3A_422 = arith.constant 0 : i32
      %dma_start3A_423 = arith.constant 0 : i32
      %dma_start3A_424 = tpu.memref_slice %arg4[%add3A_411, %dma_start3A_422, %dma_start3A_423] : memref<960x3x128xi32, #tpu.memory_space<hbm>> -> memref<1x3x128xi32, #tpu.memory_space<hbm>>
      %dma_start3A_425 = tpu.memref_squeeze %dma_start3A_424 : memref<1x3x128xi32, #tpu.memory_space<hbm>> -> memref<3x128xi32, #tpu.memory_space<hbm>>
      tpu.enqueue_dma source(%dma_start3A_425 : memref<3x128xi32, #tpu.memory_space<hbm>>) target(%dma_start3A_421 : memref<3x128xi32, #tpu.memory_space<vmem>>) target_semaphore(%arg28 : memref<!tpu.dma_semaphore, #tpu.memory_space<semaphore_mem>>)
      %mul3A_426 = arith.constant 2 : i32
      %mul3A_427 = arith.muli %mul3A_426, %scan3A_232 : i32
      %add3A_428 = arith.constant 1 : i32
      %add3A_429 = arith.addi %mul3A_427, %add3A_428 : i32
      %dma_wait3A_430 = arith.constant 0 : i32
      %dma_wait3A_431 = arith.constant 0 : i32
      %dma_wait3A_432 = arith.constant 0 : i32
      %dma_wait3A_433 = tpu.memref_slice %arg9[%dma_wait3A_431, %dma_wait3A_432] : memref<6x128xi32, #tpu.memory_space<vmem>> -> memref<3x128xi32, #tpu.memory_space<vmem>>
      %dma_wait3A_434 = arith.constant 0 : i32
      %dma_wait3A_435 = arith.constant 0 : i32
      %dma_wait3A_436 = tpu.memref_slice %arg3[%dma_wait3A_430, %dma_wait3A_434, %dma_wait3A_435] : memref<960x3x128xi32, #tpu.memory_space<hbm>> -> memref<1x3x128xi32, #tpu.memory_space<hbm>>
      %dma_wait3A_437 = tpu.memref_squeeze %dma_wait3A_436 : memref<1x3x128xi32, #tpu.memory_space<hbm>> -> memref<3x128xi32, #tpu.memory_space<hbm>>
      %dma_wait3A_438 = arith.constant 0 : i32
      %dma_wait3A_439 = arith.constant 0 : i32
      %dma_wait3A_440 = tpu.memref_slice %arg9[%dma_wait3A_438, %dma_wait3A_439] : memref<6x128xi32, #tpu.memory_space<vmem>> -> memref<3x128xi32, #tpu.memory_space<vmem>>
      %dma_wait3A_441 = arith.constant 0 : i32
      %dma_wait3A_442 = arith.constant 0 : i32
      %dma_wait3A_443 = tpu.memref_slice %arg3[%dma_wait3A_430, %dma_wait3A_441, %dma_wait3A_442] : memref<960x3x128xi32, #tpu.memory_space<hbm>> -> memref<1x3x128xi32, #tpu.memory_space<hbm>>
      %dma_wait3A_444 = tpu.memref_squeeze %dma_wait3A_443 : memref<1x3x128xi32, #tpu.memory_space<hbm>> -> memref<3x128xi32, #tpu.memory_space<hbm>>
      tpu.wait_dma2 semaphore(%arg29 : memref<!tpu.dma_semaphore, #tpu.memory_space<semaphore_mem>>) src(%dma_wait3A_444 : memref<3x128xi32, #tpu.memory_space<hbm>>) dst(%dma_wait3A_440 : memref<3x128xi32, #tpu.memory_space<vmem>>)
      %dma_wait3A_445 = arith.constant 0 : i32
      %dma_wait3A_446 = arith.constant 0 : i32
      %dma_wait3A_447 = tpu.memref_slice %arg2[%dma_wait3A_445, %dma_wait3A_446] : memref<10240x128xf32, #tpu.memory_space<hbm>> -> memref<112x128xf32, #tpu.memory_space<hbm>>
      %dma_wait3A_448 = arith.constant 0 : i32
      %dma_wait3A_449 = arith.constant 0 : i32
      %dma_wait3A_450 = tpu.memref_slice %arg2[%dma_wait3A_448, %dma_wait3A_449] : memref<10240x128xf32, #tpu.memory_space<hbm>> -> memref<112x128xf32, #tpu.memory_space<hbm>>
      tpu.wait_dma2 semaphore(%arg17 : memref<!tpu.dma_semaphore, #tpu.memory_space<semaphore_mem>>) src(%dma_wait3A_450 : memref<112x128xf32, #tpu.memory_space<hbm>>) dst(%arg11 : memref<112x128xf32, #tpu.memory_space<vmem>>)
      %dma_start3A_451 = arith.constant 3 : i32
      %dma_start3A_452 = arith.constant 0 : i32
      %dma_start3A_453 = tpu.memref_slice %arg10[%dma_start3A_451, %dma_start3A_452] : memref<6x128xi32, #tpu.memory_space<vmem>> -> memref<1x112xi32, #tpu.memory_space<vmem>>
      %dma_start3A_454 = tpu.memref_squeeze %dma_start3A_453 : memref<1x112xi32, #tpu.memory_space<vmem>> -> memref<112xi32, #tpu.memory_space<vmem>>
      %dma_start3A_455 = arith.constant 0 : i32
      %dma_start3A_456 = arith.constant 0 : i32
      %dma_start3A_457 = tpu.memref_slice %arg15[%dma_start3A_455, %dma_start3A_456] : memref<10240x128xf32, #tpu.memory_space<vmem_shared>> -> memref<10240x128xf32, #tpu.memory_space<vmem_shared>>
      tpu.enqueue_indirect_dma source(%arg11 : memref<112x128xf32, #tpu.memory_space<vmem>>) target(%dma_start3A_457 : memref<10240x128xf32, #tpu.memory_space<vmem_shared>>) offsets(%dma_start3A_454 : memref<112xi32, #tpu.memory_space<vmem>>) semaphore(%arg20 : memref<!tpu.dma_semaphore, #tpu.memory_space<semaphore_mem>>) {add = true}
      %dma_start3A_458 = arith.constant 3 : i32
      %dma_start3A_459 = arith.constant 0 : i32
      %dma_start3A_460 = tpu.memref_slice %arg14[%dma_start3A_459] : memref<128xf32, #tpu.memory_space<vmem>> -> memref<112xf32, #tpu.memory_space<vmem>>
      %dma_start3A_461 = arith.constant 0 : i32
      %dma_start3A_462 = tpu.memref_slice %arg10[%dma_start3A_458, %dma_start3A_461] : memref<6x128xi32, #tpu.memory_space<vmem>> -> memref<1x112xi32, #tpu.memory_space<vmem>>
      %dma_start3A_463 = tpu.memref_squeeze %dma_start3A_462 : memref<1x112xi32, #tpu.memory_space<vmem>> -> memref<112xi32, #tpu.memory_space<vmem>>
      %dma_start3A_464 = arith.constant 0 : i32
      %dma_start3A_465 = tpu.memref_slice %arg16[%dma_start3A_464] : memref<10240xf32, #tpu.memory_space<vmem_shared>> -> memref<10240xf32, #tpu.memory_space<vmem_shared>>
      tpu.enqueue_indirect_dma source(%dma_start3A_460 : memref<112xf32, #tpu.memory_space<vmem>>) target(%dma_start3A_465 : memref<10240xf32, #tpu.memory_space<vmem_shared>>) offsets(%dma_start3A_463 : memref<112xi32, #tpu.memory_space<vmem>>) semaphore(%arg23 : memref<!tpu.dma_semaphore, #tpu.memory_space<semaphore_mem>>) {add = true}
      %dma_wait3A_466 = arith.constant 0 : i32
      %dma_wait3A_467 = arith.constant 0 : i32
      %dma_wait3A_468 = tpu.memref_slice %arg2[%dma_wait3A_466, %dma_wait3A_467] : memref<10240x128xf32, #tpu.memory_space<hbm>> -> memref<112x128xf32, #tpu.memory_space<hbm>>
      %dma_wait3A_469 = arith.constant 0 : i32
      %dma_wait3A_470 = arith.constant 0 : i32
      %dma_wait3A_471 = tpu.memref_slice %arg2[%dma_wait3A_469, %dma_wait3A_470] : memref<10240x128xf32, #tpu.memory_space<hbm>> -> memref<112x128xf32, #tpu.memory_space<hbm>>
      tpu.wait_dma2 semaphore(%arg18 : memref<!tpu.dma_semaphore, #tpu.memory_space<semaphore_mem>>) src(%dma_wait3A_471 : memref<112x128xf32, #tpu.memory_space<hbm>>) dst(%arg12 : memref<112x128xf32, #tpu.memory_space<vmem>>)
      %dma_start3A_472 = arith.constant 4 : i32
      %dma_start3A_473 = arith.constant 0 : i32
      %dma_start3A_474 = tpu.memref_slice %arg10[%dma_start3A_472, %dma_start3A_473] : memref<6x128xi32, #tpu.memory_space<vmem>> -> memref<1x112xi32, #tpu.memory_space<vmem>>
      %dma_start3A_475 = tpu.memref_squeeze %dma_start3A_474 : memref<1x112xi32, #tpu.memory_space<vmem>> -> memref<112xi32, #tpu.memory_space<vmem>>
      %dma_start3A_476 = arith.constant 0 : i32
      %dma_start3A_477 = arith.constant 0 : i32
      %dma_start3A_478 = tpu.memref_slice %arg15[%dma_start3A_476, %dma_start3A_477] : memref<10240x128xf32, #tpu.memory_space<vmem_shared>> -> memref<10240x128xf32, #tpu.memory_space<vmem_shared>>
      tpu.enqueue_indirect_dma source(%arg12 : memref<112x128xf32, #tpu.memory_space<vmem>>) target(%dma_start3A_478 : memref<10240x128xf32, #tpu.memory_space<vmem_shared>>) offsets(%dma_start3A_475 : memref<112xi32, #tpu.memory_space<vmem>>) semaphore(%arg21 : memref<!tpu.dma_semaphore, #tpu.memory_space<semaphore_mem>>) {add = true}
      %dma_start3A_479 = arith.constant 4 : i32
      %dma_start3A_480 = arith.constant 0 : i32
      %dma_start3A_481 = tpu.memref_slice %arg14[%dma_start3A_480] : memref<128xf32, #tpu.memory_space<vmem>> -> memref<112xf32, #tpu.memory_space<vmem>>
      %dma_start3A_482 = arith.constant 0 : i32
      %dma_start3A_483 = tpu.memref_slice %arg10[%dma_start3A_479, %dma_start3A_482] : memref<6x128xi32, #tpu.memory_space<vmem>> -> memref<1x112xi32, #tpu.memory_space<vmem>>
      %dma_start3A_484 = tpu.memref_squeeze %dma_start3A_483 : memref<1x112xi32, #tpu.memory_space<vmem>> -> memref<112xi32, #tpu.memory_space<vmem>>
      %dma_start3A_485 = arith.constant 0 : i32
      %dma_start3A_486 = tpu.memref_slice %arg16[%dma_start3A_485] : memref<10240xf32, #tpu.memory_space<vmem_shared>> -> memref<10240xf32, #tpu.memory_space<vmem_shared>>
      tpu.enqueue_indirect_dma source(%dma_start3A_481 : memref<112xf32, #tpu.memory_space<vmem>>) target(%dma_start3A_486 : memref<10240xf32, #tpu.memory_space<vmem_shared>>) offsets(%dma_start3A_484 : memref<112xi32, #tpu.memory_space<vmem>>) semaphore(%arg24 : memref<!tpu.dma_semaphore, #tpu.memory_space<semaphore_mem>>) {add = true}
      %dma_wait3A_487 = arith.constant 0 : i32
      %dma_wait3A_488 = arith.constant 0 : i32
      %dma_wait3A_489 = tpu.memref_slice %arg2[%dma_wait3A_487, %dma_wait3A_488] : memref<10240x128xf32, #tpu.memory_space<hbm>> -> memref<112x128xf32, #tpu.memory_space<hbm>>
      %dma_wait3A_490 = arith.constant 0 : i32
      %dma_wait3A_491 = arith.constant 0 : i32
      %dma_wait3A_492 = tpu.memref_slice %arg2[%dma_wait3A_490, %dma_wait3A_491] : memref<10240x128xf32, #tpu.memory_space<hbm>> -> memref<112x128xf32, #tpu.memory_space<hbm>>
      tpu.wait_dma2 semaphore(%arg19 : memref<!tpu.dma_semaphore, #tpu.memory_space<semaphore_mem>>) src(%dma_wait3A_492 : memref<112x128xf32, #tpu.memory_space<hbm>>) dst(%arg13 : memref<112x128xf32, #tpu.memory_space<vmem>>)
      %dma_start3A_493 = arith.constant 5 : i32
      %dma_start3A_494 = arith.constant 0 : i32
      %dma_start3A_495 = tpu.memref_slice %arg10[%dma_start3A_493, %dma_start3A_494] : memref<6x128xi32, #tpu.memory_space<vmem>> -> memref<1x112xi32, #tpu.memory_space<vmem>>
      %dma_start3A_496 = tpu.memref_squeeze %dma_start3A_495 : memref<1x112xi32, #tpu.memory_space<vmem>> -> memref<112xi32, #tpu.memory_space<vmem>>
      %dma_start3A_497 = arith.constant 0 : i32
      %dma_start3A_498 = arith.constant 0 : i32
      %dma_start3A_499 = tpu.memref_slice %arg15[%dma_start3A_497, %dma_start3A_498] : memref<10240x128xf32, #tpu.memory_space<vmem_shared>> -> memref<10240x128xf32, #tpu.memory_space<vmem_shared>>
      tpu.enqueue_indirect_dma source(%arg13 : memref<112x128xf32, #tpu.memory_space<vmem>>) target(%dma_start3A_499 : memref<10240x128xf32, #tpu.memory_space<vmem_shared>>) offsets(%dma_start3A_496 : memref<112xi32, #tpu.memory_space<vmem>>) semaphore(%arg22 : memref<!tpu.dma_semaphore, #tpu.memory_space<semaphore_mem>>) {add = true}
      %dma_start3A_500 = arith.constant 5 : i32
      %dma_start3A_501 = arith.constant 0 : i32
      %dma_start3A_502 = tpu.memref_slice %arg14[%dma_start3A_501] : memref<128xf32, #tpu.memory_space<vmem>> -> memref<112xf32, #tpu.memory_space<vmem>>
      %dma_start3A_503 = arith.constant 0 : i32
      %dma_start3A_504 = tpu.memref_slice %arg10[%dma_start3A_500, %dma_start3A_503] : memref<6x128xi32, #tpu.memory_space<vmem>> -> memref<1x112xi32, #tpu.memory_space<vmem>>
      %dma_start3A_505 = tpu.memref_squeeze %dma_start3A_504 : memref<1x112xi32, #tpu.memory_space<vmem>> -> memref<112xi32, #tpu.memory_space<vmem>>
      %dma_start3A_506 = arith.constant 0 : i32
      %dma_start3A_507 = tpu.memref_slice %arg16[%dma_start3A_506] : memref<10240xf32, #tpu.memory_space<vmem_shared>> -> memref<10240xf32, #tpu.memory_space<vmem_shared>>
      tpu.enqueue_indirect_dma source(%dma_start3A_502 : memref<112xf32, #tpu.memory_space<vmem>>) target(%dma_start3A_507 : memref<10240xf32, #tpu.memory_space<vmem_shared>>) offsets(%dma_start3A_505 : memref<112xi32, #tpu.memory_space<vmem>>) semaphore(%arg25 : memref<!tpu.dma_semaphore, #tpu.memory_space<semaphore_mem>>) {add = true}
      %dma_wait3A_508 = arith.constant 0 : i32
      %dma_wait3A_509 = arith.constant 0 : i32
      %dma_wait3A_510 = arith.constant 0 : i32
      %dma_wait3A_511 = tpu.memref_slice %arg9[%dma_wait3A_509, %dma_wait3A_510] : memref<6x128xi32, #tpu.memory_space<vmem>> -> memref<3x128xi32, #tpu.memory_space<vmem>>
      %dma_wait3A_512 = arith.constant 0 : i32
      %dma_wait3A_513 = arith.constant 0 : i32
      %dma_wait3A_514 = tpu.memref_slice %arg3[%dma_wait3A_508, %dma_wait3A_512, %dma_wait3A_513] : memref<960x3x128xi32, #tpu.memory_space<hbm>> -> memref<1x3x128xi32, #tpu.memory_space<hbm>>
      %dma_wait3A_515 = tpu.memref_squeeze %dma_wait3A_514 : memref<1x3x128xi32, #tpu.memory_space<hbm>> -> memref<3x128xi32, #tpu.memory_space<hbm>>
      %dma_wait3A_516 = arith.constant 0 : i32
      %dma_wait3A_517 = arith.constant 0 : i32
      %dma_wait3A_518 = tpu.memref_slice %arg9[%dma_wait3A_516, %dma_wait3A_517] : memref<6x128xi32, #tpu.memory_space<vmem>> -> memref<3x128xi32, #tpu.memory_space<vmem>>
      %dma_wait3A_519 = arith.constant 0 : i32
      %dma_wait3A_520 = arith.constant 0 : i32
      %dma_wait3A_521 = tpu.memref_slice %arg3[%dma_wait3A_508, %dma_wait3A_519, %dma_wait3A_520] : memref<960x3x128xi32, #tpu.memory_space<hbm>> -> memref<1x3x128xi32, #tpu.memory_space<hbm>>
      %dma_wait3A_522 = tpu.memref_squeeze %dma_wait3A_521 : memref<1x3x128xi32, #tpu.memory_space<hbm>> -> memref<3x128xi32, #tpu.memory_space<hbm>>
      tpu.wait_dma2 semaphore(%arg26 : memref<!tpu.dma_semaphore, #tpu.memory_space<semaphore_mem>>) src(%dma_wait3A_522 : memref<3x128xi32, #tpu.memory_space<hbm>>) dst(%dma_wait3A_518 : memref<3x128xi32, #tpu.memory_space<vmem>>)
      %dma_wait3A_523 = arith.constant 0 : i32
      %dma_wait3A_524 = arith.constant 0 : i32
      %dma_wait3A_525 = tpu.memref_slice %arg15[%dma_wait3A_523, %dma_wait3A_524] : memref<10240x128xf32, #tpu.memory_space<vmem_shared>> -> memref<112x128xf32, #tpu.memory_space<vmem_shared>>
      %dma_wait3A_526 = arith.constant 0 : i32
      %dma_wait3A_527 = arith.constant 0 : i32
      %dma_wait3A_528 = tpu.memref_slice %arg15[%dma_wait3A_526, %dma_wait3A_527] : memref<10240x128xf32, #tpu.memory_space<vmem_shared>> -> memref<112x128xf32, #tpu.memory_space<vmem_shared>>
      tpu.wait_dma2 semaphore(%arg20 : memref<!tpu.dma_semaphore, #tpu.memory_space<semaphore_mem>>) src(%arg11 : memref<112x128xf32, #tpu.memory_space<vmem>>) dst(%dma_wait3A_528 : memref<112x128xf32, #tpu.memory_space<vmem_shared>>)
      %dma_wait3A_529 = arith.constant 0 : i32
      %dma_wait3A_530 = tpu.memref_slice %arg14[%dma_wait3A_529] : memref<128xf32, #tpu.memory_space<vmem>> -> memref<112xf32, #tpu.memory_space<vmem>>
      %dma_wait3A_531 = arith.constant 0 : i32
      %dma_wait3A_532 = tpu.memref_slice %arg16[%dma_wait3A_531] : memref<10240xf32, #tpu.memory_space<vmem_shared>> -> memref<112xf32, #tpu.memory_space<vmem_shared>>
      %dma_wait3A_533 = arith.constant 0 : i32
      %dma_wait3A_534 = tpu.memref_slice %arg16[%dma_wait3A_533] : memref<10240xf32, #tpu.memory_space<vmem_shared>> -> memref<112xf32, #tpu.memory_space<vmem_shared>>
      %dma_wait3A_535 = arith.constant 0 : i32
      %dma_wait3A_536 = tpu.memref_slice %arg14[%dma_wait3A_535] : memref<128xf32, #tpu.memory_space<vmem>> -> memref<112xf32, #tpu.memory_space<vmem>>
      tpu.wait_dma2 semaphore(%arg23 : memref<!tpu.dma_semaphore, #tpu.memory_space<semaphore_mem>>) src(%dma_wait3A_536 : memref<112xf32, #tpu.memory_space<vmem>>) dst(%dma_wait3A_534 : memref<112xf32, #tpu.memory_space<vmem_shared>>)
      %dma_start3A_537 = arith.constant 0 : i32
      %dma_start3A_538 = arith.constant 0 : i32
      %dma_start3A_539 = tpu.memref_slice %arg9[%dma_start3A_537, %dma_start3A_538] : memref<6x128xi32, #tpu.memory_space<vmem>> -> memref<1x112xi32, #tpu.memory_space<vmem>>
      %dma_start3A_540 = tpu.memref_squeeze %dma_start3A_539 : memref<1x112xi32, #tpu.memory_space<vmem>> -> memref<112xi32, #tpu.memory_space<vmem>>
      %dma_start3A_541 = arith.constant 0 : i32
      %dma_start3A_542 = arith.constant 0 : i32
      %dma_start3A_543 = tpu.memref_slice %arg2[%dma_start3A_541, %dma_start3A_542] : memref<10240x128xf32, #tpu.memory_space<hbm>> -> memref<10240x128xf32, #tpu.memory_space<hbm>>
      tpu.enqueue_indirect_dma source(%dma_start3A_543 : memref<10240x128xf32, #tpu.memory_space<hbm>>) target(%arg11 : memref<112x128xf32, #tpu.memory_space<vmem>>) offsets(%dma_start3A_540 : memref<112xi32, #tpu.memory_space<vmem>>) semaphore(%arg17 : memref<!tpu.dma_semaphore, #tpu.memory_space<semaphore_mem>>)
      %dma_wait3A_544 = arith.constant 0 : i32
      %dma_wait3A_545 = arith.constant 0 : i32
      %dma_wait3A_546 = tpu.memref_slice %arg15[%dma_wait3A_544, %dma_wait3A_545] : memref<10240x128xf32, #tpu.memory_space<vmem_shared>> -> memref<112x128xf32, #tpu.memory_space<vmem_shared>>
      %dma_wait3A_547 = arith.constant 0 : i32
      %dma_wait3A_548 = arith.constant 0 : i32
      %dma_wait3A_549 = tpu.memref_slice %arg15[%dma_wait3A_547, %dma_wait3A_548] : memref<10240x128xf32, #tpu.memory_space<vmem_shared>> -> memref<112x128xf32, #tpu.memory_space<vmem_shared>>
      tpu.wait_dma2 semaphore(%arg21 : memref<!tpu.dma_semaphore, #tpu.memory_space<semaphore_mem>>) src(%arg12 : memref<112x128xf32, #tpu.memory_space<vmem>>) dst(%dma_wait3A_549 : memref<112x128xf32, #tpu.memory_space<vmem_shared>>)
      %dma_wait3A_550 = arith.constant 0 : i32
      %dma_wait3A_551 = tpu.memref_slice %arg14[%dma_wait3A_550] : memref<128xf32, #tpu.memory_space<vmem>> -> memref<112xf32, #tpu.memory_space<vmem>>
      %dma_wait3A_552 = arith.constant 0 : i32
      %dma_wait3A_553 = tpu.memref_slice %arg16[%dma_wait3A_552] : memref<10240xf32, #tpu.memory_space<vmem_shared>> -> memref<112xf32, #tpu.memory_space<vmem_shared>>
      %dma_wait3A_554 = arith.constant 0 : i32
      %dma_wait3A_555 = tpu.memref_slice %arg16[%dma_wait3A_554] : memref<10240xf32, #tpu.memory_space<vmem_shared>> -> memref<112xf32, #tpu.memory_space<vmem_shared>>
      %dma_wait3A_556 = arith.constant 0 : i32
      %dma_wait3A_557 = tpu.memref_slice %arg14[%dma_wait3A_556] : memref<128xf32, #tpu.memory_space<vmem>> -> memref<112xf32, #tpu.memory_space<vmem>>
      tpu.wait_dma2 semaphore(%arg24 : memref<!tpu.dma_semaphore, #tpu.memory_space<semaphore_mem>>) src(%dma_wait3A_557 : memref<112xf32, #tpu.memory_space<vmem>>) dst(%dma_wait3A_555 : memref<112xf32, #tpu.memory_space<vmem_shared>>)
      %dma_start3A_558 = arith.constant 1 : i32
      %dma_start3A_559 = arith.constant 0 : i32
      %dma_start3A_560 = tpu.memref_slice %arg9[%dma_start3A_558, %dma_start3A_559] : memref<6x128xi32, #tpu.memory_space<vmem>> -> memref<1x112xi32, #tpu.memory_space<vmem>>
      %dma_start3A_561 = tpu.memref_squeeze %dma_start3A_560 : memref<1x112xi32, #tpu.memory_space<vmem>> -> memref<112xi32, #tpu.memory_space<vmem>>
      %dma_start3A_562 = arith.constant 0 : i32
      %dma_start3A_563 = arith.constant 0 : i32
      %dma_start3A_564 = tpu.memref_slice %arg2[%dma_start3A_562, %dma_start3A_563] : memref<10240x128xf32, #tpu.memory_space<hbm>> -> memref<10240x128xf32, #tpu.memory_space<hbm>>
      tpu.enqueue_indirect_dma source(%dma_start3A_564 : memref<10240x128xf32, #tpu.memory_space<hbm>>) target(%arg12 : memref<112x128xf32, #tpu.memory_space<vmem>>) offsets(%dma_start3A_561 : memref<112xi32, #tpu.memory_space<vmem>>) semaphore(%arg18 : memref<!tpu.dma_semaphore, #tpu.memory_space<semaphore_mem>>)
      %dma_wait3A_565 = arith.constant 0 : i32
      %dma_wait3A_566 = arith.constant 0 : i32
      %dma_wait3A_567 = tpu.memref_slice %arg15[%dma_wait3A_565, %dma_wait3A_566] : memref<10240x128xf32, #tpu.memory_space<vmem_shared>> -> memref<112x128xf32, #tpu.memory_space<vmem_shared>>
      %dma_wait3A_568 = arith.constant 0 : i32
      %dma_wait3A_569 = arith.constant 0 : i32
      %dma_wait3A_570 = tpu.memref_slice %arg15[%dma_wait3A_568, %dma_wait3A_569] : memref<10240x128xf32, #tpu.memory_space<vmem_shared>> -> memref<112x128xf32, #tpu.memory_space<vmem_shared>>
      tpu.wait_dma2 semaphore(%arg22 : memref<!tpu.dma_semaphore, #tpu.memory_space<semaphore_mem>>) src(%arg13 : memref<112x128xf32, #tpu.memory_space<vmem>>) dst(%dma_wait3A_570 : memref<112x128xf32, #tpu.memory_space<vmem_shared>>)
      %dma_wait3A_571 = arith.constant 0 : i32
      %dma_wait3A_572 = tpu.memref_slice %arg14[%dma_wait3A_571] : memref<128xf32, #tpu.memory_space<vmem>> -> memref<112xf32, #tpu.memory_space<vmem>>
      %dma_wait3A_573 = arith.constant 0 : i32
      %dma_wait3A_574 = tpu.memref_slice %arg16[%dma_wait3A_573] : memref<10240xf32, #tpu.memory_space<vmem_shared>> -> memref<112xf32, #tpu.memory_space<vmem_shared>>
      %dma_wait3A_575 = arith.constant 0 : i32
      %dma_wait3A_576 = tpu.memref_slice %arg16[%dma_wait3A_575] : memref<10240xf32, #tpu.memory_space<vmem_shared>> -> memref<112xf32, #tpu.memory_space<vmem_shared>>
      %dma_wait3A_577 = arith.constant 0 : i32
      %dma_wait3A_578 = tpu.memref_slice %arg14[%dma_wait3A_577] : memref<128xf32, #tpu.memory_space<vmem>> -> memref<112xf32, #tpu.memory_space<vmem>>
      tpu.wait_dma2 semaphore(%arg25 : memref<!tpu.dma_semaphore, #tpu.memory_space<semaphore_mem>>) src(%dma_wait3A_578 : memref<112xf32, #tpu.memory_space<vmem>>) dst(%dma_wait3A_576 : memref<112xf32, #tpu.memory_space<vmem_shared>>)
      %dma_start3A_579 = arith.constant 2 : i32
      %dma_start3A_580 = arith.constant 0 : i32
      %dma_start3A_581 = tpu.memref_slice %arg9[%dma_start3A_579, %dma_start3A_580] : memref<6x128xi32, #tpu.memory_space<vmem>> -> memref<1x112xi32, #tpu.memory_space<vmem>>
      %dma_start3A_582 = tpu.memref_squeeze %dma_start3A_581 : memref<1x112xi32, #tpu.memory_space<vmem>> -> memref<112xi32, #tpu.memory_space<vmem>>
      %dma_start3A_583 = arith.constant 0 : i32
      %dma_start3A_584 = arith.constant 0 : i32
      %dma_start3A_585 = tpu.memref_slice %arg2[%dma_start3A_583, %dma_start3A_584] : memref<10240x128xf32, #tpu.memory_space<hbm>> -> memref<10240x128xf32, #tpu.memory_space<hbm>>
      tpu.enqueue_indirect_dma source(%dma_start3A_585 : memref<10240x128xf32, #tpu.memory_space<hbm>>) target(%arg13 : memref<112x128xf32, #tpu.memory_space<vmem>>) offsets(%dma_start3A_582 : memref<112xi32, #tpu.memory_space<vmem>>) semaphore(%arg19 : memref<!tpu.dma_semaphore, #tpu.memory_space<semaphore_mem>>)
      %add3A_586 = arith.constant 2 : i32
      %add3A_587 = arith.addi %add3A_429, %add3A_586 : i32
      %lt3A_588 = arith.constant 30 : i32
      %lt3A_589 = arith.cmpi slt, %add3A_587, %lt3A_588 : i32
      %add3A_590 = arith.constant 2 : i32
      %add3A_591 = arith.addi %add3A_429, %add3A_590 : i32
      %jit3A_592 = arith.constant 0 : i32
      %select_n3A_593 = arith.select %lt3A_589, %add3A_591, %jit3A_592 : i32
      %add3A_594 = arith.addi %mul3A_2, %select_n3A_593 : i32
      %dma_start3A_595 = arith.constant 3 : i32
      %dma_start3A_596 = arith.constant 0 : i32
      %dma_start3A_597 = tpu.memref_slice %arg9[%dma_start3A_595, %dma_start3A_596] : memref<6x128xi32, #tpu.memory_space<vmem>> -> memref<3x128xi32, #tpu.memory_space<vmem>>
      %dma_start3A_598 = arith.constant 0 : i32
      %dma_start3A_599 = arith.constant 0 : i32
      %dma_start3A_600 = tpu.memref_slice %arg3[%add3A_594, %dma_start3A_598, %dma_start3A_599] : memref<960x3x128xi32, #tpu.memory_space<hbm>> -> memref<1x3x128xi32, #tpu.memory_space<hbm>>
      %dma_start3A_601 = tpu.memref_squeeze %dma_start3A_600 : memref<1x3x128xi32, #tpu.memory_space<hbm>> -> memref<3x128xi32, #tpu.memory_space<hbm>>
      %dma_start3A_602 = arith.constant 3 : i32
      %dma_start3A_603 = arith.constant 0 : i32
      %dma_start3A_604 = tpu.memref_slice %arg9[%dma_start3A_602, %dma_start3A_603] : memref<6x128xi32, #tpu.memory_space<vmem>> -> memref<3x128xi32, #tpu.memory_space<vmem>>
      %dma_start3A_605 = arith.constant 0 : i32
      %dma_start3A_606 = arith.constant 0 : i32
      %dma_start3A_607 = tpu.memref_slice %arg3[%add3A_594, %dma_start3A_605, %dma_start3A_606] : memref<960x3x128xi32, #tpu.memory_space<hbm>> -> memref<1x3x128xi32, #tpu.memory_space<hbm>>
      %dma_start3A_608 = tpu.memref_squeeze %dma_start3A_607 : memref<1x3x128xi32, #tpu.memory_space<hbm>> -> memref<3x128xi32, #tpu.memory_space<hbm>>
      tpu.enqueue_dma source(%dma_start3A_608 : memref<3x128xi32, #tpu.memory_space<hbm>>) target(%dma_start3A_604 : memref<3x128xi32, #tpu.memory_space<vmem>>) target_semaphore(%arg27 : memref<!tpu.dma_semaphore, #tpu.memory_space<semaphore_mem>>)
      %add3A_609 = arith.addi %mul3A_2, %select_n3A_593 : i32
      %dma_start3A_610 = arith.constant 3 : i32
      %dma_start3A_611 = arith.constant 0 : i32
      %dma_start3A_612 = tpu.memref_slice %arg10[%dma_start3A_610, %dma_start3A_611] : memref<6x128xi32, #tpu.memory_space<vmem>> -> memref<3x128xi32, #tpu.memory_space<vmem>>
      %dma_start3A_613 = arith.constant 0 : i32
      %dma_start3A_614 = arith.constant 0 : i32
      %dma_start3A_615 = tpu.memref_slice %arg4[%add3A_609, %dma_start3A_613, %dma_start3A_614] : memref<960x3x128xi32, #tpu.memory_space<hbm>> -> memref<1x3x128xi32, #tpu.memory_space<hbm>>
      %dma_start3A_616 = tpu.memref_squeeze %dma_start3A_615 : memref<1x3x128xi32, #tpu.memory_space<hbm>> -> memref<3x128xi32, #tpu.memory_space<hbm>>
      %dma_start3A_617 = arith.constant 3 : i32
      %dma_start3A_618 = arith.constant 0 : i32
      %dma_start3A_619 = tpu.memref_slice %arg10[%dma_start3A_617, %dma_start3A_618] : memref<6x128xi32, #tpu.memory_space<vmem>> -> memref<3x128xi32, #tpu.memory_space<vmem>>
      %dma_start3A_620 = arith.constant 0 : i32
      %dma_start3A_621 = arith.constant 0 : i32
      %dma_start3A_622 = tpu.memref_slice %arg4[%add3A_609, %dma_start3A_620, %dma_start3A_621] : memref<960x3x128xi32, #tpu.memory_space<hbm>> -> memref<1x3x128xi32, #tpu.memory_space<hbm>>
      %dma_start3A_623 = tpu.memref_squeeze %dma_start3A_622 : memref<1x3x128xi32, #tpu.memory_space<hbm>> -> memref<3x128xi32, #tpu.memory_space<hbm>>
      tpu.enqueue_dma source(%dma_start3A_623 : memref<3x128xi32, #tpu.memory_space<hbm>>) target(%dma_start3A_619 : memref<3x128xi32, #tpu.memory_space<vmem>>) target_semaphore(%arg29 : memref<!tpu.dma_semaphore, #tpu.memory_space<semaphore_mem>>)
    }
    %scan3A_159 = arith.constant 15 : i32
    %dma_wait3A_160 = arith.constant 0 : i32
    %dma_wait3A_161 = arith.constant 0 : i32
    %dma_wait3A_162 = tpu.memref_slice %arg2[%dma_wait3A_160, %dma_wait3A_161] : memref<10240x128xf32, #tpu.memory_space<hbm>> -> memref<112x128xf32, #tpu.memory_space<hbm>>
    %dma_wait3A_163 = arith.constant 0 : i32
    %dma_wait3A_164 = arith.constant 0 : i32
    %dma_wait3A_165 = tpu.memref_slice %arg2[%dma_wait3A_163, %dma_wait3A_164] : memref<10240x128xf32, #tpu.memory_space<hbm>> -> memref<112x128xf32, #tpu.memory_space<hbm>>
    tpu.wait_dma2 semaphore(%arg17 : memref<!tpu.dma_semaphore, #tpu.memory_space<semaphore_mem>>) src(%dma_wait3A_165 : memref<112x128xf32, #tpu.memory_space<hbm>>) dst(%arg11 : memref<112x128xf32, #tpu.memory_space<vmem>>)
    %dma_wait3A_166 = arith.constant 0 : i32
    %dma_wait3A_167 = arith.constant 0 : i32
    %dma_wait3A_168 = tpu.memref_slice %arg2[%dma_wait3A_166, %dma_wait3A_167] : memref<10240x128xf32, #tpu.memory_space<hbm>> -> memref<112x128xf32, #tpu.memory_space<hbm>>
    %dma_wait3A_169 = arith.constant 0 : i32
    %dma_wait3A_170 = arith.constant 0 : i32
    %dma_wait3A_171 = tpu.memref_slice %arg2[%dma_wait3A_169, %dma_wait3A_170] : memref<10240x128xf32, #tpu.memory_space<hbm>> -> memref<112x128xf32, #tpu.memory_space<hbm>>
    tpu.wait_dma2 semaphore(%arg18 : memref<!tpu.dma_semaphore, #tpu.memory_space<semaphore_mem>>) src(%dma_wait3A_171 : memref<112x128xf32, #tpu.memory_space<hbm>>) dst(%arg12 : memref<112x128xf32, #tpu.memory_space<vmem>>)
    %dma_wait3A_172 = arith.constant 0 : i32
    %dma_wait3A_173 = arith.constant 0 : i32
    %dma_wait3A_174 = tpu.memref_slice %arg2[%dma_wait3A_172, %dma_wait3A_173] : memref<10240x128xf32, #tpu.memory_space<hbm>> -> memref<112x128xf32, #tpu.memory_space<hbm>>
    %dma_wait3A_175 = arith.constant 0 : i32
    %dma_wait3A_176 = arith.constant 0 : i32
    %dma_wait3A_177 = tpu.memref_slice %arg2[%dma_wait3A_175, %dma_wait3A_176] : memref<10240x128xf32, #tpu.memory_space<hbm>> -> memref<112x128xf32, #tpu.memory_space<hbm>>
    tpu.wait_dma2 semaphore(%arg19 : memref<!tpu.dma_semaphore, #tpu.memory_space<semaphore_mem>>) src(%dma_wait3A_177 : memref<112x128xf32, #tpu.memory_space<hbm>>) dst(%arg13 : memref<112x128xf32, #tpu.memory_space<vmem>>)
    %dma_wait3A_178 = arith.constant 0 : i32
    %dma_wait3A_179 = arith.constant 0 : i32
    %dma_wait3A_180 = arith.constant 0 : i32
    %dma_wait3A_181 = tpu.memref_slice %arg9[%dma_wait3A_179, %dma_wait3A_180] : memref<6x128xi32, #tpu.memory_space<vmem>> -> memref<3x128xi32, #tpu.memory_space<vmem>>
    %dma_wait3A_182 = arith.constant 0 : i32
    %dma_wait3A_183 = arith.constant 0 : i32
    %dma_wait3A_184 = tpu.memref_slice %arg3[%dma_wait3A_178, %dma_wait3A_182, %dma_wait3A_183] : memref<960x3x128xi32, #tpu.memory_space<hbm>> -> memref<1x3x128xi32, #tpu.memory_space<hbm>>
    %dma_wait3A_185 = tpu.memref_squeeze %dma_wait3A_184 : memref<1x3x128xi32, #tpu.memory_space<hbm>> -> memref<3x128xi32, #tpu.memory_space<hbm>>
    %dma_wait3A_186 = arith.constant 0 : i32
    %dma_wait3A_187 = arith.constant 0 : i32
    %dma_wait3A_188 = tpu.memref_slice %arg9[%dma_wait3A_186, %dma_wait3A_187] : memref<6x128xi32, #tpu.memory_space<vmem>> -> memref<3x128xi32, #tpu.memory_space<vmem>>
    %dma_wait3A_189 = arith.constant 0 : i32
    %dma_wait3A_190 = arith.constant 0 : i32
    %dma_wait3A_191 = tpu.memref_slice %arg3[%dma_wait3A_178, %dma_wait3A_189, %dma_wait3A_190] : memref<960x3x128xi32, #tpu.memory_space<hbm>> -> memref<1x3x128xi32, #tpu.memory_space<hbm>>
    %dma_wait3A_192 = tpu.memref_squeeze %dma_wait3A_191 : memref<1x3x128xi32, #tpu.memory_space<hbm>> -> memref<3x128xi32, #tpu.memory_space<hbm>>
    tpu.wait_dma2 semaphore(%arg27 : memref<!tpu.dma_semaphore, #tpu.memory_space<semaphore_mem>>) src(%dma_wait3A_192 : memref<3x128xi32, #tpu.memory_space<hbm>>) dst(%dma_wait3A_188 : memref<3x128xi32, #tpu.memory_space<vmem>>)
    %dma_wait3A_193 = arith.constant 0 : i32
    %dma_wait3A_194 = arith.constant 0 : i32
    %dma_wait3A_195 = arith.constant 0 : i32
    %dma_wait3A_196 = tpu.memref_slice %arg9[%dma_wait3A_194, %dma_wait3A_195] : memref<6x128xi32, #tpu.memory_space<vmem>> -> memref<3x128xi32, #tpu.memory_space<vmem>>
    %dma_wait3A_197 = arith.constant 0 : i32
    %dma_wait3A_198 = arith.constant 0 : i32
    %dma_wait3A_199 = tpu.memref_slice %arg3[%dma_wait3A_193, %dma_wait3A_197, %dma_wait3A_198] : memref<960x3x128xi32, #tpu.memory_space<hbm>> -> memref<1x3x128xi32, #tpu.memory_space<hbm>>
    %dma_wait3A_200 = tpu.memref_squeeze %dma_wait3A_199 : memref<1x3x128xi32, #tpu.memory_space<hbm>> -> memref<3x128xi32, #tpu.memory_space<hbm>>
    %dma_wait3A_201 = arith.constant 0 : i32
    %dma_wait3A_202 = arith.constant 0 : i32
    %dma_wait3A_203 = tpu.memref_slice %arg9[%dma_wait3A_201, %dma_wait3A_202] : memref<6x128xi32, #tpu.memory_space<vmem>> -> memref<3x128xi32, #tpu.memory_space<vmem>>
    %dma_wait3A_204 = arith.constant 0 : i32
    %dma_wait3A_205 = arith.constant 0 : i32
    %dma_wait3A_206 = tpu.memref_slice %arg3[%dma_wait3A_193, %dma_wait3A_204, %dma_wait3A_205] : memref<960x3x128xi32, #tpu.memory_space<hbm>> -> memref<1x3x128xi32, #tpu.memory_space<hbm>>
    %dma_wait3A_207 = tpu.memref_squeeze %dma_wait3A_206 : memref<1x3x128xi32, #tpu.memory_space<hbm>> -> memref<3x128xi32, #tpu.memory_space<hbm>>
    tpu.wait_dma2 semaphore(%arg28 : memref<!tpu.dma_semaphore, #tpu.memory_space<semaphore_mem>>) src(%dma_wait3A_207 : memref<3x128xi32, #tpu.memory_space<hbm>>) dst(%dma_wait3A_203 : memref<3x128xi32, #tpu.memory_space<vmem>>)
    %dma_wait3A_208 = arith.constant 0 : i32
    %dma_wait3A_209 = arith.constant 0 : i32
    %dma_wait3A_210 = arith.constant 0 : i32
    %dma_wait3A_211 = tpu.memref_slice %arg9[%dma_wait3A_209, %dma_wait3A_210] : memref<6x128xi32, #tpu.memory_space<vmem>> -> memref<3x128xi32, #tpu.memory_space<vmem>>
    %dma_wait3A_212 = arith.constant 0 : i32
    %dma_wait3A_213 = arith.constant 0 : i32
    %dma_wait3A_214 = tpu.memref_slice %arg3[%dma_wait3A_208, %dma_wait3A_212, %dma_wait3A_213] : memref<960x3x128xi32, #tpu.memory_space<hbm>> -> memref<1x3x128xi32, #tpu.memory_space<hbm>>
    %dma_wait3A_215 = tpu.memref_squeeze %dma_wait3A_214 : memref<1x3x128xi32, #tpu.memory_space<hbm>> -> memref<3x128xi32, #tpu.memory_space<hbm>>
    %dma_wait3A_216 = arith.constant 0 : i32
    %dma_wait3A_217 = arith.constant 0 : i32
    %dma_wait3A_218 = tpu.memref_slice %arg9[%dma_wait3A_216, %dma_wait3A_217] : memref<6x128xi32, #tpu.memory_space<vmem>> -> memref<3x128xi32, #tpu.memory_space<vmem>>
    %dma_wait3A_219 = arith.constant 0 : i32
    %dma_wait3A_220 = arith.constant 0 : i32
    %dma_wait3A_221 = tpu.memref_slice %arg3[%dma_wait3A_208, %dma_wait3A_219, %dma_wait3A_220] : memref<960x3x128xi32, #tpu.memory_space<hbm>> -> memref<1x3x128xi32, #tpu.memory_space<hbm>>
    %dma_wait3A_222 = tpu.memref_squeeze %dma_wait3A_221 : memref<1x3x128xi32, #tpu.memory_space<hbm>> -> memref<3x128xi32, #tpu.memory_space<hbm>>
    tpu.wait_dma2 semaphore(%arg29 : memref<!tpu.dma_semaphore, #tpu.memory_space<semaphore_mem>>) src(%dma_wait3A_222 : memref<3x128xi32, #tpu.memory_space<hbm>>) dst(%dma_wait3A_218 : memref<3x128xi32, #tpu.memory_space<vmem>>)
    %barrier3A_223 = arith.constant 0 : index
    tpu.barrier barrier_id(%barrier3A_223)
    %mul3A_224 = arith.constant 640 : i32
    %mul3A_225 = arith.muli %arg1, %mul3A_224 : i32
    %mul3A_226 = arith.constant 640 : i32
    %mul3A_227 = arith.muli %arg1, %mul3A_226 : i32
    "tpu.region"() ({
      %run_scoped3A = tpu.sem_alloc : memref<!tpu.dma_semaphore, #tpu.memory_space<semaphore_mem>>
      %dma_start3A_232 = arith.constant 0 : i32
      %dma_start3A_233 = tpu.memref_slice %arg7[%arg0, %mul3A_227, %dma_start3A_232] : memref<2x10240x128xf32, #tpu.memory_space<hbm>> -> memref<1x640x128xf32, #tpu.memory_space<hbm>>
      %dma_start3A_234 = tpu.memref_squeeze %dma_start3A_233 : memref<1x640x128xf32, #tpu.memory_space<hbm>> -> memref<640x128xf32, #tpu.memory_space<hbm>>
      %dma_start3A_235 = arith.constant 0 : i32
      %dma_start3A_236 = tpu.memref_slice %arg15[%mul3A_225, %dma_start3A_235] : memref<10240x128xf32, #tpu.memory_space<vmem_shared>> -> memref<640x128xf32, #tpu.memory_space<vmem_shared>>
      tpu.enqueue_dma source(%dma_start3A_236 : memref<640x128xf32, #tpu.memory_space<vmem_shared>>) target(%dma_start3A_234 : memref<640x128xf32, #tpu.memory_space<hbm>>) target_semaphore(%run_scoped3A : memref<!tpu.dma_semaphore, #tpu.memory_space<semaphore_mem>>)
      %dma_wait3A_237 = arith.constant 0 : i32
      %dma_wait3A_238 = tpu.memref_slice %arg7[%arg0, %mul3A_227, %dma_wait3A_237] : memref<2x10240x128xf32, #tpu.memory_space<hbm>> -> memref<1x640x128xf32, #tpu.memory_space<hbm>>
      %dma_wait3A_239 = tpu.memref_squeeze %dma_wait3A_238 : memref<1x640x128xf32, #tpu.memory_space<hbm>> -> memref<640x128xf32, #tpu.memory_space<hbm>>
      %dma_wait3A_240 = arith.constant 0 : i32
      %dma_wait3A_241 = tpu.memref_slice %arg15[%mul3A_225, %dma_wait3A_240] : memref<10240x128xf32, #tpu.memory_space<vmem_shared>> -> memref<640x128xf32, #tpu.memory_space<vmem_shared>>
      tpu.wait_dma2 semaphore(%run_scoped3A : memref<!tpu.dma_semaphore, #tpu.memory_space<semaphore_mem>>) src(%dma_wait3A_241 : memref<640x128xf32, #tpu.memory_space<vmem_shared>>) dst(%dma_wait3A_239 : memref<640x128xf32, #tpu.memory_space<hbm>>)
      tpu.yield
    }) : () -> ()
    %mul3A_228 = arith.constant 640 : i32
    %mul3A_229 = arith.muli %arg1, %mul3A_228 : i32
    %mul3A_230 = arith.constant 640 : i32
    %mul3A_231 = arith.muli %arg1, %mul3A_230 : i32
    "tpu.region"() ({
      %run_scoped3A = tpu.sem_alloc : memref<!tpu.dma_semaphore, #tpu.memory_space<semaphore_mem>>
      %dma_start3A_232 = tpu.memref_slice %arg8[%arg0, %mul3A_231] : memref<2x10240xf32, #tpu.memory_space<hbm>> -> memref<1x640xf32, #tpu.memory_space<hbm>>
      %dma_start3A_233 = tpu.memref_squeeze %dma_start3A_232 : memref<1x640xf32, #tpu.memory_space<hbm>> -> memref<640xf32, #tpu.memory_space<hbm>>
      %dma_start3A_234 = tpu.memref_slice %arg16[%mul3A_229] : memref<10240xf32, #tpu.memory_space<vmem_shared>> -> memref<640xf32, #tpu.memory_space<vmem_shared>>
      tpu.enqueue_dma source(%dma_start3A_234 : memref<640xf32, #tpu.memory_space<vmem_shared>>) target(%dma_start3A_233 : memref<640xf32, #tpu.memory_space<hbm>>) target_semaphore(%run_scoped3A : memref<!tpu.dma_semaphore, #tpu.memory_space<semaphore_mem>>)
      %dma_wait3A_235 = tpu.memref_slice %arg8[%arg0, %mul3A_231] : memref<2x10240xf32, #tpu.memory_space<hbm>> -> memref<1x640xf32, #tpu.memory_space<hbm>>
      %dma_wait3A_236 = tpu.memref_squeeze %dma_wait3A_235 : memref<1x640xf32, #tpu.memory_space<hbm>> -> memref<640xf32, #tpu.memory_space<hbm>>
      %dma_wait3A_237 = tpu.memref_slice %arg16[%mul3A_229] : memref<10240xf32, #tpu.memory_space<vmem_shared>> -> memref<640xf32, #tpu.memory_space<vmem_shared>>
      tpu.wait_dma2 semaphore(%run_scoped3A : memref<!tpu.dma_semaphore, #tpu.memory_space<semaphore_mem>>) src(%dma_wait3A_237 : memref<640xf32, #tpu.memory_space<vmem_shared>>) dst(%dma_wait3A_236 : memref<640xf32, #tpu.memory_space<hbm>>)
      tpu.yield
    }) : () -> ()
    return
  }
}

#map = affine_map<(d0, d1) -> (0, 0)>
#map1 = affine_map<(d0, d1) -> (0, 0, 0)>
module attributes {stable_mosaic.version = 14 : i64} {
  func.func @body(%arg0: i32, %arg1: i32, %arg2: memref<10240x128xf32, #tpu.memory_space<hbm>>, %arg3: memref<960x3x128xi32, #tpu.memory_space<hbm>>, %arg4: memref<960x3x128xi32, #tpu.memory_space<hbm>>, %arg5: memref<10240x128xf32, #tpu.memory_space<hbm>>, %arg6: memref<2x10240x128xf32, #tpu.memory_space<hbm>>, %arg7: memref<6x128xi32, #tpu.memory_space<vmem>>, %arg8: memref<6x128xi32, #tpu.memory_space<vmem>>, %arg9: memref<112x128xf32, #tpu.memory_space<vmem>>, %arg10: memref<112x128xf32, #tpu.memory_space<vmem>>, %arg11: memref<112x128xf32, #tpu.memory_space<vmem>>, %arg12: memref<10240x128xf32, #tpu.memory_space<vmem_shared>>, %arg13: memref<!tpu.dma_semaphore, #tpu.memory_space<semaphore_mem>>, %arg14: memref<!tpu.dma_semaphore, #tpu.memory_space<semaphore_mem>>, %arg15: memref<!tpu.dma_semaphore, #tpu.memory_space<semaphore_mem>>, %arg16: memref<!tpu.dma_semaphore, #tpu.memory_space<semaphore_mem>>, %arg17: memref<!tpu.dma_semaphore, #tpu.memory_space<semaphore_mem>>, %arg18: memref<!tpu.dma_semaphore, #tpu.memory_space<semaphore_mem>>, %arg19: memref<!tpu.dma_semaphore, #tpu.memory_space<semaphore_mem>>, %arg20: memref<!tpu.dma_semaphore, #tpu.memory_space<semaphore_mem>>, %arg21: memref<!tpu.dma_semaphore, #tpu.memory_space<semaphore_mem>>, %arg22: memref<!tpu.dma_semaphore, #tpu.memory_space<semaphore_mem>>) attributes {dimension_semantics = [#tpu.dimension_semantics<core_parallel>, #tpu.dimension_semantics<subcore_parallel>], iteration_bounds = array<i64: 2, 16>, scalar_prefetch = 0 : i64, scratch_operands = 16 : i64, tpu.core_type = #tpu.core_type<sc_vector_subcore>, window_params = [{transform_indices = #map}, {transform_indices = #map1}, {transform_indices = #map1}, {transform_indices = #map}, {transform_indices = #map1}]} {
    %mul3A = arith.constant 16 : i32
    %mul3A_0 = arith.muli %arg0, %mul3A : i32
    %add3A = arith.addi %mul3A_0, %arg1 : i32
    %mul3A_1 = arith.constant 30 : i32
    %mul3A_2 = arith.muli %add3A, %mul3A_1 : i32
    %mul3A_3 = arith.constant 640 : i32
    %mul3A_4 = arith.muli %arg1, %mul3A_3 : i32
    %mul3A_5 = arith.constant 640 : i32
    %mul3A_6 = arith.muli %arg1, %mul3A_5 : i32
    "tpu.region"() ({
      %run_scoped3A = tpu.sem_alloc : memref<!tpu.dma_semaphore, #tpu.memory_space<semaphore_mem>>
      %dma_start3A_178 = arith.constant 0 : i32
      %dma_start3A_179 = tpu.memref_slice %arg12[%mul3A_6, %dma_start3A_178] : memref<10240x128xf32, #tpu.memory_space<vmem_shared>> -> memref<640x128xf32, #tpu.memory_space<vmem_shared>>
      %dma_start3A_180 = arith.constant 0 : i32
      %dma_start3A_181 = tpu.memref_slice %arg5[%mul3A_4, %dma_start3A_180] : memref<10240x128xf32, #tpu.memory_space<hbm>> -> memref<640x128xf32, #tpu.memory_space<hbm>>
      tpu.enqueue_dma source(%dma_start3A_181 : memref<640x128xf32, #tpu.memory_space<hbm>>) target(%dma_start3A_179 : memref<640x128xf32, #tpu.memory_space<vmem_shared>>) target_semaphore(%run_scoped3A : memref<!tpu.dma_semaphore, #tpu.memory_space<semaphore_mem>>)
      %dma_wait3A_182 = arith.constant 0 : i32
      %dma_wait3A_183 = tpu.memref_slice %arg12[%mul3A_6, %dma_wait3A_182] : memref<10240x128xf32, #tpu.memory_space<vmem_shared>> -> memref<640x128xf32, #tpu.memory_space<vmem_shared>>
      %dma_wait3A_184 = arith.constant 0 : i32
      %dma_wait3A_185 = tpu.memref_slice %arg5[%mul3A_4, %dma_wait3A_184] : memref<10240x128xf32, #tpu.memory_space<hbm>> -> memref<640x128xf32, #tpu.memory_space<hbm>>
      tpu.wait_dma2 semaphore(%run_scoped3A : memref<!tpu.dma_semaphore, #tpu.memory_space<semaphore_mem>>) src(%dma_wait3A_185 : memref<640x128xf32, #tpu.memory_space<hbm>>) dst(%dma_wait3A_183 : memref<640x128xf32, #tpu.memory_space<vmem_shared>>)
      tpu.yield
    }) : () -> ()
    %barrier3A = arith.constant 0 : index
    tpu.barrier barrier_id(%barrier3A)
    %add3A_7 = arith.constant 0 : i32
    %add3A_8 = arith.addi %mul3A_2, %add3A_7 : i32
    %dma_start3A = arith.constant 0 : i32
    %dma_start3A_9 = arith.constant 0 : i32
    %dma_start3A_10 = tpu.memref_slice %arg7[%dma_start3A, %dma_start3A_9] : memref<6x128xi32, #tpu.memory_space<vmem>> -> memref<3x128xi32, #tpu.memory_space<vmem>>
    %dma_start3A_11 = arith.constant 0 : i32
    %dma_start3A_12 = arith.constant 0 : i32
    %dma_start3A_13 = tpu.memref_slice %arg3[%add3A_8, %dma_start3A_11, %dma_start3A_12] : memref<960x3x128xi32, #tpu.memory_space<hbm>> -> memref<1x3x128xi32, #tpu.memory_space<hbm>>
    %dma_start3A_14 = tpu.memref_squeeze %dma_start3A_13 : memref<1x3x128xi32, #tpu.memory_space<hbm>> -> memref<3x128xi32, #tpu.memory_space<hbm>>
    %dma_start3A_15 = arith.constant 0 : i32
    %dma_start3A_16 = arith.constant 0 : i32
    %dma_start3A_17 = tpu.memref_slice %arg7[%dma_start3A_15, %dma_start3A_16] : memref<6x128xi32, #tpu.memory_space<vmem>> -> memref<3x128xi32, #tpu.memory_space<vmem>>
    %dma_start3A_18 = arith.constant 0 : i32
    %dma_start3A_19 = arith.constant 0 : i32
    %dma_start3A_20 = tpu.memref_slice %arg3[%add3A_8, %dma_start3A_18, %dma_start3A_19] : memref<960x3x128xi32, #tpu.memory_space<hbm>> -> memref<1x3x128xi32, #tpu.memory_space<hbm>>
    %dma_start3A_21 = tpu.memref_squeeze %dma_start3A_20 : memref<1x3x128xi32, #tpu.memory_space<hbm>> -> memref<3x128xi32, #tpu.memory_space<hbm>>
    tpu.enqueue_dma source(%dma_start3A_21 : memref<3x128xi32, #tpu.memory_space<hbm>>) target(%dma_start3A_17 : memref<3x128xi32, #tpu.memory_space<vmem>>) target_semaphore(%arg19 : memref<!tpu.dma_semaphore, #tpu.memory_space<semaphore_mem>>)
    %add3A_22 = arith.constant 0 : i32
    %add3A_23 = arith.addi %mul3A_2, %add3A_22 : i32
    %dma_start3A_24 = arith.constant 0 : i32
    %dma_start3A_25 = arith.constant 0 : i32
    %dma_start3A_26 = tpu.memref_slice %arg8[%dma_start3A_24, %dma_start3A_25] : memref<6x128xi32, #tpu.memory_space<vmem>> -> memref<3x128xi32, #tpu.memory_space<vmem>>
    %dma_start3A_27 = arith.constant 0 : i32
    %dma_start3A_28 = arith.constant 0 : i32
    %dma_start3A_29 = tpu.memref_slice %arg4[%add3A_23, %dma_start3A_27, %dma_start3A_28] : memref<960x3x128xi32, #tpu.memory_space<hbm>> -> memref<1x3x128xi32, #tpu.memory_space<hbm>>
    %dma_start3A_30 = tpu.memref_squeeze %dma_start3A_29 : memref<1x3x128xi32, #tpu.memory_space<hbm>> -> memref<3x128xi32, #tpu.memory_space<hbm>>
    %dma_start3A_31 = arith.constant 0 : i32
    %dma_start3A_32 = arith.constant 0 : i32
    %dma_start3A_33 = tpu.memref_slice %arg8[%dma_start3A_31, %dma_start3A_32] : memref<6x128xi32, #tpu.memory_space<vmem>> -> memref<3x128xi32, #tpu.memory_space<vmem>>
    %dma_start3A_34 = arith.constant 0 : i32
    %dma_start3A_35 = arith.constant 0 : i32
    %dma_start3A_36 = tpu.memref_slice %arg4[%add3A_23, %dma_start3A_34, %dma_start3A_35] : memref<960x3x128xi32, #tpu.memory_space<hbm>> -> memref<1x3x128xi32, #tpu.memory_space<hbm>>
    %dma_start3A_37 = tpu.memref_squeeze %dma_start3A_36 : memref<1x3x128xi32, #tpu.memory_space<hbm>> -> memref<3x128xi32, #tpu.memory_space<hbm>>
    tpu.enqueue_dma source(%dma_start3A_37 : memref<3x128xi32, #tpu.memory_space<hbm>>) target(%dma_start3A_33 : memref<3x128xi32, #tpu.memory_space<vmem>>) target_semaphore(%arg21 : memref<!tpu.dma_semaphore, #tpu.memory_space<semaphore_mem>>)
    %add3A_38 = arith.constant 1 : i32
    %add3A_39 = arith.addi %mul3A_2, %add3A_38 : i32
    %dma_start3A_40 = arith.constant 3 : i32
    %dma_start3A_41 = arith.constant 0 : i32
    %dma_start3A_42 = tpu.memref_slice %arg7[%dma_start3A_40, %dma_start3A_41] : memref<6x128xi32, #tpu.memory_space<vmem>> -> memref<3x128xi32, #tpu.memory_space<vmem>>
    %dma_start3A_43 = arith.constant 0 : i32
    %dma_start3A_44 = arith.constant 0 : i32
    %dma_start3A_45 = tpu.memref_slice %arg3[%add3A_39, %dma_start3A_43, %dma_start3A_44] : memref<960x3x128xi32, #tpu.memory_space<hbm>> -> memref<1x3x128xi32, #tpu.memory_space<hbm>>
    %dma_start3A_46 = tpu.memref_squeeze %dma_start3A_45 : memref<1x3x128xi32, #tpu.memory_space<hbm>> -> memref<3x128xi32, #tpu.memory_space<hbm>>
    %dma_start3A_47 = arith.constant 3 : i32
    %dma_start3A_48 = arith.constant 0 : i32
    %dma_start3A_49 = tpu.memref_slice %arg7[%dma_start3A_47, %dma_start3A_48] : memref<6x128xi32, #tpu.memory_space<vmem>> -> memref<3x128xi32, #tpu.memory_space<vmem>>
    %dma_start3A_50 = arith.constant 0 : i32
    %dma_start3A_51 = arith.constant 0 : i32
    %dma_start3A_52 = tpu.memref_slice %arg3[%add3A_39, %dma_start3A_50, %dma_start3A_51] : memref<960x3x128xi32, #tpu.memory_space<hbm>> -> memref<1x3x128xi32, #tpu.memory_space<hbm>>
    %dma_start3A_53 = tpu.memref_squeeze %dma_start3A_52 : memref<1x3x128xi32, #tpu.memory_space<hbm>> -> memref<3x128xi32, #tpu.memory_space<hbm>>
    tpu.enqueue_dma source(%dma_start3A_53 : memref<3x128xi32, #tpu.memory_space<hbm>>) target(%dma_start3A_49 : memref<3x128xi32, #tpu.memory_space<vmem>>) target_semaphore(%arg20 : memref<!tpu.dma_semaphore, #tpu.memory_space<semaphore_mem>>)
    %add3A_54 = arith.constant 1 : i32
    %add3A_55 = arith.addi %mul3A_2, %add3A_54 : i32
    %dma_start3A_56 = arith.constant 3 : i32
    %dma_start3A_57 = arith.constant 0 : i32
    %dma_start3A_58 = tpu.memref_slice %arg8[%dma_start3A_56, %dma_start3A_57] : memref<6x128xi32, #tpu.memory_space<vmem>> -> memref<3x128xi32, #tpu.memory_space<vmem>>
    %dma_start3A_59 = arith.constant 0 : i32
    %dma_start3A_60 = arith.constant 0 : i32
    %dma_start3A_61 = tpu.memref_slice %arg4[%add3A_55, %dma_start3A_59, %dma_start3A_60] : memref<960x3x128xi32, #tpu.memory_space<hbm>> -> memref<1x3x128xi32, #tpu.memory_space<hbm>>
    %dma_start3A_62 = tpu.memref_squeeze %dma_start3A_61 : memref<1x3x128xi32, #tpu.memory_space<hbm>> -> memref<3x128xi32, #tpu.memory_space<hbm>>
    %dma_start3A_63 = arith.constant 3 : i32
    %dma_start3A_64 = arith.constant 0 : i32
    %dma_start3A_65 = tpu.memref_slice %arg8[%dma_start3A_63, %dma_start3A_64] : memref<6x128xi32, #tpu.memory_space<vmem>> -> memref<3x128xi32, #tpu.memory_space<vmem>>
    %dma_start3A_66 = arith.constant 0 : i32
    %dma_start3A_67 = arith.constant 0 : i32
    %dma_start3A_68 = tpu.memref_slice %arg4[%add3A_55, %dma_start3A_66, %dma_start3A_67] : memref<960x3x128xi32, #tpu.memory_space<hbm>> -> memref<1x3x128xi32, #tpu.memory_space<hbm>>
    %dma_start3A_69 = tpu.memref_squeeze %dma_start3A_68 : memref<1x3x128xi32, #tpu.memory_space<hbm>> -> memref<3x128xi32, #tpu.memory_space<hbm>>
    tpu.enqueue_dma source(%dma_start3A_69 : memref<3x128xi32, #tpu.memory_space<hbm>>) target(%dma_start3A_65 : memref<3x128xi32, #tpu.memory_space<vmem>>) target_semaphore(%arg22 : memref<!tpu.dma_semaphore, #tpu.memory_space<semaphore_mem>>)
    %dma_wait3A = arith.constant 0 : i32
    %dma_wait3A_70 = arith.constant 0 : i32
    %dma_wait3A_71 = arith.constant 0 : i32
    %dma_wait3A_72 = tpu.memref_slice %arg7[%dma_wait3A_70, %dma_wait3A_71] : memref<6x128xi32, #tpu.memory_space<vmem>> -> memref<3x128xi32, #tpu.memory_space<vmem>>
    %dma_wait3A_73 = arith.constant 0 : i32
    %dma_wait3A_74 = arith.constant 0 : i32
    %dma_wait3A_75 = tpu.memref_slice %arg3[%dma_wait3A, %dma_wait3A_73, %dma_wait3A_74] : memref<960x3x128xi32, #tpu.memory_space<hbm>> -> memref<1x3x128xi32, #tpu.memory_space<hbm>>
    %dma_wait3A_76 = tpu.memref_squeeze %dma_wait3A_75 : memref<1x3x128xi32, #tpu.memory_space<hbm>> -> memref<3x128xi32, #tpu.memory_space<hbm>>
    %dma_wait3A_77 = arith.constant 0 : i32
    %dma_wait3A_78 = arith.constant 0 : i32
    %dma_wait3A_79 = tpu.memref_slice %arg7[%dma_wait3A_77, %dma_wait3A_78] : memref<6x128xi32, #tpu.memory_space<vmem>> -> memref<3x128xi32, #tpu.memory_space<vmem>>
    %dma_wait3A_80 = arith.constant 0 : i32
    %dma_wait3A_81 = arith.constant 0 : i32
    %dma_wait3A_82 = tpu.memref_slice %arg3[%dma_wait3A, %dma_wait3A_80, %dma_wait3A_81] : memref<960x3x128xi32, #tpu.memory_space<hbm>> -> memref<1x3x128xi32, #tpu.memory_space<hbm>>
    %dma_wait3A_83 = tpu.memref_squeeze %dma_wait3A_82 : memref<1x3x128xi32, #tpu.memory_space<hbm>> -> memref<3x128xi32, #tpu.memory_space<hbm>>
    tpu.wait_dma2 semaphore(%arg19 : memref<!tpu.dma_semaphore, #tpu.memory_space<semaphore_mem>>) src(%dma_wait3A_83 : memref<3x128xi32, #tpu.memory_space<hbm>>) dst(%dma_wait3A_79 : memref<3x128xi32, #tpu.memory_space<vmem>>)
    %dma_start3A_84 = arith.constant 0 : i32
    %dma_start3A_85 = arith.constant 0 : i32
    %dma_start3A_86 = tpu.memref_slice %arg7[%dma_start3A_84, %dma_start3A_85] : memref<6x128xi32, #tpu.memory_space<vmem>> -> memref<1x112xi32, #tpu.memory_space<vmem>>
    %dma_start3A_87 = tpu.memref_squeeze %dma_start3A_86 : memref<1x112xi32, #tpu.memory_space<vmem>> -> memref<112xi32, #tpu.memory_space<vmem>>
    %dma_start3A_88 = arith.constant 0 : i32
    %dma_start3A_89 = arith.constant 0 : i32
    %dma_start3A_90 = tpu.memref_slice %arg2[%dma_start3A_88, %dma_start3A_89] : memref<10240x128xf32, #tpu.memory_space<hbm>> -> memref<10240x128xf32, #tpu.memory_space<hbm>>
    tpu.enqueue_indirect_dma source(%dma_start3A_90 : memref<10240x128xf32, #tpu.memory_space<hbm>>) target(%arg9 : memref<112x128xf32, #tpu.memory_space<vmem>>) offsets(%dma_start3A_87 : memref<112xi32, #tpu.memory_space<vmem>>) semaphore(%arg13 : memref<!tpu.dma_semaphore, #tpu.memory_space<semaphore_mem>>)
    %dma_start3A_91 = arith.constant 1 : i32
    %dma_start3A_92 = arith.constant 0 : i32
    %dma_start3A_93 = tpu.memref_slice %arg7[%dma_start3A_91, %dma_start3A_92] : memref<6x128xi32, #tpu.memory_space<vmem>> -> memref<1x112xi32, #tpu.memory_space<vmem>>
    %dma_start3A_94 = tpu.memref_squeeze %dma_start3A_93 : memref<1x112xi32, #tpu.memory_space<vmem>> -> memref<112xi32, #tpu.memory_space<vmem>>
    %dma_start3A_95 = arith.constant 0 : i32
    %dma_start3A_96 = arith.constant 0 : i32
    %dma_start3A_97 = tpu.memref_slice %arg2[%dma_start3A_95, %dma_start3A_96] : memref<10240x128xf32, #tpu.memory_space<hbm>> -> memref<10240x128xf32, #tpu.memory_space<hbm>>
    tpu.enqueue_indirect_dma source(%dma_start3A_97 : memref<10240x128xf32, #tpu.memory_space<hbm>>) target(%arg10 : memref<112x128xf32, #tpu.memory_space<vmem>>) offsets(%dma_start3A_94 : memref<112xi32, #tpu.memory_space<vmem>>) semaphore(%arg14 : memref<!tpu.dma_semaphore, #tpu.memory_space<semaphore_mem>>)
    %dma_start3A_98 = arith.constant 2 : i32
    %dma_start3A_99 = arith.constant 0 : i32
    %dma_start3A_100 = tpu.memref_slice %arg7[%dma_start3A_98, %dma_start3A_99] : memref<6x128xi32, #tpu.memory_space<vmem>> -> memref<1x112xi32, #tpu.memory_space<vmem>>
    %dma_start3A_101 = tpu.memref_squeeze %dma_start3A_100 : memref<1x112xi32, #tpu.memory_space<vmem>> -> memref<112xi32, #tpu.memory_space<vmem>>
    %dma_start3A_102 = arith.constant 0 : i32
    %dma_start3A_103 = arith.constant 0 : i32
    %dma_start3A_104 = tpu.memref_slice %arg2[%dma_start3A_102, %dma_start3A_103] : memref<10240x128xf32, #tpu.memory_space<hbm>> -> memref<10240x128xf32, #tpu.memory_space<hbm>>
    tpu.enqueue_indirect_dma source(%dma_start3A_104 : memref<10240x128xf32, #tpu.memory_space<hbm>>) target(%arg11 : memref<112x128xf32, #tpu.memory_space<vmem>>) offsets(%dma_start3A_101 : memref<112xi32, #tpu.memory_space<vmem>>) semaphore(%arg15 : memref<!tpu.dma_semaphore, #tpu.memory_space<semaphore_mem>>)
    %scan3A = arith.constant 0 : i32
    %scan3A_105 = arith.constant 0 : i32
    %scan3A_106 = arith.constant 15 : i32
    %scan3A_107 = arith.addi %scan3A_105, %scan3A_106 : i32
    %scan3A_108 = arith.constant 1 : i32
    scf.for %scan3A_178 = %scan3A_105 to %scan3A_107 step %scan3A_108  : i32 {
      %mul3A_179 = arith.constant 2 : i32
      %mul3A_180 = arith.muli %mul3A_179, %scan3A_178 : i32
      %dma_wait3A_181 = arith.constant 0 : i32
      %dma_wait3A_182 = arith.constant 0 : i32
      %dma_wait3A_183 = arith.constant 0 : i32
      %dma_wait3A_184 = tpu.memref_slice %arg7[%dma_wait3A_182, %dma_wait3A_183] : memref<6x128xi32, #tpu.memory_space<vmem>> -> memref<3x128xi32, #tpu.memory_space<vmem>>
      %dma_wait3A_185 = arith.constant 0 : i32
      %dma_wait3A_186 = arith.constant 0 : i32
      %dma_wait3A_187 = tpu.memref_slice %arg3[%dma_wait3A_181, %dma_wait3A_185, %dma_wait3A_186] : memref<960x3x128xi32, #tpu.memory_space<hbm>> -> memref<1x3x128xi32, #tpu.memory_space<hbm>>
      %dma_wait3A_188 = tpu.memref_squeeze %dma_wait3A_187 : memref<1x3x128xi32, #tpu.memory_space<hbm>> -> memref<3x128xi32, #tpu.memory_space<hbm>>
      %dma_wait3A_189 = arith.constant 0 : i32
      %dma_wait3A_190 = arith.constant 0 : i32
      %dma_wait3A_191 = tpu.memref_slice %arg7[%dma_wait3A_189, %dma_wait3A_190] : memref<6x128xi32, #tpu.memory_space<vmem>> -> memref<3x128xi32, #tpu.memory_space<vmem>>
      %dma_wait3A_192 = arith.constant 0 : i32
      %dma_wait3A_193 = arith.constant 0 : i32
      %dma_wait3A_194 = tpu.memref_slice %arg3[%dma_wait3A_181, %dma_wait3A_192, %dma_wait3A_193] : memref<960x3x128xi32, #tpu.memory_space<hbm>> -> memref<1x3x128xi32, #tpu.memory_space<hbm>>
      %dma_wait3A_195 = tpu.memref_squeeze %dma_wait3A_194 : memref<1x3x128xi32, #tpu.memory_space<hbm>> -> memref<3x128xi32, #tpu.memory_space<hbm>>
      tpu.wait_dma2 semaphore(%arg21 : memref<!tpu.dma_semaphore, #tpu.memory_space<semaphore_mem>>) src(%dma_wait3A_195 : memref<3x128xi32, #tpu.memory_space<hbm>>) dst(%dma_wait3A_191 : memref<3x128xi32, #tpu.memory_space<vmem>>)
      %dma_wait3A_196 = arith.constant 0 : i32
      %dma_wait3A_197 = arith.constant 0 : i32
      %dma_wait3A_198 = tpu.memref_slice %arg2[%dma_wait3A_196, %dma_wait3A_197] : memref<10240x128xf32, #tpu.memory_space<hbm>> -> memref<112x128xf32, #tpu.memory_space<hbm>>
      %dma_wait3A_199 = arith.constant 0 : i32
      %dma_wait3A_200 = arith.constant 0 : i32
      %dma_wait3A_201 = tpu.memref_slice %arg2[%dma_wait3A_199, %dma_wait3A_200] : memref<10240x128xf32, #tpu.memory_space<hbm>> -> memref<112x128xf32, #tpu.memory_space<hbm>>
      tpu.wait_dma2 semaphore(%arg13 : memref<!tpu.dma_semaphore, #tpu.memory_space<semaphore_mem>>) src(%dma_wait3A_201 : memref<112x128xf32, #tpu.memory_space<hbm>>) dst(%arg9 : memref<112x128xf32, #tpu.memory_space<vmem>>)
      %dma_start3A_202 = arith.constant 0 : i32
      %dma_start3A_203 = arith.constant 0 : i32
      %dma_start3A_204 = tpu.memref_slice %arg8[%dma_start3A_202, %dma_start3A_203] : memref<6x128xi32, #tpu.memory_space<vmem>> -> memref<1x112xi32, #tpu.memory_space<vmem>>
      %dma_start3A_205 = tpu.memref_squeeze %dma_start3A_204 : memref<1x112xi32, #tpu.memory_space<vmem>> -> memref<112xi32, #tpu.memory_space<vmem>>
      %dma_start3A_206 = arith.constant 0 : i32
      %dma_start3A_207 = arith.constant 0 : i32
      %dma_start3A_208 = tpu.memref_slice %arg12[%dma_start3A_206, %dma_start3A_207] : memref<10240x128xf32, #tpu.memory_space<vmem_shared>> -> memref<10240x128xf32, #tpu.memory_space<vmem_shared>>
      tpu.enqueue_indirect_dma source(%arg9 : memref<112x128xf32, #tpu.memory_space<vmem>>) target(%dma_start3A_208 : memref<10240x128xf32, #tpu.memory_space<vmem_shared>>) offsets(%dma_start3A_205 : memref<112xi32, #tpu.memory_space<vmem>>) semaphore(%arg16 : memref<!tpu.dma_semaphore, #tpu.memory_space<semaphore_mem>>) {add = true}
      %dma_wait3A_209 = arith.constant 0 : i32
      %dma_wait3A_210 = arith.constant 0 : i32
      %dma_wait3A_211 = tpu.memref_slice %arg2[%dma_wait3A_209, %dma_wait3A_210] : memref<10240x128xf32, #tpu.memory_space<hbm>> -> memref<112x128xf32, #tpu.memory_space<hbm>>
      %dma_wait3A_212 = arith.constant 0 : i32
      %dma_wait3A_213 = arith.constant 0 : i32
      %dma_wait3A_214 = tpu.memref_slice %arg2[%dma_wait3A_212, %dma_wait3A_213] : memref<10240x128xf32, #tpu.memory_space<hbm>> -> memref<112x128xf32, #tpu.memory_space<hbm>>
      tpu.wait_dma2 semaphore(%arg14 : memref<!tpu.dma_semaphore, #tpu.memory_space<semaphore_mem>>) src(%dma_wait3A_214 : memref<112x128xf32, #tpu.memory_space<hbm>>) dst(%arg10 : memref<112x128xf32, #tpu.memory_space<vmem>>)
      %dma_start3A_215 = arith.constant 1 : i32
      %dma_start3A_216 = arith.constant 0 : i32
      %dma_start3A_217 = tpu.memref_slice %arg8[%dma_start3A_215, %dma_start3A_216] : memref<6x128xi32, #tpu.memory_space<vmem>> -> memref<1x112xi32, #tpu.memory_space<vmem>>
      %dma_start3A_218 = tpu.memref_squeeze %dma_start3A_217 : memref<1x112xi32, #tpu.memory_space<vmem>> -> memref<112xi32, #tpu.memory_space<vmem>>
      %dma_start3A_219 = arith.constant 0 : i32
      %dma_start3A_220 = arith.constant 0 : i32
      %dma_start3A_221 = tpu.memref_slice %arg12[%dma_start3A_219, %dma_start3A_220] : memref<10240x128xf32, #tpu.memory_space<vmem_shared>> -> memref<10240x128xf32, #tpu.memory_space<vmem_shared>>
      tpu.enqueue_indirect_dma source(%arg10 : memref<112x128xf32, #tpu.memory_space<vmem>>) target(%dma_start3A_221 : memref<10240x128xf32, #tpu.memory_space<vmem_shared>>) offsets(%dma_start3A_218 : memref<112xi32, #tpu.memory_space<vmem>>) semaphore(%arg17 : memref<!tpu.dma_semaphore, #tpu.memory_space<semaphore_mem>>) {add = true}
      %dma_wait3A_222 = arith.constant 0 : i32
      %dma_wait3A_223 = arith.constant 0 : i32
      %dma_wait3A_224 = tpu.memref_slice %arg2[%dma_wait3A_222, %dma_wait3A_223] : memref<10240x128xf32, #tpu.memory_space<hbm>> -> memref<112x128xf32, #tpu.memory_space<hbm>>
      %dma_wait3A_225 = arith.constant 0 : i32
      %dma_wait3A_226 = arith.constant 0 : i32
      %dma_wait3A_227 = tpu.memref_slice %arg2[%dma_wait3A_225, %dma_wait3A_226] : memref<10240x128xf32, #tpu.memory_space<hbm>> -> memref<112x128xf32, #tpu.memory_space<hbm>>
      tpu.wait_dma2 semaphore(%arg15 : memref<!tpu.dma_semaphore, #tpu.memory_space<semaphore_mem>>) src(%dma_wait3A_227 : memref<112x128xf32, #tpu.memory_space<hbm>>) dst(%arg11 : memref<112x128xf32, #tpu.memory_space<vmem>>)
      %dma_start3A_228 = arith.constant 2 : i32
      %dma_start3A_229 = arith.constant 0 : i32
      %dma_start3A_230 = tpu.memref_slice %arg8[%dma_start3A_228, %dma_start3A_229] : memref<6x128xi32, #tpu.memory_space<vmem>> -> memref<1x112xi32, #tpu.memory_space<vmem>>
      %dma_start3A_231 = tpu.memref_squeeze %dma_start3A_230 : memref<1x112xi32, #tpu.memory_space<vmem>> -> memref<112xi32, #tpu.memory_space<vmem>>
      %dma_start3A_232 = arith.constant 0 : i32
      %dma_start3A_233 = arith.constant 0 : i32
      %dma_start3A_234 = tpu.memref_slice %arg12[%dma_start3A_232, %dma_start3A_233] : memref<10240x128xf32, #tpu.memory_space<vmem_shared>> -> memref<10240x128xf32, #tpu.memory_space<vmem_shared>>
      tpu.enqueue_indirect_dma source(%arg11 : memref<112x128xf32, #tpu.memory_space<vmem>>) target(%dma_start3A_234 : memref<10240x128xf32, #tpu.memory_space<vmem_shared>>) offsets(%dma_start3A_231 : memref<112xi32, #tpu.memory_space<vmem>>) semaphore(%arg18 : memref<!tpu.dma_semaphore, #tpu.memory_space<semaphore_mem>>) {add = true}
      %dma_wait3A_235 = arith.constant 0 : i32
      %dma_wait3A_236 = arith.constant 0 : i32
      %dma_wait3A_237 = arith.constant 0 : i32
      %dma_wait3A_238 = tpu.memref_slice %arg7[%dma_wait3A_236, %dma_wait3A_237] : memref<6x128xi32, #tpu.memory_space<vmem>> -> memref<3x128xi32, #tpu.memory_space<vmem>>
      %dma_wait3A_239 = arith.constant 0 : i32
      %dma_wait3A_240 = arith.constant 0 : i32
      %dma_wait3A_241 = tpu.memref_slice %arg3[%dma_wait3A_235, %dma_wait3A_239, %dma_wait3A_240] : memref<960x3x128xi32, #tpu.memory_space<hbm>> -> memref<1x3x128xi32, #tpu.memory_space<hbm>>
      %dma_wait3A_242 = tpu.memref_squeeze %dma_wait3A_241 : memref<1x3x128xi32, #tpu.memory_space<hbm>> -> memref<3x128xi32, #tpu.memory_space<hbm>>
      %dma_wait3A_243 = arith.constant 0 : i32
      %dma_wait3A_244 = arith.constant 0 : i32
      %dma_wait3A_245 = tpu.memref_slice %arg7[%dma_wait3A_243, %dma_wait3A_244] : memref<6x128xi32, #tpu.memory_space<vmem>> -> memref<3x128xi32, #tpu.memory_space<vmem>>
      %dma_wait3A_246 = arith.constant 0 : i32
      %dma_wait3A_247 = arith.constant 0 : i32
      %dma_wait3A_248 = tpu.memref_slice %arg3[%dma_wait3A_235, %dma_wait3A_246, %dma_wait3A_247] : memref<960x3x128xi32, #tpu.memory_space<hbm>> -> memref<1x3x128xi32, #tpu.memory_space<hbm>>
      %dma_wait3A_249 = tpu.memref_squeeze %dma_wait3A_248 : memref<1x3x128xi32, #tpu.memory_space<hbm>> -> memref<3x128xi32, #tpu.memory_space<hbm>>
      tpu.wait_dma2 semaphore(%arg20 : memref<!tpu.dma_semaphore, #tpu.memory_space<semaphore_mem>>) src(%dma_wait3A_249 : memref<3x128xi32, #tpu.memory_space<hbm>>) dst(%dma_wait3A_245 : memref<3x128xi32, #tpu.memory_space<vmem>>)
      %dma_wait3A_250 = arith.constant 0 : i32
      %dma_wait3A_251 = arith.constant 0 : i32
      %dma_wait3A_252 = tpu.memref_slice %arg12[%dma_wait3A_250, %dma_wait3A_251] : memref<10240x128xf32, #tpu.memory_space<vmem_shared>> -> memref<112x128xf32, #tpu.memory_space<vmem_shared>>
      %dma_wait3A_253 = arith.constant 0 : i32
      %dma_wait3A_254 = arith.constant 0 : i32
      %dma_wait3A_255 = tpu.memref_slice %arg12[%dma_wait3A_253, %dma_wait3A_254] : memref<10240x128xf32, #tpu.memory_space<vmem_shared>> -> memref<112x128xf32, #tpu.memory_space<vmem_shared>>
      tpu.wait_dma2 semaphore(%arg16 : memref<!tpu.dma_semaphore, #tpu.memory_space<semaphore_mem>>) src(%arg9 : memref<112x128xf32, #tpu.memory_space<vmem>>) dst(%dma_wait3A_255 : memref<112x128xf32, #tpu.memory_space<vmem_shared>>)
      %dma_start3A_256 = arith.constant 3 : i32
      %dma_start3A_257 = arith.constant 0 : i32
      %dma_start3A_258 = tpu.memref_slice %arg7[%dma_start3A_256, %dma_start3A_257] : memref<6x128xi32, #tpu.memory_space<vmem>> -> memref<1x112xi32, #tpu.memory_space<vmem>>
      %dma_start3A_259 = tpu.memref_squeeze %dma_start3A_258 : memref<1x112xi32, #tpu.memory_space<vmem>> -> memref<112xi32, #tpu.memory_space<vmem>>
      %dma_start3A_260 = arith.constant 0 : i32
      %dma_start3A_261 = arith.constant 0 : i32
      %dma_start3A_262 = tpu.memref_slice %arg2[%dma_start3A_260, %dma_start3A_261] : memref<10240x128xf32, #tpu.memory_space<hbm>> -> memref<10240x128xf32, #tpu.memory_space<hbm>>
      tpu.enqueue_indirect_dma source(%dma_start3A_262 : memref<10240x128xf32, #tpu.memory_space<hbm>>) target(%arg9 : memref<112x128xf32, #tpu.memory_space<vmem>>) offsets(%dma_start3A_259 : memref<112xi32, #tpu.memory_space<vmem>>) semaphore(%arg13 : memref<!tpu.dma_semaphore, #tpu.memory_space<semaphore_mem>>)
      %dma_wait3A_263 = arith.constant 0 : i32
      %dma_wait3A_264 = arith.constant 0 : i32
      %dma_wait3A_265 = tpu.memref_slice %arg12[%dma_wait3A_263, %dma_wait3A_264] : memref<10240x128xf32, #tpu.memory_space<vmem_shared>> -> memref<112x128xf32, #tpu.memory_space<vmem_shared>>
      %dma_wait3A_266 = arith.constant 0 : i32
      %dma_wait3A_267 = arith.constant 0 : i32
      %dma_wait3A_268 = tpu.memref_slice %arg12[%dma_wait3A_266, %dma_wait3A_267] : memref<10240x128xf32, #tpu.memory_space<vmem_shared>> -> memref<112x128xf32, #tpu.memory_space<vmem_shared>>
      tpu.wait_dma2 semaphore(%arg17 : memref<!tpu.dma_semaphore, #tpu.memory_space<semaphore_mem>>) src(%arg10 : memref<112x128xf32, #tpu.memory_space<vmem>>) dst(%dma_wait3A_268 : memref<112x128xf32, #tpu.memory_space<vmem_shared>>)
      %dma_start3A_269 = arith.constant 4 : i32
      %dma_start3A_270 = arith.constant 0 : i32
      %dma_start3A_271 = tpu.memref_slice %arg7[%dma_start3A_269, %dma_start3A_270] : memref<6x128xi32, #tpu.memory_space<vmem>> -> memref<1x112xi32, #tpu.memory_space<vmem>>
      %dma_start3A_272 = tpu.memref_squeeze %dma_start3A_271 : memref<1x112xi32, #tpu.memory_space<vmem>> -> memref<112xi32, #tpu.memory_space<vmem>>
      %dma_start3A_273 = arith.constant 0 : i32
      %dma_start3A_274 = arith.constant 0 : i32
      %dma_start3A_275 = tpu.memref_slice %arg2[%dma_start3A_273, %dma_start3A_274] : memref<10240x128xf32, #tpu.memory_space<hbm>> -> memref<10240x128xf32, #tpu.memory_space<hbm>>
      tpu.enqueue_indirect_dma source(%dma_start3A_275 : memref<10240x128xf32, #tpu.memory_space<hbm>>) target(%arg10 : memref<112x128xf32, #tpu.memory_space<vmem>>) offsets(%dma_start3A_272 : memref<112xi32, #tpu.memory_space<vmem>>) semaphore(%arg14 : memref<!tpu.dma_semaphore, #tpu.memory_space<semaphore_mem>>)
      %dma_wait3A_276 = arith.constant 0 : i32
      %dma_wait3A_277 = arith.constant 0 : i32
      %dma_wait3A_278 = tpu.memref_slice %arg12[%dma_wait3A_276, %dma_wait3A_277] : memref<10240x128xf32, #tpu.memory_space<vmem_shared>> -> memref<112x128xf32, #tpu.memory_space<vmem_shared>>
      %dma_wait3A_279 = arith.constant 0 : i32
      %dma_wait3A_280 = arith.constant 0 : i32
      %dma_wait3A_281 = tpu.memref_slice %arg12[%dma_wait3A_279, %dma_wait3A_280] : memref<10240x128xf32, #tpu.memory_space<vmem_shared>> -> memref<112x128xf32, #tpu.memory_space<vmem_shared>>
      tpu.wait_dma2 semaphore(%arg18 : memref<!tpu.dma_semaphore, #tpu.memory_space<semaphore_mem>>) src(%arg11 : memref<112x128xf32, #tpu.memory_space<vmem>>) dst(%dma_wait3A_281 : memref<112x128xf32, #tpu.memory_space<vmem_shared>>)
      %dma_start3A_282 = arith.constant 5 : i32
      %dma_start3A_283 = arith.constant 0 : i32
      %dma_start3A_284 = tpu.memref_slice %arg7[%dma_start3A_282, %dma_start3A_283] : memref<6x128xi32, #tpu.memory_space<vmem>> -> memref<1x112xi32, #tpu.memory_space<vmem>>
      %dma_start3A_285 = tpu.memref_squeeze %dma_start3A_284 : memref<1x112xi32, #tpu.memory_space<vmem>> -> memref<112xi32, #tpu.memory_space<vmem>>
      %dma_start3A_286 = arith.constant 0 : i32
      %dma_start3A_287 = arith.constant 0 : i32
      %dma_start3A_288 = tpu.memref_slice %arg2[%dma_start3A_286, %dma_start3A_287] : memref<10240x128xf32, #tpu.memory_space<hbm>> -> memref<10240x128xf32, #tpu.memory_space<hbm>>
      tpu.enqueue_indirect_dma source(%dma_start3A_288 : memref<10240x128xf32, #tpu.memory_space<hbm>>) target(%arg11 : memref<112x128xf32, #tpu.memory_space<vmem>>) offsets(%dma_start3A_285 : memref<112xi32, #tpu.memory_space<vmem>>) semaphore(%arg15 : memref<!tpu.dma_semaphore, #tpu.memory_space<semaphore_mem>>)
      %add3A_289 = arith.constant 2 : i32
      %add3A_290 = arith.addi %mul3A_180, %add3A_289 : i32
      %lt3A = arith.constant 30 : i32
      %lt3A_291 = arith.cmpi slt, %add3A_290, %lt3A : i32
      %add3A_292 = arith.constant 2 : i32
      %add3A_293 = arith.addi %mul3A_180, %add3A_292 : i32
      %jit3A = arith.constant 0 : i32
      %select_n3A = arith.select %lt3A_291, %add3A_293, %jit3A : i32
      %add3A_294 = arith.addi %mul3A_2, %select_n3A : i32
      %dma_start3A_295 = arith.constant 0 : i32
      %dma_start3A_296 = arith.constant 0 : i32
      %dma_start3A_297 = tpu.memref_slice %arg7[%dma_start3A_295, %dma_start3A_296] : memref<6x128xi32, #tpu.memory_space<vmem>> -> memref<3x128xi32, #tpu.memory_space<vmem>>
      %dma_start3A_298 = arith.constant 0 : i32
      %dma_start3A_299 = arith.constant 0 : i32
      %dma_start3A_300 = tpu.memref_slice %arg3[%add3A_294, %dma_start3A_298, %dma_start3A_299] : memref<960x3x128xi32, #tpu.memory_space<hbm>> -> memref<1x3x128xi32, #tpu.memory_space<hbm>>
      %dma_start3A_301 = tpu.memref_squeeze %dma_start3A_300 : memref<1x3x128xi32, #tpu.memory_space<hbm>> -> memref<3x128xi32, #tpu.memory_space<hbm>>
      %dma_start3A_302 = arith.constant 0 : i32
      %dma_start3A_303 = arith.constant 0 : i32
      %dma_start3A_304 = tpu.memref_slice %arg7[%dma_start3A_302, %dma_start3A_303] : memref<6x128xi32, #tpu.memory_space<vmem>> -> memref<3x128xi32, #tpu.memory_space<vmem>>
      %dma_start3A_305 = arith.constant 0 : i32
      %dma_start3A_306 = arith.constant 0 : i32
      %dma_start3A_307 = tpu.memref_slice %arg3[%add3A_294, %dma_start3A_305, %dma_start3A_306] : memref<960x3x128xi32, #tpu.memory_space<hbm>> -> memref<1x3x128xi32, #tpu.memory_space<hbm>>
      %dma_start3A_308 = tpu.memref_squeeze %dma_start3A_307 : memref<1x3x128xi32, #tpu.memory_space<hbm>> -> memref<3x128xi32, #tpu.memory_space<hbm>>
      tpu.enqueue_dma source(%dma_start3A_308 : memref<3x128xi32, #tpu.memory_space<hbm>>) target(%dma_start3A_304 : memref<3x128xi32, #tpu.memory_space<vmem>>) target_semaphore(%arg19 : memref<!tpu.dma_semaphore, #tpu.memory_space<semaphore_mem>>)
      %add3A_309 = arith.addi %mul3A_2, %select_n3A : i32
      %dma_start3A_310 = arith.constant 0 : i32
      %dma_start3A_311 = arith.constant 0 : i32
      %dma_start3A_312 = tpu.memref_slice %arg8[%dma_start3A_310, %dma_start3A_311] : memref<6x128xi32, #tpu.memory_space<vmem>> -> memref<3x128xi32, #tpu.memory_space<vmem>>
      %dma_start3A_313 = arith.constant 0 : i32
      %dma_start3A_314 = arith.constant 0 : i32
      %dma_start3A_315 = tpu.memref_slice %arg4[%add3A_309, %dma_start3A_313, %dma_start3A_314] : memref<960x3x128xi32, #tpu.memory_space<hbm>> -> memref<1x3x128xi32, #tpu.memory_space<hbm>>
      %dma_start3A_316 = tpu.memref_squeeze %dma_start3A_315 : memref<1x3x128xi32, #tpu.memory_space<hbm>> -> memref<3x128xi32, #tpu.memory_space<hbm>>
      %dma_start3A_317 = arith.constant 0 : i32
      %dma_start3A_318 = arith.constant 0 : i32
      %dma_start3A_319 = tpu.memref_slice %arg8[%dma_start3A_317, %dma_start3A_318] : memref<6x128xi32, #tpu.memory_space<vmem>> -> memref<3x128xi32, #tpu.memory_space<vmem>>
      %dma_start3A_320 = arith.constant 0 : i32
      %dma_start3A_321 = arith.constant 0 : i32
      %dma_start3A_322 = tpu.memref_slice %arg4[%add3A_309, %dma_start3A_320, %dma_start3A_321] : memref<960x3x128xi32, #tpu.memory_space<hbm>> -> memref<1x3x128xi32, #tpu.memory_space<hbm>>
      %dma_start3A_323 = tpu.memref_squeeze %dma_start3A_322 : memref<1x3x128xi32, #tpu.memory_space<hbm>> -> memref<3x128xi32, #tpu.memory_space<hbm>>
      tpu.enqueue_dma source(%dma_start3A_323 : memref<3x128xi32, #tpu.memory_space<hbm>>) target(%dma_start3A_319 : memref<3x128xi32, #tpu.memory_space<vmem>>) target_semaphore(%arg21 : memref<!tpu.dma_semaphore, #tpu.memory_space<semaphore_mem>>)
      %mul3A_324 = arith.constant 2 : i32
      %mul3A_325 = arith.muli %mul3A_324, %scan3A_178 : i32
      %add3A_326 = arith.constant 1 : i32
      %add3A_327 = arith.addi %mul3A_325, %add3A_326 : i32
      %dma_wait3A_328 = arith.constant 0 : i32
      %dma_wait3A_329 = arith.constant 0 : i32
      %dma_wait3A_330 = arith.constant 0 : i32
      %dma_wait3A_331 = tpu.memref_slice %arg7[%dma_wait3A_329, %dma_wait3A_330] : memref<6x128xi32, #tpu.memory_space<vmem>> -> memref<3x128xi32, #tpu.memory_space<vmem>>
      %dma_wait3A_332 = arith.constant 0 : i32
      %dma_wait3A_333 = arith.constant 0 : i32
      %dma_wait3A_334 = tpu.memref_slice %arg3[%dma_wait3A_328, %dma_wait3A_332, %dma_wait3A_333] : memref<960x3x128xi32, #tpu.memory_space<hbm>> -> memref<1x3x128xi32, #tpu.memory_space<hbm>>
      %dma_wait3A_335 = tpu.memref_squeeze %dma_wait3A_334 : memref<1x3x128xi32, #tpu.memory_space<hbm>> -> memref<3x128xi32, #tpu.memory_space<hbm>>
      %dma_wait3A_336 = arith.constant 0 : i32
      %dma_wait3A_337 = arith.constant 0 : i32
      %dma_wait3A_338 = tpu.memref_slice %arg7[%dma_wait3A_336, %dma_wait3A_337] : memref<6x128xi32, #tpu.memory_space<vmem>> -> memref<3x128xi32, #tpu.memory_space<vmem>>
      %dma_wait3A_339 = arith.constant 0 : i32
      %dma_wait3A_340 = arith.constant 0 : i32
      %dma_wait3A_341 = tpu.memref_slice %arg3[%dma_wait3A_328, %dma_wait3A_339, %dma_wait3A_340] : memref<960x3x128xi32, #tpu.memory_space<hbm>> -> memref<1x3x128xi32, #tpu.memory_space<hbm>>
      %dma_wait3A_342 = tpu.memref_squeeze %dma_wait3A_341 : memref<1x3x128xi32, #tpu.memory_space<hbm>> -> memref<3x128xi32, #tpu.memory_space<hbm>>
      tpu.wait_dma2 semaphore(%arg22 : memref<!tpu.dma_semaphore, #tpu.memory_space<semaphore_mem>>) src(%dma_wait3A_342 : memref<3x128xi32, #tpu.memory_space<hbm>>) dst(%dma_wait3A_338 : memref<3x128xi32, #tpu.memory_space<vmem>>)
      %dma_wait3A_343 = arith.constant 0 : i32
      %dma_wait3A_344 = arith.constant 0 : i32
      %dma_wait3A_345 = tpu.memref_slice %arg2[%dma_wait3A_343, %dma_wait3A_344] : memref<10240x128xf32, #tpu.memory_space<hbm>> -> memref<112x128xf32, #tpu.memory_space<hbm>>
      %dma_wait3A_346 = arith.constant 0 : i32
      %dma_wait3A_347 = arith.constant 0 : i32
      %dma_wait3A_348 = tpu.memref_slice %arg2[%dma_wait3A_346, %dma_wait3A_347] : memref<10240x128xf32, #tpu.memory_space<hbm>> -> memref<112x128xf32, #tpu.memory_space<hbm>>
      tpu.wait_dma2 semaphore(%arg13 : memref<!tpu.dma_semaphore, #tpu.memory_space<semaphore_mem>>) src(%dma_wait3A_348 : memref<112x128xf32, #tpu.memory_space<hbm>>) dst(%arg9 : memref<112x128xf32, #tpu.memory_space<vmem>>)
      %dma_start3A_349 = arith.constant 3 : i32
      %dma_start3A_350 = arith.constant 0 : i32
      %dma_start3A_351 = tpu.memref_slice %arg8[%dma_start3A_349, %dma_start3A_350] : memref<6x128xi32, #tpu.memory_space<vmem>> -> memref<1x112xi32, #tpu.memory_space<vmem>>
      %dma_start3A_352 = tpu.memref_squeeze %dma_start3A_351 : memref<1x112xi32, #tpu.memory_space<vmem>> -> memref<112xi32, #tpu.memory_space<vmem>>
      %dma_start3A_353 = arith.constant 0 : i32
      %dma_start3A_354 = arith.constant 0 : i32
      %dma_start3A_355 = tpu.memref_slice %arg12[%dma_start3A_353, %dma_start3A_354] : memref<10240x128xf32, #tpu.memory_space<vmem_shared>> -> memref<10240x128xf32, #tpu.memory_space<vmem_shared>>
      tpu.enqueue_indirect_dma source(%arg9 : memref<112x128xf32, #tpu.memory_space<vmem>>) target(%dma_start3A_355 : memref<10240x128xf32, #tpu.memory_space<vmem_shared>>) offsets(%dma_start3A_352 : memref<112xi32, #tpu.memory_space<vmem>>) semaphore(%arg16 : memref<!tpu.dma_semaphore, #tpu.memory_space<semaphore_mem>>) {add = true}
      %dma_wait3A_356 = arith.constant 0 : i32
      %dma_wait3A_357 = arith.constant 0 : i32
      %dma_wait3A_358 = tpu.memref_slice %arg2[%dma_wait3A_356, %dma_wait3A_357] : memref<10240x128xf32, #tpu.memory_space<hbm>> -> memref<112x128xf32, #tpu.memory_space<hbm>>
      %dma_wait3A_359 = arith.constant 0 : i32
      %dma_wait3A_360 = arith.constant 0 : i32
      %dma_wait3A_361 = tpu.memref_slice %arg2[%dma_wait3A_359, %dma_wait3A_360] : memref<10240x128xf32, #tpu.memory_space<hbm>> -> memref<112x128xf32, #tpu.memory_space<hbm>>
      tpu.wait_dma2 semaphore(%arg14 : memref<!tpu.dma_semaphore, #tpu.memory_space<semaphore_mem>>) src(%dma_wait3A_361 : memref<112x128xf32, #tpu.memory_space<hbm>>) dst(%arg10 : memref<112x128xf32, #tpu.memory_space<vmem>>)
      %dma_start3A_362 = arith.constant 4 : i32
      %dma_start3A_363 = arith.constant 0 : i32
      %dma_start3A_364 = tpu.memref_slice %arg8[%dma_start3A_362, %dma_start3A_363] : memref<6x128xi32, #tpu.memory_space<vmem>> -> memref<1x112xi32, #tpu.memory_space<vmem>>
      %dma_start3A_365 = tpu.memref_squeeze %dma_start3A_364 : memref<1x112xi32, #tpu.memory_space<vmem>> -> memref<112xi32, #tpu.memory_space<vmem>>
      %dma_start3A_366 = arith.constant 0 : i32
      %dma_start3A_367 = arith.constant 0 : i32
      %dma_start3A_368 = tpu.memref_slice %arg12[%dma_start3A_366, %dma_start3A_367] : memref<10240x128xf32, #tpu.memory_space<vmem_shared>> -> memref<10240x128xf32, #tpu.memory_space<vmem_shared>>
      tpu.enqueue_indirect_dma source(%arg10 : memref<112x128xf32, #tpu.memory_space<vmem>>) target(%dma_start3A_368 : memref<10240x128xf32, #tpu.memory_space<vmem_shared>>) offsets(%dma_start3A_365 : memref<112xi32, #tpu.memory_space<vmem>>) semaphore(%arg17 : memref<!tpu.dma_semaphore, #tpu.memory_space<semaphore_mem>>) {add = true}
      %dma_wait3A_369 = arith.constant 0 : i32
      %dma_wait3A_370 = arith.constant 0 : i32
      %dma_wait3A_371 = tpu.memref_slice %arg2[%dma_wait3A_369, %dma_wait3A_370] : memref<10240x128xf32, #tpu.memory_space<hbm>> -> memref<112x128xf32, #tpu.memory_space<hbm>>
      %dma_wait3A_372 = arith.constant 0 : i32
      %dma_wait3A_373 = arith.constant 0 : i32
      %dma_wait3A_374 = tpu.memref_slice %arg2[%dma_wait3A_372, %dma_wait3A_373] : memref<10240x128xf32, #tpu.memory_space<hbm>> -> memref<112x128xf32, #tpu.memory_space<hbm>>
      tpu.wait_dma2 semaphore(%arg15 : memref<!tpu.dma_semaphore, #tpu.memory_space<semaphore_mem>>) src(%dma_wait3A_374 : memref<112x128xf32, #tpu.memory_space<hbm>>) dst(%arg11 : memref<112x128xf32, #tpu.memory_space<vmem>>)
      %dma_start3A_375 = arith.constant 5 : i32
      %dma_start3A_376 = arith.constant 0 : i32
      %dma_start3A_377 = tpu.memref_slice %arg8[%dma_start3A_375, %dma_start3A_376] : memref<6x128xi32, #tpu.memory_space<vmem>> -> memref<1x112xi32, #tpu.memory_space<vmem>>
      %dma_start3A_378 = tpu.memref_squeeze %dma_start3A_377 : memref<1x112xi32, #tpu.memory_space<vmem>> -> memref<112xi32, #tpu.memory_space<vmem>>
      %dma_start3A_379 = arith.constant 0 : i32
      %dma_start3A_380 = arith.constant 0 : i32
      %dma_start3A_381 = tpu.memref_slice %arg12[%dma_start3A_379, %dma_start3A_380] : memref<10240x128xf32, #tpu.memory_space<vmem_shared>> -> memref<10240x128xf32, #tpu.memory_space<vmem_shared>>
      tpu.enqueue_indirect_dma source(%arg11 : memref<112x128xf32, #tpu.memory_space<vmem>>) target(%dma_start3A_381 : memref<10240x128xf32, #tpu.memory_space<vmem_shared>>) offsets(%dma_start3A_378 : memref<112xi32, #tpu.memory_space<vmem>>) semaphore(%arg18 : memref<!tpu.dma_semaphore, #tpu.memory_space<semaphore_mem>>) {add = true}
      %dma_wait3A_382 = arith.constant 0 : i32
      %dma_wait3A_383 = arith.constant 0 : i32
      %dma_wait3A_384 = arith.constant 0 : i32
      %dma_wait3A_385 = tpu.memref_slice %arg7[%dma_wait3A_383, %dma_wait3A_384] : memref<6x128xi32, #tpu.memory_space<vmem>> -> memref<3x128xi32, #tpu.memory_space<vmem>>
      %dma_wait3A_386 = arith.constant 0 : i32
      %dma_wait3A_387 = arith.constant 0 : i32
      %dma_wait3A_388 = tpu.memref_slice %arg3[%dma_wait3A_382, %dma_wait3A_386, %dma_wait3A_387] : memref<960x3x128xi32, #tpu.memory_space<hbm>> -> memref<1x3x128xi32, #tpu.memory_space<hbm>>
      %dma_wait3A_389 = tpu.memref_squeeze %dma_wait3A_388 : memref<1x3x128xi32, #tpu.memory_space<hbm>> -> memref<3x128xi32, #tpu.memory_space<hbm>>
      %dma_wait3A_390 = arith.constant 0 : i32
      %dma_wait3A_391 = arith.constant 0 : i32
      %dma_wait3A_392 = tpu.memref_slice %arg7[%dma_wait3A_390, %dma_wait3A_391] : memref<6x128xi32, #tpu.memory_space<vmem>> -> memref<3x128xi32, #tpu.memory_space<vmem>>
      %dma_wait3A_393 = arith.constant 0 : i32
      %dma_wait3A_394 = arith.constant 0 : i32
      %dma_wait3A_395 = tpu.memref_slice %arg3[%dma_wait3A_382, %dma_wait3A_393, %dma_wait3A_394] : memref<960x3x128xi32, #tpu.memory_space<hbm>> -> memref<1x3x128xi32, #tpu.memory_space<hbm>>
      %dma_wait3A_396 = tpu.memref_squeeze %dma_wait3A_395 : memref<1x3x128xi32, #tpu.memory_space<hbm>> -> memref<3x128xi32, #tpu.memory_space<hbm>>
      tpu.wait_dma2 semaphore(%arg19 : memref<!tpu.dma_semaphore, #tpu.memory_space<semaphore_mem>>) src(%dma_wait3A_396 : memref<3x128xi32, #tpu.memory_space<hbm>>) dst(%dma_wait3A_392 : memref<3x128xi32, #tpu.memory_space<vmem>>)
      %dma_wait3A_397 = arith.constant 0 : i32
      %dma_wait3A_398 = arith.constant 0 : i32
      %dma_wait3A_399 = tpu.memref_slice %arg12[%dma_wait3A_397, %dma_wait3A_398] : memref<10240x128xf32, #tpu.memory_space<vmem_shared>> -> memref<112x128xf32, #tpu.memory_space<vmem_shared>>
      %dma_wait3A_400 = arith.constant 0 : i32
      %dma_wait3A_401 = arith.constant 0 : i32
      %dma_wait3A_402 = tpu.memref_slice %arg12[%dma_wait3A_400, %dma_wait3A_401] : memref<10240x128xf32, #tpu.memory_space<vmem_shared>> -> memref<112x128xf32, #tpu.memory_space<vmem_shared>>
      tpu.wait_dma2 semaphore(%arg16 : memref<!tpu.dma_semaphore, #tpu.memory_space<semaphore_mem>>) src(%arg9 : memref<112x128xf32, #tpu.memory_space<vmem>>) dst(%dma_wait3A_402 : memref<112x128xf32, #tpu.memory_space<vmem_shared>>)
      %dma_start3A_403 = arith.constant 0 : i32
      %dma_start3A_404 = arith.constant 0 : i32
      %dma_start3A_405 = tpu.memref_slice %arg7[%dma_start3A_403, %dma_start3A_404] : memref<6x128xi32, #tpu.memory_space<vmem>> -> memref<1x112xi32, #tpu.memory_space<vmem>>
      %dma_start3A_406 = tpu.memref_squeeze %dma_start3A_405 : memref<1x112xi32, #tpu.memory_space<vmem>> -> memref<112xi32, #tpu.memory_space<vmem>>
      %dma_start3A_407 = arith.constant 0 : i32
      %dma_start3A_408 = arith.constant 0 : i32
      %dma_start3A_409 = tpu.memref_slice %arg2[%dma_start3A_407, %dma_start3A_408] : memref<10240x128xf32, #tpu.memory_space<hbm>> -> memref<10240x128xf32, #tpu.memory_space<hbm>>
      tpu.enqueue_indirect_dma source(%dma_start3A_409 : memref<10240x128xf32, #tpu.memory_space<hbm>>) target(%arg9 : memref<112x128xf32, #tpu.memory_space<vmem>>) offsets(%dma_start3A_406 : memref<112xi32, #tpu.memory_space<vmem>>) semaphore(%arg13 : memref<!tpu.dma_semaphore, #tpu.memory_space<semaphore_mem>>)
      %dma_wait3A_410 = arith.constant 0 : i32
      %dma_wait3A_411 = arith.constant 0 : i32
      %dma_wait3A_412 = tpu.memref_slice %arg12[%dma_wait3A_410, %dma_wait3A_411] : memref<10240x128xf32, #tpu.memory_space<vmem_shared>> -> memref<112x128xf32, #tpu.memory_space<vmem_shared>>
      %dma_wait3A_413 = arith.constant 0 : i32
      %dma_wait3A_414 = arith.constant 0 : i32
      %dma_wait3A_415 = tpu.memref_slice %arg12[%dma_wait3A_413, %dma_wait3A_414] : memref<10240x128xf32, #tpu.memory_space<vmem_shared>> -> memref<112x128xf32, #tpu.memory_space<vmem_shared>>
      tpu.wait_dma2 semaphore(%arg17 : memref<!tpu.dma_semaphore, #tpu.memory_space<semaphore_mem>>) src(%arg10 : memref<112x128xf32, #tpu.memory_space<vmem>>) dst(%dma_wait3A_415 : memref<112x128xf32, #tpu.memory_space<vmem_shared>>)
      %dma_start3A_416 = arith.constant 1 : i32
      %dma_start3A_417 = arith.constant 0 : i32
      %dma_start3A_418 = tpu.memref_slice %arg7[%dma_start3A_416, %dma_start3A_417] : memref<6x128xi32, #tpu.memory_space<vmem>> -> memref<1x112xi32, #tpu.memory_space<vmem>>
      %dma_start3A_419 = tpu.memref_squeeze %dma_start3A_418 : memref<1x112xi32, #tpu.memory_space<vmem>> -> memref<112xi32, #tpu.memory_space<vmem>>
      %dma_start3A_420 = arith.constant 0 : i32
      %dma_start3A_421 = arith.constant 0 : i32
      %dma_start3A_422 = tpu.memref_slice %arg2[%dma_start3A_420, %dma_start3A_421] : memref<10240x128xf32, #tpu.memory_space<hbm>> -> memref<10240x128xf32, #tpu.memory_space<hbm>>
      tpu.enqueue_indirect_dma source(%dma_start3A_422 : memref<10240x128xf32, #tpu.memory_space<hbm>>) target(%arg10 : memref<112x128xf32, #tpu.memory_space<vmem>>) offsets(%dma_start3A_419 : memref<112xi32, #tpu.memory_space<vmem>>) semaphore(%arg14 : memref<!tpu.dma_semaphore, #tpu.memory_space<semaphore_mem>>)
      %dma_wait3A_423 = arith.constant 0 : i32
      %dma_wait3A_424 = arith.constant 0 : i32
      %dma_wait3A_425 = tpu.memref_slice %arg12[%dma_wait3A_423, %dma_wait3A_424] : memref<10240x128xf32, #tpu.memory_space<vmem_shared>> -> memref<112x128xf32, #tpu.memory_space<vmem_shared>>
      %dma_wait3A_426 = arith.constant 0 : i32
      %dma_wait3A_427 = arith.constant 0 : i32
      %dma_wait3A_428 = tpu.memref_slice %arg12[%dma_wait3A_426, %dma_wait3A_427] : memref<10240x128xf32, #tpu.memory_space<vmem_shared>> -> memref<112x128xf32, #tpu.memory_space<vmem_shared>>
      tpu.wait_dma2 semaphore(%arg18 : memref<!tpu.dma_semaphore, #tpu.memory_space<semaphore_mem>>) src(%arg11 : memref<112x128xf32, #tpu.memory_space<vmem>>) dst(%dma_wait3A_428 : memref<112x128xf32, #tpu.memory_space<vmem_shared>>)
      %dma_start3A_429 = arith.constant 2 : i32
      %dma_start3A_430 = arith.constant 0 : i32
      %dma_start3A_431 = tpu.memref_slice %arg7[%dma_start3A_429, %dma_start3A_430] : memref<6x128xi32, #tpu.memory_space<vmem>> -> memref<1x112xi32, #tpu.memory_space<vmem>>
      %dma_start3A_432 = tpu.memref_squeeze %dma_start3A_431 : memref<1x112xi32, #tpu.memory_space<vmem>> -> memref<112xi32, #tpu.memory_space<vmem>>
      %dma_start3A_433 = arith.constant 0 : i32
      %dma_start3A_434 = arith.constant 0 : i32
      %dma_start3A_435 = tpu.memref_slice %arg2[%dma_start3A_433, %dma_start3A_434] : memref<10240x128xf32, #tpu.memory_space<hbm>> -> memref<10240x128xf32, #tpu.memory_space<hbm>>
      tpu.enqueue_indirect_dma source(%dma_start3A_435 : memref<10240x128xf32, #tpu.memory_space<hbm>>) target(%arg11 : memref<112x128xf32, #tpu.memory_space<vmem>>) offsets(%dma_start3A_432 : memref<112xi32, #tpu.memory_space<vmem>>) semaphore(%arg15 : memref<!tpu.dma_semaphore, #tpu.memory_space<semaphore_mem>>)
      %add3A_436 = arith.constant 2 : i32
      %add3A_437 = arith.addi %add3A_327, %add3A_436 : i32
      %lt3A_438 = arith.constant 30 : i32
      %lt3A_439 = arith.cmpi slt, %add3A_437, %lt3A_438 : i32
      %add3A_440 = arith.constant 2 : i32
      %add3A_441 = arith.addi %add3A_327, %add3A_440 : i32
      %jit3A_442 = arith.constant 0 : i32
      %select_n3A_443 = arith.select %lt3A_439, %add3A_441, %jit3A_442 : i32
      %add3A_444 = arith.addi %mul3A_2, %select_n3A_443 : i32
      %dma_start3A_445 = arith.constant 3 : i32
      %dma_start3A_446 = arith.constant 0 : i32
      %dma_start3A_447 = tpu.memref_slice %arg7[%dma_start3A_445, %dma_start3A_446] : memref<6x128xi32, #tpu.memory_space<vmem>> -> memref<3x128xi32, #tpu.memory_space<vmem>>
      %dma_start3A_448 = arith.constant 0 : i32
      %dma_start3A_449 = arith.constant 0 : i32
      %dma_start3A_450 = tpu.memref_slice %arg3[%add3A_444, %dma_start3A_448, %dma_start3A_449] : memref<960x3x128xi32, #tpu.memory_space<hbm>> -> memref<1x3x128xi32, #tpu.memory_space<hbm>>
      %dma_start3A_451 = tpu.memref_squeeze %dma_start3A_450 : memref<1x3x128xi32, #tpu.memory_space<hbm>> -> memref<3x128xi32, #tpu.memory_space<hbm>>
      %dma_start3A_452 = arith.constant 3 : i32
      %dma_start3A_453 = arith.constant 0 : i32
      %dma_start3A_454 = tpu.memref_slice %arg7[%dma_start3A_452, %dma_start3A_453] : memref<6x128xi32, #tpu.memory_space<vmem>> -> memref<3x128xi32, #tpu.memory_space<vmem>>
      %dma_start3A_455 = arith.constant 0 : i32
      %dma_start3A_456 = arith.constant 0 : i32
      %dma_start3A_457 = tpu.memref_slice %arg3[%add3A_444, %dma_start3A_455, %dma_start3A_456] : memref<960x3x128xi32, #tpu.memory_space<hbm>> -> memref<1x3x128xi32, #tpu.memory_space<hbm>>
      %dma_start3A_458 = tpu.memref_squeeze %dma_start3A_457 : memref<1x3x128xi32, #tpu.memory_space<hbm>> -> memref<3x128xi32, #tpu.memory_space<hbm>>
      tpu.enqueue_dma source(%dma_start3A_458 : memref<3x128xi32, #tpu.memory_space<hbm>>) target(%dma_start3A_454 : memref<3x128xi32, #tpu.memory_space<vmem>>) target_semaphore(%arg20 : memref<!tpu.dma_semaphore, #tpu.memory_space<semaphore_mem>>)
      %add3A_459 = arith.addi %mul3A_2, %select_n3A_443 : i32
      %dma_start3A_460 = arith.constant 3 : i32
      %dma_start3A_461 = arith.constant 0 : i32
      %dma_start3A_462 = tpu.memref_slice %arg8[%dma_start3A_460, %dma_start3A_461] : memref<6x128xi32, #tpu.memory_space<vmem>> -> memref<3x128xi32, #tpu.memory_space<vmem>>
      %dma_start3A_463 = arith.constant 0 : i32
      %dma_start3A_464 = arith.constant 0 : i32
      %dma_start3A_465 = tpu.memref_slice %arg4[%add3A_459, %dma_start3A_463, %dma_start3A_464] : memref<960x3x128xi32, #tpu.memory_space<hbm>> -> memref<1x3x128xi32, #tpu.memory_space<hbm>>
      %dma_start3A_466 = tpu.memref_squeeze %dma_start3A_465 : memref<1x3x128xi32, #tpu.memory_space<hbm>> -> memref<3x128xi32, #tpu.memory_space<hbm>>
      %dma_start3A_467 = arith.constant 3 : i32
      %dma_start3A_468 = arith.constant 0 : i32
      %dma_start3A_469 = tpu.memref_slice %arg8[%dma_start3A_467, %dma_start3A_468] : memref<6x128xi32, #tpu.memory_space<vmem>> -> memref<3x128xi32, #tpu.memory_space<vmem>>
      %dma_start3A_470 = arith.constant 0 : i32
      %dma_start3A_471 = arith.constant 0 : i32
      %dma_start3A_472 = tpu.memref_slice %arg4[%add3A_459, %dma_start3A_470, %dma_start3A_471] : memref<960x3x128xi32, #tpu.memory_space<hbm>> -> memref<1x3x128xi32, #tpu.memory_space<hbm>>
      %dma_start3A_473 = tpu.memref_squeeze %dma_start3A_472 : memref<1x3x128xi32, #tpu.memory_space<hbm>> -> memref<3x128xi32, #tpu.memory_space<hbm>>
      tpu.enqueue_dma source(%dma_start3A_473 : memref<3x128xi32, #tpu.memory_space<hbm>>) target(%dma_start3A_469 : memref<3x128xi32, #tpu.memory_space<vmem>>) target_semaphore(%arg22 : memref<!tpu.dma_semaphore, #tpu.memory_space<semaphore_mem>>)
    }
    %scan3A_109 = arith.constant 15 : i32
    %dma_wait3A_110 = arith.constant 0 : i32
    %dma_wait3A_111 = arith.constant 0 : i32
    %dma_wait3A_112 = tpu.memref_slice %arg2[%dma_wait3A_110, %dma_wait3A_111] : memref<10240x128xf32, #tpu.memory_space<hbm>> -> memref<112x128xf32, #tpu.memory_space<hbm>>
    %dma_wait3A_113 = arith.constant 0 : i32
    %dma_wait3A_114 = arith.constant 0 : i32
    %dma_wait3A_115 = tpu.memref_slice %arg2[%dma_wait3A_113, %dma_wait3A_114] : memref<10240x128xf32, #tpu.memory_space<hbm>> -> memref<112x128xf32, #tpu.memory_space<hbm>>
    tpu.wait_dma2 semaphore(%arg13 : memref<!tpu.dma_semaphore, #tpu.memory_space<semaphore_mem>>) src(%dma_wait3A_115 : memref<112x128xf32, #tpu.memory_space<hbm>>) dst(%arg9 : memref<112x128xf32, #tpu.memory_space<vmem>>)
    %dma_wait3A_116 = arith.constant 0 : i32
    %dma_wait3A_117 = arith.constant 0 : i32
    %dma_wait3A_118 = tpu.memref_slice %arg2[%dma_wait3A_116, %dma_wait3A_117] : memref<10240x128xf32, #tpu.memory_space<hbm>> -> memref<112x128xf32, #tpu.memory_space<hbm>>
    %dma_wait3A_119 = arith.constant 0 : i32
    %dma_wait3A_120 = arith.constant 0 : i32
    %dma_wait3A_121 = tpu.memref_slice %arg2[%dma_wait3A_119, %dma_wait3A_120] : memref<10240x128xf32, #tpu.memory_space<hbm>> -> memref<112x128xf32, #tpu.memory_space<hbm>>
    tpu.wait_dma2 semaphore(%arg14 : memref<!tpu.dma_semaphore, #tpu.memory_space<semaphore_mem>>) src(%dma_wait3A_121 : memref<112x128xf32, #tpu.memory_space<hbm>>) dst(%arg10 : memref<112x128xf32, #tpu.memory_space<vmem>>)
    %dma_wait3A_122 = arith.constant 0 : i32
    %dma_wait3A_123 = arith.constant 0 : i32
    %dma_wait3A_124 = tpu.memref_slice %arg2[%dma_wait3A_122, %dma_wait3A_123] : memref<10240x128xf32, #tpu.memory_space<hbm>> -> memref<112x128xf32, #tpu.memory_space<hbm>>
    %dma_wait3A_125 = arith.constant 0 : i32
    %dma_wait3A_126 = arith.constant 0 : i32
    %dma_wait3A_127 = tpu.memref_slice %arg2[%dma_wait3A_125, %dma_wait3A_126] : memref<10240x128xf32, #tpu.memory_space<hbm>> -> memref<112x128xf32, #tpu.memory_space<hbm>>
    tpu.wait_dma2 semaphore(%arg15 : memref<!tpu.dma_semaphore, #tpu.memory_space<semaphore_mem>>) src(%dma_wait3A_127 : memref<112x128xf32, #tpu.memory_space<hbm>>) dst(%arg11 : memref<112x128xf32, #tpu.memory_space<vmem>>)
    %dma_wait3A_128 = arith.constant 0 : i32
    %dma_wait3A_129 = arith.constant 0 : i32
    %dma_wait3A_130 = arith.constant 0 : i32
    %dma_wait3A_131 = tpu.memref_slice %arg7[%dma_wait3A_129, %dma_wait3A_130] : memref<6x128xi32, #tpu.memory_space<vmem>> -> memref<3x128xi32, #tpu.memory_space<vmem>>
    %dma_wait3A_132 = arith.constant 0 : i32
    %dma_wait3A_133 = arith.constant 0 : i32
    %dma_wait3A_134 = tpu.memref_slice %arg3[%dma_wait3A_128, %dma_wait3A_132, %dma_wait3A_133] : memref<960x3x128xi32, #tpu.memory_space<hbm>> -> memref<1x3x128xi32, #tpu.memory_space<hbm>>
    %dma_wait3A_135 = tpu.memref_squeeze %dma_wait3A_134 : memref<1x3x128xi32, #tpu.memory_space<hbm>> -> memref<3x128xi32, #tpu.memory_space<hbm>>
    %dma_wait3A_136 = arith.constant 0 : i32
    %dma_wait3A_137 = arith.constant 0 : i32
    %dma_wait3A_138 = tpu.memref_slice %arg7[%dma_wait3A_136, %dma_wait3A_137] : memref<6x128xi32, #tpu.memory_space<vmem>> -> memref<3x128xi32, #tpu.memory_space<vmem>>
    %dma_wait3A_139 = arith.constant 0 : i32
    %dma_wait3A_140 = arith.constant 0 : i32
    %dma_wait3A_141 = tpu.memref_slice %arg3[%dma_wait3A_128, %dma_wait3A_139, %dma_wait3A_140] : memref<960x3x128xi32, #tpu.memory_space<hbm>> -> memref<1x3x128xi32, #tpu.memory_space<hbm>>
    %dma_wait3A_142 = tpu.memref_squeeze %dma_wait3A_141 : memref<1x3x128xi32, #tpu.memory_space<hbm>> -> memref<3x128xi32, #tpu.memory_space<hbm>>
    tpu.wait_dma2 semaphore(%arg20 : memref<!tpu.dma_semaphore, #tpu.memory_space<semaphore_mem>>) src(%dma_wait3A_142 : memref<3x128xi32, #tpu.memory_space<hbm>>) dst(%dma_wait3A_138 : memref<3x128xi32, #tpu.memory_space<vmem>>)
    %dma_wait3A_143 = arith.constant 0 : i32
    %dma_wait3A_144 = arith.constant 0 : i32
    %dma_wait3A_145 = arith.constant 0 : i32
    %dma_wait3A_146 = tpu.memref_slice %arg7[%dma_wait3A_144, %dma_wait3A_145] : memref<6x128xi32, #tpu.memory_space<vmem>> -> memref<3x128xi32, #tpu.memory_space<vmem>>
    %dma_wait3A_147 = arith.constant 0 : i32
    %dma_wait3A_148 = arith.constant 0 : i32
    %dma_wait3A_149 = tpu.memref_slice %arg3[%dma_wait3A_143, %dma_wait3A_147, %dma_wait3A_148] : memref<960x3x128xi32, #tpu.memory_space<hbm>> -> memref<1x3x128xi32, #tpu.memory_space<hbm>>
    %dma_wait3A_150 = tpu.memref_squeeze %dma_wait3A_149 : memref<1x3x128xi32, #tpu.memory_space<hbm>> -> memref<3x128xi32, #tpu.memory_space<hbm>>
    %dma_wait3A_151 = arith.constant 0 : i32
    %dma_wait3A_152 = arith.constant 0 : i32
    %dma_wait3A_153 = tpu.memref_slice %arg7[%dma_wait3A_151, %dma_wait3A_152] : memref<6x128xi32, #tpu.memory_space<vmem>> -> memref<3x128xi32, #tpu.memory_space<vmem>>
    %dma_wait3A_154 = arith.constant 0 : i32
    %dma_wait3A_155 = arith.constant 0 : i32
    %dma_wait3A_156 = tpu.memref_slice %arg3[%dma_wait3A_143, %dma_wait3A_154, %dma_wait3A_155] : memref<960x3x128xi32, #tpu.memory_space<hbm>> -> memref<1x3x128xi32, #tpu.memory_space<hbm>>
    %dma_wait3A_157 = tpu.memref_squeeze %dma_wait3A_156 : memref<1x3x128xi32, #tpu.memory_space<hbm>> -> memref<3x128xi32, #tpu.memory_space<hbm>>
    tpu.wait_dma2 semaphore(%arg21 : memref<!tpu.dma_semaphore, #tpu.memory_space<semaphore_mem>>) src(%dma_wait3A_157 : memref<3x128xi32, #tpu.memory_space<hbm>>) dst(%dma_wait3A_153 : memref<3x128xi32, #tpu.memory_space<vmem>>)
    %dma_wait3A_158 = arith.constant 0 : i32
    %dma_wait3A_159 = arith.constant 0 : i32
    %dma_wait3A_160 = arith.constant 0 : i32
    %dma_wait3A_161 = tpu.memref_slice %arg7[%dma_wait3A_159, %dma_wait3A_160] : memref<6x128xi32, #tpu.memory_space<vmem>> -> memref<3x128xi32, #tpu.memory_space<vmem>>
    %dma_wait3A_162 = arith.constant 0 : i32
    %dma_wait3A_163 = arith.constant 0 : i32
    %dma_wait3A_164 = tpu.memref_slice %arg3[%dma_wait3A_158, %dma_wait3A_162, %dma_wait3A_163] : memref<960x3x128xi32, #tpu.memory_space<hbm>> -> memref<1x3x128xi32, #tpu.memory_space<hbm>>
    %dma_wait3A_165 = tpu.memref_squeeze %dma_wait3A_164 : memref<1x3x128xi32, #tpu.memory_space<hbm>> -> memref<3x128xi32, #tpu.memory_space<hbm>>
    %dma_wait3A_166 = arith.constant 0 : i32
    %dma_wait3A_167 = arith.constant 0 : i32
    %dma_wait3A_168 = tpu.memref_slice %arg7[%dma_wait3A_166, %dma_wait3A_167] : memref<6x128xi32, #tpu.memory_space<vmem>> -> memref<3x128xi32, #tpu.memory_space<vmem>>
    %dma_wait3A_169 = arith.constant 0 : i32
    %dma_wait3A_170 = arith.constant 0 : i32
    %dma_wait3A_171 = tpu.memref_slice %arg3[%dma_wait3A_158, %dma_wait3A_169, %dma_wait3A_170] : memref<960x3x128xi32, #tpu.memory_space<hbm>> -> memref<1x3x128xi32, #tpu.memory_space<hbm>>
    %dma_wait3A_172 = tpu.memref_squeeze %dma_wait3A_171 : memref<1x3x128xi32, #tpu.memory_space<hbm>> -> memref<3x128xi32, #tpu.memory_space<hbm>>
    tpu.wait_dma2 semaphore(%arg22 : memref<!tpu.dma_semaphore, #tpu.memory_space<semaphore_mem>>) src(%dma_wait3A_172 : memref<3x128xi32, #tpu.memory_space<hbm>>) dst(%dma_wait3A_168 : memref<3x128xi32, #tpu.memory_space<vmem>>)
    %barrier3A_173 = arith.constant 0 : index
    tpu.barrier barrier_id(%barrier3A_173)
    %mul3A_174 = arith.constant 640 : i32
    %mul3A_175 = arith.muli %arg1, %mul3A_174 : i32
    %mul3A_176 = arith.constant 640 : i32
    %mul3A_177 = arith.muli %arg1, %mul3A_176 : i32
    "tpu.region"() ({
      %run_scoped3A = tpu.sem_alloc : memref<!tpu.dma_semaphore, #tpu.memory_space<semaphore_mem>>
      %dma_start3A_178 = arith.constant 0 : i32
      %dma_start3A_179 = tpu.memref_slice %arg6[%arg0, %mul3A_177, %dma_start3A_178] : memref<2x10240x128xf32, #tpu.memory_space<hbm>> -> memref<1x640x128xf32, #tpu.memory_space<hbm>>
      %dma_start3A_180 = tpu.memref_squeeze %dma_start3A_179 : memref<1x640x128xf32, #tpu.memory_space<hbm>> -> memref<640x128xf32, #tpu.memory_space<hbm>>
      %dma_start3A_181 = arith.constant 0 : i32
      %dma_start3A_182 = tpu.memref_slice %arg12[%mul3A_175, %dma_start3A_181] : memref<10240x128xf32, #tpu.memory_space<vmem_shared>> -> memref<640x128xf32, #tpu.memory_space<vmem_shared>>
      tpu.enqueue_dma source(%dma_start3A_182 : memref<640x128xf32, #tpu.memory_space<vmem_shared>>) target(%dma_start3A_180 : memref<640x128xf32, #tpu.memory_space<hbm>>) target_semaphore(%run_scoped3A : memref<!tpu.dma_semaphore, #tpu.memory_space<semaphore_mem>>)
      %dma_wait3A_183 = arith.constant 0 : i32
      %dma_wait3A_184 = tpu.memref_slice %arg6[%arg0, %mul3A_177, %dma_wait3A_183] : memref<2x10240x128xf32, #tpu.memory_space<hbm>> -> memref<1x640x128xf32, #tpu.memory_space<hbm>>
      %dma_wait3A_185 = tpu.memref_squeeze %dma_wait3A_184 : memref<1x640x128xf32, #tpu.memory_space<hbm>> -> memref<640x128xf32, #tpu.memory_space<hbm>>
      %dma_wait3A_186 = arith.constant 0 : i32
      %dma_wait3A_187 = tpu.memref_slice %arg12[%mul3A_175, %dma_wait3A_186] : memref<10240x128xf32, #tpu.memory_space<vmem_shared>> -> memref<640x128xf32, #tpu.memory_space<vmem_shared>>
      tpu.wait_dma2 semaphore(%run_scoped3A : memref<!tpu.dma_semaphore, #tpu.memory_space<semaphore_mem>>) src(%dma_wait3A_187 : memref<640x128xf32, #tpu.memory_space<vmem_shared>>) dst(%dma_wait3A_185 : memref<640x128xf32, #tpu.memory_space<hbm>>)
      tpu.yield
    }) : () -> ()
    return
  }
}

module attributes {stable_mosaic.version = 14 : i64} {
  func.func @_tc_body(%arg0: i32, %arg1: memref<1024x128xf32, #tpu.memory_space<vmem>>, %arg2: memref<2x1024x128xf32, #tpu.memory_space<vmem>>, %arg3: memref<1024x2xf32, #tpu.memory_space<vmem>>, %arg4: memref<128x128xf32, #tpu.memory_space<vmem>>, %arg5: memref<128x128xf32, #tpu.memory_space<vmem>>, %arg6: memref<1x128xf32, #tpu.memory_space<vmem>>, %arg7: memref<1024x128xf32, #tpu.memory_space<vmem>>) attributes {dimension_semantics = [#tpu.dimension_semantics<arbitrary>], iteration_bounds = array<i64: 10>, scalar_prefetch = 0 : i64, scratch_operands = 0 : i64, tpu.core_type = #tpu.core_type<tc>, window_params = [{transform_indices = @transform_0, window_bounds = array<i64: 1024, 128>}, {transform_indices = @transform_1, window_bounds = array<i64: 2, 1024, 128>}, {transform_indices = @transform_2, window_bounds = array<i64: 1024, 2>}, {pipeline_mode = #tpu.pipeline_mode<synchronous>, transform_indices = @transform_3, window_bounds = array<i64: 128, 128>}, {pipeline_mode = #tpu.pipeline_mode<synchronous>, transform_indices = @transform_4, window_bounds = array<i64: 128, 128>}, {pipeline_mode = #tpu.pipeline_mode<synchronous>, transform_indices = @transform_5, window_bounds = array<i64: 1, 128>}, {transform_indices = @transform_6, window_bounds = array<i64: 1024, 128>}]} {
    %get3A = arith.constant 0 : index
    %get3A_0 = arith.constant 0 : index
    %get3A_1 = vector.load %arg3[%get3A, %get3A_0] : memref<1024x2xf32, #tpu.memory_space<vmem>>, vector<1024x1xf32>
    %get3A_2 = arith.constant 0 : index
    %get3A_3 = arith.constant 1 : index
    %get3A_4 = vector.load %arg3[%get3A_2, %get3A_3] : memref<1024x2xf32, #tpu.memory_space<vmem>>, vector<1024x1xf32>
    %add3A = arith.addf %get3A_1, %get3A_4 : vector<1024x1xf32>
    %max3A = arith.constant 1.000000e+00 : f32
    %max3A_5 = vector.broadcast %max3A : f32 to vector<1024x1xf32>
    %max3A_6 = arith.maximumf %add3A, %max3A_5 : vector<1024x1xf32>
    %div3A = arith.constant 1.000000e+00 : f32
    %div3A_7 = vector.broadcast %div3A : f32 to vector<1024x1xf32>
    %div3A_8 = arith.divf %div3A_7, %max3A_6 : vector<1024x1xf32>
    %get3A_9 = arith.constant 0 : index
    %get3A_10 = arith.constant 0 : index
    %get3A_11 = arith.constant 0 : index
    %get3A_12 = vector.load %arg2[%get3A_9, %get3A_10, %get3A_11] : memref<2x1024x128xf32, #tpu.memory_space<vmem>>, vector<1x1024x128xf32>
    %get3A_13 = vector.shape_cast %get3A_12 : vector<1x1024x128xf32> to vector<1024x128xf32>
    %get3A_14 = arith.constant 1 : index
    %get3A_15 = arith.constant 0 : index
    %get3A_16 = arith.constant 0 : index
    %get3A_17 = vector.load %arg2[%get3A_14, %get3A_15, %get3A_16] : memref<2x1024x128xf32, #tpu.memory_space<vmem>>, vector<1x1024x128xf32>
    %get3A_18 = vector.shape_cast %get3A_17 : vector<1x1024x128xf32> to vector<1024x128xf32>
    %add3A_19 = arith.addf %get3A_13, %get3A_18 : vector<1024x128xf32>
    %mul3A = vector.broadcast %div3A_8 : vector<1024x1xf32> to vector<1024x128xf32>
    %mul3A_20 = arith.mulf %add3A_19, %mul3A : vector<1024x128xf32>
    %get3A_21 = arith.constant 0 : index
    %get3A_22 = arith.constant 0 : index
    %get3A_23 = vector.load %arg1[%get3A_21, %get3A_22] : memref<1024x128xf32, #tpu.memory_space<vmem>>, vector<1024x128xf32>
    %get3A_24 = arith.constant 0 : index
    %get3A_25 = arith.constant 0 : index
    %get3A_26 = vector.load %arg4[%get3A_24, %get3A_25] : memref<128x128xf32, #tpu.memory_space<vmem>>, vector<128x128xf32>
    %dot_general3A = arith.constant dense<0.000000e+00> : vector<1024x128xf32>
    %dot_general3A_27 = tpu.matmul %get3A_23, %get3A_26, %dot_general3A {dimension_numbers = #tpu.dot_dimension_numbers<[1], [0], [0], [1], [0, 0, 1, 1], [], []>, transpose_lhs_hint = false} : vector<1024x128xf32>, vector<128x128xf32>, vector<1024x128xf32> -> vector<1024x128xf32>
    %get3A_28 = arith.constant 0 : index
    %get3A_29 = arith.constant 0 : index
    %get3A_30 = vector.load %arg5[%get3A_28, %get3A_29] : memref<128x128xf32, #tpu.memory_space<vmem>>, vector<128x128xf32>
    %dot_general3A_31 = arith.constant dense<0.000000e+00> : vector<1024x128xf32>
    %dot_general3A_32 = tpu.matmul %mul3A_20, %get3A_30, %dot_general3A_31 {dimension_numbers = #tpu.dot_dimension_numbers<[1], [0], [0], [1], [0, 0, 1, 1], [], []>, transpose_lhs_hint = false} : vector<1024x128xf32>, vector<128x128xf32>, vector<1024x128xf32> -> vector<1024x128xf32>
    %add3A_33 = arith.addf %dot_general3A_27, %dot_general3A_32 : vector<1024x128xf32>
    %get3A_34 = arith.constant 0 : index
    %get3A_35 = arith.constant 0 : index
    %get3A_36 = vector.load %arg6[%get3A_34, %get3A_35] : memref<1x128xf32, #tpu.memory_space<vmem>>, vector<1x128xf32>
    %add3A_37 = vector.broadcast %get3A_36 : vector<1x128xf32> to vector<1024x128xf32>
    %add3A_38 = arith.addf %add3A_33, %add3A_37 : vector<1024x128xf32>
    %max3A_39 = arith.constant 0.000000e+00 : f32
    %max3A_40 = vector.broadcast %max3A_39 : f32 to vector<1024x128xf32>
    %max3A_41 = arith.maximumf %add3A_38, %max3A_40 : vector<1024x128xf32>
    %swap3A = arith.constant 0 : index
    %swap3A_42 = arith.constant 0 : index
    %swap3A_43 = vector.load %arg7[%swap3A, %swap3A_42] : memref<1024x128xf32, #tpu.memory_space<vmem>>, vector<1024x128xf32>
    tpu.vector_store %arg7[%swap3A, %swap3A_42], %max3A_41 {strides = array<i32>} : memref<1024x128xf32, #tpu.memory_space<vmem>>, vector<1024x128xf32>,
    return
  }
  func.func @transform_0(%arg0: i32) -> (i32, i32) {
    %c0_i32 = arith.constant 0 : i32
    %c0_i32_0 = arith.constant 0 : i32
    return %arg0, %c0_i32 : i32, i32
  }
  func.func @transform_1(%arg0: i32) -> (i32, i32, i32) {
    %c0_i32 = arith.constant 0 : i32
    %c0_i32_0 = arith.constant 0 : i32
    %c0_i32_1 = arith.constant 0 : i32
    return %c0_i32, %arg0, %c0_i32_0 : i32, i32, i32
  }
  func.func @transform_2(%arg0: i32) -> (i32, i32) {
    %c0_i32 = arith.constant 0 : i32
    %c0_i32_0 = arith.constant 0 : i32
    return %arg0, %c0_i32 : i32, i32
  }
  func.func @transform_3(%arg0: i32) -> (i32, i32) {
    %c0_i32 = arith.constant 0 : i32
    %c0_i32_0 = arith.constant 0 : i32
    %c0_i32_1 = arith.constant 0 : i32
    return %c0_i32, %c0_i32_0 : i32, i32
  }
  func.func @transform_4(%arg0: i32) -> (i32, i32) {
    %c0_i32 = arith.constant 0 : i32
    %c0_i32_0 = arith.constant 0 : i32
    %c0_i32_1 = arith.constant 0 : i32
    return %c0_i32, %c0_i32_0 : i32, i32
  }
  func.func @transform_5(%arg0: i32) -> (i32, i32) {
    %c0_i32 = arith.constant 0 : i32
    %c0_i32_0 = arith.constant 0 : i32
    %c0_i32_1 = arith.constant 0 : i32
    return %c0_i32, %c0_i32_0 : i32, i32
  }
  func.func @transform_6(%arg0: i32) -> (i32, i32) {
    %c0_i32 = arith.constant 0 : i32
    %c0_i32_0 = arith.constant 0 : i32
    return %arg0, %c0_i32 : i32, i32
  }
}

module attributes {stable_mosaic.version = 14 : i64} {
  func.func @_tc_final_body(%arg0: i32, %arg1: memref<1024x128xf32, #tpu.memory_space<vmem>>, %arg2: memref<2x1024x128xf32, #tpu.memory_space<vmem>>, %arg3: memref<1024x2xf32, #tpu.memory_space<vmem>>, %arg4: memref<128x128xf32, #tpu.memory_space<vmem>>, %arg5: memref<128x128xf32, #tpu.memory_space<vmem>>, %arg6: memref<1x128xf32, #tpu.memory_space<vmem>>, %arg7: memref<128x128xf32, #tpu.memory_space<vmem>>, %arg8: memref<1x128xf32, #tpu.memory_space<vmem>>, %arg9: memref<1024x128xf32, #tpu.memory_space<vmem>>) attributes {dimension_semantics = [#tpu.dimension_semantics<arbitrary>], iteration_bounds = array<i64: 10>, scalar_prefetch = 0 : i64, scratch_operands = 0 : i64, tpu.core_type = #tpu.core_type<tc>, window_params = [{transform_indices = @transform_0, window_bounds = array<i64: 1024, 128>}, {transform_indices = @transform_1, window_bounds = array<i64: 2, 1024, 128>}, {transform_indices = @transform_2, window_bounds = array<i64: 1024, 2>}, {pipeline_mode = #tpu.pipeline_mode<synchronous>, transform_indices = @transform_3, window_bounds = array<i64: 128, 128>}, {pipeline_mode = #tpu.pipeline_mode<synchronous>, transform_indices = @transform_4, window_bounds = array<i64: 128, 128>}, {pipeline_mode = #tpu.pipeline_mode<synchronous>, transform_indices = @transform_5, window_bounds = array<i64: 1, 128>}, {pipeline_mode = #tpu.pipeline_mode<synchronous>, transform_indices = @transform_6, window_bounds = array<i64: 128, 128>}, {pipeline_mode = #tpu.pipeline_mode<synchronous>, transform_indices = @transform_7, window_bounds = array<i64: 1, 128>}, {transform_indices = @transform_8, window_bounds = array<i64: 1024, 128>}]} {
    %get3A = arith.constant 0 : index
    %get3A_0 = arith.constant 0 : index
    %get3A_1 = vector.load %arg3[%get3A, %get3A_0] : memref<1024x2xf32, #tpu.memory_space<vmem>>, vector<1024x1xf32>
    %get3A_2 = arith.constant 0 : index
    %get3A_3 = arith.constant 1 : index
    %get3A_4 = vector.load %arg3[%get3A_2, %get3A_3] : memref<1024x2xf32, #tpu.memory_space<vmem>>, vector<1024x1xf32>
    %add3A = arith.addf %get3A_1, %get3A_4 : vector<1024x1xf32>
    %max3A = arith.constant 1.000000e+00 : f32
    %max3A_5 = vector.broadcast %max3A : f32 to vector<1024x1xf32>
    %max3A_6 = arith.maximumf %add3A, %max3A_5 : vector<1024x1xf32>
    %div3A = arith.constant 1.000000e+00 : f32
    %div3A_7 = vector.broadcast %div3A : f32 to vector<1024x1xf32>
    %div3A_8 = arith.divf %div3A_7, %max3A_6 : vector<1024x1xf32>
    %get3A_9 = arith.constant 0 : index
    %get3A_10 = arith.constant 0 : index
    %get3A_11 = arith.constant 0 : index
    %get3A_12 = vector.load %arg2[%get3A_9, %get3A_10, %get3A_11] : memref<2x1024x128xf32, #tpu.memory_space<vmem>>, vector<1x1024x128xf32>
    %get3A_13 = vector.shape_cast %get3A_12 : vector<1x1024x128xf32> to vector<1024x128xf32>
    %get3A_14 = arith.constant 1 : index
    %get3A_15 = arith.constant 0 : index
    %get3A_16 = arith.constant 0 : index
    %get3A_17 = vector.load %arg2[%get3A_14, %get3A_15, %get3A_16] : memref<2x1024x128xf32, #tpu.memory_space<vmem>>, vector<1x1024x128xf32>
    %get3A_18 = vector.shape_cast %get3A_17 : vector<1x1024x128xf32> to vector<1024x128xf32>
    %add3A_19 = arith.addf %get3A_13, %get3A_18 : vector<1024x128xf32>
    %mul3A = vector.broadcast %div3A_8 : vector<1024x1xf32> to vector<1024x128xf32>
    %mul3A_20 = arith.mulf %add3A_19, %mul3A : vector<1024x128xf32>
    %get3A_21 = arith.constant 0 : index
    %get3A_22 = arith.constant 0 : index
    %get3A_23 = vector.load %arg1[%get3A_21, %get3A_22] : memref<1024x128xf32, #tpu.memory_space<vmem>>, vector<1024x128xf32>
    %get3A_24 = arith.constant 0 : index
    %get3A_25 = arith.constant 0 : index
    %get3A_26 = vector.load %arg4[%get3A_24, %get3A_25] : memref<128x128xf32, #tpu.memory_space<vmem>>, vector<128x128xf32>
    %dot_general3A = arith.constant dense<0.000000e+00> : vector<1024x128xf32>
    %dot_general3A_27 = tpu.matmul %get3A_23, %get3A_26, %dot_general3A {dimension_numbers = #tpu.dot_dimension_numbers<[1], [0], [0], [1], [0, 0, 1, 1], [], []>, transpose_lhs_hint = false} : vector<1024x128xf32>, vector<128x128xf32>, vector<1024x128xf32> -> vector<1024x128xf32>
    %get3A_28 = arith.constant 0 : index
    %get3A_29 = arith.constant 0 : index
    %get3A_30 = vector.load %arg5[%get3A_28, %get3A_29] : memref<128x128xf32, #tpu.memory_space<vmem>>, vector<128x128xf32>
    %dot_general3A_31 = arith.constant dense<0.000000e+00> : vector<1024x128xf32>
    %dot_general3A_32 = tpu.matmul %mul3A_20, %get3A_30, %dot_general3A_31 {dimension_numbers = #tpu.dot_dimension_numbers<[1], [0], [0], [1], [0, 0, 1, 1], [], []>, transpose_lhs_hint = false} : vector<1024x128xf32>, vector<128x128xf32>, vector<1024x128xf32> -> vector<1024x128xf32>
    %add3A_33 = arith.addf %dot_general3A_27, %dot_general3A_32 : vector<1024x128xf32>
    %get3A_34 = arith.constant 0 : index
    %get3A_35 = arith.constant 0 : index
    %get3A_36 = vector.load %arg6[%get3A_34, %get3A_35] : memref<1x128xf32, #tpu.memory_space<vmem>>, vector<1x128xf32>
    %add3A_37 = vector.broadcast %get3A_36 : vector<1x128xf32> to vector<1024x128xf32>
    %add3A_38 = arith.addf %add3A_33, %add3A_37 : vector<1024x128xf32>
    %get3A_39 = arith.constant 0 : index
    %get3A_40 = arith.constant 0 : index
    %get3A_41 = vector.load %arg7[%get3A_39, %get3A_40] : memref<128x128xf32, #tpu.memory_space<vmem>>, vector<128x128xf32>
    %dot_general3A_42 = arith.constant dense<0.000000e+00> : vector<1024x128xf32>
    %dot_general3A_43 = tpu.matmul %add3A_38, %get3A_41, %dot_general3A_42 {dimension_numbers = #tpu.dot_dimension_numbers<[1], [0], [0], [1], [0, 0, 1, 1], [], []>, transpose_lhs_hint = false} : vector<1024x128xf32>, vector<128x128xf32>, vector<1024x128xf32> -> vector<1024x128xf32>
    %get3A_44 = arith.constant 0 : index
    %get3A_45 = arith.constant 0 : index
    %get3A_46 = vector.load %arg8[%get3A_44, %get3A_45] : memref<1x128xf32, #tpu.memory_space<vmem>>, vector<1x128xf32>
    %add3A_47 = vector.broadcast %get3A_46 : vector<1x128xf32> to vector<1024x128xf32>
    %add3A_48 = arith.addf %dot_general3A_43, %add3A_47 : vector<1024x128xf32>
    %swap3A = arith.constant 0 : index
    %swap3A_49 = arith.constant 0 : index
    %swap3A_50 = vector.load %arg9[%swap3A, %swap3A_49] : memref<1024x128xf32, #tpu.memory_space<vmem>>, vector<1024x128xf32>
    tpu.vector_store %arg9[%swap3A, %swap3A_49], %add3A_48 {strides = array<i32>} : memref<1024x128xf32, #tpu.memory_space<vmem>>, vector<1024x128xf32>,
    return
  }
  func.func @transform_0(%arg0: i32) -> (i32, i32) {
    %c0_i32 = arith.constant 0 : i32
    %c0_i32_0 = arith.constant 0 : i32
    return %arg0, %c0_i32 : i32, i32
  }
  func.func @transform_1(%arg0: i32) -> (i32, i32, i32) {
    %c0_i32 = arith.constant 0 : i32
    %c0_i32_0 = arith.constant 0 : i32
    %c0_i32_1 = arith.constant 0 : i32
    return %c0_i32, %arg0, %c0_i32_0 : i32, i32, i32
  }
  func.func @transform_2(%arg0: i32) -> (i32, i32) {
    %c0_i32 = arith.constant 0 : i32
    %c0_i32_0 = arith.constant 0 : i32
    return %arg0, %c0_i32 : i32, i32
  }
  func.func @transform_3(%arg0: i32) -> (i32, i32) {
    %c0_i32 = arith.constant 0 : i32
    %c0_i32_0 = arith.constant 0 : i32
    %c0_i32_1 = arith.constant 0 : i32
    return %c0_i32, %c0_i32_0 : i32, i32
  }
  func.func @transform_4(%arg0: i32) -> (i32, i32) {
    %c0_i32 = arith.constant 0 : i32
    %c0_i32_0 = arith.constant 0 : i32
    %c0_i32_1 = arith.constant 0 : i32
    return %c0_i32, %c0_i32_0 : i32, i32
  }
  func.func @transform_5(%arg0: i32) -> (i32, i32) {
    %c0_i32 = arith.constant 0 : i32
    %c0_i32_0 = arith.constant 0 : i32
    %c0_i32_1 = arith.constant 0 : i32
    return %c0_i32, %c0_i32_0 : i32, i32
  }
  func.func @transform_6(%arg0: i32) -> (i32, i32) {
    %c0_i32 = arith.constant 0 : i32
    %c0_i32_0 = arith.constant 0 : i32
    %c0_i32_1 = arith.constant 0 : i32
    return %c0_i32, %c0_i32_0 : i32, i32
  }
  func.func @transform_7(%arg0: i32) -> (i32, i32) {
    %c0_i32 = arith.constant 0 : i32
    %c0_i32_0 = arith.constant 0 : i32
    %c0_i32_1 = arith.constant 0 : i32
    return %c0_i32, %c0_i32_0 : i32, i32
  }
  func.func @transform_8(%arg0: i32) -> (i32, i32) {
    %c0_i32 = arith.constant 0 : i32
    %c0_i32_0 = arith.constant 0 : i32
    return %arg0, %c0_i32 : i32, i32
  }
}

</mosaic_0001>

<sc_bundles>
// kernel: kernel.11.cloned.1.call-start
scs
__scs_entry_jumppad:
0x0: {  	(pc) =	sbr.rel $0x88, $3  }
0x1: {  	(tag) =	ssettag $0x0;
	lr =	simm.s32 $0x1  }
0x2: {  	[smem:$0x3F94] =	sst lr;
	_ =	strace $0xD0000000  }
0x3: {  	_ = 	snop  }
0x4: {  	_ = 	snop  }
0x5: {  	_ = 	snop  }
0x6: {  	_ = 	snop  }
0x7: {  	_ = 	snop  }
__scs_overlays_trampoline_lowered:
0x8: {  	[smem:$0x3FA3] =	sst s0  }
0x9: {  	[smem:$0x3FA4] =	sst s1  }
0xa: {  	[smem:$0x3FA5] =	sst s2  }
0xb: {  	[smem:$0x3FA6] =	sst s3  }
0xc: {  	[smem:$0x3FA7] =	sst s4  }
0xd: {  	[smem:$0x3FA8] =	sst s5  }
0xe: {  	[smem:$0x3FA9] =	sst s6  }
0xf: {  	[smem:$0x3FAA] =	sst s7  }
0x10: {  	[smem:$0x3FAB] =	sst s8  }
0x11: {  	[smem:$0x3FAC] =	sst s9;
	s0 =	simm.s32 @!p0 $0x0  }
0x12: {  	s1 =	sld [smem:$0x3F92];
	s0 =	simm.s32 @p0 $0x1  }
0x13: {  	[smem:$0x3FAD] =	sst s0;
	s0 =	simm.s32 @!p1 $0x0  }
0x14: {  	s2 =	sld [smem:$0x3F91];
	s0 =	simm.s32 @p1 $0x1  }
0x15: {  	[smem:$0x3FAE] =	sst s0;
	s0 =	simm.s32 @!p2 $0x0  }
0x16: {  	s3 =	sld [smem:$0x3FDB];
	s0 =	simm.s32 @p2 $0x1  }
0x17: {  	s4 =	simm.s32 $0x1BF5;
	[smem:$0x3FB0] =	sst s0  }
0x18: {  	s0 =	sld [smem:$0x3F93];
	_ =	swait.ge [sflag:s4], $0x0  }
0x19: {  	s7 =	sld [smem:$0x3F94]  }
0x1a: {  	s8 =	sadd.s32 $0xFFFFE003, lr  }
0x1b: {  	s9 =	sadd.s32 $0xFFFFFEF7, lr;
	s5 =	simm.s32 $0xFFFFFFFF;
	p2 =	slt.u32 s8, $0xFFFFF086  }
0x1c: {  	p1 =	slt.u32 s9, $0xF7A;
	s5 =	simm.s32 @!p2 $0x0  }
0x1d: {  	s5 =	simm.s32 @p1 $0x1;
	p0 =	seq.s32 s7, s2  }
0x1e: {  	s7 =	smul.u32 @!p0 $0xF7A, s2;
	p2 =	seq.s32 @!p0 s5, $0x0  }
0x1f: {  	s9 =	smul.u32 $0xF7A, s1;
	s8 =	simm.s32 @!p0 $0x1BF5;
	p2 =	por !p2, p0  }
0x20: {  	[sflag:s8] =	ssyncset.s32 @!p0 $0xFFFFF086;
	s6 =	sadd.s32 @!p0 s3, s7;
	s7 =	simm.s32 @!p0 $0x108  }
0x21: {  	s3 =	sadd.s32 s3, s9;
	s6 =	sadd.s32 @!p0 $0x88, s6;
	s7 =	simm.s32 @p2 $0x1082  }
0x22: {  	[simem:s7], [sflag:s8] =	dma.local @!p0 [hbm:s6], $0xF7A  }
0x23: {  	s9 =	sor.u32 $0xD0000000, s2;
	s6 =	simm.s32 $0x108;
	_ =	swait.ge @!p0 [sflag:s8], $0x0  }
0x24: {  	s3 =	sadd.s32 $0x88, s3;
	s6 =	simm.s32 @!p1 $0x1082;
	[sflag:s4] =	ssyncset.s32 $0xFFFFF086  }
0x25: {  	[simem:s6], [sflag:s4] =	dma.local [hbm:s3], $0xF7A  }
0x26: {  	[smem:$0x3F94] =	sst s1;
	(tag) =	ssettag s2;
	_ =	strace s9  }
0x27: {  	s1 =	sld [smem:$0x3FA4]  }
0x28: {  	s2 =	sld [smem:$0x3FA5]  }
0x29: {  	s4 =	sld [smem:$0x3FA7]  }
0x2a: {  	p0 =	seq.s32 s5, $0x0;
	s5 =	sld [smem:$0x3FA8]  }
0x2b: {  	s6 =	sld [smem:$0x3FA9]  }
0x2c: {  	s7 =	sld [smem:$0x3FAA]  }
0x2d: {  	s3 =	simm.s32 $0x108;
	s8 =	sld [smem:$0x3FAB]  }
0x2e: {  	s3 =	simm.s32 @!p0 $0x1082;
	s9 =	sld [smem:$0x3FAC]  }
0x2f: {  	lr =	sadd.s32 s0, s3;
	s0 =	sld [smem:$0x3FA3]  }
0x30: {  	s3 =	sld [smem:$0x3FA6]  }
0x31: {  	[smem:$0x3FAF] =	sst s10  }
0x32: {  	s10 =	sld [smem:$0x3FAD];
	_ =	sdelay $0x3  }
0x33: {  	p0 =	seq.s32 s10, $0x1;
	s10 =	sld [smem:$0x3FAF];
	_ =	sdelay $0x3  }
0x34: {  	[smem:$0x3FAF] =	sst s10  }
0x35: {  	s10 =	sld [smem:$0x3FAE];
	_ =	sdelay $0x3  }
0x36: {  	p1 =	seq.s32 s10, $0x1;
	s10 =	sld [smem:$0x3FAF];
	_ =	sdelay $0x3  }
0x37: {  	[smem:$0x3FAF] =	sst s10  }
0x38: {  	s10 =	sld [smem:$0x3FB0]  }
0x39: {  	_ = 	snop;
	(pc) =	sbr.ind lr, $3  }
0x3a: {  	_ = 	snop  }
0x3b: {  	_ = 	snop  }
0x3c: {  	p2 =	seq.s32 s10, $0x1;
	s10 =	sld [smem:$0x3FAF]  }
0x3d: {  	_ =	shalt  }
0x3e: {  	_ =	shalt  }
0x3f: {  	_ =	shalt  }
0x40: {  	_ =	shalt  }
0x41: {  	_ =	shalt  }
0x42: {  	_ =	shalt  }
0x43: {  	_ =	shalt  }
0x44: {  	_ =	shalt  }
0x45: {  	_ =	shalt  }
0x46: {  	_ =	shalt  }
0x47: {  	_ =	shalt  }
0x48: {  	_ =	shalt  }
0x49: {  	_ =	shalt  }
0x4a: {  	_ =	shalt  }
0x4b: {  	_ =	shalt  }
0x4c: {  	_ =	shalt  }
0x4d: {  	_ =	shalt  }
0x4e: {  	_ =	shalt  }
0x4f: {  	_ =	shalt  }
0x50: {  	_ =	shalt  }
0x51: {  	_ =	shalt  }
0x52: {  	_ =	shalt  }
0x53: {  	_ =	shalt  }
0x54: {  	_ =	shalt  }
0x55: {  	_ =	shalt  }
0x56: {  	_ =	shalt  }
0x57: {  	_ =	shalt  }
0x58: {  	_ =	shalt  }
0x59: {  	_ =	shalt  }
0x5a: {  	_ =	shalt  }
0x5b: {  	_ =	shalt  }
0x5c: {  	_ =	shalt  }
0x5d: {  	_ =	shalt  }
0x5e: {  	_ =	shalt  }
0x5f: {  	_ =	shalt  }
0x60: {  	_ =	shalt  }
0x61: {  	_ =	shalt  }
0x62: {  	_ =	shalt  }
0x63: {  	_ =	shalt  }
0x64: {  	_ =	shalt  }
0x65: {  	_ =	shalt  }
0x66: {  	_ =	shalt  }
0x67: {  	_ =	shalt  }
0x68: {  	_ =	shalt  }
0x69: {  	_ =	shalt  }
0x6a: {  	_ =	shalt  }
0x6b: {  	_ =	shalt  }
0x6c: {  	_ =	shalt  }
0x6d: {  	_ =	shalt  }
0x6e: {  	_ =	shalt  }
0x6f: {  	_ =	shalt  }
0x70: {  	_ =	shalt  }
0x71: {  	_ =	shalt  }
0x72: {  	_ =	shalt  }
0x73: {  	_ =	shalt  }
0x74: {  	_ =	shalt  }
0x75: {  	_ =	shalt  }
0x76: {  	_ =	shalt  }
0x77: {  	_ =	shalt  }
0x78: {  	_ =	shalt  }
0x79: {  	_ =	shalt  }
0x7a: {  	_ =	shalt  }
0x7b: {  	_ =	shalt  }
0x7c: {  	_ =	shalt  }
0x7d: {  	_ =	shalt  }
0x7e: {  	_ =	shalt  }
0x7f: {  	_ =	shalt  }
0x80: {  	_ =	shalt  }
0x81: {  	_ =	shalt  }
0x82: {  	_ =	shalt  }
0x83: {  	_ =	shalt  }
0x84: {  	_ =	shalt  }
0x85: {  	_ =	shalt  }
0x86: {  	_ =	shalt  }
0x87: {  	_ =	shalt  }
.Lfunc_end0:
.L_simem_size_0:
called_computation.1_lowered:
.L_overlay_start_0:
0x88: {  	s2 =	sld [smem:$0x3FD9]  }
0x89: {  	s3 =	sld [smem:$0x3FFE];
	_ =	sdelay $0x1  }
0x8a: {  	s1 =	srdreg.scid  }
0x8b: {  	s0 =	sand.u32 $0x1, s1  }
0x8c: {  	s17 =	sshll.u32 s0, $0xA;
	s2 =	sadd.s32 s3, s2  }
0x8d: {  	s2 =	sadd.s32 s2, s17  }
0x8e: {  	[smem:$0x3FBB] =	sst s2  }
0x8f: {  	_ = 	snop  }
0x90: {  	s2 =	sld [smem:$0x3FD0];
	(tm) =	ssettm $0x1  }
0x91: {  	s18 =	sld [smem:$0x3FFB];
	_ =	sdelay $0x3  }
0x92: {  	_ =	strace s18  }
0x93: {  	s3 =	sld [smem:$0x3FFC];
	_ =	sdelay $0x3  }
0x94: {  	_ =	strace s3  }
0x95: {  	s3 =	sld [smem:$0x3FFD];
	_ =	sdelay $0x3  }
0x96: {  	_ =	strace s3  }
0x97: {  	_ =	strace $0x8FFFFFFF  }
0x98: {  	s19 =	sld [smem:$0x3FDB];
	_ =	sdelay $0x1  }
0x99: {  	s4 =	simm.s32 $_scs_section_size  }
0x9a: {  	s5 =	simm.s32 $_size__tile_overlayer_lowered;
	s6 =	simm.s32 $_tile_overlayer_lowered  }
0x9b: {  	s22 =	simm.s32 $0x1BFF;
	s21 =	sshll.u32 s6, $0x1;
	s3 =	sadd.s32 s4, s19  }
0x9c: {  	s7 =	simm.s32 $0x0;
	s20 =	sshll.u32 s5, $0x1;
	s5 =	sadd.s32 s21, s3  }
0x9d: {  	[timem:s7], [sflag:s22] =	dma.local [hbm:s5], s20  }
0x9e: {  	_ =	swait.ge [sflag:s22], s20  }
0x9f: {  	s4 =	ssub.s32 $0x0, s20;
	[sflag:s22] =	ssyncset.done $0x0  }
0xa0: {  	[sflag:s22] =	ssyncadd.s32 s4;
	_ =	sdelay $0x1  }
0xa1: {  	s23 =	simm.s32 $0x1B8B  }
0xa2: {  	_ =	swait.ge [sflag:s23], $0x1  }
0xa3: {  	[sflag:s23] =	ssyncset.done $0x0  }
0xa4: {  	s25 =	simm.s32 $0x1B8E;
	s24 =	sld [smem:$0x3FFE];
	[sflag:s23] =	ssyncadd.s32 $0xFFFFFFFF  }
0xa5: {  	s26 =	simm.s32 $execute0_lowered;
	[smem:$0x3FD2] =	sst s25  }
0xa6: {  	s5 =	sshll.u32 s26, $0x1;
	_ =	strace $0x80000049;
	[dreg:$0x1] =	wrdreg $0xFFFFFFFF  }
0xa7: {  	s28 =	simm.s32 $_size_execute0_lowered;
	s3 =	sadd.s32 s3, s5;
	[dreg:$0x0] =	wrdreg $0x0  }
0xa8: {  	s5 =	sshll.u32 s28, $0x1;
	[dreg:$0x2] =	wrdreg s3  }
0xa9: {  	[dreg:$0x3] =	wrdreg s5  }
0xaa: {  	[dreg:$0x4] =	wrdreg $0xC0  }
0xab: {  	_ =	task [dreg:s7], $0x5FFFF  }
0xac: {  	[dreg:$0x1] =	wrdreg $0xFFFFFFFF  }
0xad: {  	[dreg:$0x0] =	wrdreg $0x60  }
0xae: {  	[dreg:$0x2] =	wrdreg s24  }
0xaf: {  	[dreg:$0x3] =	wrdreg s2  }
0xb0: {  	[dreg:$0x4] =	wrdreg $0xB0000  }
0xb1: {  	[dreg:$0x5] =	wrdreg $0x9  }
0xb2: {  	_ =	task.clear_ibuf [dreg:s7], $0x6FFFF;
	_ =	strace $0x90000049  }
0xb3: {  	s29 =	simm.s32 $0x9;
	_ =	strace $0x8000004B  }
0xb4: {  	_ =	swait.ge [sflag:s29], $0x1  }
0xb5: {  	[sflag:s29] =	ssyncadd.s32 $0xFFFFFFFF  }
0xb6: {  	_ =	strace $0x9000004B  }
0xb7: {  	_ =	sfence  }
0xb8: {  	s30 =	sld [smem:$0x0];
	_ =	sdelay $0x2  }
0xb9: {  	s31 =	sshll.u32 s1, $0xD;
	s1 =	sshrl.u32 s1, $0x2  }
0xba: {  	s3 =	sand.u32 $0x4000, s31;
	s1 =	sadd.s32 s1, s30  }
0xbb: {  	s0 =	sor.u32 s3, s0;
	s1 =	sshll.u32 s1, $0x11  }
0xbc: {  	s0 =	sor.u32 s1, s0  }
0xbd: {  	s0 =	sadd.s32 $0x8F2B, s0  }
0xbe: {  	[sflag:s0] =	ssyncadd.remote.s32 $0x1  }
0xbf: {  	_ =	sfence.sel $0xFFFF  }
0xc0: {  	[dreg:$0x0] =	wrdreg $0xFFFFFFFF;
	(pc) =	sbr.abs _section_cstart, $3  }
0xc1: {  	[dreg:$0x1] =	wrdreg $0xFFFFFFFF  }
0xc2: {  	_ =	task.clear_ibuf [dreg:s7], $0x2FFFF;
	_ =	strace $0x9FFFFFFF  }
0xc3: {  	(tm) =	ssettm $0x7FFFFFFF  }
tec
execute0_lowered:
.L_overlay_start_1:
0x0: {  	(tag) =	ssettag $0x1  }
0x1: {  	s0 =	rddreg [dreg:$0x0]  }
0x2: {  	s2 =	rddreg [dreg:$0x1]  }
0x3: {  	s3 =	rddreg [dreg:$0x2]  }
0x4: {  	s12 =	stileid.u32;
	s1 =	srdreg.scid;
	s4 =	simm.s32 $0x0  }
0x5: {  	s21 =	simm.s32 $0x480;
	s22 =	simm.s32 $0x500;
	s23 =	simm.s32 $0x200  }
0x6: {  	s24 =	simm.s32 $0x280;
	s25 =	simm.s32 $0x600;
	s26 =	simm.s32 $0x680  }
0x7: {  	s28 =	simm.s32 $0x7800;
	s29 =	simm.s32 $0x9;
	s30 =	simm.s32 $0x1  }
0x8: {  	s31 =	simm.s32 $0x2;
	s13 =	simm.s32 $0x0;
	s7 =	smul.u32 $0x14000, s12  }
0x9: {  	s1 =	sand.u32 $0x1, s1;
	[smem:$0x7FF] =	sst s4;
	s5 =	sadd.s32 $0x12600, s0  }
0xa: {  	s6 =	sadd.s32 $0x3600, s0;
	_ =	strace $0x8000004A;
	[dreg:$0x4] =	wrdreg s21  }
0xb: {  	s10 =	smul.u32 $0x50000, s12;
	s16 =	sshll.u32 s12, $0x6;
	[dreg:$0x5] =	wrdreg s22  }
0xc: {  	s8 =	smul.u32 $0x140000, s1;
	s15 =	sshll.u32 s1, $0x4;
	[dreg:$0x6] =	wrdreg s23  }
0xd: {  	s1 =	ssub.s32 $0x2, s1;
	s21 =	simm.s32 $0x7;
	[dreg:$0x7] =	wrdreg s24  }
0xe: {  	s22 =	simm.s32 $0x70;
	s23 =	simm.s32 $0x800;
	[dreg:$0x8] =	wrdreg s25  }
0xf: {  	s24 =	simm.s32 $0x80;
	[dreg:$0x9] =	wrdreg s26;
	s25 =	simm.s32 $0x4000  }
0x10: {  	s26 =	simm.s32 $0x100;
	s9 =	sshrl.u32 s7, $0x3;
	s11 =	sshrl.u32 s1, $0x1  }
0x11: {  	s10 =	sshrl.u32 s10, $0x2;
	s7 =	sadd.s32 s7, s8;
	s14 =	sadd.s32 s9, s0  }
0x12: {  	s9 =	sor.u32 s12, s15;
	s1 =	ssub.s32 s1, s11;
	s10 =	sadd.s32 s10, s3  }
0x13: {  	s11 =	simm.s32 $0x6;
	s12 =	simm.s32 $0xA;
	s7 =	sshrl.u32 s7, $0x3  }
0x14: {  	s8 =	sadd.s32 $0x3AC00, s14;
	s14 =	sor.u32 $0x1C0B, s16;
	s20 =	smax.u32 s1, $0x1  }
0x15: {  	s15 =	sshrl.u32 s10, $0x3;
	s1 =	simm.s32 $0x8;
	[dreg:$0xa] =	wrdreg s8  }
0x16: {  	s0 =	sadd.s32 s7, s0;
	s7 =	smul.u32 $0x1E, s9;
	[dreg:$0x11] =	wrdreg s20  }
0x17: {  	s10 =	simm.s32 $0x5;
	s9 =	smul.u32 $0x780, s9;
	[dreg:$0xb] =	wrdreg s14  }
0x18: {  	s20 =	simm.s32 $0x580;
	[dreg:$0x12] =	wrdreg s15;
	s0 =	sadd.s32 $0x62C00, s0  }
0x19: {  	s17 =	sadd.s32 s2, s9;
	s18 =	sor.u32 $0x40, s9;
	[dreg:$0x10] =	wrdreg s0  }
0x1a: {  	s9 =	sadd.s32 s6, s9;
	s0 =	simm.s32 $0x3;
	[dreg:$0xc] =	wrdreg s17  }
0x1b: {  	[dreg:$0xd] =	wrdreg s9;
	s19 =	sadd.s32 s2, s18;
	s8 =	sadd.s32 s6, s18  }
0x1c: {  	s17 =	simm.s32 $0xB;
	s18 =	simm.s32 $0x400;
	[dreg:$0xe] =	wrdreg s19  }
0x1d: {  	[dreg:$0xf] =	wrdreg s8;
	s19 =	simm.s32 $0x180;
	s8 =	simm.s32 $0x4  }
.LBB2_1:
0x1e: {  	s9 =	rddreg [dreg:$0xa]  }
0x1f: {  	[spmem:s15], [sflag:s14] =	dma.local [hbm:s9], $0x2800  }
0x20: {  	_ =	swait.ge [sflag:s17], $0x2800  }
0x21: {  	[sflag:s17] =	ssyncset.done $0x0  }
0x22: {  	[sflag:s17] =	ssyncadd.s32 $0xFFFFD800  }
0x23: {  	[bflag:$0x0] =	sbarrier.arrive $0xFFFF  }
0x24: {  	s15 =	rddreg [dreg:$0xc]  }
0x25: {  	[tilespmem:s4], [sflag:$0x7] =	stream.linear.gather [hbm4b:s15+s4], $0x180, $0x38;
	[tilespmem:$0x1F000] =	vst v63  }
0x26: {  	s16 =	rddreg [dreg:$0xd]  }
0x27: {  	[tilespmem:s18], [sflag:$0x9] =	stream.linear.gather [hbm4b:s16+s4], $0x180, $0x38;
	[tilespmem:$0x1F000] =	vst v63  }
0x28: {  	s14 =	rddreg [dreg:$0xe]  }
0x29: {  	[tilespmem:s19], [sflag:$0x8] =	stream.linear.gather [hbm4b:s14+s4], $0x180, $0x38;
	[tilespmem:$0x1F000] =	vst v63  }
0x2a: {  	s15 =	rddreg [dreg:$0xf]  }
0x2b: {  	[tilespmem:s20], [sflag:$0xA] =	stream.linear.gather [hbm4b:s15+s4], $0x180, $0x38;
	[tilespmem:$0x1F000] =	vst v63  }
0x2c: {  	_ =	swait.ge [sflag:s21], $0x180  }
0x2d: {  	[sflag:s21] =	ssyncset.done $0x0  }
0x2e: {  	[sflag:s21] =	ssyncadd.s32 $0xFFFFFE80  }
0x2f: {  	[tilespmem:s23], [sflag:$0x1] =	stream.indirect.gather [hbm4b:s5+s22], $0x80, s4, s22, $0xb8;
	[tilespmem:$0x1F000] =	vst v63  }
0x30: {  	_ = 	snop  }
0x31: {  	[tilespmem:s25], [sflag:$0x2] =	stream.indirect.gather [hbm4b:s5+s22], $0x80, s24, s22, $0xb8;
	[tilespmem:$0x1F000] =	vst v63  }
0x32: {  	_ = 	snop  }
0x33: {  	[tilespmem:s28], [sflag:$0x3] =	stream.indirect.gather [hbm4b:s5+s22], $0x80, s26, s22, $0xb8;
	[tilespmem:$0x1F000] =	vst v63  }
0x34: {  	_ =	swait.ge [sflag:s29], $0x180  }
0x35: {  	[sflag:s29] =	ssyncset.done $0x0  }
0x36: {  	[sflag:s29] =	ssyncadd.s32 $0xFFFFFE80  }
0x37: {  	_ =	swait.ge [sflag:s30], $0x3800  }
0x38: {  	[sflag:s30] =	ssyncset.done $0x0  }
0x39: {  	[sflag:s30] =	ssyncadd.s32 $0xFFFFC800  }
0x3a: {  	[spmem:s3] =	stream.indirect.scatter.add.f32 [tilespmem:s23], [sflag:$0x4], $0x80, s18, s22, $0xb8;
	[tilespmem:$0x1F000] =	vst v63  }
0x3b: {  	_ =	swait.ge [sflag:s31], $0x3800  }
0x3c: {  	[sflag:s31] =	ssyncset.done $0x0  }
0x3d: {  	s16 =	rddreg [dreg:$0x4];
	[sflag:s31] =	ssyncadd.s32 $0xFFFFC800  }
0x3e: {  	[spmem:s3] =	stream.indirect.scatter.add.f32 [tilespmem:s25], [sflag:$0x5], $0x80, s16, s22, $0xb8;
	[tilespmem:$0x1F000] =	vst v63  }
0x3f: {  	_ =	swait.ge [sflag:s0], $0x3800  }
0x40: {  	[sflag:s0] =	ssyncset.done $0x0  }
0x41: {  	s14 =	rddreg [dreg:$0x5];
	[sflag:s0] =	ssyncadd.s32 $0xFFFFC800  }
0x42: {  	[spmem:s3] =	stream.indirect.scatter.add.f32 [tilespmem:s28], [sflag:$0x6], $0x80, s14, s22, $0xb8;
	[tilespmem:$0x1F000] =	vst v63  }
0x43: {  	_ =	swait.ge [sflag:s1], $0x180  }
0x44: {  	[sflag:s1] =	ssyncset.done $0x0  }
0x45: {  	[sflag:s1] =	ssyncadd.s32 $0xFFFFFE80  }
0x46: {  	_ =	swait.ge [sflag:s8], $0x3800  }
0x47: {  	[sflag:s8] =	ssyncset.done $0x0  }
0x48: {  	[sflag:s8] =	ssyncadd.s32 $0xFFFFC800  }
0x49: {  	[tilespmem:s23], [sflag:$0x1] =	stream.indirect.gather [hbm4b:s5+s22], $0x80, s19, s22, $0xb8;
	[tilespmem:$0x1F000] =	vst v63  }
0x4a: {  	_ =	swait.ge [sflag:s10], $0x3800  }
0x4b: {  	p0 =	por $0x0, $0x0;
	s14 =	simm.s32 $0x2;
	[sflag:s10] =	ssyncset.done $0x0  }
0x4c: {  	s14 =	simm.s32 @p0 $0x0;
	s15 =	rddreg [dreg:$0x6];
	[sflag:s10] =	ssyncadd.s32 $0xFFFFC800  }
0x4d: {  	[tilespmem:s25], [sflag:$0x2] =	stream.indirect.gather [hbm4b:s5+s22], $0x80, s15, s22, $0xb8;
	[tilespmem:$0x1F000] =	vst v63  }
0x4e: {  	s14 =	sadd.s32 s7, s14;
	_ =	swait.ge [sflag:s11], $0x3800  }
0x4f: {  	s14 =	sshll.u32 s14, $0x6;
	[sflag:s11] =	ssyncset.done $0x0  }
0x50: {  	s14 =	sand.u32 $0x1FFFFF80, s14;
	s16 =	rddreg [dreg:$0x7];
	[sflag:s11] =	ssyncadd.s32 $0xFFFFC800  }
0x51: {  	[tilespmem:s28], [sflag:$0x3] =	stream.indirect.gather [hbm4b:s5+s22], $0x80, s16, s22, $0xb8;
	[tilespmem:$0x1F000] =	vst v63  }
0x52: {  	s15 =	sadd.s32 s2, s14  }
0x53: {  	[tilespmem:s4], [sflag:$0x7] =	stream.linear.gather [hbm4b:s15+s4], $0x180, $0x38;
	[tilespmem:$0x1F000] =	vst v63  }
0x54: {  	s16 =	sadd.s32 s6, s14  }
0x55: {  	[tilespmem:s18], [sflag:$0x9] =	stream.linear.gather [hbm4b:s16+s4], $0x180, $0x38;
	[tilespmem:$0x1F000] =	vst v63  }
0x56: {  	_ =	swait.ge [sflag:s12], $0x180  }
0x57: {  	[sflag:s12] =	ssyncset.done $0x0  }
0x58: {  	[sflag:s12] =	ssyncadd.s32 $0xFFFFFE80  }
0x59: {  	_ =	swait.ge [sflag:s30], $0x3800  }
0x5a: {  	[sflag:s30] =	ssyncset.done $0x0  }
0x5b: {  	[sflag:s30] =	ssyncadd.s32 $0xFFFFC800  }
0x5c: {  	[spmem:s3] =	stream.indirect.scatter.add.f32 [tilespmem:s23], [sflag:$0x4], $0x80, s20, s22, $0xb8;
	[tilespmem:$0x1F000] =	vst v63  }
0x5d: {  	_ =	swait.ge [sflag:s31], $0x3800  }
0x5e: {  	[sflag:s31] =	ssyncset.done $0x0  }
0x5f: {  	s14 =	rddreg [dreg:$0x8];
	[sflag:s31] =	ssyncadd.s32 $0xFFFFC800  }
0x60: {  	[spmem:s3] =	stream.indirect.scatter.add.f32 [tilespmem:s25], [sflag:$0x5], $0x80, s14, s22, $0xb8;
	[tilespmem:$0x1F000] =	vst v63  }
0x61: {  	_ =	swait.ge [sflag:s0], $0x3800  }
0x62: {  	[sflag:s0] =	ssyncset.done $0x0  }
0x63: {  	s15 =	rddreg [dreg:$0x9];
	[sflag:s0] =	ssyncadd.s32 $0xFFFFC800  }
0x64: {  	[spmem:s3] =	stream.indirect.scatter.add.f32 [tilespmem:s28], [sflag:$0x6], $0x80, s15, s22, $0xb8;
	[tilespmem:$0x1F000] =	vst v63  }
0x65: {  	_ =	swait.ge [sflag:s21], $0x180  }
0x66: {  	[sflag:s21] =	ssyncset.done $0x0  }
0x67: {  	[sflag:s21] =	ssyncadd.s32 $0xFFFFFE80  }
0x68: {  	_ =	swait.ge [sflag:s8], $0x3800  }
0x69: {  	[sflag:s8] =	ssyncset.done $0x0  }
0x6a: {  	[sflag:s8] =	ssyncadd.s32 $0xFFFFC800  }
0x6b: {  	[tilespmem:s23], [sflag:$0x1] =	stream.indirect.gather [hbm4b:s5+s22], $0x80, s4, s22, $0xb8;
	[tilespmem:$0x1F000] =	vst v63  }
0x6c: {  	_ =	swait.ge [sflag:s10], $0x3800  }
0x6d: {  	s9 =	simm.s32 $0x3;
	[sflag:s10] =	ssyncset.done $0x0  }
0x6e: {  	s9 =	simm.s32 @p0 $0x0;
	[sflag:s10] =	ssyncadd.s32 $0xFFFFC800  }
0x6f: {  	[tilespmem:s25], [sflag:$0x2] =	stream.indirect.gather [hbm4b:s5+s22], $0x80, s24, s22, $0xb8;
	[tilespmem:$0x1F000] =	vst v63  }
0x70: {  	s9 =	sadd.s32 s7, s9;
	_ =	swait.ge [sflag:s11], $0x3800  }
0x71: {  	s9 =	sshll.u32 s9, $0x6;
	[sflag:s11] =	ssyncset.done $0x0  }
0x72: {  	s9 =	sand.u32 $0x1FFFFFC0, s9;
	[sflag:s11] =	ssyncadd.s32 $0xFFFFC800  }
0x73: {  	[tilespmem:s28], [sflag:$0x3] =	stream.indirect.gather [hbm4b:s5+s22], $0x80, s26, s22, $0xb8;
	[tilespmem:$0x1F000] =	vst v63  }
0x74: {  	s16 =	sadd.s32 s2, s9;
	s9 =	sadd.s32 s6, s9;
	s14 =	simm.s32 $0x5  }
0x75: {  	[tilespmem:s19], [sflag:$0x8] =	stream.linear.gather [hbm4b:s16+s4], $0x180, $0x38;
	[tilespmem:$0x1F000] =	vst v63  }
.LBB2_2:
0x76: {  	[tilespmem:s20], [sflag:$0xA] =	stream.linear.gather [hbm4b:s9+s4], $0x180, $0x38;
	[tilespmem:$0x1F000] =	vst v63  }
0x77: {  	_ =	swait.ge [sflag:s29], $0x180  }
0x78: {  	[sflag:s29] =	ssyncset.done $0x0  }
0x79: {  	[sflag:s29] =	ssyncadd.s32 $0xFFFFFE80  }
0x7a: {  	_ =	swait.ge [sflag:s30], $0x3800  }
0x7b: {  	[sflag:s30] =	ssyncset.done $0x0  }
0x7c: {  	[sflag:s30] =	ssyncadd.s32 $0xFFFFC800  }
0x7d: {  	[spmem:s3] =	stream.indirect.scatter.add.f32 [tilespmem:s23], [sflag:$0x4], $0x80, s18, s22, $0xb8;
	[tilespmem:$0x1F000] =	vst v63  }
0x7e: {  	_ =	swait.ge [sflag:s31], $0x3800  }
0x7f: {  	[sflag:s31] =	ssyncset.done $0x0  }
0x80: {  	s16 =	rddreg [dreg:$0x4];
	[sflag:s31] =	ssyncadd.s32 $0xFFFFC800  }
0x81: {  	[spmem:s3] =	stream.indirect.scatter.add.f32 [tilespmem:s25], [sflag:$0x5], $0x80, s16, s22, $0xb8;
	[tilespmem:$0x1F000] =	vst v63  }
0x82: {  	_ =	swait.ge [sflag:s0], $0x3800  }
0x83: {  	[sflag:s0] =	ssyncset.done $0x0  }
0x84: {  	s16 =	rddreg [dreg:$0x5];
	[sflag:s0] =	ssyncadd.s32 $0xFFFFC800  }
0x85: {  	[spmem:s3] =	stream.indirect.scatter.add.f32 [tilespmem:s28], [sflag:$0x6], $0x80, s16, s22, $0xb8;
	[tilespmem:$0x1F000] =	vst v63  }
0x86: {  	_ =	swait.ge [sflag:s1], $0x180  }
0x87: {  	[sflag:s1] =	ssyncset.done $0x0  }
0x88: {  	[sflag:s1] =	ssyncadd.s32 $0xFFFFFE80  }
0x89: {  	_ =	swait.ge [sflag:s8], $0x3800  }
0x8a: {  	[sflag:s8] =	ssyncset.done $0x0  }
0x8b: {  	[sflag:s8] =	ssyncadd.s32 $0xFFFFC800  }
0x8c: {  	[tilespmem:s23], [sflag:$0x1] =	stream.indirect.gather [hbm4b:s5+s22], $0x80, s19, s22, $0xb8;
	[tilespmem:$0x1F000] =	vst v63  }
0x8d: {  	s15 =	smov.u32 s14;
	_ =	swait.ge [sflag:s10], $0x3800  }
0x8e: {  	p1 =	seq.s32 s15, $0x1F;
	s16 =	sadd.s32 $0xFFFFFFFF, s15;
	[sflag:s10] =	ssyncset.done $0x0  }
0x8f: {  	s16 =	simm.s32 @p1 $0x0;
	s9 =	rddreg [dreg:$0x6];
	[sflag:s10] =	ssyncadd.s32 $0xFFFFC800  }
0x90: {  	[tilespmem:s25], [sflag:$0x2] =	stream.indirect.gather [hbm4b:s5+s22], $0x80, s9, s22, $0xb8;
	[tilespmem:$0x1F000] =	vst v63  }
0x91: {  	s16 =	sadd.s32 s7, s16;
	_ =	swait.ge [sflag:s11], $0x3800  }
0x92: {  	s16 =	sshll.u32 s16, $0x6;
	[sflag:s11] =	ssyncset.done $0x0  }
0x93: {  	s16 =	sand.u32 $0x1FFFFF80, s16;
	s9 =	rddreg [dreg:$0x7];
	[sflag:s11] =	ssyncadd.s32 $0xFFFFC800  }
0x94: {  	[tilespmem:s28], [sflag:$0x3] =	stream.indirect.gather [hbm4b:s5+s22], $0x80, s9, s22, $0xb8;
	[tilespmem:$0x1F000] =	vst v63  }
0x95: {  	s9 =	sadd.s32 s2, s16  }
0x96: {  	[tilespmem:s4], [sflag:$0x7] =	stream.linear.gather [hbm4b:s9+s4], $0x180, $0x38;
	[tilespmem:$0x1F000] =	vst v63  }
0x97: {  	s16 =	sadd.s32 s6, s16  }
0x98: {  	[tilespmem:s18], [sflag:$0x9] =	stream.linear.gather [hbm4b:s16+s4], $0x180, $0x38;
	[tilespmem:$0x1F000] =	vst v63  }
0x99: {  	_ =	swait.ge [sflag:s12], $0x180  }
0x9a: {  	[sflag:s12] =	ssyncset.done $0x0  }
0x9b: {  	[sflag:s12] =	ssyncadd.s32 $0xFFFFFE80  }
0x9c: {  	_ =	swait.ge [sflag:s30], $0x3800  }
0x9d: {  	[sflag:s30] =	ssyncset.done $0x0  }
0x9e: {  	[sflag:s30] =	ssyncadd.s32 $0xFFFFC800  }
0x9f: {  	[spmem:s3] =	stream.indirect.scatter.add.f32 [tilespmem:s23], [sflag:$0x4], $0x80, s20, s22, $0xb8;
	[tilespmem:$0x1F000] =	vst v63  }
0xa0: {  	_ =	swait.ge [sflag:s31], $0x3800  }
0xa1: {  	[sflag:s31] =	ssyncset.done $0x0  }
0xa2: {  	s16 =	rddreg [dreg:$0x8];
	[sflag:s31] =	ssyncadd.s32 $0xFFFFC800  }
0xa3: {  	[spmem:s3] =	stream.indirect.scatter.add.f32 [tilespmem:s25], [sflag:$0x5], $0x80, s16, s22, $0xb8;
	[tilespmem:$0x1F000] =	vst v63  }
0xa4: {  	_ =	swait.ge [sflag:s0], $0x3800  }
0xa5: {  	[sflag:s0] =	ssyncset.done $0x0  }
0xa6: {  	s16 =	rddreg [dreg:$0x9];
	[sflag:s0] =	ssyncadd.s32 $0xFFFFC800  }
0xa7: {  	[spmem:s3] =	stream.indirect.scatter.add.f32 [tilespmem:s28], [sflag:$0x6], $0x80, s16, s22, $0xb8;
	[tilespmem:$0x1F000] =	vst v63  }
0xa8: {  	_ =	swait.ge [sflag:s21], $0x180  }
0xa9: {  	[sflag:s21] =	ssyncset.done $0x0  }
0xaa: {  	[sflag:s21] =	ssyncadd.s32 $0xFFFFFE80  }
0xab: {  	_ =	swait.ge [sflag:s8], $0x3800  }
0xac: {  	[sflag:s8] =	ssyncset.done $0x0  }
0xad: {  	[sflag:s8] =	ssyncadd.s32 $0xFFFFC800  }
0xae: {  	[tilespmem:s23], [sflag:$0x1] =	stream.indirect.gather [hbm4b:s5+s22], $0x80, s4, s22, $0xb8;
	[tilespmem:$0x1F000] =	vst v63  }
0xaf: {  	_ =	swait.ge [sflag:s10], $0x3800  }
0xb0: {  	[sflag:s10] =	ssyncset.done $0x0  }
0xb1: {  	s15 =	simm.s32 @p1 $0x0;
	[sflag:s10] =	ssyncadd.s32 $0xFFFFC800  }
0xb2: {  	[tilespmem:s25], [sflag:$0x2] =	stream.indirect.gather [hbm4b:s5+s22], $0x80, s24, s22, $0xb8;
	[tilespmem:$0x1F000] =	vst v63  }
0xb3: {  	p0 =	sne.s32 s14, $0x1F;
	s15 =	sadd.s32 s7, s15;
	_ =	swait.ge [sflag:s11], $0x3800  }
.Ltmp0:
0xb4: {  	s15 =	sshll.u32 s15, $0x6;
	[sflag:s11] =	ssyncset.done $0x0;
	(pc) =	sbr.rel @p0 .LBB2_2-.Ltmp0, $4  }
0xb5: {  	s15 =	sand.u32 $0x1FFFFFC0, s15;
	[sflag:s11] =	ssyncadd.s32 $0xFFFFC800  }
0xb6: {  	[tilespmem:s28], [sflag:$0x3] =	stream.indirect.gather [hbm4b:s5+s22], $0x80, s26, s22, $0xb8;
	[tilespmem:$0x1F000] =	vst v63  }
0xb7: {  	s14 =	sadd.s32 $0x2, s14;
	s9 =	sadd.s32 s6, s15;
	s16 =	sadd.s32 s2, s15  }
0xb8: {  	[tilespmem:s19], [sflag:$0x8] =	stream.linear.gather [hbm4b:s16+s4], $0x180, $0x38;
	[tilespmem:$0x1F000] =	vst v63  }
0xb9: {  	[tilespmem:s20], [sflag:$0xA] =	stream.linear.gather [hbm4b:s9+s4], $0x180, $0x38;
	[tilespmem:$0x1F000] =	vst v63  }
0xba: {  	_ =	swait.ge [sflag:s30], $0x3800  }
0xbb: {  	[sflag:s30] =	ssyncset.done $0x0  }
0xbc: {  	[sflag:s30] =	ssyncadd.s32 $0xFFFFC800  }
0xbd: {  	_ =	swait.ge [sflag:s31], $0x3800  }
0xbe: {  	[sflag:s31] =	ssyncset.done $0x0  }
0xbf: {  	[sflag:s31] =	ssyncadd.s32 $0xFFFFC800  }
0xc0: {  	_ =	swait.ge [sflag:s0], $0x3800  }
0xc1: {  	[sflag:s0] =	ssyncset.done $0x0  }
0xc2: {  	[sflag:s0] =	ssyncadd.s32 $0xFFFFC800  }
0xc3: {  	_ =	swait.ge [sflag:s1], $0x180  }
0xc4: {  	[sflag:s1] =	ssyncset.done $0x0  }
0xc5: {  	[sflag:s1] =	ssyncadd.s32 $0xFFFFFE80  }
0xc6: {  	_ =	swait.ge [sflag:s29], $0x180  }
0xc7: {  	[sflag:s29] =	ssyncset.done $0x0  }
0xc8: {  	[sflag:s29] =	ssyncadd.s32 $0xFFFFFE80  }
0xc9: {  	_ =	swait.ge [sflag:s12], $0x180  }
0xca: {  	[sflag:s12] =	ssyncset.done $0x0  }
0xcb: {  	[sflag:s12] =	ssyncadd.s32 $0xFFFFFE80  }
0xcc: {  	[bflag:$0x0] =	sbarrier.arrive $0xFFFF  }
0xcd: {  	s14 =	rddreg [dreg:$0xb]  }
0xce: {  	s16 =	rddreg [dreg:$0x10]  }
0xcf: {  	s15 =	rddreg [dreg:$0x12]  }
0xd0: {  	[hbm:s16], [sflag:s14] =	dma.local [spmem:s15], $0x2800  }
0xd1: {  	_ =	swait.ge [sflag:s17], $0x2800  }
0xd2: {  	s13 =	sadd.s32 $0x1, s13;
	s16 =	rddreg [dreg:$0x11]  }
0xd3: {  	p0 =	sne.s32 s13, s16  }
.Ltmp1:
0xd4: {  	_ = 	snop;
	(pc) =	sbr.rel @p0 .LBB2_1-.Ltmp1, $3  }
0xd5: {  	_ =	sdelay $0x1  }
0xd6: {  	[sflag:s17] =	ssyncset.done $0x0  }
0xd7: {  	[sflag:s17] =	ssyncadd.s32 $0xFFFFD800  }
0xd8: {  	_ =	sfence.sel $0x180000  }
0xd9: {  	[bflag:$0x0] =	sbarrier.arrive $0xFFFF  }
0xda: {  	_ =	strace $0x9000004A  }
0xdb: {  	s0 =	stileid.u32;
	[bflag:$0x2] =	sbarrier.arrive $0xFFFF  }
0xdc: {  	p0 =	sne.s32 s0, $0x0;
	s0 =	rddreg [dreg:$0x3]  }
0xdd: {  	s0 =	sadd.s32 @!p0 $0x100000, s0  }
0xde: {  	[sflag:s0] =	ssyncadd.tile.s32 @!p0 $0x1;
	_ =	shalt  }
.Lfunc_end2:
_tile_overlayer_lowered:
.L_overlay_start_2:
0xdf: {  	(tag) =	ssettag $0x2  }
0xe0: {  	s0 =	rddreg [dreg:$0x0];
	s2 =	stileid.u32  }
0xe1: {  	s1 =	rddreg [dreg:$0x1];
	p0 =	sne.s32 s2, $0x0  }
0xe2: {  	s3 =	rddreg [dreg:$0x2];
	[bflag:$0x3] =	sbarrier.arrive $0xFFFF;
	s2 =	simm.s32 @!p0 $0x1C0B  }
0xe3: {  	[timem:s3], [sflag:s2] =	dma.local @!p0 [hbm:s0], s1  }
0xe4: {  	s0 =	simm.s32 @!p0 $0xB  }
0xe5: {  	_ =	swait.ge @!p0 [sflag:s0], s1  }
0xe6: {  	s1 =	ssub.s32 @!p0 $0x0, s1;
	[sflag:s0] =	ssyncset.done @!p0 $0x0  }
0xe7: {  	[sflag:s0] =	ssyncadd.s32 @!p0 s1  }
0xe8: {  	[bflag:$0x3] =	sbarrier.arrive $0xFFFF  }
0xe9: {  	_ =	shalt  }

// kernel: kernel.14.cloned.1.call-start
scs
__scs_entry_jumppad:
0x0: {  	(pc) =	sbr.rel $0x88, $3  }
0x1: {  	(tag) =	ssettag $0x0;
	lr =	simm.s32 $0x1  }
0x2: {  	[smem:$0x3F94] =	sst lr;
	_ =	strace $0xD0000000  }
0x3: {  	_ = 	snop  }
0x4: {  	_ = 	snop  }
0x5: {  	_ = 	snop  }
0x6: {  	_ = 	snop  }
0x7: {  	_ = 	snop  }
__scs_overlays_trampoline_lowered:
0x8: {  	[smem:$0x3FA3] =	sst s0  }
0x9: {  	[smem:$0x3FA4] =	sst s1  }
0xa: {  	[smem:$0x3FA5] =	sst s2  }
0xb: {  	[smem:$0x3FA6] =	sst s3  }
0xc: {  	[smem:$0x3FA7] =	sst s4  }
0xd: {  	[smem:$0x3FA8] =	sst s5  }
0xe: {  	[smem:$0x3FA9] =	sst s6  }
0xf: {  	[smem:$0x3FAA] =	sst s7  }
0x10: {  	[smem:$0x3FAB] =	sst s8  }
0x11: {  	[smem:$0x3FAC] =	sst s9;
	s0 =	simm.s32 @!p0 $0x0  }
0x12: {  	s1 =	sld [smem:$0x3F92];
	s0 =	simm.s32 @p0 $0x1  }
0x13: {  	[smem:$0x3FAD] =	sst s0;
	s0 =	simm.s32 @!p1 $0x0  }
0x14: {  	s2 =	sld [smem:$0x3F91];
	s0 =	simm.s32 @p1 $0x1  }
0x15: {  	[smem:$0x3FAE] =	sst s0;
	s0 =	simm.s32 @!p2 $0x0  }
0x16: {  	s3 =	sld [smem:$0x3FDB];
	s0 =	simm.s32 @p2 $0x1  }
0x17: {  	s4 =	simm.s32 $0x1BF5;
	[smem:$0x3FB0] =	sst s0  }
0x18: {  	s0 =	sld [smem:$0x3F93];
	_ =	swait.ge [sflag:s4], $0x0  }
0x19: {  	s7 =	sld [smem:$0x3F94]  }
0x1a: {  	s8 =	sadd.s32 $0xFFFFE003, lr  }
0x1b: {  	s9 =	sadd.s32 $0xFFFFFEF7, lr;
	s5 =	simm.s32 $0xFFFFFFFF;
	p2 =	slt.u32 s8, $0xFFFFF086  }
0x1c: {  	p1 =	slt.u32 s9, $0xF7A;
	s5 =	simm.s32 @!p2 $0x0  }
0x1d: {  	s5 =	simm.s32 @p1 $0x1;
	p0 =	seq.s32 s7, s2  }
0x1e: {  	s7 =	smul.u32 @!p0 $0xF7A, s2;
	p2 =	seq.s32 @!p0 s5, $0x0  }
0x1f: {  	s9 =	smul.u32 $0xF7A, s1;
	s8 =	simm.s32 @!p0 $0x1BF5;
	p2 =	por !p2, p0  }
0x20: {  	[sflag:s8] =	ssyncset.s32 @!p0 $0xFFFFF086;
	s6 =	sadd.s32 @!p0 s3, s7;
	s7 =	simm.s32 @!p0 $0x108  }
0x21: {  	s3 =	sadd.s32 s3, s9;
	s6 =	sadd.s32 @!p0 $0x88, s6;
	s7 =	simm.s32 @p2 $0x1082  }
0x22: {  	[simem:s7], [sflag:s8] =	dma.local @!p0 [hbm:s6], $0xF7A  }
0x23: {  	s9 =	sor.u32 $0xD0000000, s2;
	s6 =	simm.s32 $0x108;
	_ =	swait.ge @!p0 [sflag:s8], $0x0  }
0x24: {  	s3 =	sadd.s32 $0x88, s3;
	s6 =	simm.s32 @!p1 $0x1082;
	[sflag:s4] =	ssyncset.s32 $0xFFFFF086  }
0x25: {  	[simem:s6], [sflag:s4] =	dma.local [hbm:s3], $0xF7A  }
0x26: {  	[smem:$0x3F94] =	sst s1;
	(tag) =	ssettag s2;
	_ =	strace s9  }
0x27: {  	s1 =	sld [smem:$0x3FA4]  }
0x28: {  	s2 =	sld [smem:$0x3FA5]  }
0x29: {  	s4 =	sld [smem:$0x3FA7]  }
0x2a: {  	p0 =	seq.s32 s5, $0x0;
	s5 =	sld [smem:$0x3FA8]  }
0x2b: {  	s6 =	sld [smem:$0x3FA9]  }
0x2c: {  	s7 =	sld [smem:$0x3FAA]  }
0x2d: {  	s3 =	simm.s32 $0x108;
	s8 =	sld [smem:$0x3FAB]  }
0x2e: {  	s3 =	simm.s32 @!p0 $0x1082;
	s9 =	sld [smem:$0x3FAC]  }
0x2f: {  	lr =	sadd.s32 s0, s3;
	s0 =	sld [smem:$0x3FA3]  }
0x30: {  	s3 =	sld [smem:$0x3FA6]  }
0x31: {  	[smem:$0x3FAF] =	sst s10  }
0x32: {  	s10 =	sld [smem:$0x3FAD];
	_ =	sdelay $0x3  }
0x33: {  	p0 =	seq.s32 s10, $0x1;
	s10 =	sld [smem:$0x3FAF];
	_ =	sdelay $0x3  }
0x34: {  	[smem:$0x3FAF] =	sst s10  }
0x35: {  	s10 =	sld [smem:$0x3FAE];
	_ =	sdelay $0x3  }
0x36: {  	p1 =	seq.s32 s10, $0x1;
	s10 =	sld [smem:$0x3FAF];
	_ =	sdelay $0x3  }
0x37: {  	[smem:$0x3FAF] =	sst s10  }
0x38: {  	s10 =	sld [smem:$0x3FB0]  }
0x39: {  	_ = 	snop;
	(pc) =	sbr.ind lr, $3  }
0x3a: {  	_ = 	snop  }
0x3b: {  	_ = 	snop  }
0x3c: {  	p2 =	seq.s32 s10, $0x1;
	s10 =	sld [smem:$0x3FAF]  }
0x3d: {  	_ =	shalt  }
0x3e: {  	_ =	shalt  }
0x3f: {  	_ =	shalt  }
0x40: {  	_ =	shalt  }
0x41: {  	_ =	shalt  }
0x42: {  	_ =	shalt  }
0x43: {  	_ =	shalt  }
0x44: {  	_ =	shalt  }
0x45: {  	_ =	shalt  }
0x46: {  	_ =	shalt  }
0x47: {  	_ =	shalt  }
0x48: {  	_ =	shalt  }
0x49: {  	_ =	shalt  }
0x4a: {  	_ =	shalt  }
0x4b: {  	_ =	shalt  }
0x4c: {  	_ =	shalt  }
0x4d: {  	_ =	shalt  }
0x4e: {  	_ =	shalt  }
0x4f: {  	_ =	shalt  }
0x50: {  	_ =	shalt  }
0x51: {  	_ =	shalt  }
0x52: {  	_ =	shalt  }
0x53: {  	_ =	shalt  }
0x54: {  	_ =	shalt  }
0x55: {  	_ =	shalt  }
0x56: {  	_ =	shalt  }
0x57: {  	_ =	shalt  }
0x58: {  	_ =	shalt  }
0x59: {  	_ =	shalt  }
0x5a: {  	_ =	shalt  }
0x5b: {  	_ =	shalt  }
0x5c: {  	_ =	shalt  }
0x5d: {  	_ =	shalt  }
0x5e: {  	_ =	shalt  }
0x5f: {  	_ =	shalt  }
0x60: {  	_ =	shalt  }
0x61: {  	_ =	shalt  }
0x62: {  	_ =	shalt  }
0x63: {  	_ =	shalt  }
0x64: {  	_ =	shalt  }
0x65: {  	_ =	shalt  }
0x66: {  	_ =	shalt  }
0x67: {  	_ =	shalt  }
0x68: {  	_ =	shalt  }
0x69: {  	_ =	shalt  }
0x6a: {  	_ =	shalt  }
0x6b: {  	_ =	shalt  }
0x6c: {  	_ =	shalt  }
0x6d: {  	_ =	shalt  }
0x6e: {  	_ =	shalt  }
0x6f: {  	_ =	shalt  }
0x70: {  	_ =	shalt  }
0x71: {  	_ =	shalt  }
0x72: {  	_ =	shalt  }
0x73: {  	_ =	shalt  }
0x74: {  	_ =	shalt  }
0x75: {  	_ =	shalt  }
0x76: {  	_ =	shalt  }
0x77: {  	_ =	shalt  }
0x78: {  	_ =	shalt  }
0x79: {  	_ =	shalt  }
0x7a: {  	_ =	shalt  }
0x7b: {  	_ =	shalt  }
0x7c: {  	_ =	shalt  }
0x7d: {  	_ =	shalt  }
0x7e: {  	_ =	shalt  }
0x7f: {  	_ =	shalt  }
0x80: {  	_ =	shalt  }
0x81: {  	_ =	shalt  }
0x82: {  	_ =	shalt  }
0x83: {  	_ =	shalt  }
0x84: {  	_ =	shalt  }
0x85: {  	_ =	shalt  }
0x86: {  	_ =	shalt  }
0x87: {  	_ =	shalt  }
.Lfunc_end0:
.L_simem_size_0:
called_computation.2_lowered:
.L_overlay_start_0:
0x88: {  	s2 =	sld [smem:$0x3FD9]  }
0x89: {  	s3 =	sld [smem:$0x3FFE];
	_ =	sdelay $0x1  }
0x8a: {  	s1 =	srdreg.scid  }
0x8b: {  	s0 =	sand.u32 $0x1, s1  }
0x8c: {  	s17 =	sshll.u32 s0, $0xA;
	s2 =	sadd.s32 s3, s2  }
0x8d: {  	s2 =	sadd.s32 s2, s17  }
0x8e: {  	[smem:$0x3FBB] =	sst s2  }
0x8f: {  	_ = 	snop  }
0x90: {  	s2 =	sld [smem:$0x3FD0];
	(tm) =	ssettm $0x1  }
0x91: {  	s18 =	sld [smem:$0x3FFB];
	_ =	sdelay $0x3  }
0x92: {  	_ =	strace s18  }
0x93: {  	s3 =	sld [smem:$0x3FFC];
	_ =	sdelay $0x3  }
0x94: {  	_ =	strace s3  }
0x95: {  	s3 =	sld [smem:$0x3FFD];
	_ =	sdelay $0x3  }
0x96: {  	_ =	strace s3  }
0x97: {  	_ =	strace $0x8FFFFFFF  }
0x98: {  	s19 =	sld [smem:$0x3FDB];
	_ =	sdelay $0x1  }
0x99: {  	s4 =	simm.s32 $_scs_section_size  }
0x9a: {  	s5 =	simm.s32 $_size__tile_overlayer_lowered;
	s6 =	simm.s32 $_tile_overlayer_lowered  }
0x9b: {  	s22 =	simm.s32 $0x1BFF;
	s21 =	sshll.u32 s6, $0x1;
	s3 =	sadd.s32 s4, s19  }
0x9c: {  	s7 =	simm.s32 $0x0;
	s20 =	sshll.u32 s5, $0x1;
	s5 =	sadd.s32 s21, s3  }
0x9d: {  	[timem:s7], [sflag:s22] =	dma.local [hbm:s5], s20  }
0x9e: {  	_ =	swait.ge [sflag:s22], s20  }
0x9f: {  	s4 =	ssub.s32 $0x0, s20;
	[sflag:s22] =	ssyncset.done $0x0  }
0xa0: {  	[sflag:s22] =	ssyncadd.s32 s4;
	_ =	sdelay $0x1  }
0xa1: {  	s23 =	simm.s32 $0x1B8B  }
0xa2: {  	_ =	swait.ge [sflag:s23], $0x1  }
0xa3: {  	[sflag:s23] =	ssyncset.done $0x0  }
0xa4: {  	s25 =	simm.s32 $0x1B8E;
	s24 =	sld [smem:$0x3FFE];
	[sflag:s23] =	ssyncadd.s32 $0xFFFFFFFF  }
0xa5: {  	s26 =	simm.s32 $execute0_lowered;
	[smem:$0x3FD2] =	sst s25  }
0xa6: {  	s5 =	sshll.u32 s26, $0x1;
	_ =	strace $0x8000004C;
	[dreg:$0x1] =	wrdreg $0xFFFFFFFF  }
0xa7: {  	s28 =	simm.s32 $_size_execute0_lowered;
	s3 =	sadd.s32 s3, s5;
	[dreg:$0x0] =	wrdreg $0x0  }
0xa8: {  	s5 =	sshll.u32 s28, $0x1;
	[dreg:$0x2] =	wrdreg s3  }
0xa9: {  	[dreg:$0x3] =	wrdreg s5  }
0xaa: {  	[dreg:$0x4] =	wrdreg $0xC0  }
0xab: {  	_ =	task [dreg:s7], $0x5FFFF  }
0xac: {  	[dreg:$0x1] =	wrdreg $0xFFFFFFFF  }
0xad: {  	[dreg:$0x0] =	wrdreg $0x60  }
0xae: {  	[dreg:$0x2] =	wrdreg s24  }
0xaf: {  	[dreg:$0x3] =	wrdreg s2  }
0xb0: {  	[dreg:$0x4] =	wrdreg $0xB0000  }
0xb1: {  	[dreg:$0x5] =	wrdreg $0x9  }
0xb2: {  	_ =	task.clear_ibuf [dreg:s7], $0x6FFFF;
	_ =	strace $0x9000004C  }
0xb3: {  	s29 =	simm.s32 $0x9;
	_ =	strace $0x8000004E  }
0xb4: {  	_ =	swait.ge [sflag:s29], $0x1  }
0xb5: {  	[sflag:s29] =	ssyncadd.s32 $0xFFFFFFFF  }
0xb6: {  	_ =	strace $0x9000004E  }
0xb7: {  	_ =	sfence  }
0xb8: {  	s30 =	sld [smem:$0x0];
	_ =	sdelay $0x2  }
0xb9: {  	s31 =	sshll.u32 s1, $0xD;
	s1 =	sshrl.u32 s1, $0x2  }
0xba: {  	s3 =	sand.u32 $0x4000, s31;
	s1 =	sadd.s32 s1, s30  }
0xbb: {  	s0 =	sor.u32 s3, s0;
	s1 =	sshll.u32 s1, $0x11  }
0xbc: {  	s0 =	sor.u32 s1, s0  }
0xbd: {  	s0 =	sadd.s32 $0x8F2B, s0  }
0xbe: {  	[sflag:s0] =	ssyncadd.remote.s32 $0x1  }
0xbf: {  	_ =	sfence.sel $0xFFFF  }
0xc0: {  	[dreg:$0x0] =	wrdreg $0xFFFFFFFF;
	(pc) =	sbr.abs _section_cstart, $3  }
0xc1: {  	[dreg:$0x1] =	wrdreg $0xFFFFFFFF  }
0xc2: {  	_ =	task.clear_ibuf [dreg:s7], $0x2FFFF;
	_ =	strace $0x9FFFFFFF  }
0xc3: {  	(tm) =	ssettm $0x7FFFFFFF  }
tec
execute0_lowered:
.L_overlay_start_1:
0x0: {  	(tag) =	ssettag $0x1  }
0x1: {  	s0 =	rddreg [dreg:$0x0]  }
0x2: {  	s2 =	rddreg [dreg:$0x1]  }
0x3: {  	s3 =	rddreg [dreg:$0x2]  }
0x4: {  	s12 =	stileid.u32;
	s1 =	srdreg.scid;
	s4 =	simm.s32 $0x0  }
0x5: {  	s21 =	simm.s32 $0x480;
	s22 =	simm.s32 $0x500;
	s23 =	simm.s32 $0x200  }
0x6: {  	s24 =	simm.s32 $0x280;
	s25 =	simm.s32 $0x600;
	s26 =	simm.s32 $0x680  }
0x7: {  	s28 =	simm.s32 $0x7800;
	s29 =	simm.s32 $0x9;
	s30 =	simm.s32 $0x1  }
0x8: {  	s31 =	simm.s32 $0x2;
	s13 =	simm.s32 $0x0;
	s7 =	smul.u32 $0x14000, s12  }
0x9: {  	s1 =	sand.u32 $0x1, s1;
	[smem:$0x7FF] =	sst s4;
	s5 =	sadd.s32 $0x12600, s0  }
0xa: {  	s6 =	sadd.s32 $0x3600, s0;
	_ =	strace $0x8000004D;
	[dreg:$0x4] =	wrdreg s21  }
0xb: {  	s10 =	smul.u32 $0x50000, s12;
	s16 =	sshll.u32 s12, $0x6;
	[dreg:$0x5] =	wrdreg s22  }
0xc: {  	s8 =	smul.u32 $0x140000, s1;
	s15 =	sshll.u32 s1, $0x4;
	[dreg:$0x6] =	wrdreg s23  }
0xd: {  	s1 =	ssub.s32 $0x2, s1;
	s21 =	simm.s32 $0x7;
	[dreg:$0x7] =	wrdreg s24  }
0xe: {  	s22 =	simm.s32 $0x70;
	s23 =	simm.s32 $0x800;
	[dreg:$0x8] =	wrdreg s25  }
0xf: {  	s24 =	simm.s32 $0x80;
	[dreg:$0x9] =	wrdreg s26;
	s25 =	simm.s32 $0x4000  }
0x10: {  	s26 =	simm.s32 $0x100;
	s9 =	sshrl.u32 s7, $0x3;
	s11 =	sshrl.u32 s1, $0x1  }
0x11: {  	s10 =	sshrl.u32 s10, $0x2;
	s7 =	sadd.s32 s7, s8;
	s14 =	sadd.s32 s9, s0  }
0x12: {  	s9 =	sor.u32 s12, s15;
	s1 =	ssub.s32 s1, s11;
	s10 =	sadd.s32 s10, s3  }
0x13: {  	s11 =	simm.s32 $0x6;
	s12 =	simm.s32 $0xA;
	s7 =	sshrl.u32 s7, $0x3  }
0x14: {  	s8 =	sadd.s32 $0x3AC00, s14;
	s14 =	sor.u32 $0x1C0B, s16;
	s20 =	smax.u32 s1, $0x1  }
0x15: {  	s15 =	sshrl.u32 s10, $0x3;
	s1 =	simm.s32 $0x8;
	[dreg:$0xa] =	wrdreg s8  }
0x16: {  	s0 =	sadd.s32 s7, s0;
	s7 =	smul.u32 $0x1E, s9;
	[dreg:$0x11] =	wrdreg s20  }
0x17: {  	s10 =	simm.s32 $0x5;
	s9 =	smul.u32 $0x780, s9;
	[dreg:$0xb] =	wrdreg s14  }
0x18: {  	s20 =	simm.s32 $0x580;
	[dreg:$0x12] =	wrdreg s15;
	s0 =	sadd.s32 $0x62C00, s0  }
0x19: {  	s17 =	sadd.s32 s2, s9;
	s18 =	sor.u32 $0x40, s9;
	[dreg:$0x10] =	wrdreg s0  }
0x1a: {  	s9 =	sadd.s32 s6, s9;
	s0 =	simm.s32 $0x3;
	[dreg:$0xc] =	wrdreg s17  }
0x1b: {  	[dreg:$0xd] =	wrdreg s9;
	s19 =	sadd.s32 s2, s18;
	s8 =	sadd.s32 s6, s18  }
0x1c: {  	s17 =	simm.s32 $0xB;
	s18 =	simm.s32 $0x400;
	[dreg:$0xe] =	wrdreg s19  }
0x1d: {  	[dreg:$0xf] =	wrdreg s8;
	s19 =	simm.s32 $0x180;
	s8 =	simm.s32 $0x4  }
.LBB2_1:
0x1e: {  	s9 =	rddreg [dreg:$0xa]  }
0x1f: {  	[spmem:s15], [sflag:s14] =	dma.local [hbm:s9], $0x2800  }
0x20: {  	_ =	swait.ge [sflag:s17], $0x2800  }
0x21: {  	[sflag:s17] =	ssyncset.done $0x0  }
0x22: {  	[sflag:s17] =	ssyncadd.s32 $0xFFFFD800  }
0x23: {  	[bflag:$0x0] =	sbarrier.arrive $0xFFFF  }
0x24: {  	s15 =	rddreg [dreg:$0xc]  }
0x25: {  	[tilespmem:s4], [sflag:$0x7] =	stream.linear.gather [hbm4b:s15+s4], $0x180, $0x38;
	[tilespmem:$0x1F000] =	vst v63  }
0x26: {  	s16 =	rddreg [dreg:$0xd]  }
0x27: {  	[tilespmem:s18], [sflag:$0x9] =	stream.linear.gather [hbm4b:s16+s4], $0x180, $0x38;
	[tilespmem:$0x1F000] =	vst v63  }
0x28: {  	s14 =	rddreg [dreg:$0xe]  }
0x29: {  	[tilespmem:s19], [sflag:$0x8] =	stream.linear.gather [hbm4b:s14+s4], $0x180, $0x38;
	[tilespmem:$0x1F000] =	vst v63  }
0x2a: {  	s15 =	rddreg [dreg:$0xf]  }
0x2b: {  	[tilespmem:s20], [sflag:$0xA] =	stream.linear.gather [hbm4b:s15+s4], $0x180, $0x38;
	[tilespmem:$0x1F000] =	vst v63  }
0x2c: {  	_ =	swait.ge [sflag:s21], $0x180  }
0x2d: {  	[sflag:s21] =	ssyncset.done $0x0  }
0x2e: {  	[sflag:s21] =	ssyncadd.s32 $0xFFFFFE80  }
0x2f: {  	[tilespmem:s23], [sflag:$0x1] =	stream.indirect.gather [hbm4b:s5+s22], $0x80, s4, s22, $0xb8;
	[tilespmem:$0x1F000] =	vst v63  }
0x30: {  	_ = 	snop  }
0x31: {  	[tilespmem:s25], [sflag:$0x2] =	stream.indirect.gather [hbm4b:s5+s22], $0x80, s24, s22, $0xb8;
	[tilespmem:$0x1F000] =	vst v63  }
0x32: {  	_ = 	snop  }
0x33: {  	[tilespmem:s28], [sflag:$0x3] =	stream.indirect.gather [hbm4b:s5+s22], $0x80, s26, s22, $0xb8;
	[tilespmem:$0x1F000] =	vst v63  }
0x34: {  	_ =	swait.ge [sflag:s29], $0x180  }
0x35: {  	[sflag:s29] =	ssyncset.done $0x0  }
0x36: {  	[sflag:s29] =	ssyncadd.s32 $0xFFFFFE80  }
0x37: {  	_ =	swait.ge [sflag:s30], $0x3800  }
0x38: {  	[sflag:s30] =	ssyncset.done $0x0  }
0x39: {  	[sflag:s30] =	ssyncadd.s32 $0xFFFFC800  }
0x3a: {  	[spmem:s3] =	stream.indirect.scatter.add.f32 [tilespmem:s23], [sflag:$0x4], $0x80, s18, s22, $0xb8;
	[tilespmem:$0x1F000] =	vst v63  }
0x3b: {  	_ =	swait.ge [sflag:s31], $0x3800  }
0x3c: {  	[sflag:s31] =	ssyncset.done $0x0  }
0x3d: {  	s16 =	rddreg [dreg:$0x4];
	[sflag:s31] =	ssyncadd.s32 $0xFFFFC800  }
0x3e: {  	[spmem:s3] =	stream.indirect.scatter.add.f32 [tilespmem:s25], [sflag:$0x5], $0x80, s16, s22, $0xb8;
	[tilespmem:$0x1F000] =	vst v63  }
0x3f: {  	_ =	swait.ge [sflag:s0], $0x3800  }
0x40: {  	[sflag:s0] =	ssyncset.done $0x0  }
0x41: {  	s14 =	rddreg [dreg:$0x5];
	[sflag:s0] =	ssyncadd.s32 $0xFFFFC800  }
0x42: {  	[spmem:s3] =	stream.indirect.scatter.add.f32 [tilespmem:s28], [sflag:$0x6], $0x80, s14, s22, $0xb8;
	[tilespmem:$0x1F000] =	vst v63  }
0x43: {  	_ =	swait.ge [sflag:s1], $0x180  }
0x44: {  	[sflag:s1] =	ssyncset.done $0x0  }
0x45: {  	[sflag:s1] =	ssyncadd.s32 $0xFFFFFE80  }
0x46: {  	_ =	swait.ge [sflag:s8], $0x3800  }
0x47: {  	[sflag:s8] =	ssyncset.done $0x0  }
0x48: {  	[sflag:s8] =	ssyncadd.s32 $0xFFFFC800  }
0x49: {  	[tilespmem:s23], [sflag:$0x1] =	stream.indirect.gather [hbm4b:s5+s22], $0x80, s19, s22, $0xb8;
	[tilespmem:$0x1F000] =	vst v63  }
0x4a: {  	_ =	swait.ge [sflag:s10], $0x3800  }
0x4b: {  	p0 =	por $0x0, $0x0;
	s14 =	simm.s32 $0x2;
	[sflag:s10] =	ssyncset.done $0x0  }
0x4c: {  	s14 =	simm.s32 @p0 $0x0;
	s15 =	rddreg [dreg:$0x6];
	[sflag:s10] =	ssyncadd.s32 $0xFFFFC800  }
0x4d: {  	[tilespmem:s25], [sflag:$0x2] =	stream.indirect.gather [hbm4b:s5+s22], $0x80, s15, s22, $0xb8;
	[tilespmem:$0x1F000] =	vst v63  }
0x4e: {  	s14 =	sadd.s32 s7, s14;
	_ =	swait.ge [sflag:s11], $0x3800  }
0x4f: {  	s14 =	sshll.u32 s14, $0x6;
	[sflag:s11] =	ssyncset.done $0x0  }
0x50: {  	s14 =	sand.u32 $0x1FFFFF80, s14;
	s16 =	rddreg [dreg:$0x7];
	[sflag:s11] =	ssyncadd.s32 $0xFFFFC800  }
0x51: {  	[tilespmem:s28], [sflag:$0x3] =	stream.indirect.gather [hbm4b:s5+s22], $0x80, s16, s22, $0xb8;
	[tilespmem:$0x1F000] =	vst v63  }
0x52: {  	s15 =	sadd.s32 s2, s14  }
0x53: {  	[tilespmem:s4], [sflag:$0x7] =	stream.linear.gather [hbm4b:s15+s4], $0x180, $0x38;
	[tilespmem:$0x1F000] =	vst v63  }
0x54: {  	s16 =	sadd.s32 s6, s14  }
0x55: {  	[tilespmem:s18], [sflag:$0x9] =	stream.linear.gather [hbm4b:s16+s4], $0x180, $0x38;
	[tilespmem:$0x1F000] =	vst v63  }
0x56: {  	_ =	swait.ge [sflag:s12], $0x180  }
0x57: {  	[sflag:s12] =	ssyncset.done $0x0  }
0x58: {  	[sflag:s12] =	ssyncadd.s32 $0xFFFFFE80  }
0x59: {  	_ =	swait.ge [sflag:s30], $0x3800  }
0x5a: {  	[sflag:s30] =	ssyncset.done $0x0  }
0x5b: {  	[sflag:s30] =	ssyncadd.s32 $0xFFFFC800  }
0x5c: {  	[spmem:s3] =	stream.indirect.scatter.add.f32 [tilespmem:s23], [sflag:$0x4], $0x80, s20, s22, $0xb8;
	[tilespmem:$0x1F000] =	vst v63  }
0x5d: {  	_ =	swait.ge [sflag:s31], $0x3800  }
0x5e: {  	[sflag:s31] =	ssyncset.done $0x0  }
0x5f: {  	s14 =	rddreg [dreg:$0x8];
	[sflag:s31] =	ssyncadd.s32 $0xFFFFC800  }
0x60: {  	[spmem:s3] =	stream.indirect.scatter.add.f32 [tilespmem:s25], [sflag:$0x5], $0x80, s14, s22, $0xb8;
	[tilespmem:$0x1F000] =	vst v63  }
0x61: {  	_ =	swait.ge [sflag:s0], $0x3800  }
0x62: {  	[sflag:s0] =	ssyncset.done $0x0  }
0x63: {  	s15 =	rddreg [dreg:$0x9];
	[sflag:s0] =	ssyncadd.s32 $0xFFFFC800  }
0x64: {  	[spmem:s3] =	stream.indirect.scatter.add.f32 [tilespmem:s28], [sflag:$0x6], $0x80, s15, s22, $0xb8;
	[tilespmem:$0x1F000] =	vst v63  }
0x65: {  	_ =	swait.ge [sflag:s21], $0x180  }
0x66: {  	[sflag:s21] =	ssyncset.done $0x0  }
0x67: {  	[sflag:s21] =	ssyncadd.s32 $0xFFFFFE80  }
0x68: {  	_ =	swait.ge [sflag:s8], $0x3800  }
0x69: {  	[sflag:s8] =	ssyncset.done $0x0  }
0x6a: {  	[sflag:s8] =	ssyncadd.s32 $0xFFFFC800  }
0x6b: {  	[tilespmem:s23], [sflag:$0x1] =	stream.indirect.gather [hbm4b:s5+s22], $0x80, s4, s22, $0xb8;
	[tilespmem:$0x1F000] =	vst v63  }
0x6c: {  	_ =	swait.ge [sflag:s10], $0x3800  }
0x6d: {  	s9 =	simm.s32 $0x3;
	[sflag:s10] =	ssyncset.done $0x0  }
0x6e: {  	s9 =	simm.s32 @p0 $0x0;
	[sflag:s10] =	ssyncadd.s32 $0xFFFFC800  }
0x6f: {  	[tilespmem:s25], [sflag:$0x2] =	stream.indirect.gather [hbm4b:s5+s22], $0x80, s24, s22, $0xb8;
	[tilespmem:$0x1F000] =	vst v63  }
0x70: {  	s9 =	sadd.s32 s7, s9;
	_ =	swait.ge [sflag:s11], $0x3800  }
0x71: {  	s9 =	sshll.u32 s9, $0x6;
	[sflag:s11] =	ssyncset.done $0x0  }
0x72: {  	s9 =	sand.u32 $0x1FFFFFC0, s9;
	[sflag:s11] =	ssyncadd.s32 $0xFFFFC800  }
0x73: {  	[tilespmem:s28], [sflag:$0x3] =	stream.indirect.gather [hbm4b:s5+s22], $0x80, s26, s22, $0xb8;
	[tilespmem:$0x1F000] =	vst v63  }
0x74: {  	s16 =	sadd.s32 s2, s9;
	s9 =	sadd.s32 s6, s9;
	s14 =	simm.s32 $0x5  }
0x75: {  	[tilespmem:s19], [sflag:$0x8] =	stream.linear.gather [hbm4b:s16+s4], $0x180, $0x38;
	[tilespmem:$0x1F000] =	vst v63  }
.LBB2_2:
0x76: {  	[tilespmem:s20], [sflag:$0xA] =	stream.linear.gather [hbm4b:s9+s4], $0x180, $0x38;
	[tilespmem:$0x1F000] =	vst v63  }
0x77: {  	_ =	swait.ge [sflag:s29], $0x180  }
0x78: {  	[sflag:s29] =	ssyncset.done $0x0  }
0x79: {  	[sflag:s29] =	ssyncadd.s32 $0xFFFFFE80  }
0x7a: {  	_ =	swait.ge [sflag:s30], $0x3800  }
0x7b: {  	[sflag:s30] =	ssyncset.done $0x0  }
0x7c: {  	[sflag:s30] =	ssyncadd.s32 $0xFFFFC800  }
0x7d: {  	[spmem:s3] =	stream.indirect.scatter.add.f32 [tilespmem:s23], [sflag:$0x4], $0x80, s18, s22, $0xb8;
	[tilespmem:$0x1F000] =	vst v63  }
0x7e: {  	_ =	swait.ge [sflag:s31], $0x3800  }
0x7f: {  	[sflag:s31] =	ssyncset.done $0x0  }
0x80: {  	s16 =	rddreg [dreg:$0x4];
	[sflag:s31] =	ssyncadd.s32 $0xFFFFC800  }
0x81: {  	[spmem:s3] =	stream.indirect.scatter.add.f32 [tilespmem:s25], [sflag:$0x5], $0x80, s16, s22, $0xb8;
	[tilespmem:$0x1F000] =	vst v63  }
0x82: {  	_ =	swait.ge [sflag:s0], $0x3800  }
0x83: {  	[sflag:s0] =	ssyncset.done $0x0  }
0x84: {  	s16 =	rddreg [dreg:$0x5];
	[sflag:s0] =	ssyncadd.s32 $0xFFFFC800  }
0x85: {  	[spmem:s3] =	stream.indirect.scatter.add.f32 [tilespmem:s28], [sflag:$0x6], $0x80, s16, s22, $0xb8;
	[tilespmem:$0x1F000] =	vst v63  }
0x86: {  	_ =	swait.ge [sflag:s1], $0x180  }
0x87: {  	[sflag:s1] =	ssyncset.done $0x0  }
0x88: {  	[sflag:s1] =	ssyncadd.s32 $0xFFFFFE80  }
0x89: {  	_ =	swait.ge [sflag:s8], $0x3800  }
0x8a: {  	[sflag:s8] =	ssyncset.done $0x0  }
0x8b: {  	[sflag:s8] =	ssyncadd.s32 $0xFFFFC800  }
0x8c: {  	[tilespmem:s23], [sflag:$0x1] =	stream.indirect.gather [hbm4b:s5+s22], $0x80, s19, s22, $0xb8;
	[tilespmem:$0x1F000] =	vst v63  }
0x8d: {  	s15 =	smov.u32 s14;
	_ =	swait.ge [sflag:s10], $0x3800  }
0x8e: {  	p1 =	seq.s32 s15, $0x1F;
	s16 =	sadd.s32 $0xFFFFFFFF, s15;
	[sflag:s10] =	ssyncset.done $0x0  }
0x8f: {  	s16 =	simm.s32 @p1 $0x0;
	s9 =	rddreg [dreg:$0x6];
	[sflag:s10] =	ssyncadd.s32 $0xFFFFC800  }
0x90: {  	[tilespmem:s25], [sflag:$0x2] =	stream.indirect.gather [hbm4b:s5+s22], $0x80, s9, s22, $0xb8;
	[tilespmem:$0x1F000] =	vst v63  }
0x91: {  	s16 =	sadd.s32 s7, s16;
	_ =	swait.ge [sflag:s11], $0x3800  }
0x92: {  	s16 =	sshll.u32 s16, $0x6;
	[sflag:s11] =	ssyncset.done $0x0  }
0x93: {  	s16 =	sand.u32 $0x1FFFFF80, s16;
	s9 =	rddreg [dreg:$0x7];
	[sflag:s11] =	ssyncadd.s32 $0xFFFFC800  }
0x94: {  	[tilespmem:s28], [sflag:$0x3] =	stream.indirect.gather [hbm4b:s5+s22], $0x80, s9, s22, $0xb8;
	[tilespmem:$0x1F000] =	vst v63  }
0x95: {  	s9 =	sadd.s32 s2, s16  }
0x96: {  	[tilespmem:s4], [sflag:$0x7] =	stream.linear.gather [hbm4b:s9+s4], $0x180, $0x38;
	[tilespmem:$0x1F000] =	vst v63  }
0x97: {  	s16 =	sadd.s32 s6, s16  }
0x98: {  	[tilespmem:s18], [sflag:$0x9] =	stream.linear.gather [hbm4b:s16+s4], $0x180, $0x38;
	[tilespmem:$0x1F000] =	vst v63  }
0x99: {  	_ =	swait.ge [sflag:s12], $0x180  }
0x9a: {  	[sflag:s12] =	ssyncset.done $0x0  }
0x9b: {  	[sflag:s12] =	ssyncadd.s32 $0xFFFFFE80  }
0x9c: {  	_ =	swait.ge [sflag:s30], $0x3800  }
0x9d: {  	[sflag:s30] =	ssyncset.done $0x0  }
0x9e: {  	[sflag:s30] =	ssyncadd.s32 $0xFFFFC800  }
0x9f: {  	[spmem:s3] =	stream.indirect.scatter.add.f32 [tilespmem:s23], [sflag:$0x4], $0x80, s20, s22, $0xb8;
	[tilespmem:$0x1F000] =	vst v63  }
0xa0: {  	_ =	swait.ge [sflag:s31], $0x3800  }
0xa1: {  	[sflag:s31] =	ssyncset.done $0x0  }
0xa2: {  	s16 =	rddreg [dreg:$0x8];
	[sflag:s31] =	ssyncadd.s32 $0xFFFFC800  }
0xa3: {  	[spmem:s3] =	stream.indirect.scatter.add.f32 [tilespmem:s25], [sflag:$0x5], $0x80, s16, s22, $0xb8;
	[tilespmem:$0x1F000] =	vst v63  }
0xa4: {  	_ =	swait.ge [sflag:s0], $0x3800  }
0xa5: {  	[sflag:s0] =	ssyncset.done $0x0  }
0xa6: {  	s16 =	rddreg [dreg:$0x9];
	[sflag:s0] =	ssyncadd.s32 $0xFFFFC800  }
0xa7: {  	[spmem:s3] =	stream.indirect.scatter.add.f32 [tilespmem:s28], [sflag:$0x6], $0x80, s16, s22, $0xb8;
	[tilespmem:$0x1F000] =	vst v63  }
0xa8: {  	_ =	swait.ge [sflag:s21], $0x180  }
0xa9: {  	[sflag:s21] =	ssyncset.done $0x0  }
0xaa: {  	[sflag:s21] =	ssyncadd.s32 $0xFFFFFE80  }
0xab: {  	_ =	swait.ge [sflag:s8], $0x3800  }
0xac: {  	[sflag:s8] =	ssyncset.done $0x0  }
0xad: {  	[sflag:s8] =	ssyncadd.s32 $0xFFFFC800  }
0xae: {  	[tilespmem:s23], [sflag:$0x1] =	stream.indirect.gather [hbm4b:s5+s22], $0x80, s4, s22, $0xb8;
	[tilespmem:$0x1F000] =	vst v63  }
0xaf: {  	_ =	swait.ge [sflag:s10], $0x3800  }
0xb0: {  	[sflag:s10] =	ssyncset.done $0x0  }
0xb1: {  	s15 =	simm.s32 @p1 $0x0;
	[sflag:s10] =	ssyncadd.s32 $0xFFFFC800  }
0xb2: {  	[tilespmem:s25], [sflag:$0x2] =	stream.indirect.gather [hbm4b:s5+s22], $0x80, s24, s22, $0xb8;
	[tilespmem:$0x1F000] =	vst v63  }
0xb3: {  	p0 =	sne.s32 s14, $0x1F;
	s15 =	sadd.s32 s7, s15;
	_ =	swait.ge [sflag:s11], $0x3800  }
.Ltmp0:
0xb4: {  	s15 =	sshll.u32 s15, $0x6;
	[sflag:s11] =	ssyncset.done $0x0;
	(pc) =	sbr.rel @p0 .LBB2_2-.Ltmp0, $4  }
0xb5: {  	s15 =	sand.u32 $0x1FFFFFC0, s15;
	[sflag:s11] =	ssyncadd.s32 $0xFFFFC800  }
0xb6: {  	[tilespmem:s28], [sflag:$0x3] =	stream.indirect.gather [hbm4b:s5+s22], $0x80, s26, s22, $0xb8;
	[tilespmem:$0x1F000] =	vst v63  }
0xb7: {  	s14 =	sadd.s32 $0x2, s14;
	s9 =	sadd.s32 s6, s15;
	s16 =	sadd.s32 s2, s15  }
0xb8: {  	[tilespmem:s19], [sflag:$0x8] =	stream.linear.gather [hbm4b:s16+s4], $0x180, $0x38;
	[tilespmem:$0x1F000] =	vst v63  }
0xb9: {  	[tilespmem:s20], [sflag:$0xA] =	stream.linear.gather [hbm4b:s9+s4], $0x180, $0x38;
	[tilespmem:$0x1F000] =	vst v63  }
0xba: {  	_ =	swait.ge [sflag:s30], $0x3800  }
0xbb: {  	[sflag:s30] =	ssyncset.done $0x0  }
0xbc: {  	[sflag:s30] =	ssyncadd.s32 $0xFFFFC800  }
0xbd: {  	_ =	swait.ge [sflag:s31], $0x3800  }
0xbe: {  	[sflag:s31] =	ssyncset.done $0x0  }
0xbf: {  	[sflag:s31] =	ssyncadd.s32 $0xFFFFC800  }
0xc0: {  	_ =	swait.ge [sflag:s0], $0x3800  }
0xc1: {  	[sflag:s0] =	ssyncset.done $0x0  }
0xc2: {  	[sflag:s0] =	ssyncadd.s32 $0xFFFFC800  }
0xc3: {  	_ =	swait.ge [sflag:s1], $0x180  }
0xc4: {  	[sflag:s1] =	ssyncset.done $0x0  }
0xc5: {  	[sflag:s1] =	ssyncadd.s32 $0xFFFFFE80  }
0xc6: {  	_ =	swait.ge [sflag:s29], $0x180  }
0xc7: {  	[sflag:s29] =	ssyncset.done $0x0  }
0xc8: {  	[sflag:s29] =	ssyncadd.s32 $0xFFFFFE80  }
0xc9: {  	_ =	swait.ge [sflag:s12], $0x180  }
0xca: {  	[sflag:s12] =	ssyncset.done $0x0  }
0xcb: {  	[sflag:s12] =	ssyncadd.s32 $0xFFFFFE80  }
0xcc: {  	[bflag:$0x0] =	sbarrier.arrive $0xFFFF  }
0xcd: {  	s14 =	rddreg [dreg:$0xb]  }
0xce: {  	s16 =	rddreg [dreg:$0x10]  }
0xcf: {  	s15 =	rddreg [dreg:$0x12]  }
0xd0: {  	[hbm:s16], [sflag:s14] =	dma.local [spmem:s15], $0x2800  }
0xd1: {  	_ =	swait.ge [sflag:s17], $0x2800  }
0xd2: {  	s13 =	sadd.s32 $0x1, s13;
	s16 =	rddreg [dreg:$0x11]  }
0xd3: {  	p0 =	sne.s32 s13, s16  }
.Ltmp1:
0xd4: {  	_ = 	snop;
	(pc) =	sbr.rel @p0 .LBB2_1-.Ltmp1, $3  }
0xd5: {  	_ =	sdelay $0x1  }
0xd6: {  	[sflag:s17] =	ssyncset.done $0x0  }
0xd7: {  	[sflag:s17] =	ssyncadd.s32 $0xFFFFD800  }
0xd8: {  	_ =	sfence.sel $0x180000  }
0xd9: {  	[bflag:$0x0] =	sbarrier.arrive $0xFFFF  }
0xda: {  	_ =	strace $0x9000004D  }
0xdb: {  	s0 =	stileid.u32;
	[bflag:$0x2] =	sbarrier.arrive $0xFFFF  }
0xdc: {  	p0 =	sne.s32 s0, $0x0;
	s0 =	rddreg [dreg:$0x3]  }
0xdd: {  	s0 =	sadd.s32 @!p0 $0x100000, s0  }
0xde: {  	[sflag:s0] =	ssyncadd.tile.s32 @!p0 $0x1;
	_ =	shalt  }
.Lfunc_end2:
_tile_overlayer_lowered:
.L_overlay_start_2:
0xdf: {  	(tag) =	ssettag $0x2  }
0xe0: {  	s0 =	rddreg [dreg:$0x0];
	s2 =	stileid.u32  }
0xe1: {  	s1 =	rddreg [dreg:$0x1];
	p0 =	sne.s32 s2, $0x0  }
0xe2: {  	s3 =	rddreg [dreg:$0x2];
	[bflag:$0x3] =	sbarrier.arrive $0xFFFF;
	s2 =	simm.s32 @!p0 $0x1C0B  }
0xe3: {  	[timem:s3], [sflag:s2] =	dma.local @!p0 [hbm:s0], s1  }
0xe4: {  	s0 =	simm.s32 @!p0 $0xB  }
0xe5: {  	_ =	swait.ge @!p0 [sflag:s0], s1  }
0xe6: {  	s1 =	ssub.s32 @!p0 $0x0, s1;
	[sflag:s0] =	ssyncset.done @!p0 $0x0  }
0xe7: {  	[sflag:s0] =	ssyncadd.s32 @!p0 s1  }
0xe8: {  	[bflag:$0x3] =	sbarrier.arrive $0xFFFF  }
0xe9: {  	_ =	shalt  }

// kernel: kernel.8.cloned.1.call-start
scs
__scs_entry_jumppad:
0x0: {  	(pc) =	sbr.rel $0x88, $3  }
0x1: {  	(tag) =	ssettag $0x0;
	lr =	simm.s32 $0x1  }
0x2: {  	[smem:$0x3F94] =	sst lr;
	_ =	strace $0xD0000000  }
0x3: {  	_ = 	snop  }
0x4: {  	_ = 	snop  }
0x5: {  	_ = 	snop  }
0x6: {  	_ = 	snop  }
0x7: {  	_ = 	snop  }
__scs_overlays_trampoline_lowered:
0x8: {  	[smem:$0x3FA3] =	sst s0  }
0x9: {  	[smem:$0x3FA4] =	sst s1  }
0xa: {  	[smem:$0x3FA5] =	sst s2  }
0xb: {  	[smem:$0x3FA6] =	sst s3  }
0xc: {  	[smem:$0x3FA7] =	sst s4  }
0xd: {  	[smem:$0x3FA8] =	sst s5  }
0xe: {  	[smem:$0x3FA9] =	sst s6  }
0xf: {  	[smem:$0x3FAA] =	sst s7  }
0x10: {  	[smem:$0x3FAB] =	sst s8  }
0x11: {  	[smem:$0x3FAC] =	sst s9;
	s0 =	simm.s32 @!p0 $0x0  }
0x12: {  	s1 =	sld [smem:$0x3F92];
	s0 =	simm.s32 @p0 $0x1  }
0x13: {  	[smem:$0x3FAD] =	sst s0;
	s0 =	simm.s32 @!p1 $0x0  }
0x14: {  	s2 =	sld [smem:$0x3F91];
	s0 =	simm.s32 @p1 $0x1  }
0x15: {  	[smem:$0x3FAE] =	sst s0;
	s0 =	simm.s32 @!p2 $0x0  }
0x16: {  	s3 =	sld [smem:$0x3FDB];
	s0 =	simm.s32 @p2 $0x1  }
0x17: {  	s4 =	simm.s32 $0x1BF5;
	[smem:$0x3FB0] =	sst s0  }
0x18: {  	s0 =	sld [smem:$0x3F93];
	_ =	swait.ge [sflag:s4], $0x0  }
0x19: {  	s7 =	sld [smem:$0x3F94]  }
0x1a: {  	s8 =	sadd.s32 $0xFFFFE003, lr  }
0x1b: {  	s9 =	sadd.s32 $0xFFFFFEF7, lr;
	s5 =	simm.s32 $0xFFFFFFFF;
	p2 =	slt.u32 s8, $0xFFFFF086  }
0x1c: {  	p1 =	slt.u32 s9, $0xF7A;
	s5 =	simm.s32 @!p2 $0x0  }
0x1d: {  	s5 =	simm.s32 @p1 $0x1;
	p0 =	seq.s32 s7, s2  }
0x1e: {  	s7 =	smul.u32 @!p0 $0xF7A, s2;
	p2 =	seq.s32 @!p0 s5, $0x0  }
0x1f: {  	s9 =	smul.u32 $0xF7A, s1;
	s8 =	simm.s32 @!p0 $0x1BF5;
	p2 =	por !p2, p0  }
0x20: {  	[sflag:s8] =	ssyncset.s32 @!p0 $0xFFFFF086;
	s6 =	sadd.s32 @!p0 s3, s7;
	s7 =	simm.s32 @!p0 $0x108  }
0x21: {  	s3 =	sadd.s32 s3, s9;
	s6 =	sadd.s32 @!p0 $0x88, s6;
	s7 =	simm.s32 @p2 $0x1082  }
0x22: {  	[simem:s7], [sflag:s8] =	dma.local @!p0 [hbm:s6], $0xF7A  }
0x23: {  	s9 =	sor.u32 $0xD0000000, s2;
	s6 =	simm.s32 $0x108;
	_ =	swait.ge @!p0 [sflag:s8], $0x0  }
0x24: {  	s3 =	sadd.s32 $0x88, s3;
	s6 =	simm.s32 @!p1 $0x1082;
	[sflag:s4] =	ssyncset.s32 $0xFFFFF086  }
0x25: {  	[simem:s6], [sflag:s4] =	dma.local [hbm:s3], $0xF7A  }
0x26: {  	[smem:$0x3F94] =	sst s1;
	(tag) =	ssettag s2;
	_ =	strace s9  }
0x27: {  	s1 =	sld [smem:$0x3FA4]  }
0x28: {  	s2 =	sld [smem:$0x3FA5]  }
0x29: {  	s4 =	sld [smem:$0x3FA7]  }
0x2a: {  	p0 =	seq.s32 s5, $0x0;
	s5 =	sld [smem:$0x3FA8]  }
0x2b: {  	s6 =	sld [smem:$0x3FA9]  }
0x2c: {  	s7 =	sld [smem:$0x3FAA]  }
0x2d: {  	s3 =	simm.s32 $0x108;
	s8 =	sld [smem:$0x3FAB]  }
0x2e: {  	s3 =	simm.s32 @!p0 $0x1082;
	s9 =	sld [smem:$0x3FAC]  }
0x2f: {  	lr =	sadd.s32 s0, s3;
	s0 =	sld [smem:$0x3FA3]  }
0x30: {  	s3 =	sld [smem:$0x3FA6]  }
0x31: {  	[smem:$0x3FAF] =	sst s10  }
0x32: {  	s10 =	sld [smem:$0x3FAD];
	_ =	sdelay $0x3  }
0x33: {  	p0 =	seq.s32 s10, $0x1;
	s10 =	sld [smem:$0x3FAF];
	_ =	sdelay $0x3  }
0x34: {  	[smem:$0x3FAF] =	sst s10  }
0x35: {  	s10 =	sld [smem:$0x3FAE];
	_ =	sdelay $0x3  }
0x36: {  	p1 =	seq.s32 s10, $0x1;
	s10 =	sld [smem:$0x3FAF];
	_ =	sdelay $0x3  }
0x37: {  	[smem:$0x3FAF] =	sst s10  }
0x38: {  	s10 =	sld [smem:$0x3FB0]  }
0x39: {  	_ = 	snop;
	(pc) =	sbr.ind lr, $3  }
0x3a: {  	_ = 	snop  }
0x3b: {  	_ = 	snop  }
0x3c: {  	p2 =	seq.s32 s10, $0x1;
	s10 =	sld [smem:$0x3FAF]  }
0x3d: {  	_ =	shalt  }
0x3e: {  	_ =	shalt  }
0x3f: {  	_ =	shalt  }
0x40: {  	_ =	shalt  }
0x41: {  	_ =	shalt  }
0x42: {  	_ =	shalt  }
0x43: {  	_ =	shalt  }
0x44: {  	_ =	shalt  }
0x45: {  	_ =	shalt  }
0x46: {  	_ =	shalt  }
0x47: {  	_ =	shalt  }
0x48: {  	_ =	shalt  }
0x49: {  	_ =	shalt  }
0x4a: {  	_ =	shalt  }
0x4b: {  	_ =	shalt  }
0x4c: {  	_ =	shalt  }
0x4d: {  	_ =	shalt  }
0x4e: {  	_ =	shalt  }
0x4f: {  	_ =	shalt  }
0x50: {  	_ =	shalt  }
0x51: {  	_ =	shalt  }
0x52: {  	_ =	shalt  }
0x53: {  	_ =	shalt  }
0x54: {  	_ =	shalt  }
0x55: {  	_ =	shalt  }
0x56: {  	_ =	shalt  }
0x57: {  	_ =	shalt  }
0x58: {  	_ =	shalt  }
0x59: {  	_ =	shalt  }
0x5a: {  	_ =	shalt  }
0x5b: {  	_ =	shalt  }
0x5c: {  	_ =	shalt  }
0x5d: {  	_ =	shalt  }
0x5e: {  	_ =	shalt  }
0x5f: {  	_ =	shalt  }
0x60: {  	_ =	shalt  }
0x61: {  	_ =	shalt  }
0x62: {  	_ =	shalt  }
0x63: {  	_ =	shalt  }
0x64: {  	_ =	shalt  }
0x65: {  	_ =	shalt  }
0x66: {  	_ =	shalt  }
0x67: {  	_ =	shalt  }
0x68: {  	_ =	shalt  }
0x69: {  	_ =	shalt  }
0x6a: {  	_ =	shalt  }
0x6b: {  	_ =	shalt  }
0x6c: {  	_ =	shalt  }
0x6d: {  	_ =	shalt  }
0x6e: {  	_ =	shalt  }
0x6f: {  	_ =	shalt  }
0x70: {  	_ =	shalt  }
0x71: {  	_ =	shalt  }
0x72: {  	_ =	shalt  }
0x73: {  	_ =	shalt  }
0x74: {  	_ =	shalt  }
0x75: {  	_ =	shalt  }
0x76: {  	_ =	shalt  }
0x77: {  	_ =	shalt  }
0x78: {  	_ =	shalt  }
0x79: {  	_ =	shalt  }
0x7a: {  	_ =	shalt  }
0x7b: {  	_ =	shalt  }
0x7c: {  	_ =	shalt  }
0x7d: {  	_ =	shalt  }
0x7e: {  	_ =	shalt  }
0x7f: {  	_ =	shalt  }
0x80: {  	_ =	shalt  }
0x81: {  	_ =	shalt  }
0x82: {  	_ =	shalt  }
0x83: {  	_ =	shalt  }
0x84: {  	_ =	shalt  }
0x85: {  	_ =	shalt  }
0x86: {  	_ =	shalt  }
0x87: {  	_ =	shalt  }
.Lfunc_end0:
.L_simem_size_0:
called_computation_lowered:
.L_overlay_start_0:
0x88: {  	s2 =	sld [smem:$0x3FD9]  }
0x89: {  	s3 =	sld [smem:$0x3FFE];
	_ =	sdelay $0x1  }
0x8a: {  	s1 =	srdreg.scid  }
0x8b: {  	s0 =	sand.u32 $0x1, s1  }
0x8c: {  	s17 =	sshll.u32 s0, $0xA;
	s2 =	sadd.s32 s3, s2  }
0x8d: {  	s2 =	sadd.s32 s2, s17  }
0x8e: {  	[smem:$0x3FBB] =	sst s2  }
0x8f: {  	_ = 	snop  }
0x90: {  	s2 =	sld [smem:$0x3FD0];
	(tm) =	ssettm $0x1  }
0x91: {  	s18 =	sld [smem:$0x3FFB];
	_ =	sdelay $0x3  }
0x92: {  	_ =	strace s18  }
0x93: {  	s3 =	sld [smem:$0x3FFC];
	_ =	sdelay $0x3  }
0x94: {  	_ =	strace s3  }
0x95: {  	s3 =	sld [smem:$0x3FFD];
	_ =	sdelay $0x3  }
0x96: {  	_ =	strace s3  }
0x97: {  	_ =	strace $0x8FFFFFFF  }
0x98: {  	s19 =	sld [smem:$0x3FDB];
	_ =	sdelay $0x1  }
0x99: {  	s4 =	simm.s32 $_scs_section_size  }
0x9a: {  	s5 =	simm.s32 $_size__tile_overlayer_lowered;
	s6 =	simm.s32 $_tile_overlayer_lowered  }
0x9b: {  	s22 =	simm.s32 $0x1BFF;
	s21 =	sshll.u32 s6, $0x1;
	s3 =	sadd.s32 s4, s19  }
0x9c: {  	s7 =	simm.s32 $0x0;
	s20 =	sshll.u32 s5, $0x1;
	s5 =	sadd.s32 s21, s3  }
0x9d: {  	[timem:s7], [sflag:s22] =	dma.local [hbm:s5], s20  }
0x9e: {  	_ =	swait.ge [sflag:s22], s20  }
0x9f: {  	s4 =	ssub.s32 $0x0, s20;
	[sflag:s22] =	ssyncset.done $0x0  }
0xa0: {  	[sflag:s22] =	ssyncadd.s32 s4;
	_ =	sdelay $0x1  }
0xa1: {  	s23 =	simm.s32 $0x1B8B  }
0xa2: {  	_ =	swait.ge [sflag:s23], $0x1  }
0xa3: {  	[sflag:s23] =	ssyncset.done $0x0  }
0xa4: {  	s25 =	simm.s32 $0x1B8E;
	s24 =	sld [smem:$0x3FFE];
	[sflag:s23] =	ssyncadd.s32 $0xFFFFFFFF  }
0xa5: {  	s26 =	simm.s32 $execute0_lowered;
	[smem:$0x3FD2] =	sst s25  }
0xa6: {  	s5 =	sshll.u32 s26, $0x1;
	_ =	strace $0x80000046;
	[dreg:$0x1] =	wrdreg $0xFFFFFFFF  }
0xa7: {  	s28 =	simm.s32 $_size_execute0_lowered;
	s3 =	sadd.s32 s3, s5;
	[dreg:$0x0] =	wrdreg $0x0  }
0xa8: {  	s5 =	sshll.u32 s28, $0x1;
	[dreg:$0x2] =	wrdreg s3  }
0xa9: {  	[dreg:$0x3] =	wrdreg s5  }
0xaa: {  	[dreg:$0x4] =	wrdreg $0xC0  }
0xab: {  	_ =	task [dreg:s7], $0x5FFFF  }
0xac: {  	[dreg:$0x1] =	wrdreg $0xFFFFFFFF  }
0xad: {  	[dreg:$0x0] =	wrdreg $0x60  }
0xae: {  	[dreg:$0x2] =	wrdreg s24  }
0xaf: {  	[dreg:$0x3] =	wrdreg s2  }
0xb0: {  	[dreg:$0x4] =	wrdreg $0xB0800  }
0xb1: {  	[dreg:$0x5] =	wrdreg $0x1F0800  }
0xb2: {  	[dreg:$0x6] =	wrdreg $0x9  }
0xb3: {  	_ =	task.clear_ibuf [dreg:s7], $0x7FFFF;
	_ =	strace $0x90000046  }
0xb4: {  	s29 =	simm.s32 $0x9;
	_ =	strace $0x80000048  }
0xb5: {  	_ =	swait.ge [sflag:s29], $0x1  }
0xb6: {  	[sflag:s29] =	ssyncadd.s32 $0xFFFFFFFF  }
0xb7: {  	_ =	strace $0x90000048  }
0xb8: {  	_ =	sfence  }
0xb9: {  	s30 =	sld [smem:$0x0];
	_ =	sdelay $0x2  }
0xba: {  	s31 =	sshll.u32 s1, $0xD;
	s1 =	sshrl.u32 s1, $0x2  }
0xbb: {  	s3 =	sand.u32 $0x4000, s31;
	s1 =	sadd.s32 s1, s30  }
0xbc: {  	s0 =	sor.u32 s3, s0;
	s1 =	sshll.u32 s1, $0x11  }
0xbd: {  	s0 =	sor.u32 s1, s0  }
0xbe: {  	s0 =	sadd.s32 $0x8F2B, s0  }
0xbf: {  	[sflag:s0] =	ssyncadd.remote.s32 $0x1  }
0xc0: {  	_ =	sfence.sel $0xFFFF  }
0xc1: {  	[dreg:$0x0] =	wrdreg $0xFFFFFFFF;
	(pc) =	sbr.abs _section_cstart, $3  }
0xc2: {  	[dreg:$0x1] =	wrdreg $0xFFFFFFFF  }
0xc3: {  	_ =	task.clear_ibuf [dreg:s7], $0x2FFFF;
	_ =	strace $0x9FFFFFFF  }
0xc4: {  	(tm) =	ssettm $0x7FFFFFFF  }
0xc5: {  	_ =	shalt  }
tec
execute0_lowered:
.L_overlay_start_1:
0x0: {  	(tag) =	ssettag $0x1  }
0x1: {  	s0 =	rddreg [dreg:$0x0]  }
0x2: {  	s23 =	rddreg [dreg:$0x1]  }
0x3: {  	s3 =	rddreg [dreg:$0x2]  }
0x4: {  	s4 =	rddreg [dreg:$0x3];
	s14 =	stileid.u32  }
0x5: {  	s5 =	simm.s32 $0x0;
	s2 =	srdreg.scid;
	s1 =	smul.u32 $0x14000, s14  }
0x6: {  	s28 =	simm.s32 $0x800;
	s30 =	simm.s32 $0x4000;
	s9 =	smul.u32 $0x280, s14  }
0x7: {  	s29 =	simm.s32 $0xD;
	[smem:$0x7FF] =	sst s5;
	s11 =	smul.u32 $0x500, s14  }
0x8: {  	s2 =	sand.u32 $0x1, s2;
	s6 =	sadd.s32 $0x12600, s0;
	s13 =	smul.u32 $0x50000, s14  }
0x9: {  	s7 =	sadd.s32 $0x3600, s0;
	_ =	strace $0x80000047;
	s8 =	smul.u32 $0x140000, s2  }
0xa: {  	s25 =	sshll.u32 s2, $0x7;
	s16 =	ssub.s32 $0x2, s2;
	s2 =	sshll.u32 s2, $0x4  }
0xb: {  	s10 =	sshrl.u32 s1, $0x3;
	s12 =	sshrl.u32 s9, $0x3;
	s17 =	sshrl.u32 s16, $0x1  }
0xc: {  	s2 =	sor.u32 s14, s2;
	s13 =	sshrl.u32 s13, $0x2;
	s14 =	sshll.u32 s14, $0x6  }
0xd: {  	s9 =	sadd.s32 s9, s4;
	s10 =	sadd.s32 s10, s0;
	s1 =	sadd.s32 s1, s8  }
0xe: {  	s8 =	sor.u32 s25, s11;
	s26 =	sadd.s32 s12, s0;
	s12 =	ssub.s32 s16, s17  }
0xf: {  	s13 =	sadd.s32 s13, s3;
	s15 =	sor.u32 $0x1C0E, s14;
	[dreg:$0x9] =	wrdreg s9  }
0x10: {  	s25 =	simm.s32 $0x200;
	s9 =	simm.s32 $0x1;
	s11 =	simm.s32 $0xB000  }
0x11: {  	s14 =	simm.s32 $0x3;
	s17 =	simm.s32 $0x4;
	s1 =	sshrl.u32 s1, $0x3  }
0x12: {  	s8 =	sshrl.u32 s8, $0x3;
	s10 =	sadd.s32 $0x3AC00, s10;
	s18 =	sadd.s32 $0x3A600, s26  }
0x13: {  	s24 =	smax.u32 s12, $0x1;
	s31 =	sshrl.u32 s13, $0x3;
	[dreg:$0x5] =	wrdreg s25  }
0x14: {  	s13 =	simm.s32 $0xE;
	s26 =	simm.s32 $0x280;
	[dreg:$0x8] =	wrdreg s15  }
0x15: {  	s25 =	simm.s32 $0xA;
	s1 =	sadd.s32 s1, s0;
	[dreg:$0x7] =	wrdreg s10  }
0x16: {  	s0 =	sadd.s32 s8, s0;
	s8 =	smul.u32 $0x1E, s2;
	[dreg:$0xa] =	wrdreg s18  }
0x17: {  	s12 =	simm.s32 $0x2;
	s2 =	smul.u32 $0x780, s2;
	[dreg:$0x11] =	wrdreg s24  }
0x18: {  	[dreg:$0x6] =	wrdreg s26;
	s26 =	simm.s32 $0x70;
	s18 =	simm.s32 $0x7  }
0x19: {  	s10 =	simm.s32 $0x6;
	[dreg:$0x12] =	wrdreg s31;
	s1 =	sadd.s32 $0x63600, s1  }
0x1a: {  	s0 =	sadd.s32 $0x62C00, s0;
	s19 =	sadd.s32 s23, s2;
	[dreg:$0xf] =	wrdreg s1  }
0x1b: {  	s20 =	sor.u32 $0x40, s2;
	s2 =	sadd.s32 s7, s2;
	[dreg:$0x10] =	wrdreg s0  }
0x1c: {  	s0 =	simm.s32 $0x7800;
	s1 =	simm.s32 $0x0;
	[dreg:$0xb] =	wrdreg s19  }
0x1d: {  	[dreg:$0xc] =	wrdreg s2;
	s21 =	sadd.s32 s23, s20;
	s22 =	sadd.s32 s7, s20  }
0x1e: {  	s19 =	simm.s32 $0x5;
	s20 =	simm.s32 $0x8;
	[dreg:$0xd] =	wrdreg s21  }
0x1f: {  	v0 =	vimm.f32 $1.000000000e+00;
	[dreg:$0xe] =	wrdreg s22;
	s22 =	simm.s32 $0x400;
	s21 =	simm.s32 $0x9  }
.LBB2_1:
0x20: {  	[dreg:$0x13] =	wrdreg s1  }
0x21: {  	s2 =	rddreg [dreg:$0x7]  }
0x22: {  	[spmem:s31], [sflag:s15] =	dma.local [hbm:s2], $0x2800  }
0x23: {  	_ =	swait.ge [sflag:s13], $0x2800  }
0x24: {  	s1 =	rddreg [dreg:$0x9]  }
0x25: {  	[sflag:s13] =	ssyncset.done $0x0;
	s24 =	rddreg [dreg:$0xa];
	s16 =	sshrl.u32 s1, $0x3  }
0x26: {  	[sflag:s13] =	ssyncadd.s32 $0xFFFFD800;
	[dreg:$0x14] =	wrdreg s16  }
0x27: {  	[spmem:s16], [sflag:s15] =	dma.local [hbm:s24], $0x50  }
0x28: {  	_ =	swait.ge [sflag:s13], $0x50  }
0x29: {  	[sflag:s13] =	ssyncset.done $0x0  }
0x2a: {  	[sflag:s13] =	ssyncadd.s32 $0xFFFFFFB0  }
0x2b: {  	[tilespmem:$0xB000] =	vst v0  }
0x2c: {  	[tilespmem:$0xB010] =	vst v0  }
0x2d: {  	[tilespmem:$0xB020] =	vst v0  }
0x2e: {  	[tilespmem:$0xB030] =	vst v0  }
0x2f: {  	[tilespmem:$0xB040] =	vst v0  }
0x30: {  	[tilespmem:$0xB050] =	vst v0  }
0x31: {  	[tilespmem:$0xB060] =	vst v0  }
0x32: {  	[tilespmem:$0xB070] =	vst v0  }
0x33: {  	[bflag:$0x0] =	sbarrier.arrive $0xFFFF  }
0x34: {  	s15 =	rddreg [dreg:$0xb]  }
0x35: {  	[tilespmem:s5], [sflag:$0xA] =	stream.linear.gather [hbm4b:s15+s5], $0x180, $0x38;
	[tilespmem:$0x1F300] =	vst v63  }
0x36: {  	s16 =	rddreg [dreg:$0xc]  }
0x37: {  	[tilespmem:s22], [sflag:$0xC] =	stream.linear.gather [hbm4b:s16+s5], $0x180, $0x38;
	[tilespmem:$0x1F300] =	vst v63  }
0x38: {  	s31 =	simm.s32 $0x180;
	s24 =	rddreg [dreg:$0xd]  }
0x39: {  	[tilespmem:s31], [sflag:$0xB] =	stream.linear.gather [hbm4b:s24+s5], $0x180, $0x38;
	[tilespmem:$0x1F300] =	vst v63  }
0x3a: {  	s1 =	rddreg [dreg:$0xe];
	s24 =	simm.s32 $0x580  }
0x3b: {  	[tilespmem:s24], [sflag:$0xD] =	stream.linear.gather [hbm4b:s1+s5], $0x180, $0x38;
	[tilespmem:$0x1F300] =	vst v63  }
0x3c: {  	_ =	swait.ge [sflag:s25], $0x180  }
0x3d: {  	[sflag:s25] =	ssyncset.done $0x0  }
0x3e: {  	[sflag:s25] =	ssyncadd.s32 $0xFFFFFE80  }
0x3f: {  	[tilespmem:s28], [sflag:$0x1] =	stream.indirect.gather [hbm4b:s6+s26], $0x80, s5, s26, $0xb8;
	[tilespmem:$0x1F300] =	vst v63  }
0x40: {  	s2 =	simm.s32 $0x80  }
0x41: {  	[tilespmem:s30], [sflag:$0x2] =	stream.indirect.gather [hbm4b:s6+s26], $0x80, s2, s26, $0xb8;
	[tilespmem:$0x1F300] =	vst v63  }
0x42: {  	s13 =	simm.s32 $0x100;
	s15 =	simm.s32 $0xC  }
0x43: {  	[tilespmem:s0], [sflag:$0x3] =	stream.indirect.gather [hbm4b:s6+s26], $0x80, s13, s26, $0xb8;
	[tilespmem:$0x1F300] =	vst v63  }
0x44: {  	_ =	swait.ge [sflag:s15], $0x180  }
0x45: {  	[sflag:s15] =	ssyncset.done $0x0  }
0x46: {  	[sflag:s15] =	ssyncadd.s32 $0xFFFFFE80  }
0x47: {  	_ =	swait.ge [sflag:s9], $0x3800  }
0x48: {  	[sflag:s9] =	ssyncset.done $0x0  }
0x49: {  	[sflag:s9] =	ssyncadd.s32 $0xFFFFC800  }
0x4a: {  	[spmem:s3] =	stream.indirect.scatter.add.f32 [tilespmem:s28], [sflag:$0x4], $0x80, s22, s26, $0xb8;
	[tilespmem:$0x1F300] =	vst v63  }
0x4b: {  	_ = 	snop  }
0x4c: {  	[spmem:s4] =	stream.indirect.scatter.add.f32 [tilespmem:s11], [sflag:$0x7], $0x1, s22, s26, $0xb8;
	[tilespmem:$0x1F300] =	vst v63  }
0x4d: {  	_ =	swait.ge [sflag:s12], $0x3800  }
0x4e: {  	[sflag:s12] =	ssyncset.done $0x0  }
0x4f: {  	s16 =	simm.s32 $0x480;
	[sflag:s12] =	ssyncadd.s32 $0xFFFFC800  }
0x50: {  	[spmem:s3] =	stream.indirect.scatter.add.f32 [tilespmem:s30], [sflag:$0x5], $0x80, s16, s26, $0xb8;
	[tilespmem:$0x1F300] =	vst v63  }
0x51: {  	_ = 	snop  }
0x52: {  	[spmem:s4] =	stream.indirect.scatter.add.f32 [tilespmem:s11], [sflag:$0x8], $0x1, s16, s26, $0xb8;
	[tilespmem:$0x1F300] =	vst v63  }
0x53: {  	_ =	swait.ge [sflag:s14], $0x3800  }
0x54: {  	[sflag:s14] =	ssyncset.done $0x0  }
0x55: {  	s13 =	simm.s32 $0x500;
	[sflag:s14] =	ssyncadd.s32 $0xFFFFC800  }
0x56: {  	[spmem:s3] =	stream.indirect.scatter.add.f32 [tilespmem:s0], [sflag:$0x6], $0x80, s13, s26, $0xb8;
	[tilespmem:$0x1F300] =	vst v63  }
0x57: {  	s15 =	simm.s32 $0xB  }
0x58: {  	[spmem:s4] =	stream.indirect.scatter.add.f32 [tilespmem:s11], [sflag:$0x9], $0x1, s13, s26, $0xb8;
	[tilespmem:$0x1F300] =	vst v63  }
0x59: {  	_ =	swait.ge [sflag:s15], $0x180  }
0x5a: {  	[sflag:s15] =	ssyncset.done $0x0  }
0x5b: {  	[sflag:s15] =	ssyncadd.s32 $0xFFFFFE80  }
0x5c: {  	_ =	swait.ge [sflag:s17], $0x3800  }
0x5d: {  	[sflag:s17] =	ssyncset.done $0x0  }
0x5e: {  	[sflag:s17] =	ssyncadd.s32 $0xFFFFC800  }
0x5f: {  	_ =	swait.ge [sflag:s18], $0x70  }
0x60: {  	[sflag:s18] =	ssyncset.done $0x0  }
0x61: {  	[sflag:s18] =	ssyncadd.s32 $0xFFFFFF90  }
0x62: {  	[tilespmem:s28], [sflag:$0x1] =	stream.indirect.gather [hbm4b:s6+s26], $0x80, s31, s26, $0xb8;
	[tilespmem:$0x1F300] =	vst v63  }
0x63: {  	_ =	swait.ge [sflag:s19], $0x3800  }
0x64: {  	[sflag:s19] =	ssyncset.done $0x0  }
0x65: {  	[sflag:s19] =	ssyncadd.s32 $0xFFFFC800  }
0x66: {  	_ =	swait.ge [sflag:s20], $0x70  }
0x67: {  	[sflag:s20] =	ssyncset.done $0x0  }
0x68: {  	s16 =	rddreg [dreg:$0x5];
	[sflag:s20] =	ssyncadd.s32 $0xFFFFFF90  }
0x69: {  	[tilespmem:s30], [sflag:$0x2] =	stream.indirect.gather [hbm4b:s6+s26], $0x80, s16, s26, $0xb8;
	[tilespmem:$0x1F300] =	vst v63  }
0x6a: {  	_ =	swait.ge [sflag:s10], $0x3800  }
0x6b: {  	p0 =	por $0x0, $0x0;
	s13 =	simm.s32 $0x2;
	[sflag:s10] =	ssyncset.done $0x0  }
0x6c: {  	s13 =	simm.s32 @p0 $0x0;
	[sflag:s10] =	ssyncadd.s32 $0xFFFFC800  }
0x6d: {  	s13 =	sadd.s32 s8, s13;
	_ =	swait.ge [sflag:s21], $0x70  }
0x6e: {  	s13 =	sshll.u32 s13, $0x6;
	[sflag:s21] =	ssyncset.done $0x0  }
0x6f: {  	s13 =	sand.u32 $0x1FFFFF80, s13;
	s1 =	rddreg [dreg:$0x6];
	[sflag:s21] =	ssyncadd.s32 $0xFFFFFF90  }
0x70: {  	[tilespmem:s0], [sflag:$0x3] =	stream.indirect.gather [hbm4b:s6+s26], $0x80, s1, s26, $0xb8;
	[tilespmem:$0x1F300] =	vst v63  }
0x71: {  	s16 =	sadd.s32 s23, s13  }
0x72: {  	[tilespmem:s5], [sflag:$0xA] =	stream.linear.gather [hbm4b:s16+s5], $0x180, $0x38;
	[tilespmem:$0x1F300] =	vst v63  }
0x73: {  	s13 =	sadd.s32 s7, s13  }
0x74: {  	[tilespmem:s22], [sflag:$0xC] =	stream.linear.gather [hbm4b:s13+s5], $0x180, $0x38;
	[tilespmem:$0x1F300] =	vst v63  }
0x75: {  	_ =	swait.ge [sflag:s29], $0x180  }
0x76: {  	[sflag:s29] =	ssyncset.done $0x0  }
0x77: {  	[sflag:s29] =	ssyncadd.s32 $0xFFFFFE80  }
0x78: {  	_ =	swait.ge [sflag:s9], $0x3800  }
0x79: {  	[sflag:s9] =	ssyncset.done $0x0  }
0x7a: {  	[sflag:s9] =	ssyncadd.s32 $0xFFFFC800  }
0x7b: {  	[spmem:s3] =	stream.indirect.scatter.add.f32 [tilespmem:s28], [sflag:$0x4], $0x80, s24, s26, $0xb8;
	[tilespmem:$0x1F300] =	vst v63  }
0x7c: {  	_ = 	snop  }
0x7d: {  	[spmem:s4] =	stream.indirect.scatter.add.f32 [tilespmem:s11], [sflag:$0x7], $0x1, s24, s26, $0xb8;
	[tilespmem:$0x1F300] =	vst v63  }
0x7e: {  	_ =	swait.ge [sflag:s12], $0x3800  }
0x7f: {  	[sflag:s12] =	ssyncset.done $0x0  }
0x80: {  	s1 =	simm.s32 $0x600;
	[sflag:s12] =	ssyncadd.s32 $0xFFFFC800  }
0x81: {  	[spmem:s3] =	stream.indirect.scatter.add.f32 [tilespmem:s30], [sflag:$0x5], $0x80, s1, s26, $0xb8;
	[tilespmem:$0x1F300] =	vst v63  }
0x82: {  	_ = 	snop  }
0x83: {  	[spmem:s4] =	stream.indirect.scatter.add.f32 [tilespmem:s11], [sflag:$0x8], $0x1, s1, s26, $0xb8;
	[tilespmem:$0x1F300] =	vst v63  }
0x84: {  	_ =	swait.ge [sflag:s14], $0x3800  }
0x85: {  	[sflag:s14] =	ssyncset.done $0x0  }
0x86: {  	s16 =	simm.s32 $0x680;
	[sflag:s14] =	ssyncadd.s32 $0xFFFFC800  }
0x87: {  	[spmem:s3] =	stream.indirect.scatter.add.f32 [tilespmem:s0], [sflag:$0x6], $0x80, s16, s26, $0xb8;
	[tilespmem:$0x1F300] =	vst v63  }
0x88: {  	_ = 	snop  }
0x89: {  	[spmem:s4] =	stream.indirect.scatter.add.f32 [tilespmem:s11], [sflag:$0x9], $0x1, s16, s26, $0xb8;
	[tilespmem:$0x1F300] =	vst v63  }
0x8a: {  	_ =	swait.ge [sflag:s25], $0x180  }
0x8b: {  	[sflag:s25] =	ssyncset.done $0x0  }
0x8c: {  	[sflag:s25] =	ssyncadd.s32 $0xFFFFFE80  }
0x8d: {  	_ =	swait.ge [sflag:s17], $0x3800  }
0x8e: {  	[sflag:s17] =	ssyncset.done $0x0  }
0x8f: {  	[sflag:s17] =	ssyncadd.s32 $0xFFFFC800  }
0x90: {  	_ =	swait.ge [sflag:s18], $0x70  }
0x91: {  	[sflag:s18] =	ssyncset.done $0x0  }
0x92: {  	[sflag:s18] =	ssyncadd.s32 $0xFFFFFF90  }
0x93: {  	[tilespmem:s28], [sflag:$0x1] =	stream.indirect.gather [hbm4b:s6+s26], $0x80, s5, s26, $0xb8;
	[tilespmem:$0x1F300] =	vst v63  }
0x94: {  	_ =	swait.ge [sflag:s19], $0x3800  }
0x95: {  	[sflag:s19] =	ssyncset.done $0x0  }
0x96: {  	[sflag:s19] =	ssyncadd.s32 $0xFFFFC800  }
0x97: {  	_ =	swait.ge [sflag:s20], $0x70  }
0x98: {  	[sflag:s20] =	ssyncset.done $0x0  }
0x99: {  	[sflag:s20] =	ssyncadd.s32 $0xFFFFFF90  }
0x9a: {  	[tilespmem:s30], [sflag:$0x2] =	stream.indirect.gather [hbm4b:s6+s26], $0x80, s2, s26, $0xb8;
	[tilespmem:$0x1F300] =	vst v63  }
0x9b: {  	s13 =	simm.s32 $0x3;
	_ =	swait.ge [sflag:s10], $0x3800  }
0x9c: {  	s13 =	simm.s32 @p0 $0x0;
	[sflag:s10] =	ssyncset.done $0x0  }
0x9d: {  	s13 =	sadd.s32 s8, s13;
	[sflag:s10] =	ssyncadd.s32 $0xFFFFC800  }
0x9e: {  	s13 =	sshll.u32 s13, $0x6;
	_ =	swait.ge [sflag:s21], $0x70  }
0x9f: {  	s13 =	sand.u32 $0x1FFFFFC0, s13;
	[sflag:s21] =	ssyncset.done $0x0  }
0xa0: {  	s15 =	sadd.s32 s7, s13;
	s24 =	simm.s32 $0x100;
	[sflag:s21] =	ssyncadd.s32 $0xFFFFFF90  }
0xa1: {  	[tilespmem:s0], [sflag:$0x3] =	stream.indirect.gather [hbm4b:s6+s26], $0x80, s24, s26, $0xb8;
	[tilespmem:$0x1F300] =	vst v63  }
0xa2: {  	s25 =	sadd.s32 s23, s13;
	s2 =	smov.u32 s23;
	s23 =	simm.s32 $0x5  }
0xa3: {  	[tilespmem:s31], [sflag:$0xB] =	stream.linear.gather [hbm4b:s25+s5], $0x180, $0x38;
	[tilespmem:$0x1F300] =	vst v63  }
.LBB2_2:
0xa4: {  	s25 =	simm.s32 $0x580;
	s24 =	simm.s32 $0xC  }
0xa5: {  	[tilespmem:s25], [sflag:$0xD] =	stream.linear.gather [hbm4b:s15+s5], $0x180, $0x38;
	[tilespmem:$0x1F300] =	vst v63  }
0xa6: {  	_ =	swait.ge [sflag:s24], $0x180  }
0xa7: {  	[sflag:s24] =	ssyncset.done $0x0  }
0xa8: {  	[sflag:s24] =	ssyncadd.s32 $0xFFFFFE80  }
0xa9: {  	_ =	swait.ge [sflag:s9], $0x3800  }
0xaa: {  	[sflag:s9] =	ssyncset.done $0x0  }
0xab: {  	[sflag:s9] =	ssyncadd.s32 $0xFFFFC800  }
0xac: {  	[spmem:s3] =	stream.indirect.scatter.add.f32 [tilespmem:s28], [sflag:$0x4], $0x80, s22, s26, $0xb8;
	[tilespmem:$0x1F300] =	vst v63  }
0xad: {  	_ = 	snop  }
0xae: {  	[spmem:s4] =	stream.indirect.scatter.add.f32 [tilespmem:s11], [sflag:$0x7], $0x1, s22, s26, $0xb8;
	[tilespmem:$0x1F300] =	vst v63  }
0xaf: {  	_ =	swait.ge [sflag:s12], $0x3800  }
0xb0: {  	[sflag:s12] =	ssyncset.done $0x0  }
0xb1: {  	s22 =	simm.s32 $0x480;
	[sflag:s12] =	ssyncadd.s32 $0xFFFFC800  }
0xb2: {  	[spmem:s3] =	stream.indirect.scatter.add.f32 [tilespmem:s30], [sflag:$0x5], $0x80, s22, s26, $0xb8;
	[tilespmem:$0x1F300] =	vst v63  }
0xb3: {  	_ = 	snop  }
0xb4: {  	[spmem:s4] =	stream.indirect.scatter.add.f32 [tilespmem:s11], [sflag:$0x8], $0x1, s22, s26, $0xb8;
	[tilespmem:$0x1F300] =	vst v63  }
0xb5: {  	_ =	swait.ge [sflag:s14], $0x3800  }
0xb6: {  	[sflag:s14] =	ssyncset.done $0x0  }
0xb7: {  	s24 =	simm.s32 $0x500;
	[sflag:s14] =	ssyncadd.s32 $0xFFFFC800  }
0xb8: {  	[spmem:s3] =	stream.indirect.scatter.add.f32 [tilespmem:s0], [sflag:$0x6], $0x80, s24, s26, $0xb8;
	[tilespmem:$0x1F300] =	vst v63  }
0xb9: {  	s22 =	simm.s32 $0xB  }
0xba: {  	[spmem:s4] =	stream.indirect.scatter.add.f32 [tilespmem:s11], [sflag:$0x9], $0x1, s24, s26, $0xb8;
	[tilespmem:$0x1F300] =	vst v63  }
0xbb: {  	_ =	swait.ge [sflag:s22], $0x180  }
0xbc: {  	[sflag:s22] =	ssyncset.done $0x0  }
0xbd: {  	[sflag:s22] =	ssyncadd.s32 $0xFFFFFE80  }
0xbe: {  	_ =	swait.ge [sflag:s17], $0x3800  }
0xbf: {  	[sflag:s17] =	ssyncset.done $0x0  }
0xc0: {  	[sflag:s17] =	ssyncadd.s32 $0xFFFFC800  }
0xc1: {  	_ =	swait.ge [sflag:s18], $0x70  }
0xc2: {  	[sflag:s18] =	ssyncset.done $0x0  }
0xc3: {  	[sflag:s18] =	ssyncadd.s32 $0xFFFFFF90  }
0xc4: {  	[tilespmem:s28], [sflag:$0x1] =	stream.indirect.gather [hbm4b:s6+s26], $0x80, s31, s26, $0xb8;
	[tilespmem:$0x1F300] =	vst v63  }
0xc5: {  	_ =	swait.ge [sflag:s19], $0x3800  }
0xc6: {  	[sflag:s19] =	ssyncset.done $0x0  }
0xc7: {  	[sflag:s19] =	ssyncadd.s32 $0xFFFFC800  }
0xc8: {  	_ =	swait.ge [sflag:s20], $0x70  }
0xc9: {  	[sflag:s20] =	ssyncset.done $0x0  }
0xca: {  	s24 =	rddreg [dreg:$0x5];
	[sflag:s20] =	ssyncadd.s32 $0xFFFFFF90  }
0xcb: {  	[tilespmem:s30], [sflag:$0x2] =	stream.indirect.gather [hbm4b:s6+s26], $0x80, s24, s26, $0xb8;
	[tilespmem:$0x1F300] =	vst v63  }
0xcc: {  	s13 =	smov.u32 s23;
	_ =	swait.ge [sflag:s10], $0x3800  }
0xcd: {  	p1 =	seq.s32 s13, $0x1F;
	s15 =	sadd.s32 $0xFFFFFFFF, s13;
	[sflag:s10] =	ssyncset.done $0x0  }
0xce: {  	s15 =	simm.s32 @p1 $0x0;
	[sflag:s10] =	ssyncadd.s32 $0xFFFFC800  }
0xcf: {  	s15 =	sadd.s32 s8, s15;
	_ =	swait.ge [sflag:s21], $0x70  }
0xd0: {  	s15 =	sshll.u32 s15, $0x6;
	[sflag:s21] =	ssyncset.done $0x0  }
0xd1: {  	s15 =	sand.u32 $0x1FFFFF80, s15;
	s31 =	rddreg [dreg:$0x6];
	[sflag:s21] =	ssyncadd.s32 $0xFFFFFF90  }
0xd2: {  	[tilespmem:s0], [sflag:$0x3] =	stream.indirect.gather [hbm4b:s6+s26], $0x80, s31, s26, $0xb8;
	[tilespmem:$0x1F300] =	vst v63  }
0xd3: {  	s31 =	sadd.s32 s2, s15  }
0xd4: {  	[tilespmem:s5], [sflag:$0xA] =	stream.linear.gather [hbm4b:s31+s5], $0x180, $0x38;
	[tilespmem:$0x1F300] =	vst v63  }
0xd5: {  	s24 =	simm.s32 $0x400;
	s15 =	sadd.s32 s7, s15  }
0xd6: {  	[tilespmem:s24], [sflag:$0xC] =	stream.linear.gather [hbm4b:s15+s5], $0x180, $0x38;
	[tilespmem:$0x1F300] =	vst v63  }
0xd7: {  	_ =	swait.ge [sflag:s29], $0x180  }
0xd8: {  	[sflag:s29] =	ssyncset.done $0x0  }
0xd9: {  	[sflag:s29] =	ssyncadd.s32 $0xFFFFFE80  }
0xda: {  	_ =	swait.ge [sflag:s9], $0x3800  }
0xdb: {  	[sflag:s9] =	ssyncset.done $0x0  }
0xdc: {  	[sflag:s9] =	ssyncadd.s32 $0xFFFFC800  }
0xdd: {  	[spmem:s3] =	stream.indirect.scatter.add.f32 [tilespmem:s28], [sflag:$0x4], $0x80, s25, s26, $0xb8;
	[tilespmem:$0x1F300] =	vst v63  }
0xde: {  	_ = 	snop  }
0xdf: {  	[spmem:s4] =	stream.indirect.scatter.add.f32 [tilespmem:s11], [sflag:$0x7], $0x1, s25, s26, $0xb8;
	[tilespmem:$0x1F300] =	vst v63  }
0xe0: {  	_ =	swait.ge [sflag:s12], $0x3800  }
0xe1: {  	[sflag:s12] =	ssyncset.done $0x0  }
0xe2: {  	[sflag:s12] =	ssyncadd.s32 $0xFFFFC800  }
0xe3: {  	[spmem:s3] =	stream.indirect.scatter.add.f32 [tilespmem:s30], [sflag:$0x5], $0x80, s1, s26, $0xb8;
	[tilespmem:$0x1F300] =	vst v63  }
0xe4: {  	_ = 	snop  }
0xe5: {  	[spmem:s4] =	stream.indirect.scatter.add.f32 [tilespmem:s11], [sflag:$0x8], $0x1, s1, s26, $0xb8;
	[tilespmem:$0x1F300] =	vst v63  }
0xe6: {  	_ =	swait.ge [sflag:s14], $0x3800  }
0xe7: {  	[sflag:s14] =	ssyncset.done $0x0  }
0xe8: {  	[sflag:s14] =	ssyncadd.s32 $0xFFFFC800  }
0xe9: {  	[spmem:s3] =	stream.indirect.scatter.add.f32 [tilespmem:s0], [sflag:$0x6], $0x80, s16, s26, $0xb8;
	[tilespmem:$0x1F300] =	vst v63  }
0xea: {  	s25 =	simm.s32 $0xA  }
0xeb: {  	[spmem:s4] =	stream.indirect.scatter.add.f32 [tilespmem:s11], [sflag:$0x9], $0x1, s16, s26, $0xb8;
	[tilespmem:$0x1F300] =	vst v63  }
0xec: {  	_ =	swait.ge [sflag:s25], $0x180  }
0xed: {  	[sflag:s25] =	ssyncset.done $0x0  }
0xee: {  	[sflag:s25] =	ssyncadd.s32 $0xFFFFFE80  }
0xef: {  	_ =	swait.ge [sflag:s17], $0x3800  }
0xf0: {  	[sflag:s17] =	ssyncset.done $0x0  }
0xf1: {  	[sflag:s17] =	ssyncadd.s32 $0xFFFFC800  }
0xf2: {  	_ =	swait.ge [sflag:s18], $0x70  }
0xf3: {  	[sflag:s18] =	ssyncset.done $0x0  }
0xf4: {  	[sflag:s18] =	ssyncadd.s32 $0xFFFFFF90  }
0xf5: {  	[tilespmem:s28], [sflag:$0x1] =	stream.indirect.gather [hbm4b:s6+s26], $0x80, s5, s26, $0xb8;
	[tilespmem:$0x1F300] =	vst v63  }
0xf6: {  	_ =	swait.ge [sflag:s19], $0x3800  }
0xf7: {  	[sflag:s19] =	ssyncset.done $0x0  }
0xf8: {  	[sflag:s19] =	ssyncadd.s32 $0xFFFFC800  }
0xf9: {  	_ =	swait.ge [sflag:s20], $0x70  }
0xfa: {  	[sflag:s20] =	ssyncset.done $0x0  }
0xfb: {  	s15 =	simm.s32 $0x80;
	[sflag:s20] =	ssyncadd.s32 $0xFFFFFF90  }
0xfc: {  	[tilespmem:s30], [sflag:$0x2] =	stream.indirect.gather [hbm4b:s6+s26], $0x80, s15, s26, $0xb8;
	[tilespmem:$0x1F300] =	vst v63  }
0xfd: {  	_ =	swait.ge [sflag:s10], $0x3800  }
0xfe: {  	s13 =	simm.s32 @p1 $0x0;
	[sflag:s10] =	ssyncset.done $0x0  }
0xff: {  	s13 =	sadd.s32 s8, s13;
	[sflag:s10] =	ssyncadd.s32 $0xFFFFC800  }
0x100: {  	p0 =	sne.s32 s23, $0x1F;
	s13 =	sshll.u32 s13, $0x6;
	_ =	swait.ge [sflag:s21], $0x70  }
0x101: {  	s23 =	sadd.s32 $0x2, s23;
	s13 =	sand.u32 $0x1FFFFFC0, s13;
	[sflag:s21] =	ssyncset.done $0x0  }
.Ltmp0:
0x102: {  	s15 =	simm.s32 $0x100;
	[sflag:s21] =	ssyncadd.s32 $0xFFFFFF90;
	(pc) =	sbr.rel @p0 .LBB2_2-.Ltmp0, $4  }
0x103: {  	[tilespmem:s0], [sflag:$0x3] =	stream.indirect.gather [hbm4b:s6+s26], $0x80, s15, s26, $0xb8;
	[tilespmem:$0x1F300] =	vst v63  }
0x104: {  	s22 =	simm.s32 $0x180;
	s31 =	sadd.s32 s2, s13;
	s24 =	simm.s32 $0x580  }
0x105: {  	[tilespmem:s22], [sflag:$0xB] =	stream.linear.gather [hbm4b:s31+s5], $0x180, $0x38;
	[tilespmem:$0x1F300] =	vst v63  }
0x106: {  	s15 =	sadd.s32 s7, s13;
	s22 =	simm.s32 $0x400;
	s31 =	simm.s32 $0x180  }
0x107: {  	[tilespmem:s24], [sflag:$0xD] =	stream.linear.gather [hbm4b:s15+s5], $0x180, $0x38;
	[tilespmem:$0x1F300] =	vst v63  }
0x108: {  	_ =	swait.ge [sflag:s9], $0x3800  }
0x109: {  	[sflag:s9] =	ssyncset.done $0x0  }
0x10a: {  	[sflag:s9] =	ssyncadd.s32 $0xFFFFC800  }
0x10b: {  	_ =	swait.ge [sflag:s12], $0x3800  }
0x10c: {  	[sflag:s12] =	ssyncset.done $0x0  }
0x10d: {  	[sflag:s12] =	ssyncadd.s32 $0xFFFFC800  }
0x10e: {  	_ =	swait.ge [sflag:s14], $0x3800  }
0x10f: {  	[sflag:s14] =	ssyncset.done $0x0  }
0x110: {  	s1 =	simm.s32 $0xB;
	[sflag:s14] =	ssyncadd.s32 $0xFFFFC800  }
0x111: {  	_ =	swait.ge [sflag:s1], $0x180  }
0x112: {  	[sflag:s1] =	ssyncset.done $0x0  }
0x113: {  	s15 =	simm.s32 $0xC;
	[sflag:s1] =	ssyncadd.s32 $0xFFFFFE80  }
0x114: {  	_ =	swait.ge [sflag:s15], $0x180  }
0x115: {  	[sflag:s15] =	ssyncset.done $0x0  }
0x116: {  	[sflag:s15] =	ssyncadd.s32 $0xFFFFFE80  }
0x117: {  	_ =	swait.ge [sflag:s29], $0x180  }
0x118: {  	[sflag:s29] =	ssyncset.done $0x0  }
0x119: {  	[sflag:s29] =	ssyncadd.s32 $0xFFFFFE80  }
0x11a: {  	[bflag:$0x0] =	sbarrier.arrive $0xFFFF  }
0x11b: {  	s15 =	rddreg [dreg:$0x8]  }
0x11c: {  	s13 =	rddreg [dreg:$0xf]  }
0x11d: {  	s23 =	simm.s32 $0xE;
	s31 =	rddreg [dreg:$0x12]  }
0x11e: {  	[hbm:s13], [sflag:s15] =	dma.local [spmem:s31], $0x2800  }
0x11f: {  	_ =	swait.ge [sflag:s23], $0x2800  }
0x120: {  	s16 =	simm.s32 $0x10;
	[sflag:s23] =	ssyncset.done $0x0;
	s13 =	rddreg [dreg:$0x10]  }
0x121: {  	s1 =	simm.s32 $0x20;
	s24 =	rddreg [dreg:$0x14];
	[sflag:s23] =	ssyncadd.s32 $0xFFFFD800  }
0x122: {  	[hbm:s13@s1], [sflag:s15] =	dma.strided [spmem:s24@s16], $0x50, s9, $0x10   }
0x123: {  	_ =	swait.ge [sflag:s23], $0x50  }
0x124: {  	s16 =	rddreg [dreg:$0x13]  }
0x125: {  	s24 =	rddreg [dreg:$0x11];
	s1 =	sadd.s32 $0x1, s16  }
0x126: {  	p0 =	sne.s32 s1, s24  }
.Ltmp1:
0x127: {  	_ = 	snop;
	(pc) =	sbr.rel @p0 .LBB2_1-.Ltmp1, $3  }
0x128: {  	_ =	sdelay $0x1  }
0x129: {  	s13 =	simm.s32 $0xE;
	[sflag:s23] =	ssyncset.done $0x0  }
0x12a: {  	s23 =	smov.u32 s2;
	[sflag:s13] =	ssyncadd.s32 $0xFFFFFFB0  }
0x12b: {  	_ =	sfence.sel $0x180000  }
0x12c: {  	[bflag:$0x0] =	sbarrier.arrive $0xFFFF  }
0x12d: {  	_ =	strace $0x90000047  }
0x12e: {  	s0 =	stileid.u32;
	[bflag:$0x2] =	sbarrier.arrive $0xFFFF  }
0x12f: {  	p0 =	sne.s32 s0, $0x0;
	s0 =	rddreg [dreg:$0x4]  }
0x130: {  	s0 =	sadd.s32 @!p0 $0x100000, s0  }
0x131: {  	[sflag:s0] =	ssyncadd.tile.s32 @!p0 $0x1;
	_ =	shalt  }
.Lfunc_end2:
_tile_overlayer_lowered:
.L_overlay_start_2:
0x132: {  	(tag) =	ssettag $0x2  }
0x133: {  	s0 =	rddreg [dreg:$0x0];
	s2 =	stileid.u32  }
0x134: {  	s1 =	rddreg [dreg:$0x1];
	p0 =	sne.s32 s2, $0x0  }
0x135: {  	s3 =	rddreg [dreg:$0x2];
	[bflag:$0x3] =	sbarrier.arrive $0xFFFF;
	s2 =	simm.s32 @!p0 $0x1C0E  }
0x136: {  	[timem:s3], [sflag:s2] =	dma.local @!p0 [hbm:s0], s1  }
0x137: {  	s0 =	simm.s32 @!p0 $0xE  }
0x138: {  	_ =	swait.ge @!p0 [sflag:s0], s1  }
0x139: {  	s1 =	ssub.s32 @!p0 $0x0, s1;
	[sflag:s0] =	ssyncset.done @!p0 $0x0  }
0x13a: {  	[sflag:s0] =	ssyncadd.s32 @!p0 s1  }
0x13b: {  	[bflag:$0x3] =	sbarrier.arrive $0xFFFF  }
0x13c: {  	_ =	shalt  }

</sc_bundles>
